<compile_context>
chip_gen: v7x
topology: tpu7x:2x2x1
jax: 0.10.2.dev20260603
libtpu: 0.0.44.dev20260713+nightly
codegen_flags: <defaults>
</compile_context>

<pallas_src>
import functools

import jax
import jax.numpy as jnp
from jax import lax
from jax.experimental import pallas as pl
from jax.experimental.pallas import tpu as pltpu
from jax.experimental.pallas import tpu_sc as plsc

N = 10000
E = 320000
D = 128
H = 64
OUT = 64
E_POS = E + N
NPAIR = 2 * E_POS

NC = 2
NS = 16
NW = NC * NS
EPT = E // NW
SUB_CHUNK = 632
LAST_CHUNK = N - (NS - 1) * SUB_CHUNK

EW = 100
WPT = EPT // EW
GW = 5
NG = WPT // GW

PW = 128
NFULL = NPAIR // PW
TAIL_OFF = NFULL * PW
TAIL = NPAIR - TAIL_OFF
NWT = (NFULL + NW - 1) // NW

_mesh = plsc.VectorSubcoreMesh(core_axis_name="c", subcore_axis_name="s")
_sc_params = pltpu.CompilerParams(needs_layout_passes=False,
                                  use_tc_tiling_on_sc=False)


def _wid():
    return lax.axis_index("s") * NC + lax.axis_index("c")



NEG_CH = 10312
NEG_LAST = E_POS - (NW - 1) * NEG_CH


@functools.partial(
    pl.kernel,
    out_type=[
        jax.ShapeDtypeStruct((NW, N), jnp.float32),
        jax.ShapeDtypeStruct((NPAIR,), jnp.int32),
        jax.ShapeDtypeStruct((NPAIR,), jnp.int32),
    ],
    mesh=_mesh,
    compiler_params=_sc_params,
    scratch_types=[
        pltpu.VMEM((EPT,), jnp.int32),
        pltpu.VMEM((EPT,), jnp.int32),
        pltpu.VMEM((SUB_CHUNK,), jnp.int32),
        pltpu.VMEM((NEG_LAST,), jnp.int32),
        pltpu.VMEM((NEG_LAST,), jnp.int32),
        pltpu.VMEM((N,), jnp.float32),
        pltpu.SemaphoreType.DMA,
    ],
)
def _deg_kernel(ei_hbm, iota_hbm, neg_hbm, deg_out, r_out, c_out,
                ridx_v, cebuf, iobuf, nrbuf, ncbuf, cnt_v, lsem):
    cid = lax.axis_index("c")
    sid = lax.axis_index("s")
    wid = sid * NC + cid
    ld_re = pltpu.async_copy(ei_hbm.at[0, pl.ds(wid * EPT, EPT)], ridx_v, lsem)
    ld_ce = pltpu.async_copy(ei_hbm.at[1, pl.ds(wid * EPT, EPT)], cebuf, lsem)

    @pl.when(jnp.logical_and(cid == 0, sid < NS - 1))
    def _():
        pltpu.async_copy(iota_hbm.at[pl.ds(sid * SUB_CHUNK, SUB_CHUNK)],
                         iobuf, lsem)

    @pl.when(jnp.logical_and(cid == 0, sid == NS - 1))
    def _():
        pltpu.async_copy(
            iota_hbm.at[pl.ds((NS - 1) * SUB_CHUNK, LAST_CHUNK)],
            iobuf.at[pl.ds(0, LAST_CHUNK)], lsem)

    @pl.when(wid < NW - 1)
    def _():
        pltpu.async_copy(neg_hbm.at[0, pl.ds(wid * NEG_CH, NEG_CH)],
                         nrbuf.at[pl.ds(0, NEG_CH)], lsem)
        pltpu.async_copy(neg_hbm.at[1, pl.ds(wid * NEG_CH, NEG_CH)],
                         ncbuf.at[pl.ds(0, NEG_CH)], lsem)

    @pl.when(wid == NW - 1)
    def _():
        pltpu.async_copy(neg_hbm.at[0, pl.ds((NW - 1) * NEG_CH, NEG_LAST)],
                         nrbuf, lsem)
        pltpu.async_copy(neg_hbm.at[1, pl.ds((NW - 1) * NEG_CH, NEG_LAST)],
                         ncbuf, lsem)

    zeros16 = jnp.zeros((16,), jnp.float32)
    ones16 = jnp.ones((16,), jnp.float32)

    def zero_body(i, _):
        cnt_v[pl.ds(i * 16, 16)] = zeros16
        return None

    lax.fori_loop(0, N // 16, zero_body, None)
    ld_re.wait()

    def add_body(i, _):
        idx = ridx_v[pl.ds(i * 16, 16)]
        plsc.addupdate_scatter(cnt_v, [idx], ones16)
        return None

    lax.fori_loop(0, EPT // 16, add_body, None)
    pltpu.sync_copy(cnt_v, deg_out.at[wid])
    ld_ce.wait()
    pltpu.sync_copy(ridx_v, r_out.at[pl.ds(wid * EPT, EPT)])
    pltpu.sync_copy(cebuf, c_out.at[pl.ds(wid * EPT, EPT)])

    @pl.when(jnp.logical_and(cid == 0, sid < NS - 1))
    def _():
        pltpu.make_async_copy(
            iota_hbm.at[pl.ds(sid * SUB_CHUNK, SUB_CHUNK)], iobuf, lsem).wait()
        pltpu.sync_copy(iobuf, r_out.at[pl.ds(E + sid * SUB_CHUNK, SUB_CHUNK)])
        pltpu.sync_copy(iobuf, c_out.at[pl.ds(E + sid * SUB_CHUNK, SUB_CHUNK)])

    @pl.when(jnp.logical_and(cid == 0, sid == NS - 1))
    def _():
        pltpu.make_async_copy(
            iota_hbm.at[pl.ds((NS - 1) * SUB_CHUNK, LAST_CHUNK)],
            iobuf.at[pl.ds(0, LAST_CHUNK)], lsem).wait()
        pltpu.sync_copy(iobuf.at[pl.ds(0, LAST_CHUNK)],
                        r_out.at[pl.ds(E + (NS - 1) * SUB_CHUNK, LAST_CHUNK)])
        pltpu.sync_copy(iobuf.at[pl.ds(0, LAST_CHUNK)],
                        c_out.at[pl.ds(E + (NS - 1) * SUB_CHUNK, LAST_CHUNK)])

    @pl.when(wid < NW - 1)
    def _():
        pltpu.make_async_copy(
            neg_hbm.at[0, pl.ds(wid * NEG_CH, NEG_CH)],
            nrbuf.at[pl.ds(0, NEG_CH)], lsem).wait()
        pltpu.make_async_copy(
            neg_hbm.at[1, pl.ds(wid * NEG_CH, NEG_CH)],
            ncbuf.at[pl.ds(0, NEG_CH)], lsem).wait()
        pltpu.sync_copy(nrbuf.at[pl.ds(0, NEG_CH)],
                        r_out.at[pl.ds(E_POS + wid * NEG_CH, NEG_CH)])
        pltpu.sync_copy(ncbuf.at[pl.ds(0, NEG_CH)],
                        c_out.at[pl.ds(E_POS + wid * NEG_CH, NEG_CH)])

    @pl.when(wid == NW - 1)
    def _():
        pltpu.make_async_copy(
            neg_hbm.at[0, pl.ds((NW - 1) * NEG_CH, NEG_LAST)], nrbuf,
            lsem).wait()
        pltpu.make_async_copy(
            neg_hbm.at[1, pl.ds((NW - 1) * NEG_CH, NEG_LAST)], ncbuf,
            lsem).wait()
        pltpu.sync_copy(nrbuf,
                        r_out.at[pl.ds(E_POS + (NW - 1) * NEG_CH, NEG_LAST)])
        pltpu.sync_copy(ncbuf,
                        c_out.at[pl.ds(E_POS + (NW - 1) * NEG_CH, NEG_LAST)])



@functools.partial(
    pl.kernel,
    out_type=jax.ShapeDtypeStruct((NC, N, H), jnp.float32),
    mesh=_mesh,
    compiler_params=_sc_params,
    scratch_types=[
        pltpu.VMEM((WPT, EW), jnp.int32),
        pltpu.VMEM((WPT, EW), jnp.int32),
        pltpu.VMEM((2 * GW, EW, H), jnp.float32),
        pltpu.VMEM_SHARED((N, H), jnp.float32),
        pltpu.SemaphoreType.DMA,
        pltpu.SemaphoreType.DMA,
        pltpu.SemaphoreType.DMA((2,)),
    ],
)
def _spmm_kernel(s_hbm, e2d_hbm, zeros_hbm, accp_hbm,
                 ridx_all, cidx_all, vals, acc_sh, isem, gsem, ssem):
    cid = lax.axis_index("c")
    sid = lax.axis_index("s")
    wid = sid * NC + cid
    ld_r = pltpu.async_copy(e2d_hbm.at[pl.ds(wid * WPT, WPT)],
                            ridx_all, isem)
    ld_c = pltpu.async_copy(e2d_hbm.at[pl.ds(E // EW + wid * WPT, WPT)],
                            cidx_all, isem)

    @pl.when(sid < NS - 1)
    def _():
        pltpu.sync_copy(zeros_hbm, acc_sh.at[pl.ds(sid * SUB_CHUNK, SUB_CHUNK)])

    @pl.when(sid == NS - 1)
    def _():
        pltpu.sync_copy(zeros_hbm.at[pl.ds(0, LAST_CHUNK)],
                        acc_sh.at[pl.ds((NS - 1) * SUB_CHUNK, LAST_CHUNK)])

    plsc.subcore_barrier()
    ld_r.wait()
    ld_c.wait()

    for j in range(GW):
        pltpu.async_copy(s_hbm.at[cidx_all.at[j]], vals.at[j], gsem)

    def body(g, _):
        b = lax.rem(g, 2)
        vb = b * GW
        nvb = (1 - b) * GW
        for j in range(GW):
            w = g * GW + j
            pltpu.make_async_copy(
                s_hbm.at[cidx_all.at[w]], vals.at[vb + j], gsem).wait()
        for j in range(GW):
            w = g * GW + j
            pltpu.async_copy(vals.at[vb + j], acc_sh.at[ridx_all.at[w]],
                             ssem.at[b], add=True)

        @pl.when(g >= 1)
        def _():
            for j in range(GW):
                w = (g - 1) * GW + j
                pltpu.make_async_copy(
                    vals.at[nvb + j], acc_sh.at[ridx_all.at[w]],
                    ssem.at[1 - b]).wait()

        @pl.when(g < NG - 1)
        def _():
            for j in range(GW):
                w = (g + 1) * GW + j
                pltpu.async_copy(s_hbm.at[cidx_all.at[w]], vals.at[nvb + j],
                                 gsem)
        return None

    lax.fori_loop(0, NG, body, None)
    for j in range(GW):
        w = (NG - 1) * GW + j
        pltpu.make_async_copy(
            vals.at[GW + j], acc_sh.at[ridx_all.at[w]], ssem.at[1]).wait()
    plsc.subcore_barrier()

    @pl.when(sid < NS - 1)
    def _():
        pltpu.sync_copy(
            acc_sh.at[pl.ds(sid * SUB_CHUNK, SUB_CHUNK)],
            accp_hbm.at[cid, pl.ds(sid * SUB_CHUNK, SUB_CHUNK)],
        )

    @pl.when(sid == NS - 1)
    def _():
        pltpu.sync_copy(
            acc_sh.at[pl.ds((NS - 1) * SUB_CHUNK, LAST_CHUNK)],
            accp_hbm.at[cid, pl.ds((NS - 1) * SUB_CHUNK, LAST_CHUNK)],
        )



NB = 4
GA = NB - 1
NBI = 16
IA = 3


@functools.partial(
    pl.kernel,
    out_type=[
        jax.ShapeDtypeStruct((NPAIR, H), jnp.float32),
        jax.ShapeDtypeStruct((NPAIR,), jnp.int32),
    ],
    mesh=_mesh,
    compiler_params=_sc_params,
    scratch_types=[
        pltpu.VMEM((N,), jnp.int32),
        pltpu.VMEM((NBI, PW), jnp.int32),
        pltpu.VMEM((NBI, PW), jnp.int32),
        pltpu.VMEM((NB, PW, H), jnp.float32),
        pltpu.VMEM((NB, PW, H), jnp.float32),
        pltpu.VMEM((NB, PW), jnp.int32),
        pltpu.VMEM((TAIL,), jnp.int32),
        pltpu.VMEM((TAIL,), jnp.int32),
        pltpu.VMEM((TAIL, H), jnp.float32),
        pltpu.VMEM((TAIL, H), jnp.float32),
        pltpu.VMEM((TAIL,), jnp.int32),
        pltpu.VMEM_SHARED((N, H), jnp.float32),
        pltpu.SemaphoreType.DMA((4,)),
        pltpu.SemaphoreType.DMA((NB,)),
        pltpu.SemaphoreType.DMA,
    ],
)
def _link_kernel(z_hbm, r_hbm, c_hbm, sens_hbm, le_hbm, gs_hbm,
                 sens_v, ridx, cidx, bufr, bufc, sbuf,
                 tir, tic, tvr, tvc, tsb, z_sh, isem, gsem, osem):
    wid = _wid()
    sid = lax.axis_index("s")
    pltpu.sync_copy(sens_hbm, sens_v)

    @pl.when(sid < NS - 1)
    def _():
        pltpu.sync_copy(z_hbm.at[pl.ds(sid * SUB_CHUNK, SUB_CHUNK)],
                        z_sh.at[pl.ds(sid * SUB_CHUNK, SUB_CHUNK)])

    @pl.when(sid == NS - 1)
    def _():
        pltpu.sync_copy(z_hbm.at[pl.ds((NS - 1) * SUB_CHUNK, LAST_CHUNK)],
                        z_sh.at[pl.ds((NS - 1) * SUB_CHUNK, LAST_CHUNK)])

    plsc.subcore_barrier()

    def win(g):
        return g * NW + wid

    def valid(g):
        return jnp.logical_and(g >= 0,
                               jnp.logical_and(g < NWT, win(g) < NFULL))

    def fire_idx(g):
        bi = lax.rem(g, NBI)
        si = lax.rem(g, 4)
        base = win(g) * PW
        pltpu.async_copy(r_hbm.at[pl.ds(base, PW)], ridx.at[bi], isem.at[si])
        pltpu.async_copy(c_hbm.at[pl.ds(base, PW)], cidx.at[bi], isem.at[si])

    def wait_idx(g):
        bi = lax.rem(g, NBI)
        si = lax.rem(g, 4)
        base = win(g) * PW
        pltpu.make_async_copy(r_hbm.at[pl.ds(base, PW)], ridx.at[bi],
                              isem.at[si]).wait()
        pltpu.make_async_copy(c_hbm.at[pl.ds(base, PW)], cidx.at[bi],
                              isem.at[si]).wait()

    def fire_gather(g):
        bi = lax.rem(g, NBI)
        bd = lax.rem(g, NB)
        pltpu.async_copy(z_sh.at[ridx.at[bi]], bufr.at[bd], gsem.at[bd])
        pltpu.async_copy(z_sh.at[cidx.at[bi]], bufc.at[bd], gsem.at[bd])

    def wait_gather(g):
        bi = lax.rem(g, NBI)
        bd = lax.rem(g, NB)
        pltpu.make_async_copy(z_sh.at[ridx.at[bi]], bufr.at[bd],
                              gsem.at[bd]).wait()
        pltpu.make_async_copy(z_sh.at[cidx.at[bi]], bufc.at[bd],
                              gsem.at[bd]).wait()

    def fire_out(g):
        bd = lax.rem(g, NB)
        base = win(g) * PW
        pltpu.async_copy(bufr.at[bd], le_hbm.at[pl.ds(base, PW)], osem)
        pltpu.async_copy(sbuf.at[bd], gs_hbm.at[pl.ds(base, PW)], osem)

    def wait_out(g):
        bd = lax.rem(g, NB)
        base = win(g) * PW
        pltpu.make_async_copy(bufr.at[bd], le_hbm.at[pl.ds(base, PW)], osem).wait()
        pltpu.make_async_copy(sbuf.at[bd], gs_hbm.at[pl.ds(base, PW)], osem).wait()

    def compute(g):
        bi = lax.rem(g, NBI)
        bd = lax.rem(g, NB)

        def rowbody(q, _):
            for dp in range(4):
                p = q * 4 + dp
                for k in range(H // 16):
                    sl = pl.ds(k * 16, 16)
                    bufr[bd, p, sl] = bufr[bd, p, sl] * bufc[bd, p, sl]
            return None

        lax.fori_loop(0, PW // 4, rowbody, None)
        for t in range(PW // 16):
            sl = pl.ds(t * 16, 16)
            sr = plsc.load_gather(sens_v, [ridx[bi, sl]])
            sc = plsc.load_gather(sens_v, [cidx[bi, sl]])
            sbuf[bd, sl] = sr + sc

    def body(i, _):
        g = i - GA

        @pl.when(valid(g - 1))
        def _():
            wait_out(g - 1)

        @pl.when(valid(g + GA))
        def _():
            wait_idx(g + GA)
            fire_gather(g + GA)

        @pl.when(valid(g + GA + IA))
        def _():
            fire_idx(g + GA + IA)

        @pl.when(valid(g))
        def _():
            wait_gather(g)
            compute(g)
            fire_out(g)

        return None

    for g0 in range(IA):
        @pl.when(valid(g0))
        def _():
            fire_idx(g0)

    lax.fori_loop(0, NWT + GA, body, None)

    @pl.when(valid(NWT - 1))
    def _():
        wait_out(NWT - 1)

    @pl.when(wid == 0)
    def _():
        pltpu.sync_copy(r_hbm.at[pl.ds(TAIL_OFF, TAIL)], tir)
        pltpu.sync_copy(c_hbm.at[pl.ds(TAIL_OFF, TAIL)], tic)
        cp1 = pltpu.async_copy(z_sh.at[tir], tvr, gsem.at[0])
        cp2 = pltpu.async_copy(z_sh.at[tic], tvc, gsem.at[0])
        cp1.wait()
        cp2.wait()

        def trow(p, _):
            for k in range(H // 16):
                sl = pl.ds(k * 16, 16)
                tvr[p, sl] = tvr[p, sl] * tvc[p, sl]
            return None

        lax.fori_loop(0, TAIL, trow, None)
        for t in range(TAIL // 16):
            sl = pl.ds(t * 16, 16)
            sr = plsc.load_gather(sens_v, [tir[sl]])
            sc = plsc.load_gather(sens_v, [tic[sl]])
            tsb[sl] = sr + sc
        pltpu.sync_copy(tvr, le_hbm.at[pl.ds(TAIL_OFF, TAIL)])
        pltpu.sync_copy(tsb, gs_hbm.at[pl.ds(TAIL_OFF, TAIL)])



def _tc0_body(x_ref, w1_ref, v1_ref):
    v1_ref[...] = jnp.dot(x_ref[...], w1_ref[...],
                          preferred_element_type=jnp.float32)


def _tc1_body(deg_ref, v1_ref, s1_ref, dinv_ref):
    ones = jnp.ones((NW, 1), jnp.float32)
    cnt = lax.dot_general(deg_ref[...], ones, (((0,), (0,)), ((), ())),
                          preferred_element_type=jnp.float32)
    dinv = lax.rsqrt(cnt + 1.0)
    s1_ref[...] = dinv * v1_ref[...]
    dinv_ref[...] = dinv


def _tc_mid_body(accp_ref, s_ref, dinv_ref, w_ref, b_ref, out_ref):
    dinv = dinv_ref[...]
    acc = accp_ref[0] + accp_ref[1] + s_ref[...]
    h = jnp.maximum(dinv * acc + b_ref[...], 0.0)
    out_ref[...] = dinv * jnp.dot(h, w_ref[...],
                                  preferred_element_type=jnp.float32)


def _tc_final_body(accp_ref, s_ref, dinv_ref, b_ref, z_ref):
    dinv = dinv_ref[...]
    z_ref[...] = dinv * (accp_ref[0] + accp_ref[1] + s_ref[...]) + b_ref[...]


def kernel(x, edge_index, sens, neg_idx, W1, b1, W2, b2, W3, b3):
    e2d = edge_index.reshape(2 * E // EW, EW)
    self_loops = jnp.arange(N, dtype=jnp.int32)
    zeros_blk = jnp.zeros((SUB_CHUNK, H), jnp.float32)

    deg_part, r_all, c_all = _deg_kernel(edge_index, self_loops, neg_idx)
    v1 = pl.pallas_call(
        _tc0_body,
        out_shape=jax.ShapeDtypeStruct((N, H), jnp.float32),
    )(x, W1)

    s1, dinv = pl.pallas_call(
        _tc1_body,
        out_shape=[
            jax.ShapeDtypeStruct((N, H), jnp.float32),
            jax.ShapeDtypeStruct((N, 1), jnp.float32),
        ],
    )(deg_part, v1)

    accp1 = _spmm_kernel(s1, e2d, zeros_blk)
    s2 = pl.pallas_call(
        _tc_mid_body,
        out_shape=jax.ShapeDtypeStruct((N, H), jnp.float32),
    )(accp1, s1, dinv, W2, b1.reshape(1, H))

    accp2 = _spmm_kernel(s2, e2d, zeros_blk)
    s3 = pl.pallas_call(
        _tc_mid_body,
        out_shape=jax.ShapeDtypeStruct((N, H), jnp.float32),
    )(accp2, s2, dinv, W3, b2.reshape(1, H))

    accp3 = _spmm_kernel(s3, e2d, zeros_blk)
    z = pl.pallas_call(
        _tc_final_body,
        out_shape=jax.ShapeDtypeStruct((N, OUT), jnp.float32),
    )(accp3, s3, dinv, b3.reshape(1, OUT))

    link_embeddings, groups_sub = _link_kernel(z, r_all, c_all, sens)
    groups_mixed = groups_sub == 1
    labels = jnp.concatenate([jnp.ones((E_POS,), jnp.float32),
                              jnp.zeros((E_POS,), jnp.float32)])
    return link_embeddings, labels, groups_mixed, groups_sub

# --- scband reference (transcript-rebuilt; emitter-appended) ---
"""Pipeline reference for scband-graphair-25177098289602 (READ-ONLY COPY).

The authoritative reference and input builder live on the scoring server;
editing this copy changes nothing except your own understanding.
"""

import jax, jax.numpy as jnp
import numpy as np

N = 10000
E = 320000
D = 128
H = 64
OUT = 64
E_POS = E + N

def setup_inputs(seed: int = 0):
    key = jax.random.key(seed)
    ks = jax.random.split(key, 10)
    x = jax.random.normal(ks[0], (N, D), dtype=jnp.float32)
    edge_index = jax.random.randint(ks[1], (2, E), 0, N, dtype=jnp.int32)
    sens = jax.random.randint(ks[2], (N,), 0, 2, dtype=jnp.int32)
    neg_idx = jax.random.randint(ks[3], (2, E_POS), 0, N, dtype=jnp.int32)
    s1 = 1.0 / np.sqrt(D)
    s2 = 1.0 / np.sqrt(H)
    W1 = jax.random.uniform(ks[4], (D, H), jnp.float32, -s1, s1)
    b1 = jnp.zeros((H,), jnp.float32)
    W2 = jax.random.uniform(ks[5], (H, H), jnp.float32, -s2, s2)
    b2 = jnp.zeros((H,), jnp.float32)
    W3 = jax.random.uniform(ks[6], (H, OUT), jnp.float32, -s2, s2)
    b3 = jnp.zeros((OUT,), jnp.float32)
    return {"x": x, "edge_index": edge_index, "sens": sens, "neg_idx": neg_idx,
            "W1": W1, "b1": b1, "W2": W2, "b2": b2, "W3": W3, "b3": b3}

def reference(x, edge_index, sens, neg_idx, W1, b1, W2, b2, W3, b3):
    n = x.shape[0]
    self_loops = jnp.arange(n, dtype=edge_index.dtype)
    rows = jnp.concatenate([edge_index[0], self_loops])
    cols = jnp.concatenate([edge_index[1], self_loops])
    # degrees of A with self-loops (row sums), then symmetric normalization D^-1/2 A D^-1/2
    deg = jnp.zeros((n,), jnp.float32).at[rows].add(1.0)
    dinv = jnp.where(deg > 0, jax.lax.rsqrt(jnp.maximum(deg, 1e-12)), 0.0)
    w = dinv[rows] * dinv[cols]
    def spmm(h):
        return jnp.zeros((n, h.shape[1]), h.dtype).at[rows].add(w[:, None] * h[cols])
    # 3-layer GCN encoder (dropout disabled for deterministic eval)
    h = jax.nn.relu(spmm(x @ W1) + b1)
    h = jax.nn.relu(spmm(h @ W2) + b2)
    z = spmm(h @ W3) + b3
    # link embeddings for positive (adj entries incl. self-loops) and negative samples
    r = jnp.concatenate([rows, neg_idx[0]])
    c = jnp.concatenate([cols, neg_idx[1]])
    link_embeddings = z[r] * z[c]
    labels = jnp.concatenate([jnp.ones(rows.shape[0], jnp.float32),
                              jnp.zeros(neg_idx.shape[1], jnp.float32)])
    groups_mixed = sens[r] != sens[c]
    # for binary sens, combinations_with_replacement group id == sens[r] + sens[c]
    groups_sub = sens[r] + sens[c]
    return link_embeddings, labels, groups_mixed, groups_sub

if __name__ == "__main__":
    import jax
    _d = setup_inputs()
    print(jax.jit(kernel)(*tuple(_d.values())))

</pallas_src>

<mosaic_0001>
#map = affine_map<(d0, d1) -> (0, 0)>
#map1 = affine_map<(d0, d1) -> (0, 0, 0)>
module attributes {stable_mosaic.version = 14 : i64} {
  func.func @_spmm_kernel(%arg0: i32, %arg1: i32, %arg2: memref<10000x64xf32, #tpu.memory_space<hbm>>, %arg3: memref<6400x100xi32, #tpu.memory_space<hbm>>, %arg4: memref<632x64xf32, #tpu.memory_space<hbm>>, %arg5: memref<2x10000x64xf32, #tpu.memory_space<hbm>>, %arg6: memref<100x100xi32, #tpu.memory_space<vmem>>, %arg7: memref<100x100xi32, #tpu.memory_space<vmem>>, %arg8: memref<10x100x64xf32, #tpu.memory_space<vmem>>, %arg9: memref<10000x64xf32, #tpu.memory_space<vmem_shared>>, %arg10: memref<!tpu.dma_semaphore, #tpu.memory_space<semaphore_mem>>, %arg11: memref<!tpu.dma_semaphore, #tpu.memory_space<semaphore_mem>>, %arg12: memref<2x!tpu.dma_semaphore, #tpu.memory_space<semaphore_mem>>) attributes {dimension_semantics = [#tpu.dimension_semantics<core_parallel>, #tpu.dimension_semantics<subcore_parallel>], iteration_bounds = array<i64: 2, 16>, scalar_prefetch = 0 : i64, scratch_operands = 7 : i64, tpu.core_type = #tpu.core_type<sc_vector_subcore>, window_params = [{transform_indices = #map}, {transform_indices = #map}, {transform_indices = #map}, {transform_indices = #map1}]} {
    %mul3A = arith.constant 2 : i32
    %mul3A_0 = arith.muli %arg1, %mul3A : i32
    %add3A = arith.addi %mul3A_0, %arg0 : i32
    %mul3A_1 = arith.constant 100 : i32
    %mul3A_2 = arith.muli %add3A, %mul3A_1 : i32
    %dma_start3A = arith.constant 0 : i32
    %dma_start3A_3 = tpu.memref_slice %arg3[%mul3A_2, %dma_start3A] : memref<6400x100xi32, #tpu.memory_space<hbm>> -> memref<100x100xi32, #tpu.memory_space<hbm>>
    %dma_start3A_4 = arith.constant 0 : i32
    %dma_start3A_5 = tpu.memref_slice %arg3[%mul3A_2, %dma_start3A_4] : memref<6400x100xi32, #tpu.memory_space<hbm>> -> memref<100x100xi32, #tpu.memory_space<hbm>>
    tpu.enqueue_dma source(%dma_start3A_5 : memref<100x100xi32, #tpu.memory_space<hbm>>) target(%arg6 : memref<100x100xi32, #tpu.memory_space<vmem>>) target_semaphore(%arg10 : memref<!tpu.dma_semaphore, #tpu.memory_space<semaphore_mem>>)
    %mul3A_6 = arith.constant 100 : i32
    %mul3A_7 = arith.muli %add3A, %mul3A_6 : i32
    %add3A_8 = arith.constant 3200 : i32
    %add3A_9 = arith.addi %add3A_8, %mul3A_7 : i32
    %dma_start3A_10 = arith.constant 0 : i32
    %dma_start3A_11 = tpu.memref_slice %arg3[%add3A_9, %dma_start3A_10] : memref<6400x100xi32, #tpu.memory_space<hbm>> -> memref<100x100xi32, #tpu.memory_space<hbm>>
    %dma_start3A_12 = arith.constant 0 : i32
    %dma_start3A_13 = tpu.memref_slice %arg3[%add3A_9, %dma_start3A_12] : memref<6400x100xi32, #tpu.memory_space<hbm>> -> memref<100x100xi32, #tpu.memory_space<hbm>>
    tpu.enqueue_dma source(%dma_start3A_13 : memref<100x100xi32, #tpu.memory_space<hbm>>) target(%arg7 : memref<100x100xi32, #tpu.memory_space<vmem>>) target_semaphore(%arg10 : memref<!tpu.dma_semaphore, #tpu.memory_space<semaphore_mem>>)
    %lt3A = arith.constant 15 : i32
    %lt3A_14 = arith.cmpi slt, %arg1, %lt3A : i32
    %convert_element_type3A = arith.extui %lt3A_14 : i1 to i32
    %cond3A = arith.constant 0 : i32
    %cond3A_15 = arith.cmpi ne, %convert_element_type3A, %cond3A : i32
    scf.if %cond3A_15 {
      %mul3A_177 = arith.constant 632 : i32
      %mul3A_178 = arith.muli %arg1, %mul3A_177 : i32
      "tpu.region"() ({
        %run_scoped3A = tpu.sem_alloc : memref<!tpu.dma_semaphore, #tpu.memory_space<semaphore_mem>>
        %dma_start3A_179 = arith.constant 0 : i32
        %dma_start3A_180 = tpu.memref_slice %arg9[%mul3A_178, %dma_start3A_179] : memref<10000x64xf32, #tpu.memory_space<vmem_shared>> -> memref<632x64xf32, #tpu.memory_space<vmem_shared>>
        tpu.enqueue_dma source(%arg4 : memref<632x64xf32, #tpu.memory_space<hbm>>) target(%dma_start3A_180 : memref<632x64xf32, #tpu.memory_space<vmem_shared>>) target_semaphore(%run_scoped3A : memref<!tpu.dma_semaphore, #tpu.memory_space<semaphore_mem>>)
        %dma_wait3A_181 = arith.constant 0 : i32
        %dma_wait3A_182 = tpu.memref_slice %arg9[%mul3A_178, %dma_wait3A_181] : memref<10000x64xf32, #tpu.memory_space<vmem_shared>> -> memref<632x64xf32, #tpu.memory_space<vmem_shared>>
        tpu.wait_dma2 semaphore(%run_scoped3A : memref<!tpu.dma_semaphore, #tpu.memory_space<semaphore_mem>>) src(%arg4 : memref<632x64xf32, #tpu.memory_space<hbm>>) dst(%dma_wait3A_182 : memref<632x64xf32, #tpu.memory_space<vmem_shared>>)
        tpu.yield
      }) : () -> ()
    } else {
    }
    %eq3A = arith.constant 15 : i32
    %eq3A_16 = arith.cmpi eq, %arg1, %eq3A : i32
    %convert_element_type3A_17 = arith.extui %eq3A_16 : i1 to i32
    %cond3A_18 = arith.constant 0 : i32
    %cond3A_19 = arith.cmpi ne, %convert_element_type3A_17, %cond3A_18 : i32
    scf.if %cond3A_19 {
      "tpu.region"() ({
        %run_scoped3A = tpu.sem_alloc : memref<!tpu.dma_semaphore, #tpu.memory_space<semaphore_mem>>
        %dma_start3A_177 = arith.constant 9480 : i32
        %dma_start3A_178 = arith.constant 0 : i32
        %dma_start3A_179 = tpu.memref_slice %arg9[%dma_start3A_177, %dma_start3A_178] : memref<10000x64xf32, #tpu.memory_space<vmem_shared>> -> memref<520x64xf32, #tpu.memory_space<vmem_shared>>
        %dma_start3A_180 = arith.constant 0 : i32
        %dma_start3A_181 = arith.constant 0 : i32
        %dma_start3A_182 = tpu.memref_slice %arg4[%dma_start3A_180, %dma_start3A_181] : memref<632x64xf32, #tpu.memory_space<hbm>> -> memref<520x64xf32, #tpu.memory_space<hbm>>
        tpu.enqueue_dma source(%dma_start3A_182 : memref<520x64xf32, #tpu.memory_space<hbm>>) target(%dma_start3A_179 : memref<520x64xf32, #tpu.memory_space<vmem_shared>>) target_semaphore(%run_scoped3A : memref<!tpu.dma_semaphore, #tpu.memory_space<semaphore_mem>>)
        %dma_wait3A_183 = arith.constant 9480 : i32
        %dma_wait3A_184 = arith.constant 0 : i32
        %dma_wait3A_185 = tpu.memref_slice %arg9[%dma_wait3A_183, %dma_wait3A_184] : memref<10000x64xf32, #tpu.memory_space<vmem_shared>> -> memref<520x64xf32, #tpu.memory_space<vmem_shared>>
        %dma_wait3A_186 = arith.constant 0 : i32
        %dma_wait3A_187 = arith.constant 0 : i32
        %dma_wait3A_188 = tpu.memref_slice %arg4[%dma_wait3A_186, %dma_wait3A_187] : memref<632x64xf32, #tpu.memory_space<hbm>> -> memref<520x64xf32, #tpu.memory_space<hbm>>
        tpu.wait_dma2 semaphore(%run_scoped3A : memref<!tpu.dma_semaphore, #tpu.memory_space<semaphore_mem>>) src(%dma_wait3A_188 : memref<520x64xf32, #tpu.memory_space<hbm>>) dst(%dma_wait3A_185 : memref<520x64xf32, #tpu.memory_space<vmem_shared>>)
        tpu.yield
      }) : () -> ()
    } else {
    }
    %barrier3A = arith.constant 0 : index
    tpu.barrier barrier_id(%barrier3A)
    %dma_wait3A = arith.constant 0 : i32
    %dma_wait3A_20 = tpu.memref_slice %arg3[%mul3A_2, %dma_wait3A] : memref<6400x100xi32, #tpu.memory_space<hbm>> -> memref<100x100xi32, #tpu.memory_space<hbm>>
    %dma_wait3A_21 = arith.constant 0 : i32
    %dma_wait3A_22 = tpu.memref_slice %arg3[%mul3A_2, %dma_wait3A_21] : memref<6400x100xi32, #tpu.memory_space<hbm>> -> memref<100x100xi32, #tpu.memory_space<hbm>>
    tpu.wait_dma2 semaphore(%arg10 : memref<!tpu.dma_semaphore, #tpu.memory_space<semaphore_mem>>) src(%dma_wait3A_22 : memref<100x100xi32, #tpu.memory_space<hbm>>) dst(%arg6 : memref<100x100xi32, #tpu.memory_space<vmem>>)
    %dma_wait3A_23 = arith.constant 0 : i32
    %dma_wait3A_24 = tpu.memref_slice %arg3[%add3A_9, %dma_wait3A_23] : memref<6400x100xi32, #tpu.memory_space<hbm>> -> memref<100x100xi32, #tpu.memory_space<hbm>>
    %dma_wait3A_25 = arith.constant 0 : i32
    %dma_wait3A_26 = tpu.memref_slice %arg3[%add3A_9, %dma_wait3A_25] : memref<6400x100xi32, #tpu.memory_space<hbm>> -> memref<100x100xi32, #tpu.memory_space<hbm>>
    tpu.wait_dma2 semaphore(%arg10 : memref<!tpu.dma_semaphore, #tpu.memory_space<semaphore_mem>>) src(%dma_wait3A_26 : memref<100x100xi32, #tpu.memory_space<hbm>>) dst(%arg7 : memref<100x100xi32, #tpu.memory_space<vmem>>)
    %dma_start3A_27 = arith.constant 0 : i32
    %dma_start3A_28 = arith.constant 0 : i32
    %dma_start3A_29 = arith.constant 0 : i32
    %dma_start3A_30 = arith.constant 0 : i32
    %dma_start3A_31 = tpu.memref_slice %arg8[%dma_start3A_28, %dma_start3A_29, %dma_start3A_30] : memref<10x100x64xf32, #tpu.memory_space<vmem>> -> memref<1x100x64xf32, #tpu.memory_space<vmem>>
    %dma_start3A_32 = tpu.memref_squeeze %dma_start3A_31 : memref<1x100x64xf32, #tpu.memory_space<vmem>> -> memref<100x64xf32, #tpu.memory_space<vmem>>
    %dma_start3A_33 = arith.constant 0 : i32
    %dma_start3A_34 = tpu.memref_slice %arg7[%dma_start3A_27, %dma_start3A_33] : memref<100x100xi32, #tpu.memory_space<vmem>> -> memref<1x100xi32, #tpu.memory_space<vmem>>
    %dma_start3A_35 = tpu.memref_squeeze %dma_start3A_34 : memref<1x100xi32, #tpu.memory_space<vmem>> -> memref<100xi32, #tpu.memory_space<vmem>>
    %dma_start3A_36 = arith.constant 0 : i32
    %dma_start3A_37 = arith.constant 0 : i32
    %dma_start3A_38 = tpu.memref_slice %arg2[%dma_start3A_36, %dma_start3A_37] : memref<10000x64xf32, #tpu.memory_space<hbm>> -> memref<10000x64xf32, #tpu.memory_space<hbm>>
    tpu.enqueue_indirect_dma source(%dma_start3A_38 : memref<10000x64xf32, #tpu.memory_space<hbm>>) target(%dma_start3A_32 : memref<100x64xf32, #tpu.memory_space<vmem>>) offsets(%dma_start3A_35 : memref<100xi32, #tpu.memory_space<vmem>>) semaphore(%arg11 : memref<!tpu.dma_semaphore, #tpu.memory_space<semaphore_mem>>)
    %dma_start3A_39 = arith.constant 1 : i32
    %dma_start3A_40 = arith.constant 1 : i32
    %dma_start3A_41 = arith.constant 0 : i32
    %dma_start3A_42 = arith.constant 0 : i32
    %dma_start3A_43 = tpu.memref_slice %arg8[%dma_start3A_40, %dma_start3A_41, %dma_start3A_42] : memref<10x100x64xf32, #tpu.memory_space<vmem>> -> memref<1x100x64xf32, #tpu.memory_space<vmem>>
    %dma_start3A_44 = tpu.memref_squeeze %dma_start3A_43 : memref<1x100x64xf32, #tpu.memory_space<vmem>> -> memref<100x64xf32, #tpu.memory_space<vmem>>
    %dma_start3A_45 = arith.constant 0 : i32
    %dma_start3A_46 = tpu.memref_slice %arg7[%dma_start3A_39, %dma_start3A_45] : memref<100x100xi32, #tpu.memory_space<vmem>> -> memref<1x100xi32, #tpu.memory_space<vmem>>
    %dma_start3A_47 = tpu.memref_squeeze %dma_start3A_46 : memref<1x100xi32, #tpu.memory_space<vmem>> -> memref<100xi32, #tpu.memory_space<vmem>>
    %dma_start3A_48 = arith.constant 0 : i32
    %dma_start3A_49 = arith.constant 0 : i32
    %dma_start3A_50 = tpu.memref_slice %arg2[%dma_start3A_48, %dma_start3A_49] : memref<10000x64xf32, #tpu.memory_space<hbm>> -> memref<10000x64xf32, #tpu.memory_space<hbm>>
    tpu.enqueue_indirect_dma source(%dma_start3A_50 : memref<10000x64xf32, #tpu.memory_space<hbm>>) target(%dma_start3A_44 : memref<100x64xf32, #tpu.memory_space<vmem>>) offsets(%dma_start3A_47 : memref<100xi32, #tpu.memory_space<vmem>>) semaphore(%arg11 : memref<!tpu.dma_semaphore, #tpu.memory_space<semaphore_mem>>)
    %dma_start3A_51 = arith.constant 2 : i32
    %dma_start3A_52 = arith.constant 2 : i32
    %dma_start3A_53 = arith.constant 0 : i32
    %dma_start3A_54 = arith.constant 0 : i32
    %dma_start3A_55 = tpu.memref_slice %arg8[%dma_start3A_52, %dma_start3A_53, %dma_start3A_54] : memref<10x100x64xf32, #tpu.memory_space<vmem>> -> memref<1x100x64xf32, #tpu.memory_space<vmem>>
    %dma_start3A_56 = tpu.memref_squeeze %dma_start3A_55 : memref<1x100x64xf32, #tpu.memory_space<vmem>> -> memref<100x64xf32, #tpu.memory_space<vmem>>
    %dma_start3A_57 = arith.constant 0 : i32
    %dma_start3A_58 = tpu.memref_slice %arg7[%dma_start3A_51, %dma_start3A_57] : memref<100x100xi32, #tpu.memory_space<vmem>> -> memref<1x100xi32, #tpu.memory_space<vmem>>
    %dma_start3A_59 = tpu.memref_squeeze %dma_start3A_58 : memref<1x100xi32, #tpu.memory_space<vmem>> -> memref<100xi32, #tpu.memory_space<vmem>>
    %dma_start3A_60 = arith.constant 0 : i32
    %dma_start3A_61 = arith.constant 0 : i32
    %dma_start3A_62 = tpu.memref_slice %arg2[%dma_start3A_60, %dma_start3A_61] : memref<10000x64xf32, #tpu.memory_space<hbm>> -> memref<10000x64xf32, #tpu.memory_space<hbm>>
    tpu.enqueue_indirect_dma source(%dma_start3A_62 : memref<10000x64xf32, #tpu.memory_space<hbm>>) target(%dma_start3A_56 : memref<100x64xf32, #tpu.memory_space<vmem>>) offsets(%dma_start3A_59 : memref<100xi32, #tpu.memory_space<vmem>>) semaphore(%arg11 : memref<!tpu.dma_semaphore, #tpu.memory_space<semaphore_mem>>)
    %dma_start3A_63 = arith.constant 3 : i32
    %dma_start3A_64 = arith.constant 3 : i32
    %dma_start3A_65 = arith.constant 0 : i32
    %dma_start3A_66 = arith.constant 0 : i32
    %dma_start3A_67 = tpu.memref_slice %arg8[%dma_start3A_64, %dma_start3A_65, %dma_start3A_66] : memref<10x100x64xf32, #tpu.memory_space<vmem>> -> memref<1x100x64xf32, #tpu.memory_space<vmem>>
    %dma_start3A_68 = tpu.memref_squeeze %dma_start3A_67 : memref<1x100x64xf32, #tpu.memory_space<vmem>> -> memref<100x64xf32, #tpu.memory_space<vmem>>
    %dma_start3A_69 = arith.constant 0 : i32
    %dma_start3A_70 = tpu.memref_slice %arg7[%dma_start3A_63, %dma_start3A_69] : memref<100x100xi32, #tpu.memory_space<vmem>> -> memref<1x100xi32, #tpu.memory_space<vmem>>
    %dma_start3A_71 = tpu.memref_squeeze %dma_start3A_70 : memref<1x100xi32, #tpu.memory_space<vmem>> -> memref<100xi32, #tpu.memory_space<vmem>>
    %dma_start3A_72 = arith.constant 0 : i32
    %dma_start3A_73 = arith.constant 0 : i32
    %dma_start3A_74 = tpu.memref_slice %arg2[%dma_start3A_72, %dma_start3A_73] : memref<10000x64xf32, #tpu.memory_space<hbm>> -> memref<10000x64xf32, #tpu.memory_space<hbm>>
    tpu.enqueue_indirect_dma source(%dma_start3A_74 : memref<10000x64xf32, #tpu.memory_space<hbm>>) target(%dma_start3A_68 : memref<100x64xf32, #tpu.memory_space<vmem>>) offsets(%dma_start3A_71 : memref<100xi32, #tpu.memory_space<vmem>>) semaphore(%arg11 : memref<!tpu.dma_semaphore, #tpu.memory_space<semaphore_mem>>)
    %dma_start3A_75 = arith.constant 4 : i32
    %dma_start3A_76 = arith.constant 4 : i32
    %dma_start3A_77 = arith.constant 0 : i32
    %dma_start3A_78 = arith.constant 0 : i32
    %dma_start3A_79 = tpu.memref_slice %arg8[%dma_start3A_76, %dma_start3A_77, %dma_start3A_78] : memref<10x100x64xf32, #tpu.memory_space<vmem>> -> memref<1x100x64xf32, #tpu.memory_space<vmem>>
    %dma_start3A_80 = tpu.memref_squeeze %dma_start3A_79 : memref<1x100x64xf32, #tpu.memory_space<vmem>> -> memref<100x64xf32, #tpu.memory_space<vmem>>
    %dma_start3A_81 = arith.constant 0 : i32
    %dma_start3A_82 = tpu.memref_slice %arg7[%dma_start3A_75, %dma_start3A_81] : memref<100x100xi32, #tpu.memory_space<vmem>> -> memref<1x100xi32, #tpu.memory_space<vmem>>
    %dma_start3A_83 = tpu.memref_squeeze %dma_start3A_82 : memref<1x100xi32, #tpu.memory_space<vmem>> -> memref<100xi32, #tpu.memory_space<vmem>>
    %dma_start3A_84 = arith.constant 0 : i32
    %dma_start3A_85 = arith.constant 0 : i32
    %dma_start3A_86 = tpu.memref_slice %arg2[%dma_start3A_84, %dma_start3A_85] : memref<10000x64xf32, #tpu.memory_space<hbm>> -> memref<10000x64xf32, #tpu.memory_space<hbm>>
    tpu.enqueue_indirect_dma source(%dma_start3A_86 : memref<10000x64xf32, #tpu.memory_space<hbm>>) target(%dma_start3A_80 : memref<100x64xf32, #tpu.memory_space<vmem>>) offsets(%dma_start3A_83 : memref<100xi32, #tpu.memory_space<vmem>>) semaphore(%arg11 : memref<!tpu.dma_semaphore, #tpu.memory_space<semaphore_mem>>)
    %scan3A = arith.constant 0 : i32
    %scan3A_87 = arith.constant 20 : i32
    %scan3A_88 = arith.addi %scan3A, %scan3A_87 : i32
    %scan3A_89 = arith.constant 1 : i32
    scf.for %scan3A_177 = %scan3A to %scan3A_88 step %scan3A_89  : i32 {
      %rem3A = arith.constant 2 : i32
      %rem3A_178 = arith.remsi %scan3A_177, %rem3A : i32
      %mul3A_179 = arith.constant 5 : i32
      %mul3A_180 = arith.muli %rem3A_178, %mul3A_179 : i32
      %sub3A = arith.constant 1 : i32
      %sub3A_181 = arith.subi %sub3A, %rem3A_178 : i32
      %mul3A_182 = arith.constant 5 : i32
      %mul3A_183 = arith.muli %sub3A_181, %mul3A_182 : i32
      %mul3A_184 = arith.constant 5 : i32
      %mul3A_185 = arith.muli %scan3A_177, %mul3A_184 : i32
      %add3A_186 = arith.constant 0 : i32
      %add3A_187 = arith.addi %mul3A_185, %add3A_186 : i32
      %add3A_188 = arith.constant 0 : i32
      %add3A_189 = arith.addi %mul3A_180, %add3A_188 : i32
      %dma_wait3A_190 = arith.constant 0 : i32
      %dma_wait3A_191 = arith.constant 0 : i32
      %dma_wait3A_192 = tpu.memref_slice %arg8[%add3A_189, %dma_wait3A_190, %dma_wait3A_191] : memref<10x100x64xf32, #tpu.memory_space<vmem>> -> memref<1x100x64xf32, #tpu.memory_space<vmem>>
      %dma_wait3A_193 = tpu.memref_squeeze %dma_wait3A_192 : memref<1x100x64xf32, #tpu.memory_space<vmem>> -> memref<100x64xf32, #tpu.memory_space<vmem>>
      %dma_wait3A_194 = arith.constant 0 : i32
      %dma_wait3A_195 = tpu.memref_slice %arg7[%add3A_187, %dma_wait3A_194] : memref<100x100xi32, #tpu.memory_space<vmem>> -> memref<1x100xi32, #tpu.memory_space<vmem>>
      %dma_wait3A_196 = tpu.memref_squeeze %dma_wait3A_195 : memref<1x100xi32, #tpu.memory_space<vmem>> -> memref<100xi32, #tpu.memory_space<vmem>>
      %dma_wait3A_197 = arith.constant 0 : i32
      %dma_wait3A_198 = arith.constant 0 : i32
      %dma_wait3A_199 = tpu.memref_slice %arg2[%dma_wait3A_197, %dma_wait3A_198] : memref<10000x64xf32, #tpu.memory_space<hbm>> -> memref<10000x64xf32, #tpu.memory_space<hbm>>
      tpu.wait_indirect_dma semaphore(%arg11 : memref<!tpu.dma_semaphore, #tpu.memory_space<semaphore_mem>>) src(%dma_wait3A_199 : memref<10000x64xf32, #tpu.memory_space<hbm>>) dst(%dma_wait3A_193 : memref<100x64xf32, #tpu.memory_space<vmem>>)
      %mul3A_200 = arith.constant 5 : i32
      %mul3A_201 = arith.muli %scan3A_177, %mul3A_200 : i32
      %add3A_202 = arith.constant 1 : i32
      %add3A_203 = arith.addi %mul3A_201, %add3A_202 : i32
      %add3A_204 = arith.constant 1 : i32
      %add3A_205 = arith.addi %mul3A_180, %add3A_204 : i32
      %dma_wait3A_206 = arith.constant 0 : i32
      %dma_wait3A_207 = arith.constant 0 : i32
      %dma_wait3A_208 = tpu.memref_slice %arg8[%add3A_205, %dma_wait3A_206, %dma_wait3A_207] : memref<10x100x64xf32, #tpu.memory_space<vmem>> -> memref<1x100x64xf32, #tpu.memory_space<vmem>>
      %dma_wait3A_209 = tpu.memref_squeeze %dma_wait3A_208 : memref<1x100x64xf32, #tpu.memory_space<vmem>> -> memref<100x64xf32, #tpu.memory_space<vmem>>
      %dma_wait3A_210 = arith.constant 0 : i32
      %dma_wait3A_211 = tpu.memref_slice %arg7[%add3A_203, %dma_wait3A_210] : memref<100x100xi32, #tpu.memory_space<vmem>> -> memref<1x100xi32, #tpu.memory_space<vmem>>
      %dma_wait3A_212 = tpu.memref_squeeze %dma_wait3A_211 : memref<1x100xi32, #tpu.memory_space<vmem>> -> memref<100xi32, #tpu.memory_space<vmem>>
      %dma_wait3A_213 = arith.constant 0 : i32
      %dma_wait3A_214 = arith.constant 0 : i32
      %dma_wait3A_215 = tpu.memref_slice %arg2[%dma_wait3A_213, %dma_wait3A_214] : memref<10000x64xf32, #tpu.memory_space<hbm>> -> memref<10000x64xf32, #tpu.memory_space<hbm>>
      tpu.wait_indirect_dma semaphore(%arg11 : memref<!tpu.dma_semaphore, #tpu.memory_space<semaphore_mem>>) src(%dma_wait3A_215 : memref<10000x64xf32, #tpu.memory_space<hbm>>) dst(%dma_wait3A_209 : memref<100x64xf32, #tpu.memory_space<vmem>>)
      %mul3A_216 = arith.constant 5 : i32
      %mul3A_217 = arith.muli %scan3A_177, %mul3A_216 : i32
      %add3A_218 = arith.constant 2 : i32
      %add3A_219 = arith.addi %mul3A_217, %add3A_218 : i32
      %add3A_220 = arith.constant 2 : i32
      %add3A_221 = arith.addi %mul3A_180, %add3A_220 : i32
      %dma_wait3A_222 = arith.constant 0 : i32
      %dma_wait3A_223 = arith.constant 0 : i32
      %dma_wait3A_224 = tpu.memref_slice %arg8[%add3A_221, %dma_wait3A_222, %dma_wait3A_223] : memref<10x100x64xf32, #tpu.memory_space<vmem>> -> memref<1x100x64xf32, #tpu.memory_space<vmem>>
      %dma_wait3A_225 = tpu.memref_squeeze %dma_wait3A_224 : memref<1x100x64xf32, #tpu.memory_space<vmem>> -> memref<100x64xf32, #tpu.memory_space<vmem>>
      %dma_wait3A_226 = arith.constant 0 : i32
      %dma_wait3A_227 = tpu.memref_slice %arg7[%add3A_219, %dma_wait3A_226] : memref<100x100xi32, #tpu.memory_space<vmem>> -> memref<1x100xi32, #tpu.memory_space<vmem>>
      %dma_wait3A_228 = tpu.memref_squeeze %dma_wait3A_227 : memref<1x100xi32, #tpu.memory_space<vmem>> -> memref<100xi32, #tpu.memory_space<vmem>>
      %dma_wait3A_229 = arith.constant 0 : i32
      %dma_wait3A_230 = arith.constant 0 : i32
      %dma_wait3A_231 = tpu.memref_slice %arg2[%dma_wait3A_229, %dma_wait3A_230] : memref<10000x64xf32, #tpu.memory_space<hbm>> -> memref<10000x64xf32, #tpu.memory_space<hbm>>
      tpu.wait_indirect_dma semaphore(%arg11 : memref<!tpu.dma_semaphore, #tpu.memory_space<semaphore_mem>>) src(%dma_wait3A_231 : memref<10000x64xf32, #tpu.memory_space<hbm>>) dst(%dma_wait3A_225 : memref<100x64xf32, #tpu.memory_space<vmem>>)
      %mul3A_232 = arith.constant 5 : i32
      %mul3A_233 = arith.muli %scan3A_177, %mul3A_232 : i32
      %add3A_234 = arith.constant 3 : i32
      %add3A_235 = arith.addi %mul3A_233, %add3A_234 : i32
      %add3A_236 = arith.constant 3 : i32
      %add3A_237 = arith.addi %mul3A_180, %add3A_236 : i32
      %dma_wait3A_238 = arith.constant 0 : i32
      %dma_wait3A_239 = arith.constant 0 : i32
      %dma_wait3A_240 = tpu.memref_slice %arg8[%add3A_237, %dma_wait3A_238, %dma_wait3A_239] : memref<10x100x64xf32, #tpu.memory_space<vmem>> -> memref<1x100x64xf32, #tpu.memory_space<vmem>>
      %dma_wait3A_241 = tpu.memref_squeeze %dma_wait3A_240 : memref<1x100x64xf32, #tpu.memory_space<vmem>> -> memref<100x64xf32, #tpu.memory_space<vmem>>
      %dma_wait3A_242 = arith.constant 0 : i32
      %dma_wait3A_243 = tpu.memref_slice %arg7[%add3A_235, %dma_wait3A_242] : memref<100x100xi32, #tpu.memory_space<vmem>> -> memref<1x100xi32, #tpu.memory_space<vmem>>
      %dma_wait3A_244 = tpu.memref_squeeze %dma_wait3A_243 : memref<1x100xi32, #tpu.memory_space<vmem>> -> memref<100xi32, #tpu.memory_space<vmem>>
      %dma_wait3A_245 = arith.constant 0 : i32
      %dma_wait3A_246 = arith.constant 0 : i32
      %dma_wait3A_247 = tpu.memref_slice %arg2[%dma_wait3A_245, %dma_wait3A_246] : memref<10000x64xf32, #tpu.memory_space<hbm>> -> memref<10000x64xf32, #tpu.memory_space<hbm>>
      tpu.wait_indirect_dma semaphore(%arg11 : memref<!tpu.dma_semaphore, #tpu.memory_space<semaphore_mem>>) src(%dma_wait3A_247 : memref<10000x64xf32, #tpu.memory_space<hbm>>) dst(%dma_wait3A_241 : memref<100x64xf32, #tpu.memory_space<vmem>>)
      %mul3A_248 = arith.constant 5 : i32
      %mul3A_249 = arith.muli %scan3A_177, %mul3A_248 : i32
      %add3A_250 = arith.constant 4 : i32
      %add3A_251 = arith.addi %mul3A_249, %add3A_250 : i32
      %add3A_252 = arith.constant 4 : i32
      %add3A_253 = arith.addi %mul3A_180, %add3A_252 : i32
      %dma_wait3A_254 = arith.constant 0 : i32
      %dma_wait3A_255 = arith.constant 0 : i32
      %dma_wait3A_256 = tpu.memref_slice %arg8[%add3A_253, %dma_wait3A_254, %dma_wait3A_255] : memref<10x100x64xf32, #tpu.memory_space<vmem>> -> memref<1x100x64xf32, #tpu.memory_space<vmem>>
      %dma_wait3A_257 = tpu.memref_squeeze %dma_wait3A_256 : memref<1x100x64xf32, #tpu.memory_space<vmem>> -> memref<100x64xf32, #tpu.memory_space<vmem>>
      %dma_wait3A_258 = arith.constant 0 : i32
      %dma_wait3A_259 = tpu.memref_slice %arg7[%add3A_251, %dma_wait3A_258] : memref<100x100xi32, #tpu.memory_space<vmem>> -> memref<1x100xi32, #tpu.memory_space<vmem>>
      %dma_wait3A_260 = tpu.memref_squeeze %dma_wait3A_259 : memref<1x100xi32, #tpu.memory_space<vmem>> -> memref<100xi32, #tpu.memory_space<vmem>>
      %dma_wait3A_261 = arith.constant 0 : i32
      %dma_wait3A_262 = arith.constant 0 : i32
      %dma_wait3A_263 = tpu.memref_slice %arg2[%dma_wait3A_261, %dma_wait3A_262] : memref<10000x64xf32, #tpu.memory_space<hbm>> -> memref<10000x64xf32, #tpu.memory_space<hbm>>
      tpu.wait_indirect_dma semaphore(%arg11 : memref<!tpu.dma_semaphore, #tpu.memory_space<semaphore_mem>>) src(%dma_wait3A_263 : memref<10000x64xf32, #tpu.memory_space<hbm>>) dst(%dma_wait3A_257 : memref<100x64xf32, #tpu.memory_space<vmem>>)
      %mul3A_264 = arith.constant 5 : i32
      %mul3A_265 = arith.muli %scan3A_177, %mul3A_264 : i32
      %add3A_266 = arith.constant 0 : i32
      %add3A_267 = arith.addi %mul3A_265, %add3A_266 : i32
      %add3A_268 = arith.constant 0 : i32
      %add3A_269 = arith.addi %mul3A_180, %add3A_268 : i32
      %dma_start3A_270 = arith.constant 0 : i32
      %dma_start3A_271 = arith.constant 0 : i32
      %dma_start3A_272 = tpu.memref_slice %arg8[%add3A_269, %dma_start3A_270, %dma_start3A_271] : memref<10x100x64xf32, #tpu.memory_space<vmem>> -> memref<1x100x64xf32, #tpu.memory_space<vmem>>
      %dma_start3A_273 = tpu.memref_squeeze %dma_start3A_272 : memref<1x100x64xf32, #tpu.memory_space<vmem>> -> memref<100x64xf32, #tpu.memory_space<vmem>>
      %dma_start3A_274 = arith.constant 0 : i32
      %dma_start3A_275 = tpu.memref_slice %arg6[%add3A_267, %dma_start3A_274] : memref<100x100xi32, #tpu.memory_space<vmem>> -> memref<1x100xi32, #tpu.memory_space<vmem>>
      %dma_start3A_276 = tpu.memref_squeeze %dma_start3A_275 : memref<1x100xi32, #tpu.memory_space<vmem>> -> memref<100xi32, #tpu.memory_space<vmem>>
      %dma_start3A_277 = arith.constant 0 : i32
      %dma_start3A_278 = arith.constant 0 : i32
      %dma_start3A_279 = tpu.memref_slice %arg9[%dma_start3A_277, %dma_start3A_278] : memref<10000x64xf32, #tpu.memory_space<vmem_shared>> -> memref<10000x64xf32, #tpu.memory_space<vmem_shared>>
      %dma_start3A_280 = tpu.memref_slice %arg12[%rem3A_178] : memref<2x!tpu.dma_semaphore, #tpu.memory_space<semaphore_mem>> -> memref<1x!tpu.dma_semaphore, #tpu.memory_space<semaphore_mem>>
      %dma_start3A_281 = tpu.memref_squeeze %dma_start3A_280 : memref<1x!tpu.dma_semaphore, #tpu.memory_space<semaphore_mem>> -> memref<!tpu.dma_semaphore, #tpu.memory_space<semaphore_mem>>
      tpu.enqueue_indirect_dma source(%dma_start3A_273 : memref<100x64xf32, #tpu.memory_space<vmem>>) target(%dma_start3A_279 : memref<10000x64xf32, #tpu.memory_space<vmem_shared>>) offsets(%dma_start3A_276 : memref<100xi32, #tpu.memory_space<vmem>>) semaphore(%dma_start3A_281 : memref<!tpu.dma_semaphore, #tpu.memory_space<semaphore_mem>>) {add = true}
      %mul3A_282 = arith.constant 5 : i32
      %mul3A_283 = arith.muli %scan3A_177, %mul3A_282 : i32
      %add3A_284 = arith.constant 1 : i32
      %add3A_285 = arith.addi %mul3A_283, %add3A_284 : i32
      %add3A_286 = arith.constant 1 : i32
      %add3A_287 = arith.addi %mul3A_180, %add3A_286 : i32
      %dma_start3A_288 = arith.constant 0 : i32
      %dma_start3A_289 = arith.constant 0 : i32
      %dma_start3A_290 = tpu.memref_slice %arg8[%add3A_287, %dma_start3A_288, %dma_start3A_289] : memref<10x100x64xf32, #tpu.memory_space<vmem>> -> memref<1x100x64xf32, #tpu.memory_space<vmem>>
      %dma_start3A_291 = tpu.memref_squeeze %dma_start3A_290 : memref<1x100x64xf32, #tpu.memory_space<vmem>> -> memref<100x64xf32, #tpu.memory_space<vmem>>
      %dma_start3A_292 = arith.constant 0 : i32
      %dma_start3A_293 = tpu.memref_slice %arg6[%add3A_285, %dma_start3A_292] : memref<100x100xi32, #tpu.memory_space<vmem>> -> memref<1x100xi32, #tpu.memory_space<vmem>>
      %dma_start3A_294 = tpu.memref_squeeze %dma_start3A_293 : memref<1x100xi32, #tpu.memory_space<vmem>> -> memref<100xi32, #tpu.memory_space<vmem>>
      %dma_start3A_295 = arith.constant 0 : i32
      %dma_start3A_296 = arith.constant 0 : i32
      %dma_start3A_297 = tpu.memref_slice %arg9[%dma_start3A_295, %dma_start3A_296] : memref<10000x64xf32, #tpu.memory_space<vmem_shared>> -> memref<10000x64xf32, #tpu.memory_space<vmem_shared>>
      %dma_start3A_298 = tpu.memref_slice %arg12[%rem3A_178] : memref<2x!tpu.dma_semaphore, #tpu.memory_space<semaphore_mem>> -> memref<1x!tpu.dma_semaphore, #tpu.memory_space<semaphore_mem>>
      %dma_start3A_299 = tpu.memref_squeeze %dma_start3A_298 : memref<1x!tpu.dma_semaphore, #tpu.memory_space<semaphore_mem>> -> memref<!tpu.dma_semaphore, #tpu.memory_space<semaphore_mem>>
      tpu.enqueue_indirect_dma source(%dma_start3A_291 : memref<100x64xf32, #tpu.memory_space<vmem>>) target(%dma_start3A_297 : memref<10000x64xf32, #tpu.memory_space<vmem_shared>>) offsets(%dma_start3A_294 : memref<100xi32, #tpu.memory_space<vmem>>) semaphore(%dma_start3A_299 : memref<!tpu.dma_semaphore, #tpu.memory_space<semaphore_mem>>) {add = true}
      %mul3A_300 = arith.constant 5 : i32
      %mul3A_301 = arith.muli %scan3A_177, %mul3A_300 : i32
      %add3A_302 = arith.constant 2 : i32
      %add3A_303 = arith.addi %mul3A_301, %add3A_302 : i32
      %add3A_304 = arith.constant 2 : i32
      %add3A_305 = arith.addi %mul3A_180, %add3A_304 : i32
      %dma_start3A_306 = arith.constant 0 : i32
      %dma_start3A_307 = arith.constant 0 : i32
      %dma_start3A_308 = tpu.memref_slice %arg8[%add3A_305, %dma_start3A_306, %dma_start3A_307] : memref<10x100x64xf32, #tpu.memory_space<vmem>> -> memref<1x100x64xf32, #tpu.memory_space<vmem>>
      %dma_start3A_309 = tpu.memref_squeeze %dma_start3A_308 : memref<1x100x64xf32, #tpu.memory_space<vmem>> -> memref<100x64xf32, #tpu.memory_space<vmem>>
      %dma_start3A_310 = arith.constant 0 : i32
      %dma_start3A_311 = tpu.memref_slice %arg6[%add3A_303, %dma_start3A_310] : memref<100x100xi32, #tpu.memory_space<vmem>> -> memref<1x100xi32, #tpu.memory_space<vmem>>
      %dma_start3A_312 = tpu.memref_squeeze %dma_start3A_311 : memref<1x100xi32, #tpu.memory_space<vmem>> -> memref<100xi32, #tpu.memory_space<vmem>>
      %dma_start3A_313 = arith.constant 0 : i32
      %dma_start3A_314 = arith.constant 0 : i32
      %dma_start3A_315 = tpu.memref_slice %arg9[%dma_start3A_313, %dma_start3A_314] : memref<10000x64xf32, #tpu.memory_space<vmem_shared>> -> memref<10000x64xf32, #tpu.memory_space<vmem_shared>>
      %dma_start3A_316 = tpu.memref_slice %arg12[%rem3A_178] : memref<2x!tpu.dma_semaphore, #tpu.memory_space<semaphore_mem>> -> memref<1x!tpu.dma_semaphore, #tpu.memory_space<semaphore_mem>>
      %dma_start3A_317 = tpu.memref_squeeze %dma_start3A_316 : memref<1x!tpu.dma_semaphore, #tpu.memory_space<semaphore_mem>> -> memref<!tpu.dma_semaphore, #tpu.memory_space<semaphore_mem>>
      tpu.enqueue_indirect_dma source(%dma_start3A_309 : memref<100x64xf32, #tpu.memory_space<vmem>>) target(%dma_start3A_315 : memref<10000x64xf32, #tpu.memory_space<vmem_shared>>) offsets(%dma_start3A_312 : memref<100xi32, #tpu.memory_space<vmem>>) semaphore(%dma_start3A_317 : memref<!tpu.dma_semaphore, #tpu.memory_space<semaphore_mem>>) {add = true}
      %mul3A_318 = arith.constant 5 : i32
      %mul3A_319 = arith.muli %scan3A_177, %mul3A_318 : i32
      %add3A_320 = arith.constant 3 : i32
      %add3A_321 = arith.addi %mul3A_319, %add3A_320 : i32
      %add3A_322 = arith.constant 3 : i32
      %add3A_323 = arith.addi %mul3A_180, %add3A_322 : i32
      %dma_start3A_324 = arith.constant 0 : i32
      %dma_start3A_325 = arith.constant 0 : i32
      %dma_start3A_326 = tpu.memref_slice %arg8[%add3A_323, %dma_start3A_324, %dma_start3A_325] : memref<10x100x64xf32, #tpu.memory_space<vmem>> -> memref<1x100x64xf32, #tpu.memory_space<vmem>>
      %dma_start3A_327 = tpu.memref_squeeze %dma_start3A_326 : memref<1x100x64xf32, #tpu.memory_space<vmem>> -> memref<100x64xf32, #tpu.memory_space<vmem>>
      %dma_start3A_328 = arith.constant 0 : i32
      %dma_start3A_329 = tpu.memref_slice %arg6[%add3A_321, %dma_start3A_328] : memref<100x100xi32, #tpu.memory_space<vmem>> -> memref<1x100xi32, #tpu.memory_space<vmem>>
      %dma_start3A_330 = tpu.memref_squeeze %dma_start3A_329 : memref<1x100xi32, #tpu.memory_space<vmem>> -> memref<100xi32, #tpu.memory_space<vmem>>
      %dma_start3A_331 = arith.constant 0 : i32
      %dma_start3A_332 = arith.constant 0 : i32
      %dma_start3A_333 = tpu.memref_slice %arg9[%dma_start3A_331, %dma_start3A_332] : memref<10000x64xf32, #tpu.memory_space<vmem_shared>> -> memref<10000x64xf32, #tpu.memory_space<vmem_shared>>
      %dma_start3A_334 = tpu.memref_slice %arg12[%rem3A_178] : memref<2x!tpu.dma_semaphore, #tpu.memory_space<semaphore_mem>> -> memref<1x!tpu.dma_semaphore, #tpu.memory_space<semaphore_mem>>
      %dma_start3A_335 = tpu.memref_squeeze %dma_start3A_334 : memref<1x!tpu.dma_semaphore, #tpu.memory_space<semaphore_mem>> -> memref<!tpu.dma_semaphore, #tpu.memory_space<semaphore_mem>>
      tpu.enqueue_indirect_dma source(%dma_start3A_327 : memref<100x64xf32, #tpu.memory_space<vmem>>) target(%dma_start3A_333 : memref<10000x64xf32, #tpu.memory_space<vmem_shared>>) offsets(%dma_start3A_330 : memref<100xi32, #tpu.memory_space<vmem>>) semaphore(%dma_start3A_335 : memref<!tpu.dma_semaphore, #tpu.memory_space<semaphore_mem>>) {add = true}
      %mul3A_336 = arith.constant 5 : i32
      %mul3A_337 = arith.muli %scan3A_177, %mul3A_336 : i32
      %add3A_338 = arith.constant 4 : i32
      %add3A_339 = arith.addi %mul3A_337, %add3A_338 : i32
      %add3A_340 = arith.constant 4 : i32
      %add3A_341 = arith.addi %mul3A_180, %add3A_340 : i32
      %dma_start3A_342 = arith.constant 0 : i32
      %dma_start3A_343 = arith.constant 0 : i32
      %dma_start3A_344 = tpu.memref_slice %arg8[%add3A_341, %dma_start3A_342, %dma_start3A_343] : memref<10x100x64xf32, #tpu.memory_space<vmem>> -> memref<1x100x64xf32, #tpu.memory_space<vmem>>
      %dma_start3A_345 = tpu.memref_squeeze %dma_start3A_344 : memref<1x100x64xf32, #tpu.memory_space<vmem>> -> memref<100x64xf32, #tpu.memory_space<vmem>>
      %dma_start3A_346 = arith.constant 0 : i32
      %dma_start3A_347 = tpu.memref_slice %arg6[%add3A_339, %dma_start3A_346] : memref<100x100xi32, #tpu.memory_space<vmem>> -> memref<1x100xi32, #tpu.memory_space<vmem>>
      %dma_start3A_348 = tpu.memref_squeeze %dma_start3A_347 : memref<1x100xi32, #tpu.memory_space<vmem>> -> memref<100xi32, #tpu.memory_space<vmem>>
      %dma_start3A_349 = arith.constant 0 : i32
      %dma_start3A_350 = arith.constant 0 : i32
      %dma_start3A_351 = tpu.memref_slice %arg9[%dma_start3A_349, %dma_start3A_350] : memref<10000x64xf32, #tpu.memory_space<vmem_shared>> -> memref<10000x64xf32, #tpu.memory_space<vmem_shared>>
      %dma_start3A_352 = tpu.memref_slice %arg12[%rem3A_178] : memref<2x!tpu.dma_semaphore, #tpu.memory_space<semaphore_mem>> -> memref<1x!tpu.dma_semaphore, #tpu.memory_space<semaphore_mem>>
      %dma_start3A_353 = tpu.memref_squeeze %dma_start3A_352 : memref<1x!tpu.dma_semaphore, #tpu.memory_space<semaphore_mem>> -> memref<!tpu.dma_semaphore, #tpu.memory_space<semaphore_mem>>
      tpu.enqueue_indirect_dma source(%dma_start3A_345 : memref<100x64xf32, #tpu.memory_space<vmem>>) target(%dma_start3A_351 : memref<10000x64xf32, #tpu.memory_space<vmem_shared>>) offsets(%dma_start3A_348 : memref<100xi32, #tpu.memory_space<vmem>>) semaphore(%dma_start3A_353 : memref<!tpu.dma_semaphore, #tpu.memory_space<semaphore_mem>>) {add = true}
      %ge3A = arith.constant 1 : i32
      %ge3A_354 = arith.cmpi sge, %scan3A_177, %ge3A : i32
      %convert_element_type3A_355 = arith.extui %ge3A_354 : i1 to i32
      %cond3A_356 = arith.constant 0 : i32
      %cond3A_357 = arith.cmpi ne, %convert_element_type3A_355, %cond3A_356 : i32
      scf.if %cond3A_357 {
        %sub3A_363 = arith.constant 1 : i32
        %sub3A_364 = arith.subi %scan3A_177, %sub3A_363 : i32
        %mul3A_365 = arith.constant 5 : i32
        %mul3A_366 = arith.muli %sub3A_364, %mul3A_365 : i32
        %add3A_367 = arith.constant 0 : i32
        %add3A_368 = arith.addi %mul3A_366, %add3A_367 : i32
        %add3A_369 = arith.constant 0 : i32
        %add3A_370 = arith.addi %mul3A_183, %add3A_369 : i32
        %sub3A_371 = arith.constant 1 : i32
        %sub3A_372 = arith.subi %sub3A_371, %rem3A_178 : i32
        %dma_wait3A_373 = arith.constant 0 : i32
        %dma_wait3A_374 = arith.constant 0 : i32
        %dma_wait3A_375 = tpu.memref_slice %arg8[%add3A_370, %dma_wait3A_373, %dma_wait3A_374] : memref<10x100x64xf32, #tpu.memory_space<vmem>> -> memref<1x100x64xf32, #tpu.memory_space<vmem>>
        %dma_wait3A_376 = tpu.memref_squeeze %dma_wait3A_375 : memref<1x100x64xf32, #tpu.memory_space<vmem>> -> memref<100x64xf32, #tpu.memory_space<vmem>>
        %dma_wait3A_377 = arith.constant 0 : i32
        %dma_wait3A_378 = tpu.memref_slice %arg6[%add3A_368, %dma_wait3A_377] : memref<100x100xi32, #tpu.memory_space<vmem>> -> memref<1x100xi32, #tpu.memory_space<vmem>>
        %dma_wait3A_379 = tpu.memref_squeeze %dma_wait3A_378 : memref<1x100xi32, #tpu.memory_space<vmem>> -> memref<100xi32, #tpu.memory_space<vmem>>
        %dma_wait3A_380 = arith.constant 0 : i32
        %dma_wait3A_381 = arith.constant 0 : i32
        %dma_wait3A_382 = tpu.memref_slice %arg9[%dma_wait3A_380, %dma_wait3A_381] : memref<10000x64xf32, #tpu.memory_space<vmem_shared>> -> memref<10000x64xf32, #tpu.memory_space<vmem_shared>>
        %dma_wait3A_383 = tpu.memref_slice %arg12[%sub3A_372] : memref<2x!tpu.dma_semaphore, #tpu.memory_space<semaphore_mem>> -> memref<1x!tpu.dma_semaphore, #tpu.memory_space<semaphore_mem>>
        %dma_wait3A_384 = tpu.memref_squeeze %dma_wait3A_383 : memref<1x!tpu.dma_semaphore, #tpu.memory_space<semaphore_mem>> -> memref<!tpu.dma_semaphore, #tpu.memory_space<semaphore_mem>>
        tpu.wait_indirect_dma semaphore(%dma_wait3A_384 : memref<!tpu.dma_semaphore, #tpu.memory_space<semaphore_mem>>) src(%dma_wait3A_376 : memref<100x64xf32, #tpu.memory_space<vmem>>) dst(%dma_wait3A_382 : memref<10000x64xf32, #tpu.memory_space<vmem_shared>>)
        %sub3A_385 = arith.constant 1 : i32
        %sub3A_386 = arith.subi %scan3A_177, %sub3A_385 : i32
        %mul3A_387 = arith.constant 5 : i32
        %mul3A_388 = arith.muli %sub3A_386, %mul3A_387 : i32
        %add3A_389 = arith.constant 1 : i32
        %add3A_390 = arith.addi %mul3A_388, %add3A_389 : i32
        %add3A_391 = arith.constant 1 : i32
        %add3A_392 = arith.addi %mul3A_183, %add3A_391 : i32
        %sub3A_393 = arith.constant 1 : i32
        %sub3A_394 = arith.subi %sub3A_393, %rem3A_178 : i32
        %dma_wait3A_395 = arith.constant 0 : i32
        %dma_wait3A_396 = arith.constant 0 : i32
        %dma_wait3A_397 = tpu.memref_slice %arg8[%add3A_392, %dma_wait3A_395, %dma_wait3A_396] : memref<10x100x64xf32, #tpu.memory_space<vmem>> -> memref<1x100x64xf32, #tpu.memory_space<vmem>>
        %dma_wait3A_398 = tpu.memref_squeeze %dma_wait3A_397 : memref<1x100x64xf32, #tpu.memory_space<vmem>> -> memref<100x64xf32, #tpu.memory_space<vmem>>
        %dma_wait3A_399 = arith.constant 0 : i32
        %dma_wait3A_400 = tpu.memref_slice %arg6[%add3A_390, %dma_wait3A_399] : memref<100x100xi32, #tpu.memory_space<vmem>> -> memref<1x100xi32, #tpu.memory_space<vmem>>
        %dma_wait3A_401 = tpu.memref_squeeze %dma_wait3A_400 : memref<1x100xi32, #tpu.memory_space<vmem>> -> memref<100xi32, #tpu.memory_space<vmem>>
        %dma_wait3A_402 = arith.constant 0 : i32
        %dma_wait3A_403 = arith.constant 0 : i32
        %dma_wait3A_404 = tpu.memref_slice %arg9[%dma_wait3A_402, %dma_wait3A_403] : memref<10000x64xf32, #tpu.memory_space<vmem_shared>> -> memref<10000x64xf32, #tpu.memory_space<vmem_shared>>
        %dma_wait3A_405 = tpu.memref_slice %arg12[%sub3A_394] : memref<2x!tpu.dma_semaphore, #tpu.memory_space<semaphore_mem>> -> memref<1x!tpu.dma_semaphore, #tpu.memory_space<semaphore_mem>>
        %dma_wait3A_406 = tpu.memref_squeeze %dma_wait3A_405 : memref<1x!tpu.dma_semaphore, #tpu.memory_space<semaphore_mem>> -> memref<!tpu.dma_semaphore, #tpu.memory_space<semaphore_mem>>
        tpu.wait_indirect_dma semaphore(%dma_wait3A_406 : memref<!tpu.dma_semaphore, #tpu.memory_space<semaphore_mem>>) src(%dma_wait3A_398 : memref<100x64xf32, #tpu.memory_space<vmem>>) dst(%dma_wait3A_404 : memref<10000x64xf32, #tpu.memory_space<vmem_shared>>)
        %sub3A_407 = arith.constant 1 : i32
        %sub3A_408 = arith.subi %scan3A_177, %sub3A_407 : i32
        %mul3A_409 = arith.constant 5 : i32
        %mul3A_410 = arith.muli %sub3A_408, %mul3A_409 : i32
        %add3A_411 = arith.constant 2 : i32
        %add3A_412 = arith.addi %mul3A_410, %add3A_411 : i32
        %add3A_413 = arith.constant 2 : i32
        %add3A_414 = arith.addi %mul3A_183, %add3A_413 : i32
        %sub3A_415 = arith.constant 1 : i32
        %sub3A_416 = arith.subi %sub3A_415, %rem3A_178 : i32
        %dma_wait3A_417 = arith.constant 0 : i32
        %dma_wait3A_418 = arith.constant 0 : i32
        %dma_wait3A_419 = tpu.memref_slice %arg8[%add3A_414, %dma_wait3A_417, %dma_wait3A_418] : memref<10x100x64xf32, #tpu.memory_space<vmem>> -> memref<1x100x64xf32, #tpu.memory_space<vmem>>
        %dma_wait3A_420 = tpu.memref_squeeze %dma_wait3A_419 : memref<1x100x64xf32, #tpu.memory_space<vmem>> -> memref<100x64xf32, #tpu.memory_space<vmem>>
        %dma_wait3A_421 = arith.constant 0 : i32
        %dma_wait3A_422 = tpu.memref_slice %arg6[%add3A_412, %dma_wait3A_421] : memref<100x100xi32, #tpu.memory_space<vmem>> -> memref<1x100xi32, #tpu.memory_space<vmem>>
        %dma_wait3A_423 = tpu.memref_squeeze %dma_wait3A_422 : memref<1x100xi32, #tpu.memory_space<vmem>> -> memref<100xi32, #tpu.memory_space<vmem>>
        %dma_wait3A_424 = arith.constant 0 : i32
        %dma_wait3A_425 = arith.constant 0 : i32
        %dma_wait3A_426 = tpu.memref_slice %arg9[%dma_wait3A_424, %dma_wait3A_425] : memref<10000x64xf32, #tpu.memory_space<vmem_shared>> -> memref<10000x64xf32, #tpu.memory_space<vmem_shared>>
        %dma_wait3A_427 = tpu.memref_slice %arg12[%sub3A_416] : memref<2x!tpu.dma_semaphore, #tpu.memory_space<semaphore_mem>> -> memref<1x!tpu.dma_semaphore, #tpu.memory_space<semaphore_mem>>
        %dma_wait3A_428 = tpu.memref_squeeze %dma_wait3A_427 : memref<1x!tpu.dma_semaphore, #tpu.memory_space<semaphore_mem>> -> memref<!tpu.dma_semaphore, #tpu.memory_space<semaphore_mem>>
        tpu.wait_indirect_dma semaphore(%dma_wait3A_428 : memref<!tpu.dma_semaphore, #tpu.memory_space<semaphore_mem>>) src(%dma_wait3A_420 : memref<100x64xf32, #tpu.memory_space<vmem>>) dst(%dma_wait3A_426 : memref<10000x64xf32, #tpu.memory_space<vmem_shared>>)
        %sub3A_429 = arith.constant 1 : i32
        %sub3A_430 = arith.subi %scan3A_177, %sub3A_429 : i32
        %mul3A_431 = arith.constant 5 : i32
        %mul3A_432 = arith.muli %sub3A_430, %mul3A_431 : i32
        %add3A_433 = arith.constant 3 : i32
        %add3A_434 = arith.addi %mul3A_432, %add3A_433 : i32
        %add3A_435 = arith.constant 3 : i32
        %add3A_436 = arith.addi %mul3A_183, %add3A_435 : i32
        %sub3A_437 = arith.constant 1 : i32
        %sub3A_438 = arith.subi %sub3A_437, %rem3A_178 : i32
        %dma_wait3A_439 = arith.constant 0 : i32
        %dma_wait3A_440 = arith.constant 0 : i32
        %dma_wait3A_441 = tpu.memref_slice %arg8[%add3A_436, %dma_wait3A_439, %dma_wait3A_440] : memref<10x100x64xf32, #tpu.memory_space<vmem>> -> memref<1x100x64xf32, #tpu.memory_space<vmem>>
        %dma_wait3A_442 = tpu.memref_squeeze %dma_wait3A_441 : memref<1x100x64xf32, #tpu.memory_space<vmem>> -> memref<100x64xf32, #tpu.memory_space<vmem>>
        %dma_wait3A_443 = arith.constant 0 : i32
        %dma_wait3A_444 = tpu.memref_slice %arg6[%add3A_434, %dma_wait3A_443] : memref<100x100xi32, #tpu.memory_space<vmem>> -> memref<1x100xi32, #tpu.memory_space<vmem>>
        %dma_wait3A_445 = tpu.memref_squeeze %dma_wait3A_444 : memref<1x100xi32, #tpu.memory_space<vmem>> -> memref<100xi32, #tpu.memory_space<vmem>>
        %dma_wait3A_446 = arith.constant 0 : i32
        %dma_wait3A_447 = arith.constant 0 : i32
        %dma_wait3A_448 = tpu.memref_slice %arg9[%dma_wait3A_446, %dma_wait3A_447] : memref<10000x64xf32, #tpu.memory_space<vmem_shared>> -> memref<10000x64xf32, #tpu.memory_space<vmem_shared>>
        %dma_wait3A_449 = tpu.memref_slice %arg12[%sub3A_438] : memref<2x!tpu.dma_semaphore, #tpu.memory_space<semaphore_mem>> -> memref<1x!tpu.dma_semaphore, #tpu.memory_space<semaphore_mem>>
        %dma_wait3A_450 = tpu.memref_squeeze %dma_wait3A_449 : memref<1x!tpu.dma_semaphore, #tpu.memory_space<semaphore_mem>> -> memref<!tpu.dma_semaphore, #tpu.memory_space<semaphore_mem>>
        tpu.wait_indirect_dma semaphore(%dma_wait3A_450 : memref<!tpu.dma_semaphore, #tpu.memory_space<semaphore_mem>>) src(%dma_wait3A_442 : memref<100x64xf32, #tpu.memory_space<vmem>>) dst(%dma_wait3A_448 : memref<10000x64xf32, #tpu.memory_space<vmem_shared>>)
        %sub3A_451 = arith.constant 1 : i32
        %sub3A_452 = arith.subi %scan3A_177, %sub3A_451 : i32
        %mul3A_453 = arith.constant 5 : i32
        %mul3A_454 = arith.muli %sub3A_452, %mul3A_453 : i32
        %add3A_455 = arith.constant 4 : i32
        %add3A_456 = arith.addi %mul3A_454, %add3A_455 : i32
        %add3A_457 = arith.constant 4 : i32
        %add3A_458 = arith.addi %mul3A_183, %add3A_457 : i32
        %sub3A_459 = arith.constant 1 : i32
        %sub3A_460 = arith.subi %sub3A_459, %rem3A_178 : i32
        %dma_wait3A_461 = arith.constant 0 : i32
        %dma_wait3A_462 = arith.constant 0 : i32
        %dma_wait3A_463 = tpu.memref_slice %arg8[%add3A_458, %dma_wait3A_461, %dma_wait3A_462] : memref<10x100x64xf32, #tpu.memory_space<vmem>> -> memref<1x100x64xf32, #tpu.memory_space<vmem>>
        %dma_wait3A_464 = tpu.memref_squeeze %dma_wait3A_463 : memref<1x100x64xf32, #tpu.memory_space<vmem>> -> memref<100x64xf32, #tpu.memory_space<vmem>>
        %dma_wait3A_465 = arith.constant 0 : i32
        %dma_wait3A_466 = tpu.memref_slice %arg6[%add3A_456, %dma_wait3A_465] : memref<100x100xi32, #tpu.memory_space<vmem>> -> memref<1x100xi32, #tpu.memory_space<vmem>>
        %dma_wait3A_467 = tpu.memref_squeeze %dma_wait3A_466 : memref<1x100xi32, #tpu.memory_space<vmem>> -> memref<100xi32, #tpu.memory_space<vmem>>
        %dma_wait3A_468 = arith.constant 0 : i32
        %dma_wait3A_469 = arith.constant 0 : i32
        %dma_wait3A_470 = tpu.memref_slice %arg9[%dma_wait3A_468, %dma_wait3A_469] : memref<10000x64xf32, #tpu.memory_space<vmem_shared>> -> memref<10000x64xf32, #tpu.memory_space<vmem_shared>>
        %dma_wait3A_471 = tpu.memref_slice %arg12[%sub3A_460] : memref<2x!tpu.dma_semaphore, #tpu.memory_space<semaphore_mem>> -> memref<1x!tpu.dma_semaphore, #tpu.memory_space<semaphore_mem>>
        %dma_wait3A_472 = tpu.memref_squeeze %dma_wait3A_471 : memref<1x!tpu.dma_semaphore, #tpu.memory_space<semaphore_mem>> -> memref<!tpu.dma_semaphore, #tpu.memory_space<semaphore_mem>>
        tpu.wait_indirect_dma semaphore(%dma_wait3A_472 : memref<!tpu.dma_semaphore, #tpu.memory_space<semaphore_mem>>) src(%dma_wait3A_464 : memref<100x64xf32, #tpu.memory_space<vmem>>) dst(%dma_wait3A_470 : memref<10000x64xf32, #tpu.memory_space<vmem_shared>>)
      } else {
      }
      %lt3A_358 = arith.constant 19 : i32
      %lt3A_359 = arith.cmpi slt, %scan3A_177, %lt3A_358 : i32
      %convert_element_type3A_360 = arith.extui %lt3A_359 : i1 to i32
      %cond3A_361 = arith.constant 0 : i32
      %cond3A_362 = arith.cmpi ne, %convert_element_type3A_360, %cond3A_361 : i32
      scf.if %cond3A_362 {
        %add3A_363 = arith.constant 1 : i32
        %add3A_364 = arith.addi %scan3A_177, %add3A_363 : i32
        %mul3A_365 = arith.constant 5 : i32
        %mul3A_366 = arith.muli %add3A_364, %mul3A_365 : i32
        %add3A_367 = arith.constant 0 : i32
        %add3A_368 = arith.addi %mul3A_366, %add3A_367 : i32
        %add3A_369 = arith.constant 0 : i32
        %add3A_370 = arith.addi %mul3A_183, %add3A_369 : i32
        %dma_start3A_371 = arith.constant 0 : i32
        %dma_start3A_372 = arith.constant 0 : i32
        %dma_start3A_373 = tpu.memref_slice %arg8[%add3A_370, %dma_start3A_371, %dma_start3A_372] : memref<10x100x64xf32, #tpu.memory_space<vmem>> -> memref<1x100x64xf32, #tpu.memory_space<vmem>>
        %dma_start3A_374 = tpu.memref_squeeze %dma_start3A_373 : memref<1x100x64xf32, #tpu.memory_space<vmem>> -> memref<100x64xf32, #tpu.memory_space<vmem>>
        %dma_start3A_375 = arith.constant 0 : i32
        %dma_start3A_376 = tpu.memref_slice %arg7[%add3A_368, %dma_start3A_375] : memref<100x100xi32, #tpu.memory_space<vmem>> -> memref<1x100xi32, #tpu.memory_space<vmem>>
        %dma_start3A_377 = tpu.memref_squeeze %dma_start3A_376 : memref<1x100xi32, #tpu.memory_space<vmem>> -> memref<100xi32, #tpu.memory_space<vmem>>
        %dma_start3A_378 = arith.constant 0 : i32
        %dma_start3A_379 = arith.constant 0 : i32
        %dma_start3A_380 = tpu.memref_slice %arg2[%dma_start3A_378, %dma_start3A_379] : memref<10000x64xf32, #tpu.memory_space<hbm>> -> memref<10000x64xf32, #tpu.memory_space<hbm>>
        tpu.enqueue_indirect_dma source(%dma_start3A_380 : memref<10000x64xf32, #tpu.memory_space<hbm>>) target(%dma_start3A_374 : memref<100x64xf32, #tpu.memory_space<vmem>>) offsets(%dma_start3A_377 : memref<100xi32, #tpu.memory_space<vmem>>) semaphore(%arg11 : memref<!tpu.dma_semaphore, #tpu.memory_space<semaphore_mem>>)
        %add3A_381 = arith.constant 1 : i32
        %add3A_382 = arith.addi %scan3A_177, %add3A_381 : i32
        %mul3A_383 = arith.constant 5 : i32
        %mul3A_384 = arith.muli %add3A_382, %mul3A_383 : i32
        %add3A_385 = arith.constant 1 : i32
        %add3A_386 = arith.addi %mul3A_384, %add3A_385 : i32
        %add3A_387 = arith.constant 1 : i32
        %add3A_388 = arith.addi %mul3A_183, %add3A_387 : i32
        %dma_start3A_389 = arith.constant 0 : i32
        %dma_start3A_390 = arith.constant 0 : i32
        %dma_start3A_391 = tpu.memref_slice %arg8[%add3A_388, %dma_start3A_389, %dma_start3A_390] : memref<10x100x64xf32, #tpu.memory_space<vmem>> -> memref<1x100x64xf32, #tpu.memory_space<vmem>>
        %dma_start3A_392 = tpu.memref_squeeze %dma_start3A_391 : memref<1x100x64xf32, #tpu.memory_space<vmem>> -> memref<100x64xf32, #tpu.memory_space<vmem>>
        %dma_start3A_393 = arith.constant 0 : i32
        %dma_start3A_394 = tpu.memref_slice %arg7[%add3A_386, %dma_start3A_393] : memref<100x100xi32, #tpu.memory_space<vmem>> -> memref<1x100xi32, #tpu.memory_space<vmem>>
        %dma_start3A_395 = tpu.memref_squeeze %dma_start3A_394 : memref<1x100xi32, #tpu.memory_space<vmem>> -> memref<100xi32, #tpu.memory_space<vmem>>
        %dma_start3A_396 = arith.constant 0 : i32
        %dma_start3A_397 = arith.constant 0 : i32
        %dma_start3A_398 = tpu.memref_slice %arg2[%dma_start3A_396, %dma_start3A_397] : memref<10000x64xf32, #tpu.memory_space<hbm>> -> memref<10000x64xf32, #tpu.memory_space<hbm>>
        tpu.enqueue_indirect_dma source(%dma_start3A_398 : memref<10000x64xf32, #tpu.memory_space<hbm>>) target(%dma_start3A_392 : memref<100x64xf32, #tpu.memory_space<vmem>>) offsets(%dma_start3A_395 : memref<100xi32, #tpu.memory_space<vmem>>) semaphore(%arg11 : memref<!tpu.dma_semaphore, #tpu.memory_space<semaphore_mem>>)
        %add3A_399 = arith.constant 1 : i32
        %add3A_400 = arith.addi %scan3A_177, %add3A_399 : i32
        %mul3A_401 = arith.constant 5 : i32
        %mul3A_402 = arith.muli %add3A_400, %mul3A_401 : i32
        %add3A_403 = arith.constant 2 : i32
        %add3A_404 = arith.addi %mul3A_402, %add3A_403 : i32
        %add3A_405 = arith.constant 2 : i32
        %add3A_406 = arith.addi %mul3A_183, %add3A_405 : i32
        %dma_start3A_407 = arith.constant 0 : i32
        %dma_start3A_408 = arith.constant 0 : i32
        %dma_start3A_409 = tpu.memref_slice %arg8[%add3A_406, %dma_start3A_407, %dma_start3A_408] : memref<10x100x64xf32, #tpu.memory_space<vmem>> -> memref<1x100x64xf32, #tpu.memory_space<vmem>>
        %dma_start3A_410 = tpu.memref_squeeze %dma_start3A_409 : memref<1x100x64xf32, #tpu.memory_space<vmem>> -> memref<100x64xf32, #tpu.memory_space<vmem>>
        %dma_start3A_411 = arith.constant 0 : i32
        %dma_start3A_412 = tpu.memref_slice %arg7[%add3A_404, %dma_start3A_411] : memref<100x100xi32, #tpu.memory_space<vmem>> -> memref<1x100xi32, #tpu.memory_space<vmem>>
        %dma_start3A_413 = tpu.memref_squeeze %dma_start3A_412 : memref<1x100xi32, #tpu.memory_space<vmem>> -> memref<100xi32, #tpu.memory_space<vmem>>
        %dma_start3A_414 = arith.constant 0 : i32
        %dma_start3A_415 = arith.constant 0 : i32
        %dma_start3A_416 = tpu.memref_slice %arg2[%dma_start3A_414, %dma_start3A_415] : memref<10000x64xf32, #tpu.memory_space<hbm>> -> memref<10000x64xf32, #tpu.memory_space<hbm>>
        tpu.enqueue_indirect_dma source(%dma_start3A_416 : memref<10000x64xf32, #tpu.memory_space<hbm>>) target(%dma_start3A_410 : memref<100x64xf32, #tpu.memory_space<vmem>>) offsets(%dma_start3A_413 : memref<100xi32, #tpu.memory_space<vmem>>) semaphore(%arg11 : memref<!tpu.dma_semaphore, #tpu.memory_space<semaphore_mem>>)
        %add3A_417 = arith.constant 1 : i32
        %add3A_418 = arith.addi %scan3A_177, %add3A_417 : i32
        %mul3A_419 = arith.constant 5 : i32
        %mul3A_420 = arith.muli %add3A_418, %mul3A_419 : i32
        %add3A_421 = arith.constant 3 : i32
        %add3A_422 = arith.addi %mul3A_420, %add3A_421 : i32
        %add3A_423 = arith.constant 3 : i32
        %add3A_424 = arith.addi %mul3A_183, %add3A_423 : i32
        %dma_start3A_425 = arith.constant 0 : i32
        %dma_start3A_426 = arith.constant 0 : i32
        %dma_start3A_427 = tpu.memref_slice %arg8[%add3A_424, %dma_start3A_425, %dma_start3A_426] : memref<10x100x64xf32, #tpu.memory_space<vmem>> -> memref<1x100x64xf32, #tpu.memory_space<vmem>>
        %dma_start3A_428 = tpu.memref_squeeze %dma_start3A_427 : memref<1x100x64xf32, #tpu.memory_space<vmem>> -> memref<100x64xf32, #tpu.memory_space<vmem>>
        %dma_start3A_429 = arith.constant 0 : i32
        %dma_start3A_430 = tpu.memref_slice %arg7[%add3A_422, %dma_start3A_429] : memref<100x100xi32, #tpu.memory_space<vmem>> -> memref<1x100xi32, #tpu.memory_space<vmem>>
        %dma_start3A_431 = tpu.memref_squeeze %dma_start3A_430 : memref<1x100xi32, #tpu.memory_space<vmem>> -> memref<100xi32, #tpu.memory_space<vmem>>
        %dma_start3A_432 = arith.constant 0 : i32
        %dma_start3A_433 = arith.constant 0 : i32
        %dma_start3A_434 = tpu.memref_slice %arg2[%dma_start3A_432, %dma_start3A_433] : memref<10000x64xf32, #tpu.memory_space<hbm>> -> memref<10000x64xf32, #tpu.memory_space<hbm>>
        tpu.enqueue_indirect_dma source(%dma_start3A_434 : memref<10000x64xf32, #tpu.memory_space<hbm>>) target(%dma_start3A_428 : memref<100x64xf32, #tpu.memory_space<vmem>>) offsets(%dma_start3A_431 : memref<100xi32, #tpu.memory_space<vmem>>) semaphore(%arg11 : memref<!tpu.dma_semaphore, #tpu.memory_space<semaphore_mem>>)
        %add3A_435 = arith.constant 1 : i32
        %add3A_436 = arith.addi %scan3A_177, %add3A_435 : i32
        %mul3A_437 = arith.constant 5 : i32
        %mul3A_438 = arith.muli %add3A_436, %mul3A_437 : i32
        %add3A_439 = arith.constant 4 : i32
        %add3A_440 = arith.addi %mul3A_438, %add3A_439 : i32
        %add3A_441 = arith.constant 4 : i32
        %add3A_442 = arith.addi %mul3A_183, %add3A_441 : i32
        %dma_start3A_443 = arith.constant 0 : i32
        %dma_start3A_444 = arith.constant 0 : i32
        %dma_start3A_445 = tpu.memref_slice %arg8[%add3A_442, %dma_start3A_443, %dma_start3A_444] : memref<10x100x64xf32, #tpu.memory_space<vmem>> -> memref<1x100x64xf32, #tpu.memory_space<vmem>>
        %dma_start3A_446 = tpu.memref_squeeze %dma_start3A_445 : memref<1x100x64xf32, #tpu.memory_space<vmem>> -> memref<100x64xf32, #tpu.memory_space<vmem>>
        %dma_start3A_447 = arith.constant 0 : i32
        %dma_start3A_448 = tpu.memref_slice %arg7[%add3A_440, %dma_start3A_447] : memref<100x100xi32, #tpu.memory_space<vmem>> -> memref<1x100xi32, #tpu.memory_space<vmem>>
        %dma_start3A_449 = tpu.memref_squeeze %dma_start3A_448 : memref<1x100xi32, #tpu.memory_space<vmem>> -> memref<100xi32, #tpu.memory_space<vmem>>
        %dma_start3A_450 = arith.constant 0 : i32
        %dma_start3A_451 = arith.constant 0 : i32
        %dma_start3A_452 = tpu.memref_slice %arg2[%dma_start3A_450, %dma_start3A_451] : memref<10000x64xf32, #tpu.memory_space<hbm>> -> memref<10000x64xf32, #tpu.memory_space<hbm>>
        tpu.enqueue_indirect_dma source(%dma_start3A_452 : memref<10000x64xf32, #tpu.memory_space<hbm>>) target(%dma_start3A_446 : memref<100x64xf32, #tpu.memory_space<vmem>>) offsets(%dma_start3A_449 : memref<100xi32, #tpu.memory_space<vmem>>) semaphore(%arg11 : memref<!tpu.dma_semaphore, #tpu.memory_space<semaphore_mem>>)
      } else {
      }
    }
    %scan3A_90 = arith.constant 20 : i32
    %dma_wait3A_91 = arith.constant 5 : i32
    %dma_wait3A_92 = arith.constant 95 : i32
    %dma_wait3A_93 = arith.constant 1 : i32
    %dma_wait3A_94 = arith.constant 0 : i32
    %dma_wait3A_95 = arith.constant 0 : i32
    %dma_wait3A_96 = tpu.memref_slice %arg8[%dma_wait3A_91, %dma_wait3A_94, %dma_wait3A_95] : memref<10x100x64xf32, #tpu.memory_space<vmem>> -> memref<1x100x64xf32, #tpu.memory_space<vmem>>
    %dma_wait3A_97 = tpu.memref_squeeze %dma_wait3A_96 : memref<1x100x64xf32, #tpu.memory_space<vmem>> -> memref<100x64xf32, #tpu.memory_space<vmem>>
    %dma_wait3A_98 = arith.constant 0 : i32
    %dma_wait3A_99 = tpu.memref_slice %arg6[%dma_wait3A_92, %dma_wait3A_98] : memref<100x100xi32, #tpu.memory_space<vmem>> -> memref<1x100xi32, #tpu.memory_space<vmem>>
    %dma_wait3A_100 = tpu.memref_squeeze %dma_wait3A_99 : memref<1x100xi32, #tpu.memory_space<vmem>> -> memref<100xi32, #tpu.memory_space<vmem>>
    %dma_wait3A_101 = arith.constant 0 : i32
    %dma_wait3A_102 = arith.constant 0 : i32
    %dma_wait3A_103 = tpu.memref_slice %arg9[%dma_wait3A_101, %dma_wait3A_102] : memref<10000x64xf32, #tpu.memory_space<vmem_shared>> -> memref<10000x64xf32, #tpu.memory_space<vmem_shared>>
    %dma_wait3A_104 = tpu.memref_slice %arg12[%dma_wait3A_93] : memref<2x!tpu.dma_semaphore, #tpu.memory_space<semaphore_mem>> -> memref<1x!tpu.dma_semaphore, #tpu.memory_space<semaphore_mem>>
    %dma_wait3A_105 = tpu.memref_squeeze %dma_wait3A_104 : memref<1x!tpu.dma_semaphore, #tpu.memory_space<semaphore_mem>> -> memref<!tpu.dma_semaphore, #tpu.memory_space<semaphore_mem>>
    tpu.wait_indirect_dma semaphore(%dma_wait3A_105 : memref<!tpu.dma_semaphore, #tpu.memory_space<semaphore_mem>>) src(%dma_wait3A_97 : memref<100x64xf32, #tpu.memory_space<vmem>>) dst(%dma_wait3A_103 : memref<10000x64xf32, #tpu.memory_space<vmem_shared>>)
    %dma_wait3A_106 = arith.constant 6 : i32
    %dma_wait3A_107 = arith.constant 96 : i32
    %dma_wait3A_108 = arith.constant 1 : i32
    %dma_wait3A_109 = arith.constant 0 : i32
    %dma_wait3A_110 = arith.constant 0 : i32
    %dma_wait3A_111 = tpu.memref_slice %arg8[%dma_wait3A_106, %dma_wait3A_109, %dma_wait3A_110] : memref<10x100x64xf32, #tpu.memory_space<vmem>> -> memref<1x100x64xf32, #tpu.memory_space<vmem>>
    %dma_wait3A_112 = tpu.memref_squeeze %dma_wait3A_111 : memref<1x100x64xf32, #tpu.memory_space<vmem>> -> memref<100x64xf32, #tpu.memory_space<vmem>>
    %dma_wait3A_113 = arith.constant 0 : i32
    %dma_wait3A_114 = tpu.memref_slice %arg6[%dma_wait3A_107, %dma_wait3A_113] : memref<100x100xi32, #tpu.memory_space<vmem>> -> memref<1x100xi32, #tpu.memory_space<vmem>>
    %dma_wait3A_115 = tpu.memref_squeeze %dma_wait3A_114 : memref<1x100xi32, #tpu.memory_space<vmem>> -> memref<100xi32, #tpu.memory_space<vmem>>
    %dma_wait3A_116 = arith.constant 0 : i32
    %dma_wait3A_117 = arith.constant 0 : i32
    %dma_wait3A_118 = tpu.memref_slice %arg9[%dma_wait3A_116, %dma_wait3A_117] : memref<10000x64xf32, #tpu.memory_space<vmem_shared>> -> memref<10000x64xf32, #tpu.memory_space<vmem_shared>>
    %dma_wait3A_119 = tpu.memref_slice %arg12[%dma_wait3A_108] : memref<2x!tpu.dma_semaphore, #tpu.memory_space<semaphore_mem>> -> memref<1x!tpu.dma_semaphore, #tpu.memory_space<semaphore_mem>>
    %dma_wait3A_120 = tpu.memref_squeeze %dma_wait3A_119 : memref<1x!tpu.dma_semaphore, #tpu.memory_space<semaphore_mem>> -> memref<!tpu.dma_semaphore, #tpu.memory_space<semaphore_mem>>
    tpu.wait_indirect_dma semaphore(%dma_wait3A_120 : memref<!tpu.dma_semaphore, #tpu.memory_space<semaphore_mem>>) src(%dma_wait3A_112 : memref<100x64xf32, #tpu.memory_space<vmem>>) dst(%dma_wait3A_118 : memref<10000x64xf32, #tpu.memory_space<vmem_shared>>)
    %dma_wait3A_121 = arith.constant 7 : i32
    %dma_wait3A_122 = arith.constant 97 : i32
    %dma_wait3A_123 = arith.constant 1 : i32
    %dma_wait3A_124 = arith.constant 0 : i32
    %dma_wait3A_125 = arith.constant 0 : i32
    %dma_wait3A_126 = tpu.memref_slice %arg8[%dma_wait3A_121, %dma_wait3A_124, %dma_wait3A_125] : memref<10x100x64xf32, #tpu.memory_space<vmem>> -> memref<1x100x64xf32, #tpu.memory_space<vmem>>
    %dma_wait3A_127 = tpu.memref_squeeze %dma_wait3A_126 : memref<1x100x64xf32, #tpu.memory_space<vmem>> -> memref<100x64xf32, #tpu.memory_space<vmem>>
    %dma_wait3A_128 = arith.constant 0 : i32
    %dma_wait3A_129 = tpu.memref_slice %arg6[%dma_wait3A_122, %dma_wait3A_128] : memref<100x100xi32, #tpu.memory_space<vmem>> -> memref<1x100xi32, #tpu.memory_space<vmem>>
    %dma_wait3A_130 = tpu.memref_squeeze %dma_wait3A_129 : memref<1x100xi32, #tpu.memory_space<vmem>> -> memref<100xi32, #tpu.memory_space<vmem>>
    %dma_wait3A_131 = arith.constant 0 : i32
    %dma_wait3A_132 = arith.constant 0 : i32
    %dma_wait3A_133 = tpu.memref_slice %arg9[%dma_wait3A_131, %dma_wait3A_132] : memref<10000x64xf32, #tpu.memory_space<vmem_shared>> -> memref<10000x64xf32, #tpu.memory_space<vmem_shared>>
    %dma_wait3A_134 = tpu.memref_slice %arg12[%dma_wait3A_123] : memref<2x!tpu.dma_semaphore, #tpu.memory_space<semaphore_mem>> -> memref<1x!tpu.dma_semaphore, #tpu.memory_space<semaphore_mem>>
    %dma_wait3A_135 = tpu.memref_squeeze %dma_wait3A_134 : memref<1x!tpu.dma_semaphore, #tpu.memory_space<semaphore_mem>> -> memref<!tpu.dma_semaphore, #tpu.memory_space<semaphore_mem>>
    tpu.wait_indirect_dma semaphore(%dma_wait3A_135 : memref<!tpu.dma_semaphore, #tpu.memory_space<semaphore_mem>>) src(%dma_wait3A_127 : memref<100x64xf32, #tpu.memory_space<vmem>>) dst(%dma_wait3A_133 : memref<10000x64xf32, #tpu.memory_space<vmem_shared>>)
    %dma_wait3A_136 = arith.constant 8 : i32
    %dma_wait3A_137 = arith.constant 98 : i32
    %dma_wait3A_138 = arith.constant 1 : i32
    %dma_wait3A_139 = arith.constant 0 : i32
    %dma_wait3A_140 = arith.constant 0 : i32
    %dma_wait3A_141 = tpu.memref_slice %arg8[%dma_wait3A_136, %dma_wait3A_139, %dma_wait3A_140] : memref<10x100x64xf32, #tpu.memory_space<vmem>> -> memref<1x100x64xf32, #tpu.memory_space<vmem>>
    %dma_wait3A_142 = tpu.memref_squeeze %dma_wait3A_141 : memref<1x100x64xf32, #tpu.memory_space<vmem>> -> memref<100x64xf32, #tpu.memory_space<vmem>>
    %dma_wait3A_143 = arith.constant 0 : i32
    %dma_wait3A_144 = tpu.memref_slice %arg6[%dma_wait3A_137, %dma_wait3A_143] : memref<100x100xi32, #tpu.memory_space<vmem>> -> memref<1x100xi32, #tpu.memory_space<vmem>>
    %dma_wait3A_145 = tpu.memref_squeeze %dma_wait3A_144 : memref<1x100xi32, #tpu.memory_space<vmem>> -> memref<100xi32, #tpu.memory_space<vmem>>
    %dma_wait3A_146 = arith.constant 0 : i32
    %dma_wait3A_147 = arith.constant 0 : i32
    %dma_wait3A_148 = tpu.memref_slice %arg9[%dma_wait3A_146, %dma_wait3A_147] : memref<10000x64xf32, #tpu.memory_space<vmem_shared>> -> memref<10000x64xf32, #tpu.memory_space<vmem_shared>>
    %dma_wait3A_149 = tpu.memref_slice %arg12[%dma_wait3A_138] : memref<2x!tpu.dma_semaphore, #tpu.memory_space<semaphore_mem>> -> memref<1x!tpu.dma_semaphore, #tpu.memory_space<semaphore_mem>>
    %dma_wait3A_150 = tpu.memref_squeeze %dma_wait3A_149 : memref<1x!tpu.dma_semaphore, #tpu.memory_space<semaphore_mem>> -> memref<!tpu.dma_semaphore, #tpu.memory_space<semaphore_mem>>
    tpu.wait_indirect_dma semaphore(%dma_wait3A_150 : memref<!tpu.dma_semaphore, #tpu.memory_space<semaphore_mem>>) src(%dma_wait3A_142 : memref<100x64xf32, #tpu.memory_space<vmem>>) dst(%dma_wait3A_148 : memref<10000x64xf32, #tpu.memory_space<vmem_shared>>)
    %dma_wait3A_151 = arith.constant 9 : i32
    %dma_wait3A_152 = arith.constant 99 : i32
    %dma_wait3A_153 = arith.constant 1 : i32
    %dma_wait3A_154 = arith.constant 0 : i32
    %dma_wait3A_155 = arith.constant 0 : i32
    %dma_wait3A_156 = tpu.memref_slice %arg8[%dma_wait3A_151, %dma_wait3A_154, %dma_wait3A_155] : memref<10x100x64xf32, #tpu.memory_space<vmem>> -> memref<1x100x64xf32, #tpu.memory_space<vmem>>
    %dma_wait3A_157 = tpu.memref_squeeze %dma_wait3A_156 : memref<1x100x64xf32, #tpu.memory_space<vmem>> -> memref<100x64xf32, #tpu.memory_space<vmem>>
    %dma_wait3A_158 = arith.constant 0 : i32
    %dma_wait3A_159 = tpu.memref_slice %arg6[%dma_wait3A_152, %dma_wait3A_158] : memref<100x100xi32, #tpu.memory_space<vmem>> -> memref<1x100xi32, #tpu.memory_space<vmem>>
    %dma_wait3A_160 = tpu.memref_squeeze %dma_wait3A_159 : memref<1x100xi32, #tpu.memory_space<vmem>> -> memref<100xi32, #tpu.memory_space<vmem>>
    %dma_wait3A_161 = arith.constant 0 : i32
    %dma_wait3A_162 = arith.constant 0 : i32
    %dma_wait3A_163 = tpu.memref_slice %arg9[%dma_wait3A_161, %dma_wait3A_162] : memref<10000x64xf32, #tpu.memory_space<vmem_shared>> -> memref<10000x64xf32, #tpu.memory_space<vmem_shared>>
    %dma_wait3A_164 = tpu.memref_slice %arg12[%dma_wait3A_153] : memref<2x!tpu.dma_semaphore, #tpu.memory_space<semaphore_mem>> -> memref<1x!tpu.dma_semaphore, #tpu.memory_space<semaphore_mem>>
    %dma_wait3A_165 = tpu.memref_squeeze %dma_wait3A_164 : memref<1x!tpu.dma_semaphore, #tpu.memory_space<semaphore_mem>> -> memref<!tpu.dma_semaphore, #tpu.memory_space<semaphore_mem>>
    tpu.wait_indirect_dma semaphore(%dma_wait3A_165 : memref<!tpu.dma_semaphore, #tpu.memory_space<semaphore_mem>>) src(%dma_wait3A_157 : memref<100x64xf32, #tpu.memory_space<vmem>>) dst(%dma_wait3A_163 : memref<10000x64xf32, #tpu.memory_space<vmem_shared>>)
    %barrier3A_166 = arith.constant 0 : index
    tpu.barrier barrier_id(%barrier3A_166)
    %lt3A_167 = arith.constant 15 : i32
    %lt3A_168 = arith.cmpi slt, %arg1, %lt3A_167 : i32
    %convert_element_type3A_169 = arith.extui %lt3A_168 : i1 to i32
    %cond3A_170 = arith.constant 0 : i32
    %cond3A_171 = arith.cmpi ne, %convert_element_type3A_169, %cond3A_170 : i32
    scf.if %cond3A_171 {
      %mul3A_177 = arith.constant 632 : i32
      %mul3A_178 = arith.muli %arg1, %mul3A_177 : i32
      %mul3A_179 = arith.constant 632 : i32
      %mul3A_180 = arith.muli %arg1, %mul3A_179 : i32
      "tpu.region"() ({
        %run_scoped3A = tpu.sem_alloc : memref<!tpu.dma_semaphore, #tpu.memory_space<semaphore_mem>>
        %dma_start3A_181 = arith.constant 0 : i32
        %dma_start3A_182 = tpu.memref_slice %arg5[%arg0, %mul3A_180, %dma_start3A_181] : memref<2x10000x64xf32, #tpu.memory_space<hbm>> -> memref<1x632x64xf32, #tpu.memory_space<hbm>>
        %dma_start3A_183 = tpu.memref_squeeze %dma_start3A_182 : memref<1x632x64xf32, #tpu.memory_space<hbm>> -> memref<632x64xf32, #tpu.memory_space<hbm>>
        %dma_start3A_184 = arith.constant 0 : i32
        %dma_start3A_185 = tpu.memref_slice %arg9[%mul3A_178, %dma_start3A_184] : memref<10000x64xf32, #tpu.memory_space<vmem_shared>> -> memref<632x64xf32, #tpu.memory_space<vmem_shared>>
        tpu.enqueue_dma source(%dma_start3A_185 : memref<632x64xf32, #tpu.memory_space<vmem_shared>>) target(%dma_start3A_183 : memref<632x64xf32, #tpu.memory_space<hbm>>) target_semaphore(%run_scoped3A : memref<!tpu.dma_semaphore, #tpu.memory_space<semaphore_mem>>)
        %dma_wait3A_186 = arith.constant 0 : i32
        %dma_wait3A_187 = tpu.memref_slice %arg5[%arg0, %mul3A_180, %dma_wait3A_186] : memref<2x10000x64xf32, #tpu.memory_space<hbm>> -> memref<1x632x64xf32, #tpu.memory_space<hbm>>
        %dma_wait3A_188 = tpu.memref_squeeze %dma_wait3A_187 : memref<1x632x64xf32, #tpu.memory_space<hbm>> -> memref<632x64xf32, #tpu.memory_space<hbm>>
        %dma_wait3A_189 = arith.constant 0 : i32
        %dma_wait3A_190 = tpu.memref_slice %arg9[%mul3A_178, %dma_wait3A_189] : memref<10000x64xf32, #tpu.memory_space<vmem_shared>> -> memref<632x64xf32, #tpu.memory_space<vmem_shared>>
        tpu.wait_dma2 semaphore(%run_scoped3A : memref<!tpu.dma_semaphore, #tpu.memory_space<semaphore_mem>>) src(%dma_wait3A_190 : memref<632x64xf32, #tpu.memory_space<vmem_shared>>) dst(%dma_wait3A_188 : memref<632x64xf32, #tpu.memory_space<hbm>>)
        tpu.yield
      }) : () -> ()
    } else {
    }
    %eq3A_172 = arith.constant 15 : i32
    %eq3A_173 = arith.cmpi eq, %arg1, %eq3A_172 : i32
    %convert_element_type3A_174 = arith.extui %eq3A_173 : i1 to i32
    %cond3A_175 = arith.constant 0 : i32
    %cond3A_176 = arith.cmpi ne, %convert_element_type3A_174, %cond3A_175 : i32
    scf.if %cond3A_176 {
      "tpu.region"() ({
        %run_scoped3A = tpu.sem_alloc : memref<!tpu.dma_semaphore, #tpu.memory_space<semaphore_mem>>
        %dma_start3A_177 = arith.constant 9480 : i32
        %dma_start3A_178 = arith.constant 0 : i32
        %dma_start3A_179 = tpu.memref_slice %arg5[%arg0, %dma_start3A_177, %dma_start3A_178] : memref<2x10000x64xf32, #tpu.memory_space<hbm>> -> memref<1x520x64xf32, #tpu.memory_space<hbm>>
        %dma_start3A_180 = tpu.memref_squeeze %dma_start3A_179 : memref<1x520x64xf32, #tpu.memory_space<hbm>> -> memref<520x64xf32, #tpu.memory_space<hbm>>
        %dma_start3A_181 = arith.constant 9480 : i32
        %dma_start3A_182 = arith.constant 0 : i32
        %dma_start3A_183 = tpu.memref_slice %arg9[%dma_start3A_181, %dma_start3A_182] : memref<10000x64xf32, #tpu.memory_space<vmem_shared>> -> memref<520x64xf32, #tpu.memory_space<vmem_shared>>
        tpu.enqueue_dma source(%dma_start3A_183 : memref<520x64xf32, #tpu.memory_space<vmem_shared>>) target(%dma_start3A_180 : memref<520x64xf32, #tpu.memory_space<hbm>>) target_semaphore(%run_scoped3A : memref<!tpu.dma_semaphore, #tpu.memory_space<semaphore_mem>>)
        %dma_wait3A_184 = arith.constant 9480 : i32
        %dma_wait3A_185 = arith.constant 0 : i32
        %dma_wait3A_186 = tpu.memref_slice %arg5[%arg0, %dma_wait3A_184, %dma_wait3A_185] : memref<2x10000x64xf32, #tpu.memory_space<hbm>> -> memref<1x520x64xf32, #tpu.memory_space<hbm>>
        %dma_wait3A_187 = tpu.memref_squeeze %dma_wait3A_186 : memref<1x520x64xf32, #tpu.memory_space<hbm>> -> memref<520x64xf32, #tpu.memory_space<hbm>>
        %dma_wait3A_188 = arith.constant 9480 : i32
        %dma_wait3A_189 = arith.constant 0 : i32
        %dma_wait3A_190 = tpu.memref_slice %arg9[%dma_wait3A_188, %dma_wait3A_189] : memref<10000x64xf32, #tpu.memory_space<vmem_shared>> -> memref<520x64xf32, #tpu.memory_space<vmem_shared>>
        tpu.wait_dma2 semaphore(%run_scoped3A : memref<!tpu.dma_semaphore, #tpu.memory_space<semaphore_mem>>) src(%dma_wait3A_190 : memref<520x64xf32, #tpu.memory_space<vmem_shared>>) dst(%dma_wait3A_187 : memref<520x64xf32, #tpu.memory_space<hbm>>)
        tpu.yield
      }) : () -> ()
    } else {
    }
    return
  }
}

#map = affine_map<(d0, d1) -> (0, 0)>
#map1 = affine_map<(d0, d1) -> (0)>
module attributes {stable_mosaic.version = 14 : i64} {
  func.func @_deg_kernel(%arg0: i32, %arg1: i32, %arg2: memref<2x320000xi32, #tpu.memory_space<hbm>>, %arg3: memref<10000xi32, #tpu.memory_space<hbm>>, %arg4: memref<2x330000xi32, #tpu.memory_space<hbm>>, %arg5: memref<32x10000xf32, #tpu.memory_space<hbm>>, %arg6: memref<660000xi32, #tpu.memory_space<hbm>>, %arg7: memref<660000xi32, #tpu.memory_space<hbm>>, %arg8: memref<10000xi32, #tpu.memory_space<vmem>>, %arg9: memref<10000xi32, #tpu.memory_space<vmem>>, %arg10: memref<632xi32, #tpu.memory_space<vmem>>, %arg11: memref<10328xi32, #tpu.memory_space<vmem>>, %arg12: memref<10328xi32, #tpu.memory_space<vmem>>, %arg13: memref<10000xf32, #tpu.memory_space<vmem>>, %arg14: memref<!tpu.dma_semaphore, #tpu.memory_space<semaphore_mem>>) attributes {dimension_semantics = [#tpu.dimension_semantics<core_parallel>, #tpu.dimension_semantics<subcore_parallel>], iteration_bounds = array<i64: 2, 16>, scalar_prefetch = 0 : i64, scratch_operands = 7 : i64, tpu.core_type = #tpu.core_type<sc_vector_subcore>, window_params = [{transform_indices = #map}, {transform_indices = #map1}, {transform_indices = #map}, {transform_indices = #map}, {transform_indices = #map1}, {transform_indices = #map1}]} {
    %mul3A = arith.constant 2 : i32
    %mul3A_0 = arith.muli %arg1, %mul3A : i32
    %add3A = arith.addi %mul3A_0, %arg0 : i32
    %mul3A_1 = arith.constant 10000 : i32
    %mul3A_2 = arith.muli %add3A, %mul3A_1 : i32
    %dma_start3A = arith.constant 0 : i32
    %dma_start3A_3 = tpu.memref_slice %arg2[%dma_start3A, %mul3A_2] : memref<2x320000xi32, #tpu.memory_space<hbm>> -> memref<1x10000xi32, #tpu.memory_space<hbm>>
    %dma_start3A_4 = tpu.memref_squeeze %dma_start3A_3 : memref<1x10000xi32, #tpu.memory_space<hbm>> -> memref<10000xi32, #tpu.memory_space<hbm>>
    %dma_start3A_5 = tpu.memref_slice %arg2[%dma_start3A, %mul3A_2] : memref<2x320000xi32, #tpu.memory_space<hbm>> -> memref<1x10000xi32, #tpu.memory_space<hbm>>
    %dma_start3A_6 = tpu.memref_squeeze %dma_start3A_5 : memref<1x10000xi32, #tpu.memory_space<hbm>> -> memref<10000xi32, #tpu.memory_space<hbm>>
    tpu.enqueue_dma source(%dma_start3A_6 : memref<10000xi32, #tpu.memory_space<hbm>>) target(%arg8 : memref<10000xi32, #tpu.memory_space<vmem>>) target_semaphore(%arg14 : memref<!tpu.dma_semaphore, #tpu.memory_space<semaphore_mem>>)
    %mul3A_7 = arith.constant 10000 : i32
    %mul3A_8 = arith.muli %add3A, %mul3A_7 : i32
    %dma_start3A_9 = arith.constant 1 : i32
    %dma_start3A_10 = tpu.memref_slice %arg2[%dma_start3A_9, %mul3A_8] : memref<2x320000xi32, #tpu.memory_space<hbm>> -> memref<1x10000xi32, #tpu.memory_space<hbm>>
    %dma_start3A_11 = tpu.memref_squeeze %dma_start3A_10 : memref<1x10000xi32, #tpu.memory_space<hbm>> -> memref<10000xi32, #tpu.memory_space<hbm>>
    %dma_start3A_12 = tpu.memref_slice %arg2[%dma_start3A_9, %mul3A_8] : memref<2x320000xi32, #tpu.memory_space<hbm>> -> memref<1x10000xi32, #tpu.memory_space<hbm>>
    %dma_start3A_13 = tpu.memref_squeeze %dma_start3A_12 : memref<1x10000xi32, #tpu.memory_space<hbm>> -> memref<10000xi32, #tpu.memory_space<hbm>>
    tpu.enqueue_dma source(%dma_start3A_13 : memref<10000xi32, #tpu.memory_space<hbm>>) target(%arg9 : memref<10000xi32, #tpu.memory_space<vmem>>) target_semaphore(%arg14 : memref<!tpu.dma_semaphore, #tpu.memory_space<semaphore_mem>>)
    %eq3A = arith.constant 0 : i32
    %eq3A_14 = arith.cmpi eq, %arg0, %eq3A : i32
    %lt3A = arith.constant 15 : i32
    %lt3A_15 = arith.cmpi slt, %arg1, %lt3A : i32
    %and3A = arith.andi %eq3A_14, %lt3A_15 : i1
    %convert_element_type3A = arith.extui %and3A : i1 to i32
    %cond3A = arith.constant 0 : i32
    %cond3A_16 = arith.cmpi ne, %convert_element_type3A, %cond3A : i32
    scf.if %cond3A_16 {
      %mul3A_86 = arith.constant 632 : i32
      %mul3A_87 = arith.muli %arg1, %mul3A_86 : i32
      %dma_start3A_88 = tpu.memref_slice %arg3[%mul3A_87] : memref<10000xi32, #tpu.memory_space<hbm>> -> memref<632xi32, #tpu.memory_space<hbm>>
      %dma_start3A_89 = tpu.memref_slice %arg3[%mul3A_87] : memref<10000xi32, #tpu.memory_space<hbm>> -> memref<632xi32, #tpu.memory_space<hbm>>
      tpu.enqueue_dma source(%dma_start3A_89 : memref<632xi32, #tpu.memory_space<hbm>>) target(%arg10 : memref<632xi32, #tpu.memory_space<vmem>>) target_semaphore(%arg14 : memref<!tpu.dma_semaphore, #tpu.memory_space<semaphore_mem>>)
    } else {
    }
    %eq3A_17 = arith.constant 0 : i32
    %eq3A_18 = arith.cmpi eq, %arg0, %eq3A_17 : i32
    %eq3A_19 = arith.constant 15 : i32
    %eq3A_20 = arith.cmpi eq, %arg1, %eq3A_19 : i32
    %and3A_21 = arith.andi %eq3A_18, %eq3A_20 : i1
    %convert_element_type3A_22 = arith.extui %and3A_21 : i1 to i32
    %cond3A_23 = arith.constant 0 : i32
    %cond3A_24 = arith.cmpi ne, %convert_element_type3A_22, %cond3A_23 : i32
    scf.if %cond3A_24 {
      %dma_start3A_86 = arith.constant 0 : i32
      %dma_start3A_87 = tpu.memref_slice %arg10[%dma_start3A_86] : memref<632xi32, #tpu.memory_space<vmem>> -> memref<520xi32, #tpu.memory_space<vmem>>
      %dma_start3A_88 = arith.constant 9480 : i32
      %dma_start3A_89 = tpu.memref_slice %arg3[%dma_start3A_88] : memref<10000xi32, #tpu.memory_space<hbm>> -> memref<520xi32, #tpu.memory_space<hbm>>
      %dma_start3A_90 = arith.constant 0 : i32
      %dma_start3A_91 = tpu.memref_slice %arg10[%dma_start3A_90] : memref<632xi32, #tpu.memory_space<vmem>> -> memref<520xi32, #tpu.memory_space<vmem>>
      %dma_start3A_92 = arith.constant 9480 : i32
      %dma_start3A_93 = tpu.memref_slice %arg3[%dma_start3A_92] : memref<10000xi32, #tpu.memory_space<hbm>> -> memref<520xi32, #tpu.memory_space<hbm>>
      tpu.enqueue_dma source(%dma_start3A_93 : memref<520xi32, #tpu.memory_space<hbm>>) target(%dma_start3A_91 : memref<520xi32, #tpu.memory_space<vmem>>) target_semaphore(%arg14 : memref<!tpu.dma_semaphore, #tpu.memory_space<semaphore_mem>>)
    } else {
    }
    %lt3A_25 = arith.constant 31 : i32
    %lt3A_26 = arith.cmpi slt, %add3A, %lt3A_25 : i32
    %convert_element_type3A_27 = arith.extui %lt3A_26 : i1 to i32
    %cond3A_28 = arith.constant 0 : i32
    %cond3A_29 = arith.cmpi ne, %convert_element_type3A_27, %cond3A_28 : i32
    scf.if %cond3A_29 {
      %mul3A_86 = arith.constant 10312 : i32
      %mul3A_87 = arith.muli %add3A, %mul3A_86 : i32
      %dma_start3A_88 = arith.constant 0 : i32
      %dma_start3A_89 = arith.constant 0 : i32
      %dma_start3A_90 = tpu.memref_slice %arg11[%dma_start3A_89] : memref<10328xi32, #tpu.memory_space<vmem>> -> memref<10312xi32, #tpu.memory_space<vmem>>
      %dma_start3A_91 = tpu.memref_slice %arg4[%dma_start3A_88, %mul3A_87] : memref<2x330000xi32, #tpu.memory_space<hbm>> -> memref<1x10312xi32, #tpu.memory_space<hbm>>
      %dma_start3A_92 = tpu.memref_squeeze %dma_start3A_91 : memref<1x10312xi32, #tpu.memory_space<hbm>> -> memref<10312xi32, #tpu.memory_space<hbm>>
      %dma_start3A_93 = arith.constant 0 : i32
      %dma_start3A_94 = tpu.memref_slice %arg11[%dma_start3A_93] : memref<10328xi32, #tpu.memory_space<vmem>> -> memref<10312xi32, #tpu.memory_space<vmem>>
      %dma_start3A_95 = tpu.memref_slice %arg4[%dma_start3A_88, %mul3A_87] : memref<2x330000xi32, #tpu.memory_space<hbm>> -> memref<1x10312xi32, #tpu.memory_space<hbm>>
      %dma_start3A_96 = tpu.memref_squeeze %dma_start3A_95 : memref<1x10312xi32, #tpu.memory_space<hbm>> -> memref<10312xi32, #tpu.memory_space<hbm>>
      tpu.enqueue_dma source(%dma_start3A_96 : memref<10312xi32, #tpu.memory_space<hbm>>) target(%dma_start3A_94 : memref<10312xi32, #tpu.memory_space<vmem>>) target_semaphore(%arg14 : memref<!tpu.dma_semaphore, #tpu.memory_space<semaphore_mem>>)
      %mul3A_97 = arith.constant 10312 : i32
      %mul3A_98 = arith.muli %add3A, %mul3A_97 : i32
      %dma_start3A_99 = arith.constant 1 : i32
      %dma_start3A_100 = arith.constant 0 : i32
      %dma_start3A_101 = tpu.memref_slice %arg12[%dma_start3A_100] : memref<10328xi32, #tpu.memory_space<vmem>> -> memref<10312xi32, #tpu.memory_space<vmem>>
      %dma_start3A_102 = tpu.memref_slice %arg4[%dma_start3A_99, %mul3A_98] : memref<2x330000xi32, #tpu.memory_space<hbm>> -> memref<1x10312xi32, #tpu.memory_space<hbm>>
      %dma_start3A_103 = tpu.memref_squeeze %dma_start3A_102 : memref<1x10312xi32, #tpu.memory_space<hbm>> -> memref<10312xi32, #tpu.memory_space<hbm>>
      %dma_start3A_104 = arith.constant 0 : i32
      %dma_start3A_105 = tpu.memref_slice %arg12[%dma_start3A_104] : memref<10328xi32, #tpu.memory_space<vmem>> -> memref<10312xi32, #tpu.memory_space<vmem>>
      %dma_start3A_106 = tpu.memref_slice %arg4[%dma_start3A_99, %mul3A_98] : memref<2x330000xi32, #tpu.memory_space<hbm>> -> memref<1x10312xi32, #tpu.memory_space<hbm>>
      %dma_start3A_107 = tpu.memref_squeeze %dma_start3A_106 : memref<1x10312xi32, #tpu.memory_space<hbm>> -> memref<10312xi32, #tpu.memory_space<hbm>>
      tpu.enqueue_dma source(%dma_start3A_107 : memref<10312xi32, #tpu.memory_space<hbm>>) target(%dma_start3A_105 : memref<10312xi32, #tpu.memory_space<vmem>>) target_semaphore(%arg14 : memref<!tpu.dma_semaphore, #tpu.memory_space<semaphore_mem>>)
    } else {
    }
    %eq3A_30 = arith.constant 31 : i32
    %eq3A_31 = arith.cmpi eq, %add3A, %eq3A_30 : i32
    %convert_element_type3A_32 = arith.extui %eq3A_31 : i1 to i32
    %cond3A_33 = arith.constant 0 : i32
    %cond3A_34 = arith.cmpi ne, %convert_element_type3A_32, %cond3A_33 : i32
    scf.if %cond3A_34 {
      %dma_start3A_86 = arith.constant 0 : i32
      %dma_start3A_87 = arith.constant 319672 : i32
      %dma_start3A_88 = tpu.memref_slice %arg4[%dma_start3A_86, %dma_start3A_87] : memref<2x330000xi32, #tpu.memory_space<hbm>> -> memref<1x10328xi32, #tpu.memory_space<hbm>>
      %dma_start3A_89 = tpu.memref_squeeze %dma_start3A_88 : memref<1x10328xi32, #tpu.memory_space<hbm>> -> memref<10328xi32, #tpu.memory_space<hbm>>
      %dma_start3A_90 = arith.constant 319672 : i32
      %dma_start3A_91 = tpu.memref_slice %arg4[%dma_start3A_86, %dma_start3A_90] : memref<2x330000xi32, #tpu.memory_space<hbm>> -> memref<1x10328xi32, #tpu.memory_space<hbm>>
      %dma_start3A_92 = tpu.memref_squeeze %dma_start3A_91 : memref<1x10328xi32, #tpu.memory_space<hbm>> -> memref<10328xi32, #tpu.memory_space<hbm>>
      tpu.enqueue_dma source(%dma_start3A_92 : memref<10328xi32, #tpu.memory_space<hbm>>) target(%arg11 : memref<10328xi32, #tpu.memory_space<vmem>>) target_semaphore(%arg14 : memref<!tpu.dma_semaphore, #tpu.memory_space<semaphore_mem>>)
      %dma_start3A_93 = arith.constant 1 : i32
      %dma_start3A_94 = arith.constant 319672 : i32
      %dma_start3A_95 = tpu.memref_slice %arg4[%dma_start3A_93, %dma_start3A_94] : memref<2x330000xi32, #tpu.memory_space<hbm>> -> memref<1x10328xi32, #tpu.memory_space<hbm>>
      %dma_start3A_96 = tpu.memref_squeeze %dma_start3A_95 : memref<1x10328xi32, #tpu.memory_space<hbm>> -> memref<10328xi32, #tpu.memory_space<hbm>>
      %dma_start3A_97 = arith.constant 319672 : i32
      %dma_start3A_98 = tpu.memref_slice %arg4[%dma_start3A_93, %dma_start3A_97] : memref<2x330000xi32, #tpu.memory_space<hbm>> -> memref<1x10328xi32, #tpu.memory_space<hbm>>
      %dma_start3A_99 = tpu.memref_squeeze %dma_start3A_98 : memref<1x10328xi32, #tpu.memory_space<hbm>> -> memref<10328xi32, #tpu.memory_space<hbm>>
      tpu.enqueue_dma source(%dma_start3A_99 : memref<10328xi32, #tpu.memory_space<hbm>>) target(%arg12 : memref<10328xi32, #tpu.memory_space<vmem>>) target_semaphore(%arg14 : memref<!tpu.dma_semaphore, #tpu.memory_space<semaphore_mem>>)
    } else {
    }
    %broadcast_in_dim3A = arith.constant 0.000000e+00 : f32
    %broadcast_in_dim3A_35 = vector.broadcast %broadcast_in_dim3A : f32 to vector<16xf32>
    %broadcast_in_dim3A_36 = arith.constant 1.000000e+00 : f32
    %broadcast_in_dim3A_37 = vector.broadcast %broadcast_in_dim3A_36 : f32 to vector<16xf32>
    %scan3A = arith.constant 0 : i32
    %scan3A_38 = arith.constant 625 : i32
    %scan3A_39 = arith.addi %scan3A, %scan3A_38 : i32
    %scan3A_40 = arith.constant 1 : i32
    scf.for %scan3A_86 = %scan3A to %scan3A_39 step %scan3A_40  : i32 {
      %mul3A_87 = arith.constant 16 : i32
      %mul3A_88 = arith.muli %scan3A_86, %mul3A_87 : i32
      %swap3A = arith.index_cast %mul3A_88 : i32 to index
      %swap3A_89 = tpu.vector_load %arg13[%swap3A] {strides = array<i32>} : memref<10000xf32, #tpu.memory_space<vmem>>, vector<16xf32>,
      tpu.vector_store %arg13[%swap3A], %broadcast_in_dim3A_35 {strides = array<i32>} : memref<10000xf32, #tpu.memory_space<vmem>>, vector<16xf32>,
    }
    %scan3A_41 = arith.constant 625 : i32
    %dma_wait3A = arith.constant 0 : i32
    %dma_wait3A_42 = tpu.memref_slice %arg2[%dma_wait3A, %mul3A_2] : memref<2x320000xi32, #tpu.memory_space<hbm>> -> memref<1x10000xi32, #tpu.memory_space<hbm>>
    %dma_wait3A_43 = tpu.memref_squeeze %dma_wait3A_42 : memref<1x10000xi32, #tpu.memory_space<hbm>> -> memref<10000xi32, #tpu.memory_space<hbm>>
    %dma_wait3A_44 = tpu.memref_slice %arg2[%dma_wait3A, %mul3A_2] : memref<2x320000xi32, #tpu.memory_space<hbm>> -> memref<1x10000xi32, #tpu.memory_space<hbm>>
    %dma_wait3A_45 = tpu.memref_squeeze %dma_wait3A_44 : memref<1x10000xi32, #tpu.memory_space<hbm>> -> memref<10000xi32, #tpu.memory_space<hbm>>
    tpu.wait_dma2 semaphore(%arg14 : memref<!tpu.dma_semaphore, #tpu.memory_space<semaphore_mem>>) src(%dma_wait3A_45 : memref<10000xi32, #tpu.memory_space<hbm>>) dst(%arg8 : memref<10000xi32, #tpu.memory_space<vmem>>)
    %scan3A_46 = arith.constant 0 : i32
    %scan3A_47 = arith.constant 625 : i32
    %scan3A_48 = arith.addi %scan3A_46, %scan3A_47 : i32
    %scan3A_49 = arith.constant 1 : i32
    scf.for %scan3A_86 = %scan3A_46 to %scan3A_48 step %scan3A_49  : i32 {
      %mul3A_87 = arith.constant 16 : i32
      %mul3A_88 = arith.muli %scan3A_86, %mul3A_87 : i32
      %get3A = arith.index_cast %mul3A_88 : i32 to index
      %get3A_89 = tpu.vector_load %arg8[%get3A] {strides = array<i32>} : memref<10000xi32, #tpu.memory_space<vmem>>, vector<16xi32>,
      tpu.vector_store_idx %arg13[%get3A_89], %broadcast_in_dim3A_37 {add = true} : memref<10000xf32, #tpu.memory_space<vmem>>[vector<16xi32>], vector<16xf32>,
    }
    %scan3A_50 = arith.constant 625 : i32
    "tpu.region"() ({
      %run_scoped3A = tpu.sem_alloc : memref<!tpu.dma_semaphore, #tpu.memory_space<semaphore_mem>>
      %dma_start3A_86 = arith.constant 0 : i32
      %dma_start3A_87 = tpu.memref_slice %arg5[%add3A, %dma_start3A_86] : memref<32x10000xf32, #tpu.memory_space<hbm>> -> memref<1x10000xf32, #tpu.memory_space<hbm>>
      %dma_start3A_88 = tpu.memref_squeeze %dma_start3A_87 : memref<1x10000xf32, #tpu.memory_space<hbm>> -> memref<10000xf32, #tpu.memory_space<hbm>>
      %dma_start3A_89 = arith.constant 0 : i32
      %dma_start3A_90 = tpu.memref_slice %arg5[%add3A, %dma_start3A_89] : memref<32x10000xf32, #tpu.memory_space<hbm>> -> memref<1x10000xf32, #tpu.memory_space<hbm>>
      %dma_start3A_91 = tpu.memref_squeeze %dma_start3A_90 : memref<1x10000xf32, #tpu.memory_space<hbm>> -> memref<10000xf32, #tpu.memory_space<hbm>>
      tpu.enqueue_dma source(%arg13 : memref<10000xf32, #tpu.memory_space<vmem>>) target(%dma_start3A_91 : memref<10000xf32, #tpu.memory_space<hbm>>) target_semaphore(%run_scoped3A : memref<!tpu.dma_semaphore, #tpu.memory_space<semaphore_mem>>)
      %dma_wait3A_92 = arith.constant 0 : i32
      %dma_wait3A_93 = tpu.memref_slice %arg5[%add3A, %dma_wait3A_92] : memref<32x10000xf32, #tpu.memory_space<hbm>> -> memref<1x10000xf32, #tpu.memory_space<hbm>>
      %dma_wait3A_94 = tpu.memref_squeeze %dma_wait3A_93 : memref<1x10000xf32, #tpu.memory_space<hbm>> -> memref<10000xf32, #tpu.memory_space<hbm>>
      %dma_wait3A_95 = arith.constant 0 : i32
      %dma_wait3A_96 = tpu.memref_slice %arg5[%add3A, %dma_wait3A_95] : memref<32x10000xf32, #tpu.memory_space<hbm>> -> memref<1x10000xf32, #tpu.memory_space<hbm>>
      %dma_wait3A_97 = tpu.memref_squeeze %dma_wait3A_96 : memref<1x10000xf32, #tpu.memory_space<hbm>> -> memref<10000xf32, #tpu.memory_space<hbm>>
      tpu.wait_dma2 semaphore(%run_scoped3A : memref<!tpu.dma_semaphore, #tpu.memory_space<semaphore_mem>>) src(%arg13 : memref<10000xf32, #tpu.memory_space<vmem>>) dst(%dma_wait3A_97 : memref<10000xf32, #tpu.memory_space<hbm>>)
      tpu.yield
    }) : () -> ()
    %dma_wait3A_51 = arith.constant 1 : i32
    %dma_wait3A_52 = tpu.memref_slice %arg2[%dma_wait3A_51, %mul3A_8] : memref<2x320000xi32, #tpu.memory_space<hbm>> -> memref<1x10000xi32, #tpu.memory_space<hbm>>
    %dma_wait3A_53 = tpu.memref_squeeze %dma_wait3A_52 : memref<1x10000xi32, #tpu.memory_space<hbm>> -> memref<10000xi32, #tpu.memory_space<hbm>>
    %dma_wait3A_54 = tpu.memref_slice %arg2[%dma_wait3A_51, %mul3A_8] : memref<2x320000xi32, #tpu.memory_space<hbm>> -> memref<1x10000xi32, #tpu.memory_space<hbm>>
    %dma_wait3A_55 = tpu.memref_squeeze %dma_wait3A_54 : memref<1x10000xi32, #tpu.memory_space<hbm>> -> memref<10000xi32, #tpu.memory_space<hbm>>
    tpu.wait_dma2 semaphore(%arg14 : memref<!tpu.dma_semaphore, #tpu.memory_space<semaphore_mem>>) src(%dma_wait3A_55 : memref<10000xi32, #tpu.memory_space<hbm>>) dst(%arg9 : memref<10000xi32, #tpu.memory_space<vmem>>)
    %mul3A_56 = arith.constant 10000 : i32
    %mul3A_57 = arith.muli %add3A, %mul3A_56 : i32
    "tpu.region"() ({
      %run_scoped3A = tpu.sem_alloc : memref<!tpu.dma_semaphore, #tpu.memory_space<semaphore_mem>>
      %dma_start3A_86 = tpu.memref_slice %arg6[%mul3A_57] : memref<660000xi32, #tpu.memory_space<hbm>> -> memref<10000xi32, #tpu.memory_space<hbm>>
      %dma_start3A_87 = tpu.memref_slice %arg6[%mul3A_57] : memref<660000xi32, #tpu.memory_space<hbm>> -> memref<10000xi32, #tpu.memory_space<hbm>>
      tpu.enqueue_dma source(%arg8 : memref<10000xi32, #tpu.memory_space<vmem>>) target(%dma_start3A_87 : memref<10000xi32, #tpu.memory_space<hbm>>) target_semaphore(%run_scoped3A : memref<!tpu.dma_semaphore, #tpu.memory_space<semaphore_mem>>)
      %dma_wait3A_88 = tpu.memref_slice %arg6[%mul3A_57] : memref<660000xi32, #tpu.memory_space<hbm>> -> memref<10000xi32, #tpu.memory_space<hbm>>
      %dma_wait3A_89 = tpu.memref_slice %arg6[%mul3A_57] : memref<660000xi32, #tpu.memory_space<hbm>> -> memref<10000xi32, #tpu.memory_space<hbm>>
      tpu.wait_dma2 semaphore(%run_scoped3A : memref<!tpu.dma_semaphore, #tpu.memory_space<semaphore_mem>>) src(%arg8 : memref<10000xi32, #tpu.memory_space<vmem>>) dst(%dma_wait3A_89 : memref<10000xi32, #tpu.memory_space<hbm>>)
      tpu.yield
    }) : () -> ()
    %mul3A_58 = arith.constant 10000 : i32
    %mul3A_59 = arith.muli %add3A, %mul3A_58 : i32
    "tpu.region"() ({
      %run_scoped3A = tpu.sem_alloc : memref<!tpu.dma_semaphore, #tpu.memory_space<semaphore_mem>>
      %dma_start3A_86 = tpu.memref_slice %arg7[%mul3A_59] : memref<660000xi32, #tpu.memory_space<hbm>> -> memref<10000xi32, #tpu.memory_space<hbm>>
      %dma_start3A_87 = tpu.memref_slice %arg7[%mul3A_59] : memref<660000xi32, #tpu.memory_space<hbm>> -> memref<10000xi32, #tpu.memory_space<hbm>>
      tpu.enqueue_dma source(%arg9 : memref<10000xi32, #tpu.memory_space<vmem>>) target(%dma_start3A_87 : memref<10000xi32, #tpu.memory_space<hbm>>) target_semaphore(%run_scoped3A : memref<!tpu.dma_semaphore, #tpu.memory_space<semaphore_mem>>)
      %dma_wait3A_88 = tpu.memref_slice %arg7[%mul3A_59] : memref<660000xi32, #tpu.memory_space<hbm>> -> memref<10000xi32, #tpu.memory_space<hbm>>
      %dma_wait3A_89 = tpu.memref_slice %arg7[%mul3A_59] : memref<660000xi32, #tpu.memory_space<hbm>> -> memref<10000xi32, #tpu.memory_space<hbm>>
      tpu.wait_dma2 semaphore(%run_scoped3A : memref<!tpu.dma_semaphore, #tpu.memory_space<semaphore_mem>>) src(%arg9 : memref<10000xi32, #tpu.memory_space<vmem>>) dst(%dma_wait3A_89 : memref<10000xi32, #tpu.memory_space<hbm>>)
      tpu.yield
    }) : () -> ()
    %eq3A_60 = arith.constant 0 : i32
    %eq3A_61 = arith.cmpi eq, %arg0, %eq3A_60 : i32
    %lt3A_62 = arith.constant 15 : i32
    %lt3A_63 = arith.cmpi slt, %arg1, %lt3A_62 : i32
    %and3A_64 = arith.andi %eq3A_61, %lt3A_63 : i1
    %convert_element_type3A_65 = arith.extui %and3A_64 : i1 to i32
    %cond3A_66 = arith.constant 0 : i32
    %cond3A_67 = arith.cmpi ne, %convert_element_type3A_65, %cond3A_66 : i32
    scf.if %cond3A_67 {
      %mul3A_86 = arith.constant 632 : i32
      %mul3A_87 = arith.muli %arg1, %mul3A_86 : i32
      %dma_wait3A_88 = tpu.memref_slice %arg3[%mul3A_87] : memref<10000xi32, #tpu.memory_space<hbm>> -> memref<632xi32, #tpu.memory_space<hbm>>
      %dma_wait3A_89 = tpu.memref_slice %arg3[%mul3A_87] : memref<10000xi32, #tpu.memory_space<hbm>> -> memref<632xi32, #tpu.memory_space<hbm>>
      tpu.wait_dma2 semaphore(%arg14 : memref<!tpu.dma_semaphore, #tpu.memory_space<semaphore_mem>>) src(%dma_wait3A_89 : memref<632xi32, #tpu.memory_space<hbm>>) dst(%arg10 : memref<632xi32, #tpu.memory_space<vmem>>)
      %mul3A_90 = arith.constant 632 : i32
      %mul3A_91 = arith.muli %arg1, %mul3A_90 : i32
      %add3A_92 = arith.constant 320000 : i32
      %add3A_93 = arith.addi %add3A_92, %mul3A_91 : i32
      "tpu.region"() ({
        %run_scoped3A = tpu.sem_alloc : memref<!tpu.dma_semaphore, #tpu.memory_space<semaphore_mem>>
        %dma_start3A_98 = tpu.memref_slice %arg6[%add3A_93] : memref<660000xi32, #tpu.memory_space<hbm>> -> memref<632xi32, #tpu.memory_space<hbm>>
        %dma_start3A_99 = tpu.memref_slice %arg6[%add3A_93] : memref<660000xi32, #tpu.memory_space<hbm>> -> memref<632xi32, #tpu.memory_space<hbm>>
        tpu.enqueue_dma source(%arg10 : memref<632xi32, #tpu.memory_space<vmem>>) target(%dma_start3A_99 : memref<632xi32, #tpu.memory_space<hbm>>) target_semaphore(%run_scoped3A : memref<!tpu.dma_semaphore, #tpu.memory_space<semaphore_mem>>)
        %dma_wait3A_100 = tpu.memref_slice %arg6[%add3A_93] : memref<660000xi32, #tpu.memory_space<hbm>> -> memref<632xi32, #tpu.memory_space<hbm>>
        %dma_wait3A_101 = tpu.memref_slice %arg6[%add3A_93] : memref<660000xi32, #tpu.memory_space<hbm>> -> memref<632xi32, #tpu.memory_space<hbm>>
        tpu.wait_dma2 semaphore(%run_scoped3A : memref<!tpu.dma_semaphore, #tpu.memory_space<semaphore_mem>>) src(%arg10 : memref<632xi32, #tpu.memory_space<vmem>>) dst(%dma_wait3A_101 : memref<632xi32, #tpu.memory_space<hbm>>)
        tpu.yield
      }) : () -> ()
      %mul3A_94 = arith.constant 632 : i32
      %mul3A_95 = arith.muli %arg1, %mul3A_94 : i32
      %add3A_96 = arith.constant 320000 : i32
      %add3A_97 = arith.addi %add3A_96, %mul3A_95 : i32
      "tpu.region"() ({
        %run_scoped3A = tpu.sem_alloc : memref<!tpu.dma_semaphore, #tpu.memory_space<semaphore_mem>>
        %dma_start3A_98 = tpu.memref_slice %arg7[%add3A_97] : memref<660000xi32, #tpu.memory_space<hbm>> -> memref<632xi32, #tpu.memory_space<hbm>>
        %dma_start3A_99 = tpu.memref_slice %arg7[%add3A_97] : memref<660000xi32, #tpu.memory_space<hbm>> -> memref<632xi32, #tpu.memory_space<hbm>>
        tpu.enqueue_dma source(%arg10 : memref<632xi32, #tpu.memory_space<vmem>>) target(%dma_start3A_99 : memref<632xi32, #tpu.memory_space<hbm>>) target_semaphore(%run_scoped3A : memref<!tpu.dma_semaphore, #tpu.memory_space<semaphore_mem>>)
        %dma_wait3A_100 = tpu.memref_slice %arg7[%add3A_97] : memref<660000xi32, #tpu.memory_space<hbm>> -> memref<632xi32, #tpu.memory_space<hbm>>
        %dma_wait3A_101 = tpu.memref_slice %arg7[%add3A_97] : memref<660000xi32, #tpu.memory_space<hbm>> -> memref<632xi32, #tpu.memory_space<hbm>>
        tpu.wait_dma2 semaphore(%run_scoped3A : memref<!tpu.dma_semaphore, #tpu.memory_space<semaphore_mem>>) src(%arg10 : memref<632xi32, #tpu.memory_space<vmem>>) dst(%dma_wait3A_101 : memref<632xi32, #tpu.memory_space<hbm>>)
        tpu.yield
      }) : () -> ()
    } else {
    }
    %eq3A_68 = arith.constant 0 : i32
    %eq3A_69 = arith.cmpi eq, %arg0, %eq3A_68 : i32
    %eq3A_70 = arith.constant 15 : i32
    %eq3A_71 = arith.cmpi eq, %arg1, %eq3A_70 : i32
    %and3A_72 = arith.andi %eq3A_69, %eq3A_71 : i1
    %convert_element_type3A_73 = arith.extui %and3A_72 : i1 to i32
    %cond3A_74 = arith.constant 0 : i32
    %cond3A_75 = arith.cmpi ne, %convert_element_type3A_73, %cond3A_74 : i32
    scf.if %cond3A_75 {
      %dma_wait3A_86 = arith.constant 0 : i32
      %dma_wait3A_87 = tpu.memref_slice %arg10[%dma_wait3A_86] : memref<632xi32, #tpu.memory_space<vmem>> -> memref<520xi32, #tpu.memory_space<vmem>>
      %dma_wait3A_88 = arith.constant 9480 : i32
      %dma_wait3A_89 = tpu.memref_slice %arg3[%dma_wait3A_88] : memref<10000xi32, #tpu.memory_space<hbm>> -> memref<520xi32, #tpu.memory_space<hbm>>
      %dma_wait3A_90 = arith.constant 0 : i32
      %dma_wait3A_91 = tpu.memref_slice %arg10[%dma_wait3A_90] : memref<632xi32, #tpu.memory_space<vmem>> -> memref<520xi32, #tpu.memory_space<vmem>>
      %dma_wait3A_92 = arith.constant 9480 : i32
      %dma_wait3A_93 = tpu.memref_slice %arg3[%dma_wait3A_92] : memref<10000xi32, #tpu.memory_space<hbm>> -> memref<520xi32, #tpu.memory_space<hbm>>
      tpu.wait_dma2 semaphore(%arg14 : memref<!tpu.dma_semaphore, #tpu.memory_space<semaphore_mem>>) src(%dma_wait3A_93 : memref<520xi32, #tpu.memory_space<hbm>>) dst(%dma_wait3A_91 : memref<520xi32, #tpu.memory_space<vmem>>)
      "tpu.region"() ({
        %run_scoped3A = tpu.sem_alloc : memref<!tpu.dma_semaphore, #tpu.memory_space<semaphore_mem>>
        %dma_start3A_94 = arith.constant 0 : i32
        %dma_start3A_95 = tpu.memref_slice %arg10[%dma_start3A_94] : memref<632xi32, #tpu.memory_space<vmem>> -> memref<520xi32, #tpu.memory_space<vmem>>
        %dma_start3A_96 = arith.constant 329480 : i32
        %dma_start3A_97 = tpu.memref_slice %arg6[%dma_start3A_96] : memref<660000xi32, #tpu.memory_space<hbm>> -> memref<520xi32, #tpu.memory_space<hbm>>
        %dma_start3A_98 = arith.constant 329480 : i32
        %dma_start3A_99 = tpu.memref_slice %arg6[%dma_start3A_98] : memref<660000xi32, #tpu.memory_space<hbm>> -> memref<520xi32, #tpu.memory_space<hbm>>
        %dma_start3A_100 = arith.constant 0 : i32
        %dma_start3A_101 = tpu.memref_slice %arg10[%dma_start3A_100] : memref<632xi32, #tpu.memory_space<vmem>> -> memref<520xi32, #tpu.memory_space<vmem>>
        tpu.enqueue_dma source(%dma_start3A_101 : memref<520xi32, #tpu.memory_space<vmem>>) target(%dma_start3A_99 : memref<520xi32, #tpu.memory_space<hbm>>) target_semaphore(%run_scoped3A : memref<!tpu.dma_semaphore, #tpu.memory_space<semaphore_mem>>)
        %dma_wait3A_102 = arith.constant 0 : i32
        %dma_wait3A_103 = tpu.memref_slice %arg10[%dma_wait3A_102] : memref<632xi32, #tpu.memory_space<vmem>> -> memref<520xi32, #tpu.memory_space<vmem>>
        %dma_wait3A_104 = arith.constant 329480 : i32
        %dma_wait3A_105 = tpu.memref_slice %arg6[%dma_wait3A_104] : memref<660000xi32, #tpu.memory_space<hbm>> -> memref<520xi32, #tpu.memory_space<hbm>>
        %dma_wait3A_106 = arith.constant 329480 : i32
        %dma_wait3A_107 = tpu.memref_slice %arg6[%dma_wait3A_106] : memref<660000xi32, #tpu.memory_space<hbm>> -> memref<520xi32, #tpu.memory_space<hbm>>
        %dma_wait3A_108 = arith.constant 0 : i32
        %dma_wait3A_109 = tpu.memref_slice %arg10[%dma_wait3A_108] : memref<632xi32, #tpu.memory_space<vmem>> -> memref<520xi32, #tpu.memory_space<vmem>>
        tpu.wait_dma2 semaphore(%run_scoped3A : memref<!tpu.dma_semaphore, #tpu.memory_space<semaphore_mem>>) src(%dma_wait3A_109 : memref<520xi32, #tpu.memory_space<vmem>>) dst(%dma_wait3A_107 : memref<520xi32, #tpu.memory_space<hbm>>)
        tpu.yield
      }) : () -> ()
      "tpu.region"() ({
        %run_scoped3A = tpu.sem_alloc : memref<!tpu.dma_semaphore, #tpu.memory_space<semaphore_mem>>
        %dma_start3A_94 = arith.constant 0 : i32
        %dma_start3A_95 = tpu.memref_slice %arg10[%dma_start3A_94] : memref<632xi32, #tpu.memory_space<vmem>> -> memref<520xi32, #tpu.memory_space<vmem>>
        %dma_start3A_96 = arith.constant 329480 : i32
        %dma_start3A_97 = tpu.memref_slice %arg7[%dma_start3A_96] : memref<660000xi32, #tpu.memory_space<hbm>> -> memref<520xi32, #tpu.memory_space<hbm>>
        %dma_start3A_98 = arith.constant 329480 : i32
        %dma_start3A_99 = tpu.memref_slice %arg7[%dma_start3A_98] : memref<660000xi32, #tpu.memory_space<hbm>> -> memref<520xi32, #tpu.memory_space<hbm>>
        %dma_start3A_100 = arith.constant 0 : i32
        %dma_start3A_101 = tpu.memref_slice %arg10[%dma_start3A_100] : memref<632xi32, #tpu.memory_space<vmem>> -> memref<520xi32, #tpu.memory_space<vmem>>
        tpu.enqueue_dma source(%dma_start3A_101 : memref<520xi32, #tpu.memory_space<vmem>>) target(%dma_start3A_99 : memref<520xi32, #tpu.memory_space<hbm>>) target_semaphore(%run_scoped3A : memref<!tpu.dma_semaphore, #tpu.memory_space<semaphore_mem>>)
        %dma_wait3A_102 = arith.constant 0 : i32
        %dma_wait3A_103 = tpu.memref_slice %arg10[%dma_wait3A_102] : memref<632xi32, #tpu.memory_space<vmem>> -> memref<520xi32, #tpu.memory_space<vmem>>
        %dma_wait3A_104 = arith.constant 329480 : i32
        %dma_wait3A_105 = tpu.memref_slice %arg7[%dma_wait3A_104] : memref<660000xi32, #tpu.memory_space<hbm>> -> memref<520xi32, #tpu.memory_space<hbm>>
        %dma_wait3A_106 = arith.constant 329480 : i32
        %dma_wait3A_107 = tpu.memref_slice %arg7[%dma_wait3A_106] : memref<660000xi32, #tpu.memory_space<hbm>> -> memref<520xi32, #tpu.memory_space<hbm>>
        %dma_wait3A_108 = arith.constant 0 : i32
        %dma_wait3A_109 = tpu.memref_slice %arg10[%dma_wait3A_108] : memref<632xi32, #tpu.memory_space<vmem>> -> memref<520xi32, #tpu.memory_space<vmem>>
        tpu.wait_dma2 semaphore(%run_scoped3A : memref<!tpu.dma_semaphore, #tpu.memory_space<semaphore_mem>>) src(%dma_wait3A_109 : memref<520xi32, #tpu.memory_space<vmem>>) dst(%dma_wait3A_107 : memref<520xi32, #tpu.memory_space<hbm>>)
        tpu.yield
      }) : () -> ()
    } else {
    }
    %lt3A_76 = arith.constant 31 : i32
    %lt3A_77 = arith.cmpi slt, %add3A, %lt3A_76 : i32
    %convert_element_type3A_78 = arith.extui %lt3A_77 : i1 to i32
    %cond3A_79 = arith.constant 0 : i32
    %cond3A_80 = arith.cmpi ne, %convert_element_type3A_78, %cond3A_79 : i32
    scf.if %cond3A_80 {
      %mul3A_86 = arith.constant 10312 : i32
      %mul3A_87 = arith.muli %add3A, %mul3A_86 : i32
      %dma_wait3A_88 = arith.constant 0 : i32
      %dma_wait3A_89 = arith.constant 0 : i32
      %dma_wait3A_90 = tpu.memref_slice %arg11[%dma_wait3A_89] : memref<10328xi32, #tpu.memory_space<vmem>> -> memref<10312xi32, #tpu.memory_space<vmem>>
      %dma_wait3A_91 = tpu.memref_slice %arg4[%dma_wait3A_88, %mul3A_87] : memref<2x330000xi32, #tpu.memory_space<hbm>> -> memref<1x10312xi32, #tpu.memory_space<hbm>>
      %dma_wait3A_92 = tpu.memref_squeeze %dma_wait3A_91 : memref<1x10312xi32, #tpu.memory_space<hbm>> -> memref<10312xi32, #tpu.memory_space<hbm>>
      %dma_wait3A_93 = arith.constant 0 : i32
      %dma_wait3A_94 = tpu.memref_slice %arg11[%dma_wait3A_93] : memref<10328xi32, #tpu.memory_space<vmem>> -> memref<10312xi32, #tpu.memory_space<vmem>>
      %dma_wait3A_95 = tpu.memref_slice %arg4[%dma_wait3A_88, %mul3A_87] : memref<2x330000xi32, #tpu.memory_space<hbm>> -> memref<1x10312xi32, #tpu.memory_space<hbm>>
      %dma_wait3A_96 = tpu.memref_squeeze %dma_wait3A_95 : memref<1x10312xi32, #tpu.memory_space<hbm>> -> memref<10312xi32, #tpu.memory_space<hbm>>
      tpu.wait_dma2 semaphore(%arg14 : memref<!tpu.dma_semaphore, #tpu.memory_space<semaphore_mem>>) src(%dma_wait3A_96 : memref<10312xi32, #tpu.memory_space<hbm>>) dst(%dma_wait3A_94 : memref<10312xi32, #tpu.memory_space<vmem>>)
      %mul3A_97 = arith.constant 10312 : i32
      %mul3A_98 = arith.muli %add3A, %mul3A_97 : i32
      %dma_wait3A_99 = arith.constant 1 : i32
      %dma_wait3A_100 = arith.constant 0 : i32
      %dma_wait3A_101 = tpu.memref_slice %arg12[%dma_wait3A_100] : memref<10328xi32, #tpu.memory_space<vmem>> -> memref<10312xi32, #tpu.memory_space<vmem>>
      %dma_wait3A_102 = tpu.memref_slice %arg4[%dma_wait3A_99, %mul3A_98] : memref<2x330000xi32, #tpu.memory_space<hbm>> -> memref<1x10312xi32, #tpu.memory_space<hbm>>
      %dma_wait3A_103 = tpu.memref_squeeze %dma_wait3A_102 : memref<1x10312xi32, #tpu.memory_space<hbm>> -> memref<10312xi32, #tpu.memory_space<hbm>>
      %dma_wait3A_104 = arith.constant 0 : i32
      %dma_wait3A_105 = tpu.memref_slice %arg12[%dma_wait3A_104] : memref<10328xi32, #tpu.memory_space<vmem>> -> memref<10312xi32, #tpu.memory_space<vmem>>
      %dma_wait3A_106 = tpu.memref_slice %arg4[%dma_wait3A_99, %mul3A_98] : memref<2x330000xi32, #tpu.memory_space<hbm>> -> memref<1x10312xi32, #tpu.memory_space<hbm>>
      %dma_wait3A_107 = tpu.memref_squeeze %dma_wait3A_106 : memref<1x10312xi32, #tpu.memory_space<hbm>> -> memref<10312xi32, #tpu.memory_space<hbm>>
      tpu.wait_dma2 semaphore(%arg14 : memref<!tpu.dma_semaphore, #tpu.memory_space<semaphore_mem>>) src(%dma_wait3A_107 : memref<10312xi32, #tpu.memory_space<hbm>>) dst(%dma_wait3A_105 : memref<10312xi32, #tpu.memory_space<vmem>>)
      %mul3A_108 = arith.constant 10312 : i32
      %mul3A_109 = arith.muli %add3A, %mul3A_108 : i32
      %add3A_110 = arith.constant 330000 : i32
      %add3A_111 = arith.addi %add3A_110, %mul3A_109 : i32
      "tpu.region"() ({
        %run_scoped3A = tpu.sem_alloc : memref<!tpu.dma_semaphore, #tpu.memory_space<semaphore_mem>>
        %dma_start3A_116 = arith.constant 0 : i32
        %dma_start3A_117 = tpu.memref_slice %arg11[%dma_start3A_116] : memref<10328xi32, #tpu.memory_space<vmem>> -> memref<10312xi32, #tpu.memory_space<vmem>>
        %dma_start3A_118 = tpu.memref_slice %arg6[%add3A_111] : memref<660000xi32, #tpu.memory_space<hbm>> -> memref<10312xi32, #tpu.memory_space<hbm>>
        %dma_start3A_119 = tpu.memref_slice %arg6[%add3A_111] : memref<660000xi32, #tpu.memory_space<hbm>> -> memref<10312xi32, #tpu.memory_space<hbm>>
        %dma_start3A_120 = arith.constant 0 : i32
        %dma_start3A_121 = tpu.memref_slice %arg11[%dma_start3A_120] : memref<10328xi32, #tpu.memory_space<vmem>> -> memref<10312xi32, #tpu.memory_space<vmem>>
        tpu.enqueue_dma source(%dma_start3A_121 : memref<10312xi32, #tpu.memory_space<vmem>>) target(%dma_start3A_119 : memref<10312xi32, #tpu.memory_space<hbm>>) target_semaphore(%run_scoped3A : memref<!tpu.dma_semaphore, #tpu.memory_space<semaphore_mem>>)
        %dma_wait3A_122 = arith.constant 0 : i32
        %dma_wait3A_123 = tpu.memref_slice %arg11[%dma_wait3A_122] : memref<10328xi32, #tpu.memory_space<vmem>> -> memref<10312xi32, #tpu.memory_space<vmem>>
        %dma_wait3A_124 = tpu.memref_slice %arg6[%add3A_111] : memref<660000xi32, #tpu.memory_space<hbm>> -> memref<10312xi32, #tpu.memory_space<hbm>>
        %dma_wait3A_125 = tpu.memref_slice %arg6[%add3A_111] : memref<660000xi32, #tpu.memory_space<hbm>> -> memref<10312xi32, #tpu.memory_space<hbm>>
        %dma_wait3A_126 = arith.constant 0 : i32
        %dma_wait3A_127 = tpu.memref_slice %arg11[%dma_wait3A_126] : memref<10328xi32, #tpu.memory_space<vmem>> -> memref<10312xi32, #tpu.memory_space<vmem>>
        tpu.wait_dma2 semaphore(%run_scoped3A : memref<!tpu.dma_semaphore, #tpu.memory_space<semaphore_mem>>) src(%dma_wait3A_127 : memref<10312xi32, #tpu.memory_space<vmem>>) dst(%dma_wait3A_125 : memref<10312xi32, #tpu.memory_space<hbm>>)
        tpu.yield
      }) : () -> ()
      %mul3A_112 = arith.constant 10312 : i32
      %mul3A_113 = arith.muli %add3A, %mul3A_112 : i32
      %add3A_114 = arith.constant 330000 : i32
      %add3A_115 = arith.addi %add3A_114, %mul3A_113 : i32
      "tpu.region"() ({
        %run_scoped3A = tpu.sem_alloc : memref<!tpu.dma_semaphore, #tpu.memory_space<semaphore_mem>>
        %dma_start3A_116 = arith.constant 0 : i32
        %dma_start3A_117 = tpu.memref_slice %arg12[%dma_start3A_116] : memref<10328xi32, #tpu.memory_space<vmem>> -> memref<10312xi32, #tpu.memory_space<vmem>>
        %dma_start3A_118 = tpu.memref_slice %arg7[%add3A_115] : memref<660000xi32, #tpu.memory_space<hbm>> -> memref<10312xi32, #tpu.memory_space<hbm>>
        %dma_start3A_119 = tpu.memref_slice %arg7[%add3A_115] : memref<660000xi32, #tpu.memory_space<hbm>> -> memref<10312xi32, #tpu.memory_space<hbm>>
        %dma_start3A_120 = arith.constant 0 : i32
        %dma_start3A_121 = tpu.memref_slice %arg12[%dma_start3A_120] : memref<10328xi32, #tpu.memory_space<vmem>> -> memref<10312xi32, #tpu.memory_space<vmem>>
        tpu.enqueue_dma source(%dma_start3A_121 : memref<10312xi32, #tpu.memory_space<vmem>>) target(%dma_start3A_119 : memref<10312xi32, #tpu.memory_space<hbm>>) target_semaphore(%run_scoped3A : memref<!tpu.dma_semaphore, #tpu.memory_space<semaphore_mem>>)
        %dma_wait3A_122 = arith.constant 0 : i32
        %dma_wait3A_123 = tpu.memref_slice %arg12[%dma_wait3A_122] : memref<10328xi32, #tpu.memory_space<vmem>> -> memref<10312xi32, #tpu.memory_space<vmem>>
        %dma_wait3A_124 = tpu.memref_slice %arg7[%add3A_115] : memref<660000xi32, #tpu.memory_space<hbm>> -> memref<10312xi32, #tpu.memory_space<hbm>>
        %dma_wait3A_125 = tpu.memref_slice %arg7[%add3A_115] : memref<660000xi32, #tpu.memory_space<hbm>> -> memref<10312xi32, #tpu.memory_space<hbm>>
        %dma_wait3A_126 = arith.constant 0 : i32
        %dma_wait3A_127 = tpu.memref_slice %arg12[%dma_wait3A_126] : memref<10328xi32, #tpu.memory_space<vmem>> -> memref<10312xi32, #tpu.memory_space<vmem>>
        tpu.wait_dma2 semaphore(%run_scoped3A : memref<!tpu.dma_semaphore, #tpu.memory_space<semaphore_mem>>) src(%dma_wait3A_127 : memref<10312xi32, #tpu.memory_space<vmem>>) dst(%dma_wait3A_125 : memref<10312xi32, #tpu.memory_space<hbm>>)
        tpu.yield
      }) : () -> ()
    } else {
    }
    %eq3A_81 = arith.constant 31 : i32
    %eq3A_82 = arith.cmpi eq, %add3A, %eq3A_81 : i32
    %convert_element_type3A_83 = arith.extui %eq3A_82 : i1 to i32
    %cond3A_84 = arith.constant 0 : i32
    %cond3A_85 = arith.cmpi ne, %convert_element_type3A_83, %cond3A_84 : i32
    scf.if %cond3A_85 {
      %dma_wait3A_86 = arith.constant 0 : i32
      %dma_wait3A_87 = arith.constant 319672 : i32
      %dma_wait3A_88 = tpu.memref_slice %arg4[%dma_wait3A_86, %dma_wait3A_87] : memref<2x330000xi32, #tpu.memory_space<hbm>> -> memref<1x10328xi32, #tpu.memory_space<hbm>>
      %dma_wait3A_89 = tpu.memref_squeeze %dma_wait3A_88 : memref<1x10328xi32, #tpu.memory_space<hbm>> -> memref<10328xi32, #tpu.memory_space<hbm>>
      %dma_wait3A_90 = arith.constant 319672 : i32
      %dma_wait3A_91 = tpu.memref_slice %arg4[%dma_wait3A_86, %dma_wait3A_90] : memref<2x330000xi32, #tpu.memory_space<hbm>> -> memref<1x10328xi32, #tpu.memory_space<hbm>>
      %dma_wait3A_92 = tpu.memref_squeeze %dma_wait3A_91 : memref<1x10328xi32, #tpu.memory_space<hbm>> -> memref<10328xi32, #tpu.memory_space<hbm>>
      tpu.wait_dma2 semaphore(%arg14 : memref<!tpu.dma_semaphore, #tpu.memory_space<semaphore_mem>>) src(%dma_wait3A_92 : memref<10328xi32, #tpu.memory_space<hbm>>) dst(%arg11 : memref<10328xi32, #tpu.memory_space<vmem>>)
      %dma_wait3A_93 = arith.constant 1 : i32
      %dma_wait3A_94 = arith.constant 319672 : i32
      %dma_wait3A_95 = tpu.memref_slice %arg4[%dma_wait3A_93, %dma_wait3A_94] : memref<2x330000xi32, #tpu.memory_space<hbm>> -> memref<1x10328xi32, #tpu.memory_space<hbm>>
      %dma_wait3A_96 = tpu.memref_squeeze %dma_wait3A_95 : memref<1x10328xi32, #tpu.memory_space<hbm>> -> memref<10328xi32, #tpu.memory_space<hbm>>
      %dma_wait3A_97 = arith.constant 319672 : i32
      %dma_wait3A_98 = tpu.memref_slice %arg4[%dma_wait3A_93, %dma_wait3A_97] : memref<2x330000xi32, #tpu.memory_space<hbm>> -> memref<1x10328xi32, #tpu.memory_space<hbm>>
      %dma_wait3A_99 = tpu.memref_squeeze %dma_wait3A_98 : memref<1x10328xi32, #tpu.memory_space<hbm>> -> memref<10328xi32, #tpu.memory_space<hbm>>
      tpu.wait_dma2 semaphore(%arg14 : memref<!tpu.dma_semaphore, #tpu.memory_space<semaphore_mem>>) src(%dma_wait3A_99 : memref<10328xi32, #tpu.memory_space<hbm>>) dst(%arg12 : memref<10328xi32, #tpu.memory_space<vmem>>)
      "tpu.region"() ({
        %run_scoped3A = tpu.sem_alloc : memref<!tpu.dma_semaphore, #tpu.memory_space<semaphore_mem>>
        %dma_start3A_100 = arith.constant 649672 : i32
        %dma_start3A_101 = tpu.memref_slice %arg6[%dma_start3A_100] : memref<660000xi32, #tpu.memory_space<hbm>> -> memref<10328xi32, #tpu.memory_space<hbm>>
        %dma_start3A_102 = arith.constant 649672 : i32
        %dma_start3A_103 = tpu.memref_slice %arg6[%dma_start3A_102] : memref<660000xi32, #tpu.memory_space<hbm>> -> memref<10328xi32, #tpu.memory_space<hbm>>
        tpu.enqueue_dma source(%arg11 : memref<10328xi32, #tpu.memory_space<vmem>>) target(%dma_start3A_103 : memref<10328xi32, #tpu.memory_space<hbm>>) target_semaphore(%run_scoped3A : memref<!tpu.dma_semaphore, #tpu.memory_space<semaphore_mem>>)
        %dma_wait3A_104 = arith.constant 649672 : i32
        %dma_wait3A_105 = tpu.memref_slice %arg6[%dma_wait3A_104] : memref<660000xi32, #tpu.memory_space<hbm>> -> memref<10328xi32, #tpu.memory_space<hbm>>
        %dma_wait3A_106 = arith.constant 649672 : i32
        %dma_wait3A_107 = tpu.memref_slice %arg6[%dma_wait3A_106] : memref<660000xi32, #tpu.memory_space<hbm>> -> memref<10328xi32, #tpu.memory_space<hbm>>
        tpu.wait_dma2 semaphore(%run_scoped3A : memref<!tpu.dma_semaphore, #tpu.memory_space<semaphore_mem>>) src(%arg11 : memref<10328xi32, #tpu.memory_space<vmem>>) dst(%dma_wait3A_107 : memref<10328xi32, #tpu.memory_space<hbm>>)
        tpu.yield
      }) : () -> ()
      "tpu.region"() ({
        %run_scoped3A = tpu.sem_alloc : memref<!tpu.dma_semaphore, #tpu.memory_space<semaphore_mem>>
        %dma_start3A_100 = arith.constant 649672 : i32
        %dma_start3A_101 = tpu.memref_slice %arg7[%dma_start3A_100] : memref<660000xi32, #tpu.memory_space<hbm>> -> memref<10328xi32, #tpu.memory_space<hbm>>
        %dma_start3A_102 = arith.constant 649672 : i32
        %dma_start3A_103 = tpu.memref_slice %arg7[%dma_start3A_102] : memref<660000xi32, #tpu.memory_space<hbm>> -> memref<10328xi32, #tpu.memory_space<hbm>>
        tpu.enqueue_dma source(%arg12 : memref<10328xi32, #tpu.memory_space<vmem>>) target(%dma_start3A_103 : memref<10328xi32, #tpu.memory_space<hbm>>) target_semaphore(%run_scoped3A : memref<!tpu.dma_semaphore, #tpu.memory_space<semaphore_mem>>)
        %dma_wait3A_104 = arith.constant 649672 : i32
        %dma_wait3A_105 = tpu.memref_slice %arg7[%dma_wait3A_104] : memref<660000xi32, #tpu.memory_space<hbm>> -> memref<10328xi32, #tpu.memory_space<hbm>>
        %dma_wait3A_106 = arith.constant 649672 : i32
        %dma_wait3A_107 = tpu.memref_slice %arg7[%dma_wait3A_106] : memref<660000xi32, #tpu.memory_space<hbm>> -> memref<10328xi32, #tpu.memory_space<hbm>>
        tpu.wait_dma2 semaphore(%run_scoped3A : memref<!tpu.dma_semaphore, #tpu.memory_space<semaphore_mem>>) src(%arg12 : memref<10328xi32, #tpu.memory_space<vmem>>) dst(%dma_wait3A_107 : memref<10328xi32, #tpu.memory_space<hbm>>)
        tpu.yield
      }) : () -> ()
    } else {
    }
    return
  }
}

#map = affine_map<(d0, d1) -> (0, 0)>
#map1 = affine_map<(d0, d1) -> (0, 0, 0)>
module attributes {stable_mosaic.version = 14 : i64} {
  func.func @_spmm_kernel(%arg0: i32, %arg1: i32, %arg2: memref<10000x64xf32, #tpu.memory_space<hbm>>, %arg3: memref<6400x100xi32, #tpu.memory_space<hbm>>, %arg4: memref<632x64xf32, #tpu.memory_space<hbm>>, %arg5: memref<2x10000x64xf32, #tpu.memory_space<hbm>>, %arg6: memref<100x100xi32, #tpu.memory_space<vmem>>, %arg7: memref<100x100xi32, #tpu.memory_space<vmem>>, %arg8: memref<10x100x64xf32, #tpu.memory_space<vmem>>, %arg9: memref<10000x64xf32, #tpu.memory_space<vmem_shared>>, %arg10: memref<!tpu.dma_semaphore, #tpu.memory_space<semaphore_mem>>, %arg11: memref<!tpu.dma_semaphore, #tpu.memory_space<semaphore_mem>>, %arg12: memref<2x!tpu.dma_semaphore, #tpu.memory_space<semaphore_mem>>) attributes {dimension_semantics = [#tpu.dimension_semantics<core_parallel>, #tpu.dimension_semantics<subcore_parallel>], iteration_bounds = array<i64: 2, 16>, scalar_prefetch = 0 : i64, scratch_operands = 7 : i64, tpu.core_type = #tpu.core_type<sc_vector_subcore>, window_params = [{transform_indices = #map}, {transform_indices = #map}, {transform_indices = #map}, {transform_indices = #map1}]} {
    %mul3A = arith.constant 2 : i32
    %mul3A_0 = arith.muli %arg1, %mul3A : i32
    %add3A = arith.addi %mul3A_0, %arg0 : i32
    %mul3A_1 = arith.constant 100 : i32
    %mul3A_2 = arith.muli %add3A, %mul3A_1 : i32
    %dma_start3A = arith.constant 0 : i32
    %dma_start3A_3 = tpu.memref_slice %arg3[%mul3A_2, %dma_start3A] : memref<6400x100xi32, #tpu.memory_space<hbm>> -> memref<100x100xi32, #tpu.memory_space<hbm>>
    %dma_start3A_4 = arith.constant 0 : i32
    %dma_start3A_5 = tpu.memref_slice %arg3[%mul3A_2, %dma_start3A_4] : memref<6400x100xi32, #tpu.memory_space<hbm>> -> memref<100x100xi32, #tpu.memory_space<hbm>>
    tpu.enqueue_dma source(%dma_start3A_5 : memref<100x100xi32, #tpu.memory_space<hbm>>) target(%arg6 : memref<100x100xi32, #tpu.memory_space<vmem>>) target_semaphore(%arg10 : memref<!tpu.dma_semaphore, #tpu.memory_space<semaphore_mem>>)
    %mul3A_6 = arith.constant 100 : i32
    %mul3A_7 = arith.muli %add3A, %mul3A_6 : i32
    %add3A_8 = arith.constant 3200 : i32
    %add3A_9 = arith.addi %add3A_8, %mul3A_7 : i32
    %dma_start3A_10 = arith.constant 0 : i32
    %dma_start3A_11 = tpu.memref_slice %arg3[%add3A_9, %dma_start3A_10] : memref<6400x100xi32, #tpu.memory_space<hbm>> -> memref<100x100xi32, #tpu.memory_space<hbm>>
    %dma_start3A_12 = arith.constant 0 : i32
    %dma_start3A_13 = tpu.memref_slice %arg3[%add3A_9, %dma_start3A_12] : memref<6400x100xi32, #tpu.memory_space<hbm>> -> memref<100x100xi32, #tpu.memory_space<hbm>>
    tpu.enqueue_dma source(%dma_start3A_13 : memref<100x100xi32, #tpu.memory_space<hbm>>) target(%arg7 : memref<100x100xi32, #tpu.memory_space<vmem>>) target_semaphore(%arg10 : memref<!tpu.dma_semaphore, #tpu.memory_space<semaphore_mem>>)
    %lt3A = arith.constant 15 : i32
    %lt3A_14 = arith.cmpi slt, %arg1, %lt3A : i32
    %convert_element_type3A = arith.extui %lt3A_14 : i1 to i32
    %cond3A = arith.constant 0 : i32
    %cond3A_15 = arith.cmpi ne, %convert_element_type3A, %cond3A : i32
    scf.if %cond3A_15 {
      %mul3A_177 = arith.constant 632 : i32
      %mul3A_178 = arith.muli %arg1, %mul3A_177 : i32
      "tpu.region"() ({
        %run_scoped3A = tpu.sem_alloc : memref<!tpu.dma_semaphore, #tpu.memory_space<semaphore_mem>>
        %dma_start3A_179 = arith.constant 0 : i32
        %dma_start3A_180 = tpu.memref_slice %arg9[%mul3A_178, %dma_start3A_179] : memref<10000x64xf32, #tpu.memory_space<vmem_shared>> -> memref<632x64xf32, #tpu.memory_space<vmem_shared>>
        tpu.enqueue_dma source(%arg4 : memref<632x64xf32, #tpu.memory_space<hbm>>) target(%dma_start3A_180 : memref<632x64xf32, #tpu.memory_space<vmem_shared>>) target_semaphore(%run_scoped3A : memref<!tpu.dma_semaphore, #tpu.memory_space<semaphore_mem>>)
        %dma_wait3A_181 = arith.constant 0 : i32
        %dma_wait3A_182 = tpu.memref_slice %arg9[%mul3A_178, %dma_wait3A_181] : memref<10000x64xf32, #tpu.memory_space<vmem_shared>> -> memref<632x64xf32, #tpu.memory_space<vmem_shared>>
        tpu.wait_dma2 semaphore(%run_scoped3A : memref<!tpu.dma_semaphore, #tpu.memory_space<semaphore_mem>>) src(%arg4 : memref<632x64xf32, #tpu.memory_space<hbm>>) dst(%dma_wait3A_182 : memref<632x64xf32, #tpu.memory_space<vmem_shared>>)
        tpu.yield
      }) : () -> ()
    } else {
    }
    %eq3A = arith.constant 15 : i32
    %eq3A_16 = arith.cmpi eq, %arg1, %eq3A : i32
    %convert_element_type3A_17 = arith.extui %eq3A_16 : i1 to i32
    %cond3A_18 = arith.constant 0 : i32
    %cond3A_19 = arith.cmpi ne, %convert_element_type3A_17, %cond3A_18 : i32
    scf.if %cond3A_19 {
      "tpu.region"() ({
        %run_scoped3A = tpu.sem_alloc : memref<!tpu.dma_semaphore, #tpu.memory_space<semaphore_mem>>
        %dma_start3A_177 = arith.constant 9480 : i32
        %dma_start3A_178 = arith.constant 0 : i32
        %dma_start3A_179 = tpu.memref_slice %arg9[%dma_start3A_177, %dma_start3A_178] : memref<10000x64xf32, #tpu.memory_space<vmem_shared>> -> memref<520x64xf32, #tpu.memory_space<vmem_shared>>
        %dma_start3A_180 = arith.constant 0 : i32
        %dma_start3A_181 = arith.constant 0 : i32
        %dma_start3A_182 = tpu.memref_slice %arg4[%dma_start3A_180, %dma_start3A_181] : memref<632x64xf32, #tpu.memory_space<hbm>> -> memref<520x64xf32, #tpu.memory_space<hbm>>
        tpu.enqueue_dma source(%dma_start3A_182 : memref<520x64xf32, #tpu.memory_space<hbm>>) target(%dma_start3A_179 : memref<520x64xf32, #tpu.memory_space<vmem_shared>>) target_semaphore(%run_scoped3A : memref<!tpu.dma_semaphore, #tpu.memory_space<semaphore_mem>>)
        %dma_wait3A_183 = arith.constant 9480 : i32
        %dma_wait3A_184 = arith.constant 0 : i32
        %dma_wait3A_185 = tpu.memref_slice %arg9[%dma_wait3A_183, %dma_wait3A_184] : memref<10000x64xf32, #tpu.memory_space<vmem_shared>> -> memref<520x64xf32, #tpu.memory_space<vmem_shared>>
        %dma_wait3A_186 = arith.constant 0 : i32
        %dma_wait3A_187 = arith.constant 0 : i32
        %dma_wait3A_188 = tpu.memref_slice %arg4[%dma_wait3A_186, %dma_wait3A_187] : memref<632x64xf32, #tpu.memory_space<hbm>> -> memref<520x64xf32, #tpu.memory_space<hbm>>
        tpu.wait_dma2 semaphore(%run_scoped3A : memref<!tpu.dma_semaphore, #tpu.memory_space<semaphore_mem>>) src(%dma_wait3A_188 : memref<520x64xf32, #tpu.memory_space<hbm>>) dst(%dma_wait3A_185 : memref<520x64xf32, #tpu.memory_space<vmem_shared>>)
        tpu.yield
      }) : () -> ()
    } else {
    }
    %barrier3A = arith.constant 0 : index
    tpu.barrier barrier_id(%barrier3A)
    %dma_wait3A = arith.constant 0 : i32
    %dma_wait3A_20 = tpu.memref_slice %arg3[%mul3A_2, %dma_wait3A] : memref<6400x100xi32, #tpu.memory_space<hbm>> -> memref<100x100xi32, #tpu.memory_space<hbm>>
    %dma_wait3A_21 = arith.constant 0 : i32
    %dma_wait3A_22 = tpu.memref_slice %arg3[%mul3A_2, %dma_wait3A_21] : memref<6400x100xi32, #tpu.memory_space<hbm>> -> memref<100x100xi32, #tpu.memory_space<hbm>>
    tpu.wait_dma2 semaphore(%arg10 : memref<!tpu.dma_semaphore, #tpu.memory_space<semaphore_mem>>) src(%dma_wait3A_22 : memref<100x100xi32, #tpu.memory_space<hbm>>) dst(%arg6 : memref<100x100xi32, #tpu.memory_space<vmem>>)
    %dma_wait3A_23 = arith.constant 0 : i32
    %dma_wait3A_24 = tpu.memref_slice %arg3[%add3A_9, %dma_wait3A_23] : memref<6400x100xi32, #tpu.memory_space<hbm>> -> memref<100x100xi32, #tpu.memory_space<hbm>>
    %dma_wait3A_25 = arith.constant 0 : i32
    %dma_wait3A_26 = tpu.memref_slice %arg3[%add3A_9, %dma_wait3A_25] : memref<6400x100xi32, #tpu.memory_space<hbm>> -> memref<100x100xi32, #tpu.memory_space<hbm>>
    tpu.wait_dma2 semaphore(%arg10 : memref<!tpu.dma_semaphore, #tpu.memory_space<semaphore_mem>>) src(%dma_wait3A_26 : memref<100x100xi32, #tpu.memory_space<hbm>>) dst(%arg7 : memref<100x100xi32, #tpu.memory_space<vmem>>)
    %dma_start3A_27 = arith.constant 0 : i32
    %dma_start3A_28 = arith.constant 0 : i32
    %dma_start3A_29 = arith.constant 0 : i32
    %dma_start3A_30 = arith.constant 0 : i32
    %dma_start3A_31 = tpu.memref_slice %arg8[%dma_start3A_28, %dma_start3A_29, %dma_start3A_30] : memref<10x100x64xf32, #tpu.memory_space<vmem>> -> memref<1x100x64xf32, #tpu.memory_space<vmem>>
    %dma_start3A_32 = tpu.memref_squeeze %dma_start3A_31 : memref<1x100x64xf32, #tpu.memory_space<vmem>> -> memref<100x64xf32, #tpu.memory_space<vmem>>
    %dma_start3A_33 = arith.constant 0 : i32
    %dma_start3A_34 = tpu.memref_slice %arg7[%dma_start3A_27, %dma_start3A_33] : memref<100x100xi32, #tpu.memory_space<vmem>> -> memref<1x100xi32, #tpu.memory_space<vmem>>
    %dma_start3A_35 = tpu.memref_squeeze %dma_start3A_34 : memref<1x100xi32, #tpu.memory_space<vmem>> -> memref<100xi32, #tpu.memory_space<vmem>>
    %dma_start3A_36 = arith.constant 0 : i32
    %dma_start3A_37 = arith.constant 0 : i32
    %dma_start3A_38 = tpu.memref_slice %arg2[%dma_start3A_36, %dma_start3A_37] : memref<10000x64xf32, #tpu.memory_space<hbm>> -> memref<10000x64xf32, #tpu.memory_space<hbm>>
    tpu.enqueue_indirect_dma source(%dma_start3A_38 : memref<10000x64xf32, #tpu.memory_space<hbm>>) target(%dma_start3A_32 : memref<100x64xf32, #tpu.memory_space<vmem>>) offsets(%dma_start3A_35 : memref<100xi32, #tpu.memory_space<vmem>>) semaphore(%arg11 : memref<!tpu.dma_semaphore, #tpu.memory_space<semaphore_mem>>)
    %dma_start3A_39 = arith.constant 1 : i32
    %dma_start3A_40 = arith.constant 1 : i32
    %dma_start3A_41 = arith.constant 0 : i32
    %dma_start3A_42 = arith.constant 0 : i32
    %dma_start3A_43 = tpu.memref_slice %arg8[%dma_start3A_40, %dma_start3A_41, %dma_start3A_42] : memref<10x100x64xf32, #tpu.memory_space<vmem>> -> memref<1x100x64xf32, #tpu.memory_space<vmem>>
    %dma_start3A_44 = tpu.memref_squeeze %dma_start3A_43 : memref<1x100x64xf32, #tpu.memory_space<vmem>> -> memref<100x64xf32, #tpu.memory_space<vmem>>
    %dma_start3A_45 = arith.constant 0 : i32
    %dma_start3A_46 = tpu.memref_slice %arg7[%dma_start3A_39, %dma_start3A_45] : memref<100x100xi32, #tpu.memory_space<vmem>> -> memref<1x100xi32, #tpu.memory_space<vmem>>
    %dma_start3A_47 = tpu.memref_squeeze %dma_start3A_46 : memref<1x100xi32, #tpu.memory_space<vmem>> -> memref<100xi32, #tpu.memory_space<vmem>>
    %dma_start3A_48 = arith.constant 0 : i32
    %dma_start3A_49 = arith.constant 0 : i32
    %dma_start3A_50 = tpu.memref_slice %arg2[%dma_start3A_48, %dma_start3A_49] : memref<10000x64xf32, #tpu.memory_space<hbm>> -> memref<10000x64xf32, #tpu.memory_space<hbm>>
    tpu.enqueue_indirect_dma source(%dma_start3A_50 : memref<10000x64xf32, #tpu.memory_space<hbm>>) target(%dma_start3A_44 : memref<100x64xf32, #tpu.memory_space<vmem>>) offsets(%dma_start3A_47 : memref<100xi32, #tpu.memory_space<vmem>>) semaphore(%arg11 : memref<!tpu.dma_semaphore, #tpu.memory_space<semaphore_mem>>)
    %dma_start3A_51 = arith.constant 2 : i32
    %dma_start3A_52 = arith.constant 2 : i32
    %dma_start3A_53 = arith.constant 0 : i32
    %dma_start3A_54 = arith.constant 0 : i32
    %dma_start3A_55 = tpu.memref_slice %arg8[%dma_start3A_52, %dma_start3A_53, %dma_start3A_54] : memref<10x100x64xf32, #tpu.memory_space<vmem>> -> memref<1x100x64xf32, #tpu.memory_space<vmem>>
    %dma_start3A_56 = tpu.memref_squeeze %dma_start3A_55 : memref<1x100x64xf32, #tpu.memory_space<vmem>> -> memref<100x64xf32, #tpu.memory_space<vmem>>
    %dma_start3A_57 = arith.constant 0 : i32
    %dma_start3A_58 = tpu.memref_slice %arg7[%dma_start3A_51, %dma_start3A_57] : memref<100x100xi32, #tpu.memory_space<vmem>> -> memref<1x100xi32, #tpu.memory_space<vmem>>
    %dma_start3A_59 = tpu.memref_squeeze %dma_start3A_58 : memref<1x100xi32, #tpu.memory_space<vmem>> -> memref<100xi32, #tpu.memory_space<vmem>>
    %dma_start3A_60 = arith.constant 0 : i32
    %dma_start3A_61 = arith.constant 0 : i32
    %dma_start3A_62 = tpu.memref_slice %arg2[%dma_start3A_60, %dma_start3A_61] : memref<10000x64xf32, #tpu.memory_space<hbm>> -> memref<10000x64xf32, #tpu.memory_space<hbm>>
    tpu.enqueue_indirect_dma source(%dma_start3A_62 : memref<10000x64xf32, #tpu.memory_space<hbm>>) target(%dma_start3A_56 : memref<100x64xf32, #tpu.memory_space<vmem>>) offsets(%dma_start3A_59 : memref<100xi32, #tpu.memory_space<vmem>>) semaphore(%arg11 : memref<!tpu.dma_semaphore, #tpu.memory_space<semaphore_mem>>)
    %dma_start3A_63 = arith.constant 3 : i32
    %dma_start3A_64 = arith.constant 3 : i32
    %dma_start3A_65 = arith.constant 0 : i32
    %dma_start3A_66 = arith.constant 0 : i32
    %dma_start3A_67 = tpu.memref_slice %arg8[%dma_start3A_64, %dma_start3A_65, %dma_start3A_66] : memref<10x100x64xf32, #tpu.memory_space<vmem>> -> memref<1x100x64xf32, #tpu.memory_space<vmem>>
    %dma_start3A_68 = tpu.memref_squeeze %dma_start3A_67 : memref<1x100x64xf32, #tpu.memory_space<vmem>> -> memref<100x64xf32, #tpu.memory_space<vmem>>
    %dma_start3A_69 = arith.constant 0 : i32
    %dma_start3A_70 = tpu.memref_slice %arg7[%dma_start3A_63, %dma_start3A_69] : memref<100x100xi32, #tpu.memory_space<vmem>> -> memref<1x100xi32, #tpu.memory_space<vmem>>
    %dma_start3A_71 = tpu.memref_squeeze %dma_start3A_70 : memref<1x100xi32, #tpu.memory_space<vmem>> -> memref<100xi32, #tpu.memory_space<vmem>>
    %dma_start3A_72 = arith.constant 0 : i32
    %dma_start3A_73 = arith.constant 0 : i32
    %dma_start3A_74 = tpu.memref_slice %arg2[%dma_start3A_72, %dma_start3A_73] : memref<10000x64xf32, #tpu.memory_space<hbm>> -> memref<10000x64xf32, #tpu.memory_space<hbm>>
    tpu.enqueue_indirect_dma source(%dma_start3A_74 : memref<10000x64xf32, #tpu.memory_space<hbm>>) target(%dma_start3A_68 : memref<100x64xf32, #tpu.memory_space<vmem>>) offsets(%dma_start3A_71 : memref<100xi32, #tpu.memory_space<vmem>>) semaphore(%arg11 : memref<!tpu.dma_semaphore, #tpu.memory_space<semaphore_mem>>)
    %dma_start3A_75 = arith.constant 4 : i32
    %dma_start3A_76 = arith.constant 4 : i32
    %dma_start3A_77 = arith.constant 0 : i32
    %dma_start3A_78 = arith.constant 0 : i32
    %dma_start3A_79 = tpu.memref_slice %arg8[%dma_start3A_76, %dma_start3A_77, %dma_start3A_78] : memref<10x100x64xf32, #tpu.memory_space<vmem>> -> memref<1x100x64xf32, #tpu.memory_space<vmem>>
    %dma_start3A_80 = tpu.memref_squeeze %dma_start3A_79 : memref<1x100x64xf32, #tpu.memory_space<vmem>> -> memref<100x64xf32, #tpu.memory_space<vmem>>
    %dma_start3A_81 = arith.constant 0 : i32
    %dma_start3A_82 = tpu.memref_slice %arg7[%dma_start3A_75, %dma_start3A_81] : memref<100x100xi32, #tpu.memory_space<vmem>> -> memref<1x100xi32, #tpu.memory_space<vmem>>
    %dma_start3A_83 = tpu.memref_squeeze %dma_start3A_82 : memref<1x100xi32, #tpu.memory_space<vmem>> -> memref<100xi32, #tpu.memory_space<vmem>>
    %dma_start3A_84 = arith.constant 0 : i32
    %dma_start3A_85 = arith.constant 0 : i32
    %dma_start3A_86 = tpu.memref_slice %arg2[%dma_start3A_84, %dma_start3A_85] : memref<10000x64xf32, #tpu.memory_space<hbm>> -> memref<10000x64xf32, #tpu.memory_space<hbm>>
    tpu.enqueue_indirect_dma source(%dma_start3A_86 : memref<10000x64xf32, #tpu.memory_space<hbm>>) target(%dma_start3A_80 : memref<100x64xf32, #tpu.memory_space<vmem>>) offsets(%dma_start3A_83 : memref<100xi32, #tpu.memory_space<vmem>>) semaphore(%arg11 : memref<!tpu.dma_semaphore, #tpu.memory_space<semaphore_mem>>)
    %scan3A = arith.constant 0 : i32
    %scan3A_87 = arith.constant 20 : i32
    %scan3A_88 = arith.addi %scan3A, %scan3A_87 : i32
    %scan3A_89 = arith.constant 1 : i32
    scf.for %scan3A_177 = %scan3A to %scan3A_88 step %scan3A_89  : i32 {
      %rem3A = arith.constant 2 : i32
      %rem3A_178 = arith.remsi %scan3A_177, %rem3A : i32
      %mul3A_179 = arith.constant 5 : i32
      %mul3A_180 = arith.muli %rem3A_178, %mul3A_179 : i32
      %sub3A = arith.constant 1 : i32
      %sub3A_181 = arith.subi %sub3A, %rem3A_178 : i32
      %mul3A_182 = arith.constant 5 : i32
      %mul3A_183 = arith.muli %sub3A_181, %mul3A_182 : i32
      %mul3A_184 = arith.constant 5 : i32
      %mul3A_185 = arith.muli %scan3A_177, %mul3A_184 : i32
      %add3A_186 = arith.constant 0 : i32
      %add3A_187 = arith.addi %mul3A_185, %add3A_186 : i32
      %add3A_188 = arith.constant 0 : i32
      %add3A_189 = arith.addi %mul3A_180, %add3A_188 : i32
      %dma_wait3A_190 = arith.constant 0 : i32
      %dma_wait3A_191 = arith.constant 0 : i32
      %dma_wait3A_192 = tpu.memref_slice %arg8[%add3A_189, %dma_wait3A_190, %dma_wait3A_191] : memref<10x100x64xf32, #tpu.memory_space<vmem>> -> memref<1x100x64xf32, #tpu.memory_space<vmem>>
      %dma_wait3A_193 = tpu.memref_squeeze %dma_wait3A_192 : memref<1x100x64xf32, #tpu.memory_space<vmem>> -> memref<100x64xf32, #tpu.memory_space<vmem>>
      %dma_wait3A_194 = arith.constant 0 : i32
      %dma_wait3A_195 = tpu.memref_slice %arg7[%add3A_187, %dma_wait3A_194] : memref<100x100xi32, #tpu.memory_space<vmem>> -> memref<1x100xi32, #tpu.memory_space<vmem>>
      %dma_wait3A_196 = tpu.memref_squeeze %dma_wait3A_195 : memref<1x100xi32, #tpu.memory_space<vmem>> -> memref<100xi32, #tpu.memory_space<vmem>>
      %dma_wait3A_197 = arith.constant 0 : i32
      %dma_wait3A_198 = arith.constant 0 : i32
      %dma_wait3A_199 = tpu.memref_slice %arg2[%dma_wait3A_197, %dma_wait3A_198] : memref<10000x64xf32, #tpu.memory_space<hbm>> -> memref<10000x64xf32, #tpu.memory_space<hbm>>
      tpu.wait_indirect_dma semaphore(%arg11 : memref<!tpu.dma_semaphore, #tpu.memory_space<semaphore_mem>>) src(%dma_wait3A_199 : memref<10000x64xf32, #tpu.memory_space<hbm>>) dst(%dma_wait3A_193 : memref<100x64xf32, #tpu.memory_space<vmem>>)
      %mul3A_200 = arith.constant 5 : i32
      %mul3A_201 = arith.muli %scan3A_177, %mul3A_200 : i32
      %add3A_202 = arith.constant 1 : i32
      %add3A_203 = arith.addi %mul3A_201, %add3A_202 : i32
      %add3A_204 = arith.constant 1 : i32
      %add3A_205 = arith.addi %mul3A_180, %add3A_204 : i32
      %dma_wait3A_206 = arith.constant 0 : i32
      %dma_wait3A_207 = arith.constant 0 : i32
      %dma_wait3A_208 = tpu.memref_slice %arg8[%add3A_205, %dma_wait3A_206, %dma_wait3A_207] : memref<10x100x64xf32, #tpu.memory_space<vmem>> -> memref<1x100x64xf32, #tpu.memory_space<vmem>>
      %dma_wait3A_209 = tpu.memref_squeeze %dma_wait3A_208 : memref<1x100x64xf32, #tpu.memory_space<vmem>> -> memref<100x64xf32, #tpu.memory_space<vmem>>
      %dma_wait3A_210 = arith.constant 0 : i32
      %dma_wait3A_211 = tpu.memref_slice %arg7[%add3A_203, %dma_wait3A_210] : memref<100x100xi32, #tpu.memory_space<vmem>> -> memref<1x100xi32, #tpu.memory_space<vmem>>
      %dma_wait3A_212 = tpu.memref_squeeze %dma_wait3A_211 : memref<1x100xi32, #tpu.memory_space<vmem>> -> memref<100xi32, #tpu.memory_space<vmem>>
      %dma_wait3A_213 = arith.constant 0 : i32
      %dma_wait3A_214 = arith.constant 0 : i32
      %dma_wait3A_215 = tpu.memref_slice %arg2[%dma_wait3A_213, %dma_wait3A_214] : memref<10000x64xf32, #tpu.memory_space<hbm>> -> memref<10000x64xf32, #tpu.memory_space<hbm>>
      tpu.wait_indirect_dma semaphore(%arg11 : memref<!tpu.dma_semaphore, #tpu.memory_space<semaphore_mem>>) src(%dma_wait3A_215 : memref<10000x64xf32, #tpu.memory_space<hbm>>) dst(%dma_wait3A_209 : memref<100x64xf32, #tpu.memory_space<vmem>>)
      %mul3A_216 = arith.constant 5 : i32
      %mul3A_217 = arith.muli %scan3A_177, %mul3A_216 : i32
      %add3A_218 = arith.constant 2 : i32
      %add3A_219 = arith.addi %mul3A_217, %add3A_218 : i32
      %add3A_220 = arith.constant 2 : i32
      %add3A_221 = arith.addi %mul3A_180, %add3A_220 : i32
      %dma_wait3A_222 = arith.constant 0 : i32
      %dma_wait3A_223 = arith.constant 0 : i32
      %dma_wait3A_224 = tpu.memref_slice %arg8[%add3A_221, %dma_wait3A_222, %dma_wait3A_223] : memref<10x100x64xf32, #tpu.memory_space<vmem>> -> memref<1x100x64xf32, #tpu.memory_space<vmem>>
      %dma_wait3A_225 = tpu.memref_squeeze %dma_wait3A_224 : memref<1x100x64xf32, #tpu.memory_space<vmem>> -> memref<100x64xf32, #tpu.memory_space<vmem>>
      %dma_wait3A_226 = arith.constant 0 : i32
      %dma_wait3A_227 = tpu.memref_slice %arg7[%add3A_219, %dma_wait3A_226] : memref<100x100xi32, #tpu.memory_space<vmem>> -> memref<1x100xi32, #tpu.memory_space<vmem>>
      %dma_wait3A_228 = tpu.memref_squeeze %dma_wait3A_227 : memref<1x100xi32, #tpu.memory_space<vmem>> -> memref<100xi32, #tpu.memory_space<vmem>>
      %dma_wait3A_229 = arith.constant 0 : i32
      %dma_wait3A_230 = arith.constant 0 : i32
      %dma_wait3A_231 = tpu.memref_slice %arg2[%dma_wait3A_229, %dma_wait3A_230] : memref<10000x64xf32, #tpu.memory_space<hbm>> -> memref<10000x64xf32, #tpu.memory_space<hbm>>
      tpu.wait_indirect_dma semaphore(%arg11 : memref<!tpu.dma_semaphore, #tpu.memory_space<semaphore_mem>>) src(%dma_wait3A_231 : memref<10000x64xf32, #tpu.memory_space<hbm>>) dst(%dma_wait3A_225 : memref<100x64xf32, #tpu.memory_space<vmem>>)
      %mul3A_232 = arith.constant 5 : i32
      %mul3A_233 = arith.muli %scan3A_177, %mul3A_232 : i32
      %add3A_234 = arith.constant 3 : i32
      %add3A_235 = arith.addi %mul3A_233, %add3A_234 : i32
      %add3A_236 = arith.constant 3 : i32
      %add3A_237 = arith.addi %mul3A_180, %add3A_236 : i32
      %dma_wait3A_238 = arith.constant 0 : i32
      %dma_wait3A_239 = arith.constant 0 : i32
      %dma_wait3A_240 = tpu.memref_slice %arg8[%add3A_237, %dma_wait3A_238, %dma_wait3A_239] : memref<10x100x64xf32, #tpu.memory_space<vmem>> -> memref<1x100x64xf32, #tpu.memory_space<vmem>>
      %dma_wait3A_241 = tpu.memref_squeeze %dma_wait3A_240 : memref<1x100x64xf32, #tpu.memory_space<vmem>> -> memref<100x64xf32, #tpu.memory_space<vmem>>
      %dma_wait3A_242 = arith.constant 0 : i32
      %dma_wait3A_243 = tpu.memref_slice %arg7[%add3A_235, %dma_wait3A_242] : memref<100x100xi32, #tpu.memory_space<vmem>> -> memref<1x100xi32, #tpu.memory_space<vmem>>
      %dma_wait3A_244 = tpu.memref_squeeze %dma_wait3A_243 : memref<1x100xi32, #tpu.memory_space<vmem>> -> memref<100xi32, #tpu.memory_space<vmem>>
      %dma_wait3A_245 = arith.constant 0 : i32
      %dma_wait3A_246 = arith.constant 0 : i32
      %dma_wait3A_247 = tpu.memref_slice %arg2[%dma_wait3A_245, %dma_wait3A_246] : memref<10000x64xf32, #tpu.memory_space<hbm>> -> memref<10000x64xf32, #tpu.memory_space<hbm>>
      tpu.wait_indirect_dma semaphore(%arg11 : memref<!tpu.dma_semaphore, #tpu.memory_space<semaphore_mem>>) src(%dma_wait3A_247 : memref<10000x64xf32, #tpu.memory_space<hbm>>) dst(%dma_wait3A_241 : memref<100x64xf32, #tpu.memory_space<vmem>>)
      %mul3A_248 = arith.constant 5 : i32
      %mul3A_249 = arith.muli %scan3A_177, %mul3A_248 : i32
      %add3A_250 = arith.constant 4 : i32
      %add3A_251 = arith.addi %mul3A_249, %add3A_250 : i32
      %add3A_252 = arith.constant 4 : i32
      %add3A_253 = arith.addi %mul3A_180, %add3A_252 : i32
      %dma_wait3A_254 = arith.constant 0 : i32
      %dma_wait3A_255 = arith.constant 0 : i32
      %dma_wait3A_256 = tpu.memref_slice %arg8[%add3A_253, %dma_wait3A_254, %dma_wait3A_255] : memref<10x100x64xf32, #tpu.memory_space<vmem>> -> memref<1x100x64xf32, #tpu.memory_space<vmem>>
      %dma_wait3A_257 = tpu.memref_squeeze %dma_wait3A_256 : memref<1x100x64xf32, #tpu.memory_space<vmem>> -> memref<100x64xf32, #tpu.memory_space<vmem>>
      %dma_wait3A_258 = arith.constant 0 : i32
      %dma_wait3A_259 = tpu.memref_slice %arg7[%add3A_251, %dma_wait3A_258] : memref<100x100xi32, #tpu.memory_space<vmem>> -> memref<1x100xi32, #tpu.memory_space<vmem>>
      %dma_wait3A_260 = tpu.memref_squeeze %dma_wait3A_259 : memref<1x100xi32, #tpu.memory_space<vmem>> -> memref<100xi32, #tpu.memory_space<vmem>>
      %dma_wait3A_261 = arith.constant 0 : i32
      %dma_wait3A_262 = arith.constant 0 : i32
      %dma_wait3A_263 = tpu.memref_slice %arg2[%dma_wait3A_261, %dma_wait3A_262] : memref<10000x64xf32, #tpu.memory_space<hbm>> -> memref<10000x64xf32, #tpu.memory_space<hbm>>
      tpu.wait_indirect_dma semaphore(%arg11 : memref<!tpu.dma_semaphore, #tpu.memory_space<semaphore_mem>>) src(%dma_wait3A_263 : memref<10000x64xf32, #tpu.memory_space<hbm>>) dst(%dma_wait3A_257 : memref<100x64xf32, #tpu.memory_space<vmem>>)
      %mul3A_264 = arith.constant 5 : i32
      %mul3A_265 = arith.muli %scan3A_177, %mul3A_264 : i32
      %add3A_266 = arith.constant 0 : i32
      %add3A_267 = arith.addi %mul3A_265, %add3A_266 : i32
      %add3A_268 = arith.constant 0 : i32
      %add3A_269 = arith.addi %mul3A_180, %add3A_268 : i32
      %dma_start3A_270 = arith.constant 0 : i32
      %dma_start3A_271 = arith.constant 0 : i32
      %dma_start3A_272 = tpu.memref_slice %arg8[%add3A_269, %dma_start3A_270, %dma_start3A_271] : memref<10x100x64xf32, #tpu.memory_space<vmem>> -> memref<1x100x64xf32, #tpu.memory_space<vmem>>
      %dma_start3A_273 = tpu.memref_squeeze %dma_start3A_272 : memref<1x100x64xf32, #tpu.memory_space<vmem>> -> memref<100x64xf32, #tpu.memory_space<vmem>>
      %dma_start3A_274 = arith.constant 0 : i32
      %dma_start3A_275 = tpu.memref_slice %arg6[%add3A_267, %dma_start3A_274] : memref<100x100xi32, #tpu.memory_space<vmem>> -> memref<1x100xi32, #tpu.memory_space<vmem>>
      %dma_start3A_276 = tpu.memref_squeeze %dma_start3A_275 : memref<1x100xi32, #tpu.memory_space<vmem>> -> memref<100xi32, #tpu.memory_space<vmem>>
      %dma_start3A_277 = arith.constant 0 : i32
      %dma_start3A_278 = arith.constant 0 : i32
      %dma_start3A_279 = tpu.memref_slice %arg9[%dma_start3A_277, %dma_start3A_278] : memref<10000x64xf32, #tpu.memory_space<vmem_shared>> -> memref<10000x64xf32, #tpu.memory_space<vmem_shared>>
      %dma_start3A_280 = tpu.memref_slice %arg12[%rem3A_178] : memref<2x!tpu.dma_semaphore, #tpu.memory_space<semaphore_mem>> -> memref<1x!tpu.dma_semaphore, #tpu.memory_space<semaphore_mem>>
      %dma_start3A_281 = tpu.memref_squeeze %dma_start3A_280 : memref<1x!tpu.dma_semaphore, #tpu.memory_space<semaphore_mem>> -> memref<!tpu.dma_semaphore, #tpu.memory_space<semaphore_mem>>
      tpu.enqueue_indirect_dma source(%dma_start3A_273 : memref<100x64xf32, #tpu.memory_space<vmem>>) target(%dma_start3A_279 : memref<10000x64xf32, #tpu.memory_space<vmem_shared>>) offsets(%dma_start3A_276 : memref<100xi32, #tpu.memory_space<vmem>>) semaphore(%dma_start3A_281 : memref<!tpu.dma_semaphore, #tpu.memory_space<semaphore_mem>>) {add = true}
      %mul3A_282 = arith.constant 5 : i32
      %mul3A_283 = arith.muli %scan3A_177, %mul3A_282 : i32
      %add3A_284 = arith.constant 1 : i32
      %add3A_285 = arith.addi %mul3A_283, %add3A_284 : i32
      %add3A_286 = arith.constant 1 : i32
      %add3A_287 = arith.addi %mul3A_180, %add3A_286 : i32
      %dma_start3A_288 = arith.constant 0 : i32
      %dma_start3A_289 = arith.constant 0 : i32
      %dma_start3A_290 = tpu.memref_slice %arg8[%add3A_287, %dma_start3A_288, %dma_start3A_289] : memref<10x100x64xf32, #tpu.memory_space<vmem>> -> memref<1x100x64xf32, #tpu.memory_space<vmem>>
      %dma_start3A_291 = tpu.memref_squeeze %dma_start3A_290 : memref<1x100x64xf32, #tpu.memory_space<vmem>> -> memref<100x64xf32, #tpu.memory_space<vmem>>
      %dma_start3A_292 = arith.constant 0 : i32
      %dma_start3A_293 = tpu.memref_slice %arg6[%add3A_285, %dma_start3A_292] : memref<100x100xi32, #tpu.memory_space<vmem>> -> memref<1x100xi32, #tpu.memory_space<vmem>>
      %dma_start3A_294 = tpu.memref_squeeze %dma_start3A_293 : memref<1x100xi32, #tpu.memory_space<vmem>> -> memref<100xi32, #tpu.memory_space<vmem>>
      %dma_start3A_295 = arith.constant 0 : i32
      %dma_start3A_296 = arith.constant 0 : i32
      %dma_start3A_297 = tpu.memref_slice %arg9[%dma_start3A_295, %dma_start3A_296] : memref<10000x64xf32, #tpu.memory_space<vmem_shared>> -> memref<10000x64xf32, #tpu.memory_space<vmem_shared>>
      %dma_start3A_298 = tpu.memref_slice %arg12[%rem3A_178] : memref<2x!tpu.dma_semaphore, #tpu.memory_space<semaphore_mem>> -> memref<1x!tpu.dma_semaphore, #tpu.memory_space<semaphore_mem>>
      %dma_start3A_299 = tpu.memref_squeeze %dma_start3A_298 : memref<1x!tpu.dma_semaphore, #tpu.memory_space<semaphore_mem>> -> memref<!tpu.dma_semaphore, #tpu.memory_space<semaphore_mem>>
      tpu.enqueue_indirect_dma source(%dma_start3A_291 : memref<100x64xf32, #tpu.memory_space<vmem>>) target(%dma_start3A_297 : memref<10000x64xf32, #tpu.memory_space<vmem_shared>>) offsets(%dma_start3A_294 : memref<100xi32, #tpu.memory_space<vmem>>) semaphore(%dma_start3A_299 : memref<!tpu.dma_semaphore, #tpu.memory_space<semaphore_mem>>) {add = true}
      %mul3A_300 = arith.constant 5 : i32
      %mul3A_301 = arith.muli %scan3A_177, %mul3A_300 : i32
      %add3A_302 = arith.constant 2 : i32
      %add3A_303 = arith.addi %mul3A_301, %add3A_302 : i32
      %add3A_304 = arith.constant 2 : i32
      %add3A_305 = arith.addi %mul3A_180, %add3A_304 : i32
      %dma_start3A_306 = arith.constant 0 : i32
      %dma_start3A_307 = arith.constant 0 : i32
      %dma_start3A_308 = tpu.memref_slice %arg8[%add3A_305, %dma_start3A_306, %dma_start3A_307] : memref<10x100x64xf32, #tpu.memory_space<vmem>> -> memref<1x100x64xf32, #tpu.memory_space<vmem>>
      %dma_start3A_309 = tpu.memref_squeeze %dma_start3A_308 : memref<1x100x64xf32, #tpu.memory_space<vmem>> -> memref<100x64xf32, #tpu.memory_space<vmem>>
      %dma_start3A_310 = arith.constant 0 : i32
      %dma_start3A_311 = tpu.memref_slice %arg6[%add3A_303, %dma_start3A_310] : memref<100x100xi32, #tpu.memory_space<vmem>> -> memref<1x100xi32, #tpu.memory_space<vmem>>
      %dma_start3A_312 = tpu.memref_squeeze %dma_start3A_311 : memref<1x100xi32, #tpu.memory_space<vmem>> -> memref<100xi32, #tpu.memory_space<vmem>>
      %dma_start3A_313 = arith.constant 0 : i32
      %dma_start3A_314 = arith.constant 0 : i32
      %dma_start3A_315 = tpu.memref_slice %arg9[%dma_start3A_313, %dma_start3A_314] : memref<10000x64xf32, #tpu.memory_space<vmem_shared>> -> memref<10000x64xf32, #tpu.memory_space<vmem_shared>>
      %dma_start3A_316 = tpu.memref_slice %arg12[%rem3A_178] : memref<2x!tpu.dma_semaphore, #tpu.memory_space<semaphore_mem>> -> memref<1x!tpu.dma_semaphore, #tpu.memory_space<semaphore_mem>>
      %dma_start3A_317 = tpu.memref_squeeze %dma_start3A_316 : memref<1x!tpu.dma_semaphore, #tpu.memory_space<semaphore_mem>> -> memref<!tpu.dma_semaphore, #tpu.memory_space<semaphore_mem>>
      tpu.enqueue_indirect_dma source(%dma_start3A_309 : memref<100x64xf32, #tpu.memory_space<vmem>>) target(%dma_start3A_315 : memref<10000x64xf32, #tpu.memory_space<vmem_shared>>) offsets(%dma_start3A_312 : memref<100xi32, #tpu.memory_space<vmem>>) semaphore(%dma_start3A_317 : memref<!tpu.dma_semaphore, #tpu.memory_space<semaphore_mem>>) {add = true}
      %mul3A_318 = arith.constant 5 : i32
      %mul3A_319 = arith.muli %scan3A_177, %mul3A_318 : i32
      %add3A_320 = arith.constant 3 : i32
      %add3A_321 = arith.addi %mul3A_319, %add3A_320 : i32
      %add3A_322 = arith.constant 3 : i32
      %add3A_323 = arith.addi %mul3A_180, %add3A_322 : i32
      %dma_start3A_324 = arith.constant 0 : i32
      %dma_start3A_325 = arith.constant 0 : i32
      %dma_start3A_326 = tpu.memref_slice %arg8[%add3A_323, %dma_start3A_324, %dma_start3A_325] : memref<10x100x64xf32, #tpu.memory_space<vmem>> -> memref<1x100x64xf32, #tpu.memory_space<vmem>>
      %dma_start3A_327 = tpu.memref_squeeze %dma_start3A_326 : memref<1x100x64xf32, #tpu.memory_space<vmem>> -> memref<100x64xf32, #tpu.memory_space<vmem>>
      %dma_start3A_328 = arith.constant 0 : i32
      %dma_start3A_329 = tpu.memref_slice %arg6[%add3A_321, %dma_start3A_328] : memref<100x100xi32, #tpu.memory_space<vmem>> -> memref<1x100xi32, #tpu.memory_space<vmem>>
      %dma_start3A_330 = tpu.memref_squeeze %dma_start3A_329 : memref<1x100xi32, #tpu.memory_space<vmem>> -> memref<100xi32, #tpu.memory_space<vmem>>
      %dma_start3A_331 = arith.constant 0 : i32
      %dma_start3A_332 = arith.constant 0 : i32
      %dma_start3A_333 = tpu.memref_slice %arg9[%dma_start3A_331, %dma_start3A_332] : memref<10000x64xf32, #tpu.memory_space<vmem_shared>> -> memref<10000x64xf32, #tpu.memory_space<vmem_shared>>
      %dma_start3A_334 = tpu.memref_slice %arg12[%rem3A_178] : memref<2x!tpu.dma_semaphore, #tpu.memory_space<semaphore_mem>> -> memref<1x!tpu.dma_semaphore, #tpu.memory_space<semaphore_mem>>
      %dma_start3A_335 = tpu.memref_squeeze %dma_start3A_334 : memref<1x!tpu.dma_semaphore, #tpu.memory_space<semaphore_mem>> -> memref<!tpu.dma_semaphore, #tpu.memory_space<semaphore_mem>>
      tpu.enqueue_indirect_dma source(%dma_start3A_327 : memref<100x64xf32, #tpu.memory_space<vmem>>) target(%dma_start3A_333 : memref<10000x64xf32, #tpu.memory_space<vmem_shared>>) offsets(%dma_start3A_330 : memref<100xi32, #tpu.memory_space<vmem>>) semaphore(%dma_start3A_335 : memref<!tpu.dma_semaphore, #tpu.memory_space<semaphore_mem>>) {add = true}
      %mul3A_336 = arith.constant 5 : i32
      %mul3A_337 = arith.muli %scan3A_177, %mul3A_336 : i32
      %add3A_338 = arith.constant 4 : i32
      %add3A_339 = arith.addi %mul3A_337, %add3A_338 : i32
      %add3A_340 = arith.constant 4 : i32
      %add3A_341 = arith.addi %mul3A_180, %add3A_340 : i32
      %dma_start3A_342 = arith.constant 0 : i32
      %dma_start3A_343 = arith.constant 0 : i32
      %dma_start3A_344 = tpu.memref_slice %arg8[%add3A_341, %dma_start3A_342, %dma_start3A_343] : memref<10x100x64xf32, #tpu.memory_space<vmem>> -> memref<1x100x64xf32, #tpu.memory_space<vmem>>
      %dma_start3A_345 = tpu.memref_squeeze %dma_start3A_344 : memref<1x100x64xf32, #tpu.memory_space<vmem>> -> memref<100x64xf32, #tpu.memory_space<vmem>>
      %dma_start3A_346 = arith.constant 0 : i32
      %dma_start3A_347 = tpu.memref_slice %arg6[%add3A_339, %dma_start3A_346] : memref<100x100xi32, #tpu.memory_space<vmem>> -> memref<1x100xi32, #tpu.memory_space<vmem>>
      %dma_start3A_348 = tpu.memref_squeeze %dma_start3A_347 : memref<1x100xi32, #tpu.memory_space<vmem>> -> memref<100xi32, #tpu.memory_space<vmem>>
      %dma_start3A_349 = arith.constant 0 : i32
      %dma_start3A_350 = arith.constant 0 : i32
      %dma_start3A_351 = tpu.memref_slice %arg9[%dma_start3A_349, %dma_start3A_350] : memref<10000x64xf32, #tpu.memory_space<vmem_shared>> -> memref<10000x64xf32, #tpu.memory_space<vmem_shared>>
      %dma_start3A_352 = tpu.memref_slice %arg12[%rem3A_178] : memref<2x!tpu.dma_semaphore, #tpu.memory_space<semaphore_mem>> -> memref<1x!tpu.dma_semaphore, #tpu.memory_space<semaphore_mem>>
      %dma_start3A_353 = tpu.memref_squeeze %dma_start3A_352 : memref<1x!tpu.dma_semaphore, #tpu.memory_space<semaphore_mem>> -> memref<!tpu.dma_semaphore, #tpu.memory_space<semaphore_mem>>
      tpu.enqueue_indirect_dma source(%dma_start3A_345 : memref<100x64xf32, #tpu.memory_space<vmem>>) target(%dma_start3A_351 : memref<10000x64xf32, #tpu.memory_space<vmem_shared>>) offsets(%dma_start3A_348 : memref<100xi32, #tpu.memory_space<vmem>>) semaphore(%dma_start3A_353 : memref<!tpu.dma_semaphore, #tpu.memory_space<semaphore_mem>>) {add = true}
      %ge3A = arith.constant 1 : i32
      %ge3A_354 = arith.cmpi sge, %scan3A_177, %ge3A : i32
      %convert_element_type3A_355 = arith.extui %ge3A_354 : i1 to i32
      %cond3A_356 = arith.constant 0 : i32
      %cond3A_357 = arith.cmpi ne, %convert_element_type3A_355, %cond3A_356 : i32
      scf.if %cond3A_357 {
        %sub3A_363 = arith.constant 1 : i32
        %sub3A_364 = arith.subi %scan3A_177, %sub3A_363 : i32
        %mul3A_365 = arith.constant 5 : i32
        %mul3A_366 = arith.muli %sub3A_364, %mul3A_365 : i32
        %add3A_367 = arith.constant 0 : i32
        %add3A_368 = arith.addi %mul3A_366, %add3A_367 : i32
        %add3A_369 = arith.constant 0 : i32
        %add3A_370 = arith.addi %mul3A_183, %add3A_369 : i32
        %sub3A_371 = arith.constant 1 : i32
        %sub3A_372 = arith.subi %sub3A_371, %rem3A_178 : i32
        %dma_wait3A_373 = arith.constant 0 : i32
        %dma_wait3A_374 = arith.constant 0 : i32
        %dma_wait3A_375 = tpu.memref_slice %arg8[%add3A_370, %dma_wait3A_373, %dma_wait3A_374] : memref<10x100x64xf32, #tpu.memory_space<vmem>> -> memref<1x100x64xf32, #tpu.memory_space<vmem>>
        %dma_wait3A_376 = tpu.memref_squeeze %dma_wait3A_375 : memref<1x100x64xf32, #tpu.memory_space<vmem>> -> memref<100x64xf32, #tpu.memory_space<vmem>>
        %dma_wait3A_377 = arith.constant 0 : i32
        %dma_wait3A_378 = tpu.memref_slice %arg6[%add3A_368, %dma_wait3A_377] : memref<100x100xi32, #tpu.memory_space<vmem>> -> memref<1x100xi32, #tpu.memory_space<vmem>>
        %dma_wait3A_379 = tpu.memref_squeeze %dma_wait3A_378 : memref<1x100xi32, #tpu.memory_space<vmem>> -> memref<100xi32, #tpu.memory_space<vmem>>
        %dma_wait3A_380 = arith.constant 0 : i32
        %dma_wait3A_381 = arith.constant 0 : i32
        %dma_wait3A_382 = tpu.memref_slice %arg9[%dma_wait3A_380, %dma_wait3A_381] : memref<10000x64xf32, #tpu.memory_space<vmem_shared>> -> memref<10000x64xf32, #tpu.memory_space<vmem_shared>>
        %dma_wait3A_383 = tpu.memref_slice %arg12[%sub3A_372] : memref<2x!tpu.dma_semaphore, #tpu.memory_space<semaphore_mem>> -> memref<1x!tpu.dma_semaphore, #tpu.memory_space<semaphore_mem>>
        %dma_wait3A_384 = tpu.memref_squeeze %dma_wait3A_383 : memref<1x!tpu.dma_semaphore, #tpu.memory_space<semaphore_mem>> -> memref<!tpu.dma_semaphore, #tpu.memory_space<semaphore_mem>>
        tpu.wait_indirect_dma semaphore(%dma_wait3A_384 : memref<!tpu.dma_semaphore, #tpu.memory_space<semaphore_mem>>) src(%dma_wait3A_376 : memref<100x64xf32, #tpu.memory_space<vmem>>) dst(%dma_wait3A_382 : memref<10000x64xf32, #tpu.memory_space<vmem_shared>>)
        %sub3A_385 = arith.constant 1 : i32
        %sub3A_386 = arith.subi %scan3A_177, %sub3A_385 : i32
        %mul3A_387 = arith.constant 5 : i32
        %mul3A_388 = arith.muli %sub3A_386, %mul3A_387 : i32
        %add3A_389 = arith.constant 1 : i32
        %add3A_390 = arith.addi %mul3A_388, %add3A_389 : i32
        %add3A_391 = arith.constant 1 : i32
        %add3A_392 = arith.addi %mul3A_183, %add3A_391 : i32
        %sub3A_393 = arith.constant 1 : i32
        %sub3A_394 = arith.subi %sub3A_393, %rem3A_178 : i32
        %dma_wait3A_395 = arith.constant 0 : i32
        %dma_wait3A_396 = arith.constant 0 : i32
        %dma_wait3A_397 = tpu.memref_slice %arg8[%add3A_392, %dma_wait3A_395, %dma_wait3A_396] : memref<10x100x64xf32, #tpu.memory_space<vmem>> -> memref<1x100x64xf32, #tpu.memory_space<vmem>>
        %dma_wait3A_398 = tpu.memref_squeeze %dma_wait3A_397 : memref<1x100x64xf32, #tpu.memory_space<vmem>> -> memref<100x64xf32, #tpu.memory_space<vmem>>
        %dma_wait3A_399 = arith.constant 0 : i32
        %dma_wait3A_400 = tpu.memref_slice %arg6[%add3A_390, %dma_wait3A_399] : memref<100x100xi32, #tpu.memory_space<vmem>> -> memref<1x100xi32, #tpu.memory_space<vmem>>
        %dma_wait3A_401 = tpu.memref_squeeze %dma_wait3A_400 : memref<1x100xi32, #tpu.memory_space<vmem>> -> memref<100xi32, #tpu.memory_space<vmem>>
        %dma_wait3A_402 = arith.constant 0 : i32
        %dma_wait3A_403 = arith.constant 0 : i32
        %dma_wait3A_404 = tpu.memref_slice %arg9[%dma_wait3A_402, %dma_wait3A_403] : memref<10000x64xf32, #tpu.memory_space<vmem_shared>> -> memref<10000x64xf32, #tpu.memory_space<vmem_shared>>
        %dma_wait3A_405 = tpu.memref_slice %arg12[%sub3A_394] : memref<2x!tpu.dma_semaphore, #tpu.memory_space<semaphore_mem>> -> memref<1x!tpu.dma_semaphore, #tpu.memory_space<semaphore_mem>>
        %dma_wait3A_406 = tpu.memref_squeeze %dma_wait3A_405 : memref<1x!tpu.dma_semaphore, #tpu.memory_space<semaphore_mem>> -> memref<!tpu.dma_semaphore, #tpu.memory_space<semaphore_mem>>
        tpu.wait_indirect_dma semaphore(%dma_wait3A_406 : memref<!tpu.dma_semaphore, #tpu.memory_space<semaphore_mem>>) src(%dma_wait3A_398 : memref<100x64xf32, #tpu.memory_space<vmem>>) dst(%dma_wait3A_404 : memref<10000x64xf32, #tpu.memory_space<vmem_shared>>)
        %sub3A_407 = arith.constant 1 : i32
        %sub3A_408 = arith.subi %scan3A_177, %sub3A_407 : i32
        %mul3A_409 = arith.constant 5 : i32
        %mul3A_410 = arith.muli %sub3A_408, %mul3A_409 : i32
        %add3A_411 = arith.constant 2 : i32
        %add3A_412 = arith.addi %mul3A_410, %add3A_411 : i32
        %add3A_413 = arith.constant 2 : i32
        %add3A_414 = arith.addi %mul3A_183, %add3A_413 : i32
        %sub3A_415 = arith.constant 1 : i32
        %sub3A_416 = arith.subi %sub3A_415, %rem3A_178 : i32
        %dma_wait3A_417 = arith.constant 0 : i32
        %dma_wait3A_418 = arith.constant 0 : i32
        %dma_wait3A_419 = tpu.memref_slice %arg8[%add3A_414, %dma_wait3A_417, %dma_wait3A_418] : memref<10x100x64xf32, #tpu.memory_space<vmem>> -> memref<1x100x64xf32, #tpu.memory_space<vmem>>
        %dma_wait3A_420 = tpu.memref_squeeze %dma_wait3A_419 : memref<1x100x64xf32, #tpu.memory_space<vmem>> -> memref<100x64xf32, #tpu.memory_space<vmem>>
        %dma_wait3A_421 = arith.constant 0 : i32
        %dma_wait3A_422 = tpu.memref_slice %arg6[%add3A_412, %dma_wait3A_421] : memref<100x100xi32, #tpu.memory_space<vmem>> -> memref<1x100xi32, #tpu.memory_space<vmem>>
        %dma_wait3A_423 = tpu.memref_squeeze %dma_wait3A_422 : memref<1x100xi32, #tpu.memory_space<vmem>> -> memref<100xi32, #tpu.memory_space<vmem>>
        %dma_wait3A_424 = arith.constant 0 : i32
        %dma_wait3A_425 = arith.constant 0 : i32
        %dma_wait3A_426 = tpu.memref_slice %arg9[%dma_wait3A_424, %dma_wait3A_425] : memref<10000x64xf32, #tpu.memory_space<vmem_shared>> -> memref<10000x64xf32, #tpu.memory_space<vmem_shared>>
        %dma_wait3A_427 = tpu.memref_slice %arg12[%sub3A_416] : memref<2x!tpu.dma_semaphore, #tpu.memory_space<semaphore_mem>> -> memref<1x!tpu.dma_semaphore, #tpu.memory_space<semaphore_mem>>
        %dma_wait3A_428 = tpu.memref_squeeze %dma_wait3A_427 : memref<1x!tpu.dma_semaphore, #tpu.memory_space<semaphore_mem>> -> memref<!tpu.dma_semaphore, #tpu.memory_space<semaphore_mem>>
        tpu.wait_indirect_dma semaphore(%dma_wait3A_428 : memref<!tpu.dma_semaphore, #tpu.memory_space<semaphore_mem>>) src(%dma_wait3A_420 : memref<100x64xf32, #tpu.memory_space<vmem>>) dst(%dma_wait3A_426 : memref<10000x64xf32, #tpu.memory_space<vmem_shared>>)
        %sub3A_429 = arith.constant 1 : i32
        %sub3A_430 = arith.subi %scan3A_177, %sub3A_429 : i32
        %mul3A_431 = arith.constant 5 : i32
        %mul3A_432 = arith.muli %sub3A_430, %mul3A_431 : i32
        %add3A_433 = arith.constant 3 : i32
        %add3A_434 = arith.addi %mul3A_432, %add3A_433 : i32
        %add3A_435 = arith.constant 3 : i32
        %add3A_436 = arith.addi %mul3A_183, %add3A_435 : i32
        %sub3A_437 = arith.constant 1 : i32
        %sub3A_438 = arith.subi %sub3A_437, %rem3A_178 : i32
        %dma_wait3A_439 = arith.constant 0 : i32
        %dma_wait3A_440 = arith.constant 0 : i32
        %dma_wait3A_441 = tpu.memref_slice %arg8[%add3A_436, %dma_wait3A_439, %dma_wait3A_440] : memref<10x100x64xf32, #tpu.memory_space<vmem>> -> memref<1x100x64xf32, #tpu.memory_space<vmem>>
        %dma_wait3A_442 = tpu.memref_squeeze %dma_wait3A_441 : memref<1x100x64xf32, #tpu.memory_space<vmem>> -> memref<100x64xf32, #tpu.memory_space<vmem>>
        %dma_wait3A_443 = arith.constant 0 : i32
        %dma_wait3A_444 = tpu.memref_slice %arg6[%add3A_434, %dma_wait3A_443] : memref<100x100xi32, #tpu.memory_space<vmem>> -> memref<1x100xi32, #tpu.memory_space<vmem>>
        %dma_wait3A_445 = tpu.memref_squeeze %dma_wait3A_444 : memref<1x100xi32, #tpu.memory_space<vmem>> -> memref<100xi32, #tpu.memory_space<vmem>>
        %dma_wait3A_446 = arith.constant 0 : i32
        %dma_wait3A_447 = arith.constant 0 : i32
        %dma_wait3A_448 = tpu.memref_slice %arg9[%dma_wait3A_446, %dma_wait3A_447] : memref<10000x64xf32, #tpu.memory_space<vmem_shared>> -> memref<10000x64xf32, #tpu.memory_space<vmem_shared>>
        %dma_wait3A_449 = tpu.memref_slice %arg12[%sub3A_438] : memref<2x!tpu.dma_semaphore, #tpu.memory_space<semaphore_mem>> -> memref<1x!tpu.dma_semaphore, #tpu.memory_space<semaphore_mem>>
        %dma_wait3A_450 = tpu.memref_squeeze %dma_wait3A_449 : memref<1x!tpu.dma_semaphore, #tpu.memory_space<semaphore_mem>> -> memref<!tpu.dma_semaphore, #tpu.memory_space<semaphore_mem>>
        tpu.wait_indirect_dma semaphore(%dma_wait3A_450 : memref<!tpu.dma_semaphore, #tpu.memory_space<semaphore_mem>>) src(%dma_wait3A_442 : memref<100x64xf32, #tpu.memory_space<vmem>>) dst(%dma_wait3A_448 : memref<10000x64xf32, #tpu.memory_space<vmem_shared>>)
        %sub3A_451 = arith.constant 1 : i32
        %sub3A_452 = arith.subi %scan3A_177, %sub3A_451 : i32
        %mul3A_453 = arith.constant 5 : i32
        %mul3A_454 = arith.muli %sub3A_452, %mul3A_453 : i32
        %add3A_455 = arith.constant 4 : i32
        %add3A_456 = arith.addi %mul3A_454, %add3A_455 : i32
        %add3A_457 = arith.constant 4 : i32
        %add3A_458 = arith.addi %mul3A_183, %add3A_457 : i32
        %sub3A_459 = arith.constant 1 : i32
        %sub3A_460 = arith.subi %sub3A_459, %rem3A_178 : i32
        %dma_wait3A_461 = arith.constant 0 : i32
        %dma_wait3A_462 = arith.constant 0 : i32
        %dma_wait3A_463 = tpu.memref_slice %arg8[%add3A_458, %dma_wait3A_461, %dma_wait3A_462] : memref<10x100x64xf32, #tpu.memory_space<vmem>> -> memref<1x100x64xf32, #tpu.memory_space<vmem>>
        %dma_wait3A_464 = tpu.memref_squeeze %dma_wait3A_463 : memref<1x100x64xf32, #tpu.memory_space<vmem>> -> memref<100x64xf32, #tpu.memory_space<vmem>>
        %dma_wait3A_465 = arith.constant 0 : i32
        %dma_wait3A_466 = tpu.memref_slice %arg6[%add3A_456, %dma_wait3A_465] : memref<100x100xi32, #tpu.memory_space<vmem>> -> memref<1x100xi32, #tpu.memory_space<vmem>>
        %dma_wait3A_467 = tpu.memref_squeeze %dma_wait3A_466 : memref<1x100xi32, #tpu.memory_space<vmem>> -> memref<100xi32, #tpu.memory_space<vmem>>
        %dma_wait3A_468 = arith.constant 0 : i32
        %dma_wait3A_469 = arith.constant 0 : i32
        %dma_wait3A_470 = tpu.memref_slice %arg9[%dma_wait3A_468, %dma_wait3A_469] : memref<10000x64xf32, #tpu.memory_space<vmem_shared>> -> memref<10000x64xf32, #tpu.memory_space<vmem_shared>>
        %dma_wait3A_471 = tpu.memref_slice %arg12[%sub3A_460] : memref<2x!tpu.dma_semaphore, #tpu.memory_space<semaphore_mem>> -> memref<1x!tpu.dma_semaphore, #tpu.memory_space<semaphore_mem>>
        %dma_wait3A_472 = tpu.memref_squeeze %dma_wait3A_471 : memref<1x!tpu.dma_semaphore, #tpu.memory_space<semaphore_mem>> -> memref<!tpu.dma_semaphore, #tpu.memory_space<semaphore_mem>>
        tpu.wait_indirect_dma semaphore(%dma_wait3A_472 : memref<!tpu.dma_semaphore, #tpu.memory_space<semaphore_mem>>) src(%dma_wait3A_464 : memref<100x64xf32, #tpu.memory_space<vmem>>) dst(%dma_wait3A_470 : memref<10000x64xf32, #tpu.memory_space<vmem_shared>>)
      } else {
      }
      %lt3A_358 = arith.constant 19 : i32
      %lt3A_359 = arith.cmpi slt, %scan3A_177, %lt3A_358 : i32
      %convert_element_type3A_360 = arith.extui %lt3A_359 : i1 to i32
      %cond3A_361 = arith.constant 0 : i32
      %cond3A_362 = arith.cmpi ne, %convert_element_type3A_360, %cond3A_361 : i32
      scf.if %cond3A_362 {
        %add3A_363 = arith.constant 1 : i32
        %add3A_364 = arith.addi %scan3A_177, %add3A_363 : i32
        %mul3A_365 = arith.constant 5 : i32
        %mul3A_366 = arith.muli %add3A_364, %mul3A_365 : i32
        %add3A_367 = arith.constant 0 : i32
        %add3A_368 = arith.addi %mul3A_366, %add3A_367 : i32
        %add3A_369 = arith.constant 0 : i32
        %add3A_370 = arith.addi %mul3A_183, %add3A_369 : i32
        %dma_start3A_371 = arith.constant 0 : i32
        %dma_start3A_372 = arith.constant 0 : i32
        %dma_start3A_373 = tpu.memref_slice %arg8[%add3A_370, %dma_start3A_371, %dma_start3A_372] : memref<10x100x64xf32, #tpu.memory_space<vmem>> -> memref<1x100x64xf32, #tpu.memory_space<vmem>>
        %dma_start3A_374 = tpu.memref_squeeze %dma_start3A_373 : memref<1x100x64xf32, #tpu.memory_space<vmem>> -> memref<100x64xf32, #tpu.memory_space<vmem>>
        %dma_start3A_375 = arith.constant 0 : i32
        %dma_start3A_376 = tpu.memref_slice %arg7[%add3A_368, %dma_start3A_375] : memref<100x100xi32, #tpu.memory_space<vmem>> -> memref<1x100xi32, #tpu.memory_space<vmem>>
        %dma_start3A_377 = tpu.memref_squeeze %dma_start3A_376 : memref<1x100xi32, #tpu.memory_space<vmem>> -> memref<100xi32, #tpu.memory_space<vmem>>
        %dma_start3A_378 = arith.constant 0 : i32
        %dma_start3A_379 = arith.constant 0 : i32
        %dma_start3A_380 = tpu.memref_slice %arg2[%dma_start3A_378, %dma_start3A_379] : memref<10000x64xf32, #tpu.memory_space<hbm>> -> memref<10000x64xf32, #tpu.memory_space<hbm>>
        tpu.enqueue_indirect_dma source(%dma_start3A_380 : memref<10000x64xf32, #tpu.memory_space<hbm>>) target(%dma_start3A_374 : memref<100x64xf32, #tpu.memory_space<vmem>>) offsets(%dma_start3A_377 : memref<100xi32, #tpu.memory_space<vmem>>) semaphore(%arg11 : memref<!tpu.dma_semaphore, #tpu.memory_space<semaphore_mem>>)
        %add3A_381 = arith.constant 1 : i32
        %add3A_382 = arith.addi %scan3A_177, %add3A_381 : i32
        %mul3A_383 = arith.constant 5 : i32
        %mul3A_384 = arith.muli %add3A_382, %mul3A_383 : i32
        %add3A_385 = arith.constant 1 : i32
        %add3A_386 = arith.addi %mul3A_384, %add3A_385 : i32
        %add3A_387 = arith.constant 1 : i32
        %add3A_388 = arith.addi %mul3A_183, %add3A_387 : i32
        %dma_start3A_389 = arith.constant 0 : i32
        %dma_start3A_390 = arith.constant 0 : i32
        %dma_start3A_391 = tpu.memref_slice %arg8[%add3A_388, %dma_start3A_389, %dma_start3A_390] : memref<10x100x64xf32, #tpu.memory_space<vmem>> -> memref<1x100x64xf32, #tpu.memory_space<vmem>>
        %dma_start3A_392 = tpu.memref_squeeze %dma_start3A_391 : memref<1x100x64xf32, #tpu.memory_space<vmem>> -> memref<100x64xf32, #tpu.memory_space<vmem>>
        %dma_start3A_393 = arith.constant 0 : i32
        %dma_start3A_394 = tpu.memref_slice %arg7[%add3A_386, %dma_start3A_393] : memref<100x100xi32, #tpu.memory_space<vmem>> -> memref<1x100xi32, #tpu.memory_space<vmem>>
        %dma_start3A_395 = tpu.memref_squeeze %dma_start3A_394 : memref<1x100xi32, #tpu.memory_space<vmem>> -> memref<100xi32, #tpu.memory_space<vmem>>
        %dma_start3A_396 = arith.constant 0 : i32
        %dma_start3A_397 = arith.constant 0 : i32
        %dma_start3A_398 = tpu.memref_slice %arg2[%dma_start3A_396, %dma_start3A_397] : memref<10000x64xf32, #tpu.memory_space<hbm>> -> memref<10000x64xf32, #tpu.memory_space<hbm>>
        tpu.enqueue_indirect_dma source(%dma_start3A_398 : memref<10000x64xf32, #tpu.memory_space<hbm>>) target(%dma_start3A_392 : memref<100x64xf32, #tpu.memory_space<vmem>>) offsets(%dma_start3A_395 : memref<100xi32, #tpu.memory_space<vmem>>) semaphore(%arg11 : memref<!tpu.dma_semaphore, #tpu.memory_space<semaphore_mem>>)
        %add3A_399 = arith.constant 1 : i32
        %add3A_400 = arith.addi %scan3A_177, %add3A_399 : i32
        %mul3A_401 = arith.constant 5 : i32
        %mul3A_402 = arith.muli %add3A_400, %mul3A_401 : i32
        %add3A_403 = arith.constant 2 : i32
        %add3A_404 = arith.addi %mul3A_402, %add3A_403 : i32
        %add3A_405 = arith.constant 2 : i32
        %add3A_406 = arith.addi %mul3A_183, %add3A_405 : i32
        %dma_start3A_407 = arith.constant 0 : i32
        %dma_start3A_408 = arith.constant 0 : i32
        %dma_start3A_409 = tpu.memref_slice %arg8[%add3A_406, %dma_start3A_407, %dma_start3A_408] : memref<10x100x64xf32, #tpu.memory_space<vmem>> -> memref<1x100x64xf32, #tpu.memory_space<vmem>>
        %dma_start3A_410 = tpu.memref_squeeze %dma_start3A_409 : memref<1x100x64xf32, #tpu.memory_space<vmem>> -> memref<100x64xf32, #tpu.memory_space<vmem>>
        %dma_start3A_411 = arith.constant 0 : i32
        %dma_start3A_412 = tpu.memref_slice %arg7[%add3A_404, %dma_start3A_411] : memref<100x100xi32, #tpu.memory_space<vmem>> -> memref<1x100xi32, #tpu.memory_space<vmem>>
        %dma_start3A_413 = tpu.memref_squeeze %dma_start3A_412 : memref<1x100xi32, #tpu.memory_space<vmem>> -> memref<100xi32, #tpu.memory_space<vmem>>
        %dma_start3A_414 = arith.constant 0 : i32
        %dma_start3A_415 = arith.constant 0 : i32
        %dma_start3A_416 = tpu.memref_slice %arg2[%dma_start3A_414, %dma_start3A_415] : memref<10000x64xf32, #tpu.memory_space<hbm>> -> memref<10000x64xf32, #tpu.memory_space<hbm>>
        tpu.enqueue_indirect_dma source(%dma_start3A_416 : memref<10000x64xf32, #tpu.memory_space<hbm>>) target(%dma_start3A_410 : memref<100x64xf32, #tpu.memory_space<vmem>>) offsets(%dma_start3A_413 : memref<100xi32, #tpu.memory_space<vmem>>) semaphore(%arg11 : memref<!tpu.dma_semaphore, #tpu.memory_space<semaphore_mem>>)
        %add3A_417 = arith.constant 1 : i32
        %add3A_418 = arith.addi %scan3A_177, %add3A_417 : i32
        %mul3A_419 = arith.constant 5 : i32
        %mul3A_420 = arith.muli %add3A_418, %mul3A_419 : i32
        %add3A_421 = arith.constant 3 : i32
        %add3A_422 = arith.addi %mul3A_420, %add3A_421 : i32
        %add3A_423 = arith.constant 3 : i32
        %add3A_424 = arith.addi %mul3A_183, %add3A_423 : i32
        %dma_start3A_425 = arith.constant 0 : i32
        %dma_start3A_426 = arith.constant 0 : i32
        %dma_start3A_427 = tpu.memref_slice %arg8[%add3A_424, %dma_start3A_425, %dma_start3A_426] : memref<10x100x64xf32, #tpu.memory_space<vmem>> -> memref<1x100x64xf32, #tpu.memory_space<vmem>>
        %dma_start3A_428 = tpu.memref_squeeze %dma_start3A_427 : memref<1x100x64xf32, #tpu.memory_space<vmem>> -> memref<100x64xf32, #tpu.memory_space<vmem>>
        %dma_start3A_429 = arith.constant 0 : i32
        %dma_start3A_430 = tpu.memref_slice %arg7[%add3A_422, %dma_start3A_429] : memref<100x100xi32, #tpu.memory_space<vmem>> -> memref<1x100xi32, #tpu.memory_space<vmem>>
        %dma_start3A_431 = tpu.memref_squeeze %dma_start3A_430 : memref<1x100xi32, #tpu.memory_space<vmem>> -> memref<100xi32, #tpu.memory_space<vmem>>
        %dma_start3A_432 = arith.constant 0 : i32
        %dma_start3A_433 = arith.constant 0 : i32
        %dma_start3A_434 = tpu.memref_slice %arg2[%dma_start3A_432, %dma_start3A_433] : memref<10000x64xf32, #tpu.memory_space<hbm>> -> memref<10000x64xf32, #tpu.memory_space<hbm>>
        tpu.enqueue_indirect_dma source(%dma_start3A_434 : memref<10000x64xf32, #tpu.memory_space<hbm>>) target(%dma_start3A_428 : memref<100x64xf32, #tpu.memory_space<vmem>>) offsets(%dma_start3A_431 : memref<100xi32, #tpu.memory_space<vmem>>) semaphore(%arg11 : memref<!tpu.dma_semaphore, #tpu.memory_space<semaphore_mem>>)
        %add3A_435 = arith.constant 1 : i32
        %add3A_436 = arith.addi %scan3A_177, %add3A_435 : i32
        %mul3A_437 = arith.constant 5 : i32
        %mul3A_438 = arith.muli %add3A_436, %mul3A_437 : i32
        %add3A_439 = arith.constant 4 : i32
        %add3A_440 = arith.addi %mul3A_438, %add3A_439 : i32
        %add3A_441 = arith.constant 4 : i32
        %add3A_442 = arith.addi %mul3A_183, %add3A_441 : i32
        %dma_start3A_443 = arith.constant 0 : i32
        %dma_start3A_444 = arith.constant 0 : i32
        %dma_start3A_445 = tpu.memref_slice %arg8[%add3A_442, %dma_start3A_443, %dma_start3A_444] : memref<10x100x64xf32, #tpu.memory_space<vmem>> -> memref<1x100x64xf32, #tpu.memory_space<vmem>>
        %dma_start3A_446 = tpu.memref_squeeze %dma_start3A_445 : memref<1x100x64xf32, #tpu.memory_space<vmem>> -> memref<100x64xf32, #tpu.memory_space<vmem>>
        %dma_start3A_447 = arith.constant 0 : i32
        %dma_start3A_448 = tpu.memref_slice %arg7[%add3A_440, %dma_start3A_447] : memref<100x100xi32, #tpu.memory_space<vmem>> -> memref<1x100xi32, #tpu.memory_space<vmem>>
        %dma_start3A_449 = tpu.memref_squeeze %dma_start3A_448 : memref<1x100xi32, #tpu.memory_space<vmem>> -> memref<100xi32, #tpu.memory_space<vmem>>
        %dma_start3A_450 = arith.constant 0 : i32
        %dma_start3A_451 = arith.constant 0 : i32
        %dma_start3A_452 = tpu.memref_slice %arg2[%dma_start3A_450, %dma_start3A_451] : memref<10000x64xf32, #tpu.memory_space<hbm>> -> memref<10000x64xf32, #tpu.memory_space<hbm>>
        tpu.enqueue_indirect_dma source(%dma_start3A_452 : memref<10000x64xf32, #tpu.memory_space<hbm>>) target(%dma_start3A_446 : memref<100x64xf32, #tpu.memory_space<vmem>>) offsets(%dma_start3A_449 : memref<100xi32, #tpu.memory_space<vmem>>) semaphore(%arg11 : memref<!tpu.dma_semaphore, #tpu.memory_space<semaphore_mem>>)
      } else {
      }
    }
    %scan3A_90 = arith.constant 20 : i32
    %dma_wait3A_91 = arith.constant 5 : i32
    %dma_wait3A_92 = arith.constant 95 : i32
    %dma_wait3A_93 = arith.constant 1 : i32
    %dma_wait3A_94 = arith.constant 0 : i32
    %dma_wait3A_95 = arith.constant 0 : i32
    %dma_wait3A_96 = tpu.memref_slice %arg8[%dma_wait3A_91, %dma_wait3A_94, %dma_wait3A_95] : memref<10x100x64xf32, #tpu.memory_space<vmem>> -> memref<1x100x64xf32, #tpu.memory_space<vmem>>
    %dma_wait3A_97 = tpu.memref_squeeze %dma_wait3A_96 : memref<1x100x64xf32, #tpu.memory_space<vmem>> -> memref<100x64xf32, #tpu.memory_space<vmem>>
    %dma_wait3A_98 = arith.constant 0 : i32
    %dma_wait3A_99 = tpu.memref_slice %arg6[%dma_wait3A_92, %dma_wait3A_98] : memref<100x100xi32, #tpu.memory_space<vmem>> -> memref<1x100xi32, #tpu.memory_space<vmem>>
    %dma_wait3A_100 = tpu.memref_squeeze %dma_wait3A_99 : memref<1x100xi32, #tpu.memory_space<vmem>> -> memref<100xi32, #tpu.memory_space<vmem>>
    %dma_wait3A_101 = arith.constant 0 : i32
    %dma_wait3A_102 = arith.constant 0 : i32
    %dma_wait3A_103 = tpu.memref_slice %arg9[%dma_wait3A_101, %dma_wait3A_102] : memref<10000x64xf32, #tpu.memory_space<vmem_shared>> -> memref<10000x64xf32, #tpu.memory_space<vmem_shared>>
    %dma_wait3A_104 = tpu.memref_slice %arg12[%dma_wait3A_93] : memref<2x!tpu.dma_semaphore, #tpu.memory_space<semaphore_mem>> -> memref<1x!tpu.dma_semaphore, #tpu.memory_space<semaphore_mem>>
    %dma_wait3A_105 = tpu.memref_squeeze %dma_wait3A_104 : memref<1x!tpu.dma_semaphore, #tpu.memory_space<semaphore_mem>> -> memref<!tpu.dma_semaphore, #tpu.memory_space<semaphore_mem>>
    tpu.wait_indirect_dma semaphore(%dma_wait3A_105 : memref<!tpu.dma_semaphore, #tpu.memory_space<semaphore_mem>>) src(%dma_wait3A_97 : memref<100x64xf32, #tpu.memory_space<vmem>>) dst(%dma_wait3A_103 : memref<10000x64xf32, #tpu.memory_space<vmem_shared>>)
    %dma_wait3A_106 = arith.constant 6 : i32
    %dma_wait3A_107 = arith.constant 96 : i32
    %dma_wait3A_108 = arith.constant 1 : i32
    %dma_wait3A_109 = arith.constant 0 : i32
    %dma_wait3A_110 = arith.constant 0 : i32
    %dma_wait3A_111 = tpu.memref_slice %arg8[%dma_wait3A_106, %dma_wait3A_109, %dma_wait3A_110] : memref<10x100x64xf32, #tpu.memory_space<vmem>> -> memref<1x100x64xf32, #tpu.memory_space<vmem>>
    %dma_wait3A_112 = tpu.memref_squeeze %dma_wait3A_111 : memref<1x100x64xf32, #tpu.memory_space<vmem>> -> memref<100x64xf32, #tpu.memory_space<vmem>>
    %dma_wait3A_113 = arith.constant 0 : i32
    %dma_wait3A_114 = tpu.memref_slice %arg6[%dma_wait3A_107, %dma_wait3A_113] : memref<100x100xi32, #tpu.memory_space<vmem>> -> memref<1x100xi32, #tpu.memory_space<vmem>>
    %dma_wait3A_115 = tpu.memref_squeeze %dma_wait3A_114 : memref<1x100xi32, #tpu.memory_space<vmem>> -> memref<100xi32, #tpu.memory_space<vmem>>
    %dma_wait3A_116 = arith.constant 0 : i32
    %dma_wait3A_117 = arith.constant 0 : i32
    %dma_wait3A_118 = tpu.memref_slice %arg9[%dma_wait3A_116, %dma_wait3A_117] : memref<10000x64xf32, #tpu.memory_space<vmem_shared>> -> memref<10000x64xf32, #tpu.memory_space<vmem_shared>>
    %dma_wait3A_119 = tpu.memref_slice %arg12[%dma_wait3A_108] : memref<2x!tpu.dma_semaphore, #tpu.memory_space<semaphore_mem>> -> memref<1x!tpu.dma_semaphore, #tpu.memory_space<semaphore_mem>>
    %dma_wait3A_120 = tpu.memref_squeeze %dma_wait3A_119 : memref<1x!tpu.dma_semaphore, #tpu.memory_space<semaphore_mem>> -> memref<!tpu.dma_semaphore, #tpu.memory_space<semaphore_mem>>
    tpu.wait_indirect_dma semaphore(%dma_wait3A_120 : memref<!tpu.dma_semaphore, #tpu.memory_space<semaphore_mem>>) src(%dma_wait3A_112 : memref<100x64xf32, #tpu.memory_space<vmem>>) dst(%dma_wait3A_118 : memref<10000x64xf32, #tpu.memory_space<vmem_shared>>)
    %dma_wait3A_121 = arith.constant 7 : i32
    %dma_wait3A_122 = arith.constant 97 : i32
    %dma_wait3A_123 = arith.constant 1 : i32
    %dma_wait3A_124 = arith.constant 0 : i32
    %dma_wait3A_125 = arith.constant 0 : i32
    %dma_wait3A_126 = tpu.memref_slice %arg8[%dma_wait3A_121, %dma_wait3A_124, %dma_wait3A_125] : memref<10x100x64xf32, #tpu.memory_space<vmem>> -> memref<1x100x64xf32, #tpu.memory_space<vmem>>
    %dma_wait3A_127 = tpu.memref_squeeze %dma_wait3A_126 : memref<1x100x64xf32, #tpu.memory_space<vmem>> -> memref<100x64xf32, #tpu.memory_space<vmem>>
    %dma_wait3A_128 = arith.constant 0 : i32
    %dma_wait3A_129 = tpu.memref_slice %arg6[%dma_wait3A_122, %dma_wait3A_128] : memref<100x100xi32, #tpu.memory_space<vmem>> -> memref<1x100xi32, #tpu.memory_space<vmem>>
    %dma_wait3A_130 = tpu.memref_squeeze %dma_wait3A_129 : memref<1x100xi32, #tpu.memory_space<vmem>> -> memref<100xi32, #tpu.memory_space<vmem>>
    %dma_wait3A_131 = arith.constant 0 : i32
    %dma_wait3A_132 = arith.constant 0 : i32
    %dma_wait3A_133 = tpu.memref_slice %arg9[%dma_wait3A_131, %dma_wait3A_132] : memref<10000x64xf32, #tpu.memory_space<vmem_shared>> -> memref<10000x64xf32, #tpu.memory_space<vmem_shared>>
    %dma_wait3A_134 = tpu.memref_slice %arg12[%dma_wait3A_123] : memref<2x!tpu.dma_semaphore, #tpu.memory_space<semaphore_mem>> -> memref<1x!tpu.dma_semaphore, #tpu.memory_space<semaphore_mem>>
    %dma_wait3A_135 = tpu.memref_squeeze %dma_wait3A_134 : memref<1x!tpu.dma_semaphore, #tpu.memory_space<semaphore_mem>> -> memref<!tpu.dma_semaphore, #tpu.memory_space<semaphore_mem>>
    tpu.wait_indirect_dma semaphore(%dma_wait3A_135 : memref<!tpu.dma_semaphore, #tpu.memory_space<semaphore_mem>>) src(%dma_wait3A_127 : memref<100x64xf32, #tpu.memory_space<vmem>>) dst(%dma_wait3A_133 : memref<10000x64xf32, #tpu.memory_space<vmem_shared>>)
    %dma_wait3A_136 = arith.constant 8 : i32
    %dma_wait3A_137 = arith.constant 98 : i32
    %dma_wait3A_138 = arith.constant 1 : i32
    %dma_wait3A_139 = arith.constant 0 : i32
    %dma_wait3A_140 = arith.constant 0 : i32
    %dma_wait3A_141 = tpu.memref_slice %arg8[%dma_wait3A_136, %dma_wait3A_139, %dma_wait3A_140] : memref<10x100x64xf32, #tpu.memory_space<vmem>> -> memref<1x100x64xf32, #tpu.memory_space<vmem>>
    %dma_wait3A_142 = tpu.memref_squeeze %dma_wait3A_141 : memref<1x100x64xf32, #tpu.memory_space<vmem>> -> memref<100x64xf32, #tpu.memory_space<vmem>>
    %dma_wait3A_143 = arith.constant 0 : i32
    %dma_wait3A_144 = tpu.memref_slice %arg6[%dma_wait3A_137, %dma_wait3A_143] : memref<100x100xi32, #tpu.memory_space<vmem>> -> memref<1x100xi32, #tpu.memory_space<vmem>>
    %dma_wait3A_145 = tpu.memref_squeeze %dma_wait3A_144 : memref<1x100xi32, #tpu.memory_space<vmem>> -> memref<100xi32, #tpu.memory_space<vmem>>
    %dma_wait3A_146 = arith.constant 0 : i32
    %dma_wait3A_147 = arith.constant 0 : i32
    %dma_wait3A_148 = tpu.memref_slice %arg9[%dma_wait3A_146, %dma_wait3A_147] : memref<10000x64xf32, #tpu.memory_space<vmem_shared>> -> memref<10000x64xf32, #tpu.memory_space<vmem_shared>>
    %dma_wait3A_149 = tpu.memref_slice %arg12[%dma_wait3A_138] : memref<2x!tpu.dma_semaphore, #tpu.memory_space<semaphore_mem>> -> memref<1x!tpu.dma_semaphore, #tpu.memory_space<semaphore_mem>>
    %dma_wait3A_150 = tpu.memref_squeeze %dma_wait3A_149 : memref<1x!tpu.dma_semaphore, #tpu.memory_space<semaphore_mem>> -> memref<!tpu.dma_semaphore, #tpu.memory_space<semaphore_mem>>
    tpu.wait_indirect_dma semaphore(%dma_wait3A_150 : memref<!tpu.dma_semaphore, #tpu.memory_space<semaphore_mem>>) src(%dma_wait3A_142 : memref<100x64xf32, #tpu.memory_space<vmem>>) dst(%dma_wait3A_148 : memref<10000x64xf32, #tpu.memory_space<vmem_shared>>)
    %dma_wait3A_151 = arith.constant 9 : i32
    %dma_wait3A_152 = arith.constant 99 : i32
    %dma_wait3A_153 = arith.constant 1 : i32
    %dma_wait3A_154 = arith.constant 0 : i32
    %dma_wait3A_155 = arith.constant 0 : i32
    %dma_wait3A_156 = tpu.memref_slice %arg8[%dma_wait3A_151, %dma_wait3A_154, %dma_wait3A_155] : memref<10x100x64xf32, #tpu.memory_space<vmem>> -> memref<1x100x64xf32, #tpu.memory_space<vmem>>
    %dma_wait3A_157 = tpu.memref_squeeze %dma_wait3A_156 : memref<1x100x64xf32, #tpu.memory_space<vmem>> -> memref<100x64xf32, #tpu.memory_space<vmem>>
    %dma_wait3A_158 = arith.constant 0 : i32
    %dma_wait3A_159 = tpu.memref_slice %arg6[%dma_wait3A_152, %dma_wait3A_158] : memref<100x100xi32, #tpu.memory_space<vmem>> -> memref<1x100xi32, #tpu.memory_space<vmem>>
    %dma_wait3A_160 = tpu.memref_squeeze %dma_wait3A_159 : memref<1x100xi32, #tpu.memory_space<vmem>> -> memref<100xi32, #tpu.memory_space<vmem>>
    %dma_wait3A_161 = arith.constant 0 : i32
    %dma_wait3A_162 = arith.constant 0 : i32
    %dma_wait3A_163 = tpu.memref_slice %arg9[%dma_wait3A_161, %dma_wait3A_162] : memref<10000x64xf32, #tpu.memory_space<vmem_shared>> -> memref<10000x64xf32, #tpu.memory_space<vmem_shared>>
    %dma_wait3A_164 = tpu.memref_slice %arg12[%dma_wait3A_153] : memref<2x!tpu.dma_semaphore, #tpu.memory_space<semaphore_mem>> -> memref<1x!tpu.dma_semaphore, #tpu.memory_space<semaphore_mem>>
    %dma_wait3A_165 = tpu.memref_squeeze %dma_wait3A_164 : memref<1x!tpu.dma_semaphore, #tpu.memory_space<semaphore_mem>> -> memref<!tpu.dma_semaphore, #tpu.memory_space<semaphore_mem>>
    tpu.wait_indirect_dma semaphore(%dma_wait3A_165 : memref<!tpu.dma_semaphore, #tpu.memory_space<semaphore_mem>>) src(%dma_wait3A_157 : memref<100x64xf32, #tpu.memory_space<vmem>>) dst(%dma_wait3A_163 : memref<10000x64xf32, #tpu.memory_space<vmem_shared>>)
    %barrier3A_166 = arith.constant 0 : index
    tpu.barrier barrier_id(%barrier3A_166)
    %lt3A_167 = arith.constant 15 : i32
    %lt3A_168 = arith.cmpi slt, %arg1, %lt3A_167 : i32
    %convert_element_type3A_169 = arith.extui %lt3A_168 : i1 to i32
    %cond3A_170 = arith.constant 0 : i32
    %cond3A_171 = arith.cmpi ne, %convert_element_type3A_169, %cond3A_170 : i32
    scf.if %cond3A_171 {
      %mul3A_177 = arith.constant 632 : i32
      %mul3A_178 = arith.muli %arg1, %mul3A_177 : i32
      %mul3A_179 = arith.constant 632 : i32
      %mul3A_180 = arith.muli %arg1, %mul3A_179 : i32
      "tpu.region"() ({
        %run_scoped3A = tpu.sem_alloc : memref<!tpu.dma_semaphore, #tpu.memory_space<semaphore_mem>>
        %dma_start3A_181 = arith.constant 0 : i32
        %dma_start3A_182 = tpu.memref_slice %arg5[%arg0, %mul3A_180, %dma_start3A_181] : memref<2x10000x64xf32, #tpu.memory_space<hbm>> -> memref<1x632x64xf32, #tpu.memory_space<hbm>>
        %dma_start3A_183 = tpu.memref_squeeze %dma_start3A_182 : memref<1x632x64xf32, #tpu.memory_space<hbm>> -> memref<632x64xf32, #tpu.memory_space<hbm>>
        %dma_start3A_184 = arith.constant 0 : i32
        %dma_start3A_185 = tpu.memref_slice %arg9[%mul3A_178, %dma_start3A_184] : memref<10000x64xf32, #tpu.memory_space<vmem_shared>> -> memref<632x64xf32, #tpu.memory_space<vmem_shared>>
        tpu.enqueue_dma source(%dma_start3A_185 : memref<632x64xf32, #tpu.memory_space<vmem_shared>>) target(%dma_start3A_183 : memref<632x64xf32, #tpu.memory_space<hbm>>) target_semaphore(%run_scoped3A : memref<!tpu.dma_semaphore, #tpu.memory_space<semaphore_mem>>)
        %dma_wait3A_186 = arith.constant 0 : i32
        %dma_wait3A_187 = tpu.memref_slice %arg5[%arg0, %mul3A_180, %dma_wait3A_186] : memref<2x10000x64xf32, #tpu.memory_space<hbm>> -> memref<1x632x64xf32, #tpu.memory_space<hbm>>
        %dma_wait3A_188 = tpu.memref_squeeze %dma_wait3A_187 : memref<1x632x64xf32, #tpu.memory_space<hbm>> -> memref<632x64xf32, #tpu.memory_space<hbm>>
        %dma_wait3A_189 = arith.constant 0 : i32
        %dma_wait3A_190 = tpu.memref_slice %arg9[%mul3A_178, %dma_wait3A_189] : memref<10000x64xf32, #tpu.memory_space<vmem_shared>> -> memref<632x64xf32, #tpu.memory_space<vmem_shared>>
        tpu.wait_dma2 semaphore(%run_scoped3A : memref<!tpu.dma_semaphore, #tpu.memory_space<semaphore_mem>>) src(%dma_wait3A_190 : memref<632x64xf32, #tpu.memory_space<vmem_shared>>) dst(%dma_wait3A_188 : memref<632x64xf32, #tpu.memory_space<hbm>>)
        tpu.yield
      }) : () -> ()
    } else {
    }
    %eq3A_172 = arith.constant 15 : i32
    %eq3A_173 = arith.cmpi eq, %arg1, %eq3A_172 : i32
    %convert_element_type3A_174 = arith.extui %eq3A_173 : i1 to i32
    %cond3A_175 = arith.constant 0 : i32
    %cond3A_176 = arith.cmpi ne, %convert_element_type3A_174, %cond3A_175 : i32
    scf.if %cond3A_176 {
      "tpu.region"() ({
        %run_scoped3A = tpu.sem_alloc : memref<!tpu.dma_semaphore, #tpu.memory_space<semaphore_mem>>
        %dma_start3A_177 = arith.constant 9480 : i32
        %dma_start3A_178 = arith.constant 0 : i32
        %dma_start3A_179 = tpu.memref_slice %arg5[%arg0, %dma_start3A_177, %dma_start3A_178] : memref<2x10000x64xf32, #tpu.memory_space<hbm>> -> memref<1x520x64xf32, #tpu.memory_space<hbm>>
        %dma_start3A_180 = tpu.memref_squeeze %dma_start3A_179 : memref<1x520x64xf32, #tpu.memory_space<hbm>> -> memref<520x64xf32, #tpu.memory_space<hbm>>
        %dma_start3A_181 = arith.constant 9480 : i32
        %dma_start3A_182 = arith.constant 0 : i32
        %dma_start3A_183 = tpu.memref_slice %arg9[%dma_start3A_181, %dma_start3A_182] : memref<10000x64xf32, #tpu.memory_space<vmem_shared>> -> memref<520x64xf32, #tpu.memory_space<vmem_shared>>
        tpu.enqueue_dma source(%dma_start3A_183 : memref<520x64xf32, #tpu.memory_space<vmem_shared>>) target(%dma_start3A_180 : memref<520x64xf32, #tpu.memory_space<hbm>>) target_semaphore(%run_scoped3A : memref<!tpu.dma_semaphore, #tpu.memory_space<semaphore_mem>>)
        %dma_wait3A_184 = arith.constant 9480 : i32
        %dma_wait3A_185 = arith.constant 0 : i32
        %dma_wait3A_186 = tpu.memref_slice %arg5[%arg0, %dma_wait3A_184, %dma_wait3A_185] : memref<2x10000x64xf32, #tpu.memory_space<hbm>> -> memref<1x520x64xf32, #tpu.memory_space<hbm>>
        %dma_wait3A_187 = tpu.memref_squeeze %dma_wait3A_186 : memref<1x520x64xf32, #tpu.memory_space<hbm>> -> memref<520x64xf32, #tpu.memory_space<hbm>>
        %dma_wait3A_188 = arith.constant 9480 : i32
        %dma_wait3A_189 = arith.constant 0 : i32
        %dma_wait3A_190 = tpu.memref_slice %arg9[%dma_wait3A_188, %dma_wait3A_189] : memref<10000x64xf32, #tpu.memory_space<vmem_shared>> -> memref<520x64xf32, #tpu.memory_space<vmem_shared>>
        tpu.wait_dma2 semaphore(%run_scoped3A : memref<!tpu.dma_semaphore, #tpu.memory_space<semaphore_mem>>) src(%dma_wait3A_190 : memref<520x64xf32, #tpu.memory_space<vmem_shared>>) dst(%dma_wait3A_187 : memref<520x64xf32, #tpu.memory_space<hbm>>)
        tpu.yield
      }) : () -> ()
    } else {
    }
    return
  }
}

#map = affine_map<(d0, d1) -> (0, 0)>
#map1 = affine_map<(d0, d1) -> (0, 0, 0)>
module attributes {stable_mosaic.version = 14 : i64} {
  func.func @_spmm_kernel(%arg0: i32, %arg1: i32, %arg2: memref<10000x64xf32, #tpu.memory_space<hbm>>, %arg3: memref<6400x100xi32, #tpu.memory_space<hbm>>, %arg4: memref<632x64xf32, #tpu.memory_space<hbm>>, %arg5: memref<2x10000x64xf32, #tpu.memory_space<hbm>>, %arg6: memref<100x100xi32, #tpu.memory_space<vmem>>, %arg7: memref<100x100xi32, #tpu.memory_space<vmem>>, %arg8: memref<10x100x64xf32, #tpu.memory_space<vmem>>, %arg9: memref<10000x64xf32, #tpu.memory_space<vmem_shared>>, %arg10: memref<!tpu.dma_semaphore, #tpu.memory_space<semaphore_mem>>, %arg11: memref<!tpu.dma_semaphore, #tpu.memory_space<semaphore_mem>>, %arg12: memref<2x!tpu.dma_semaphore, #tpu.memory_space<semaphore_mem>>) attributes {dimension_semantics = [#tpu.dimension_semantics<core_parallel>, #tpu.dimension_semantics<subcore_parallel>], iteration_bounds = array<i64: 2, 16>, scalar_prefetch = 0 : i64, scratch_operands = 7 : i64, tpu.core_type = #tpu.core_type<sc_vector_subcore>, window_params = [{transform_indices = #map}, {transform_indices = #map}, {transform_indices = #map}, {transform_indices = #map1}]} {
    %mul3A = arith.constant 2 : i32
    %mul3A_0 = arith.muli %arg1, %mul3A : i32
    %add3A = arith.addi %mul3A_0, %arg0 : i32
    %mul3A_1 = arith.constant 100 : i32
    %mul3A_2 = arith.muli %add3A, %mul3A_1 : i32
    %dma_start3A = arith.constant 0 : i32
    %dma_start3A_3 = tpu.memref_slice %arg3[%mul3A_2, %dma_start3A] : memref<6400x100xi32, #tpu.memory_space<hbm>> -> memref<100x100xi32, #tpu.memory_space<hbm>>
    %dma_start3A_4 = arith.constant 0 : i32
    %dma_start3A_5 = tpu.memref_slice %arg3[%mul3A_2, %dma_start3A_4] : memref<6400x100xi32, #tpu.memory_space<hbm>> -> memref<100x100xi32, #tpu.memory_space<hbm>>
    tpu.enqueue_dma source(%dma_start3A_5 : memref<100x100xi32, #tpu.memory_space<hbm>>) target(%arg6 : memref<100x100xi32, #tpu.memory_space<vmem>>) target_semaphore(%arg10 : memref<!tpu.dma_semaphore, #tpu.memory_space<semaphore_mem>>)
    %mul3A_6 = arith.constant 100 : i32
    %mul3A_7 = arith.muli %add3A, %mul3A_6 : i32
    %add3A_8 = arith.constant 3200 : i32
    %add3A_9 = arith.addi %add3A_8, %mul3A_7 : i32
    %dma_start3A_10 = arith.constant 0 : i32
    %dma_start3A_11 = tpu.memref_slice %arg3[%add3A_9, %dma_start3A_10] : memref<6400x100xi32, #tpu.memory_space<hbm>> -> memref<100x100xi32, #tpu.memory_space<hbm>>
    %dma_start3A_12 = arith.constant 0 : i32
    %dma_start3A_13 = tpu.memref_slice %arg3[%add3A_9, %dma_start3A_12] : memref<6400x100xi32, #tpu.memory_space<hbm>> -> memref<100x100xi32, #tpu.memory_space<hbm>>
    tpu.enqueue_dma source(%dma_start3A_13 : memref<100x100xi32, #tpu.memory_space<hbm>>) target(%arg7 : memref<100x100xi32, #tpu.memory_space<vmem>>) target_semaphore(%arg10 : memref<!tpu.dma_semaphore, #tpu.memory_space<semaphore_mem>>)
    %lt3A = arith.constant 15 : i32
    %lt3A_14 = arith.cmpi slt, %arg1, %lt3A : i32
    %convert_element_type3A = arith.extui %lt3A_14 : i1 to i32
    %cond3A = arith.constant 0 : i32
    %cond3A_15 = arith.cmpi ne, %convert_element_type3A, %cond3A : i32
    scf.if %cond3A_15 {
      %mul3A_177 = arith.constant 632 : i32
      %mul3A_178 = arith.muli %arg1, %mul3A_177 : i32
      "tpu.region"() ({
        %run_scoped3A = tpu.sem_alloc : memref<!tpu.dma_semaphore, #tpu.memory_space<semaphore_mem>>
        %dma_start3A_179 = arith.constant 0 : i32
        %dma_start3A_180 = tpu.memref_slice %arg9[%mul3A_178, %dma_start3A_179] : memref<10000x64xf32, #tpu.memory_space<vmem_shared>> -> memref<632x64xf32, #tpu.memory_space<vmem_shared>>
        tpu.enqueue_dma source(%arg4 : memref<632x64xf32, #tpu.memory_space<hbm>>) target(%dma_start3A_180 : memref<632x64xf32, #tpu.memory_space<vmem_shared>>) target_semaphore(%run_scoped3A : memref<!tpu.dma_semaphore, #tpu.memory_space<semaphore_mem>>)
        %dma_wait3A_181 = arith.constant 0 : i32
        %dma_wait3A_182 = tpu.memref_slice %arg9[%mul3A_178, %dma_wait3A_181] : memref<10000x64xf32, #tpu.memory_space<vmem_shared>> -> memref<632x64xf32, #tpu.memory_space<vmem_shared>>
        tpu.wait_dma2 semaphore(%run_scoped3A : memref<!tpu.dma_semaphore, #tpu.memory_space<semaphore_mem>>) src(%arg4 : memref<632x64xf32, #tpu.memory_space<hbm>>) dst(%dma_wait3A_182 : memref<632x64xf32, #tpu.memory_space<vmem_shared>>)
        tpu.yield
      }) : () -> ()
    } else {
    }
    %eq3A = arith.constant 15 : i32
    %eq3A_16 = arith.cmpi eq, %arg1, %eq3A : i32
    %convert_element_type3A_17 = arith.extui %eq3A_16 : i1 to i32
    %cond3A_18 = arith.constant 0 : i32
    %cond3A_19 = arith.cmpi ne, %convert_element_type3A_17, %cond3A_18 : i32
    scf.if %cond3A_19 {
      "tpu.region"() ({
        %run_scoped3A = tpu.sem_alloc : memref<!tpu.dma_semaphore, #tpu.memory_space<semaphore_mem>>
        %dma_start3A_177 = arith.constant 9480 : i32
        %dma_start3A_178 = arith.constant 0 : i32
        %dma_start3A_179 = tpu.memref_slice %arg9[%dma_start3A_177, %dma_start3A_178] : memref<10000x64xf32, #tpu.memory_space<vmem_shared>> -> memref<520x64xf32, #tpu.memory_space<vmem_shared>>
        %dma_start3A_180 = arith.constant 0 : i32
        %dma_start3A_181 = arith.constant 0 : i32
        %dma_start3A_182 = tpu.memref_slice %arg4[%dma_start3A_180, %dma_start3A_181] : memref<632x64xf32, #tpu.memory_space<hbm>> -> memref<520x64xf32, #tpu.memory_space<hbm>>
        tpu.enqueue_dma source(%dma_start3A_182 : memref<520x64xf32, #tpu.memory_space<hbm>>) target(%dma_start3A_179 : memref<520x64xf32, #tpu.memory_space<vmem_shared>>) target_semaphore(%run_scoped3A : memref<!tpu.dma_semaphore, #tpu.memory_space<semaphore_mem>>)
        %dma_wait3A_183 = arith.constant 9480 : i32
        %dma_wait3A_184 = arith.constant 0 : i32
        %dma_wait3A_185 = tpu.memref_slice %arg9[%dma_wait3A_183, %dma_wait3A_184] : memref<10000x64xf32, #tpu.memory_space<vmem_shared>> -> memref<520x64xf32, #tpu.memory_space<vmem_shared>>
        %dma_wait3A_186 = arith.constant 0 : i32
        %dma_wait3A_187 = arith.constant 0 : i32
        %dma_wait3A_188 = tpu.memref_slice %arg4[%dma_wait3A_186, %dma_wait3A_187] : memref<632x64xf32, #tpu.memory_space<hbm>> -> memref<520x64xf32, #tpu.memory_space<hbm>>
        tpu.wait_dma2 semaphore(%run_scoped3A : memref<!tpu.dma_semaphore, #tpu.memory_space<semaphore_mem>>) src(%dma_wait3A_188 : memref<520x64xf32, #tpu.memory_space<hbm>>) dst(%dma_wait3A_185 : memref<520x64xf32, #tpu.memory_space<vmem_shared>>)
        tpu.yield
      }) : () -> ()
    } else {
    }
    %barrier3A = arith.constant 0 : index
    tpu.barrier barrier_id(%barrier3A)
    %dma_wait3A = arith.constant 0 : i32
    %dma_wait3A_20 = tpu.memref_slice %arg3[%mul3A_2, %dma_wait3A] : memref<6400x100xi32, #tpu.memory_space<hbm>> -> memref<100x100xi32, #tpu.memory_space<hbm>>
    %dma_wait3A_21 = arith.constant 0 : i32
    %dma_wait3A_22 = tpu.memref_slice %arg3[%mul3A_2, %dma_wait3A_21] : memref<6400x100xi32, #tpu.memory_space<hbm>> -> memref<100x100xi32, #tpu.memory_space<hbm>>
    tpu.wait_dma2 semaphore(%arg10 : memref<!tpu.dma_semaphore, #tpu.memory_space<semaphore_mem>>) src(%dma_wait3A_22 : memref<100x100xi32, #tpu.memory_space<hbm>>) dst(%arg6 : memref<100x100xi32, #tpu.memory_space<vmem>>)
    %dma_wait3A_23 = arith.constant 0 : i32
    %dma_wait3A_24 = tpu.memref_slice %arg3[%add3A_9, %dma_wait3A_23] : memref<6400x100xi32, #tpu.memory_space<hbm>> -> memref<100x100xi32, #tpu.memory_space<hbm>>
    %dma_wait3A_25 = arith.constant 0 : i32
    %dma_wait3A_26 = tpu.memref_slice %arg3[%add3A_9, %dma_wait3A_25] : memref<6400x100xi32, #tpu.memory_space<hbm>> -> memref<100x100xi32, #tpu.memory_space<hbm>>
    tpu.wait_dma2 semaphore(%arg10 : memref<!tpu.dma_semaphore, #tpu.memory_space<semaphore_mem>>) src(%dma_wait3A_26 : memref<100x100xi32, #tpu.memory_space<hbm>>) dst(%arg7 : memref<100x100xi32, #tpu.memory_space<vmem>>)
    %dma_start3A_27 = arith.constant 0 : i32
    %dma_start3A_28 = arith.constant 0 : i32
    %dma_start3A_29 = arith.constant 0 : i32
    %dma_start3A_30 = arith.constant 0 : i32
    %dma_start3A_31 = tpu.memref_slice %arg8[%dma_start3A_28, %dma_start3A_29, %dma_start3A_30] : memref<10x100x64xf32, #tpu.memory_space<vmem>> -> memref<1x100x64xf32, #tpu.memory_space<vmem>>
    %dma_start3A_32 = tpu.memref_squeeze %dma_start3A_31 : memref<1x100x64xf32, #tpu.memory_space<vmem>> -> memref<100x64xf32, #tpu.memory_space<vmem>>
    %dma_start3A_33 = arith.constant 0 : i32
    %dma_start3A_34 = tpu.memref_slice %arg7[%dma_start3A_27, %dma_start3A_33] : memref<100x100xi32, #tpu.memory_space<vmem>> -> memref<1x100xi32, #tpu.memory_space<vmem>>
    %dma_start3A_35 = tpu.memref_squeeze %dma_start3A_34 : memref<1x100xi32, #tpu.memory_space<vmem>> -> memref<100xi32, #tpu.memory_space<vmem>>
    %dma_start3A_36 = arith.constant 0 : i32
    %dma_start3A_37 = arith.constant 0 : i32
    %dma_start3A_38 = tpu.memref_slice %arg2[%dma_start3A_36, %dma_start3A_37] : memref<10000x64xf32, #tpu.memory_space<hbm>> -> memref<10000x64xf32, #tpu.memory_space<hbm>>
    tpu.enqueue_indirect_dma source(%dma_start3A_38 : memref<10000x64xf32, #tpu.memory_space<hbm>>) target(%dma_start3A_32 : memref<100x64xf32, #tpu.memory_space<vmem>>) offsets(%dma_start3A_35 : memref<100xi32, #tpu.memory_space<vmem>>) semaphore(%arg11 : memref<!tpu.dma_semaphore, #tpu.memory_space<semaphore_mem>>)
    %dma_start3A_39 = arith.constant 1 : i32
    %dma_start3A_40 = arith.constant 1 : i32
    %dma_start3A_41 = arith.constant 0 : i32
    %dma_start3A_42 = arith.constant 0 : i32
    %dma_start3A_43 = tpu.memref_slice %arg8[%dma_start3A_40, %dma_start3A_41, %dma_start3A_42] : memref<10x100x64xf32, #tpu.memory_space<vmem>> -> memref<1x100x64xf32, #tpu.memory_space<vmem>>
    %dma_start3A_44 = tpu.memref_squeeze %dma_start3A_43 : memref<1x100x64xf32, #tpu.memory_space<vmem>> -> memref<100x64xf32, #tpu.memory_space<vmem>>
    %dma_start3A_45 = arith.constant 0 : i32
    %dma_start3A_46 = tpu.memref_slice %arg7[%dma_start3A_39, %dma_start3A_45] : memref<100x100xi32, #tpu.memory_space<vmem>> -> memref<1x100xi32, #tpu.memory_space<vmem>>
    %dma_start3A_47 = tpu.memref_squeeze %dma_start3A_46 : memref<1x100xi32, #tpu.memory_space<vmem>> -> memref<100xi32, #tpu.memory_space<vmem>>
    %dma_start3A_48 = arith.constant 0 : i32
    %dma_start3A_49 = arith.constant 0 : i32
    %dma_start3A_50 = tpu.memref_slice %arg2[%dma_start3A_48, %dma_start3A_49] : memref<10000x64xf32, #tpu.memory_space<hbm>> -> memref<10000x64xf32, #tpu.memory_space<hbm>>
    tpu.enqueue_indirect_dma source(%dma_start3A_50 : memref<10000x64xf32, #tpu.memory_space<hbm>>) target(%dma_start3A_44 : memref<100x64xf32, #tpu.memory_space<vmem>>) offsets(%dma_start3A_47 : memref<100xi32, #tpu.memory_space<vmem>>) semaphore(%arg11 : memref<!tpu.dma_semaphore, #tpu.memory_space<semaphore_mem>>)
    %dma_start3A_51 = arith.constant 2 : i32
    %dma_start3A_52 = arith.constant 2 : i32
    %dma_start3A_53 = arith.constant 0 : i32
    %dma_start3A_54 = arith.constant 0 : i32
    %dma_start3A_55 = tpu.memref_slice %arg8[%dma_start3A_52, %dma_start3A_53, %dma_start3A_54] : memref<10x100x64xf32, #tpu.memory_space<vmem>> -> memref<1x100x64xf32, #tpu.memory_space<vmem>>
    %dma_start3A_56 = tpu.memref_squeeze %dma_start3A_55 : memref<1x100x64xf32, #tpu.memory_space<vmem>> -> memref<100x64xf32, #tpu.memory_space<vmem>>
    %dma_start3A_57 = arith.constant 0 : i32
    %dma_start3A_58 = tpu.memref_slice %arg7[%dma_start3A_51, %dma_start3A_57] : memref<100x100xi32, #tpu.memory_space<vmem>> -> memref<1x100xi32, #tpu.memory_space<vmem>>
    %dma_start3A_59 = tpu.memref_squeeze %dma_start3A_58 : memref<1x100xi32, #tpu.memory_space<vmem>> -> memref<100xi32, #tpu.memory_space<vmem>>
    %dma_start3A_60 = arith.constant 0 : i32
    %dma_start3A_61 = arith.constant 0 : i32
    %dma_start3A_62 = tpu.memref_slice %arg2[%dma_start3A_60, %dma_start3A_61] : memref<10000x64xf32, #tpu.memory_space<hbm>> -> memref<10000x64xf32, #tpu.memory_space<hbm>>
    tpu.enqueue_indirect_dma source(%dma_start3A_62 : memref<10000x64xf32, #tpu.memory_space<hbm>>) target(%dma_start3A_56 : memref<100x64xf32, #tpu.memory_space<vmem>>) offsets(%dma_start3A_59 : memref<100xi32, #tpu.memory_space<vmem>>) semaphore(%arg11 : memref<!tpu.dma_semaphore, #tpu.memory_space<semaphore_mem>>)
    %dma_start3A_63 = arith.constant 3 : i32
    %dma_start3A_64 = arith.constant 3 : i32
    %dma_start3A_65 = arith.constant 0 : i32
    %dma_start3A_66 = arith.constant 0 : i32
    %dma_start3A_67 = tpu.memref_slice %arg8[%dma_start3A_64, %dma_start3A_65, %dma_start3A_66] : memref<10x100x64xf32, #tpu.memory_space<vmem>> -> memref<1x100x64xf32, #tpu.memory_space<vmem>>
    %dma_start3A_68 = tpu.memref_squeeze %dma_start3A_67 : memref<1x100x64xf32, #tpu.memory_space<vmem>> -> memref<100x64xf32, #tpu.memory_space<vmem>>
    %dma_start3A_69 = arith.constant 0 : i32
    %dma_start3A_70 = tpu.memref_slice %arg7[%dma_start3A_63, %dma_start3A_69] : memref<100x100xi32, #tpu.memory_space<vmem>> -> memref<1x100xi32, #tpu.memory_space<vmem>>
    %dma_start3A_71 = tpu.memref_squeeze %dma_start3A_70 : memref<1x100xi32, #tpu.memory_space<vmem>> -> memref<100xi32, #tpu.memory_space<vmem>>
    %dma_start3A_72 = arith.constant 0 : i32
    %dma_start3A_73 = arith.constant 0 : i32
    %dma_start3A_74 = tpu.memref_slice %arg2[%dma_start3A_72, %dma_start3A_73] : memref<10000x64xf32, #tpu.memory_space<hbm>> -> memref<10000x64xf32, #tpu.memory_space<hbm>>
    tpu.enqueue_indirect_dma source(%dma_start3A_74 : memref<10000x64xf32, #tpu.memory_space<hbm>>) target(%dma_start3A_68 : memref<100x64xf32, #tpu.memory_space<vmem>>) offsets(%dma_start3A_71 : memref<100xi32, #tpu.memory_space<vmem>>) semaphore(%arg11 : memref<!tpu.dma_semaphore, #tpu.memory_space<semaphore_mem>>)
    %dma_start3A_75 = arith.constant 4 : i32
    %dma_start3A_76 = arith.constant 4 : i32
    %dma_start3A_77 = arith.constant 0 : i32
    %dma_start3A_78 = arith.constant 0 : i32
    %dma_start3A_79 = tpu.memref_slice %arg8[%dma_start3A_76, %dma_start3A_77, %dma_start3A_78] : memref<10x100x64xf32, #tpu.memory_space<vmem>> -> memref<1x100x64xf32, #tpu.memory_space<vmem>>
    %dma_start3A_80 = tpu.memref_squeeze %dma_start3A_79 : memref<1x100x64xf32, #tpu.memory_space<vmem>> -> memref<100x64xf32, #tpu.memory_space<vmem>>
    %dma_start3A_81 = arith.constant 0 : i32
    %dma_start3A_82 = tpu.memref_slice %arg7[%dma_start3A_75, %dma_start3A_81] : memref<100x100xi32, #tpu.memory_space<vmem>> -> memref<1x100xi32, #tpu.memory_space<vmem>>
    %dma_start3A_83 = tpu.memref_squeeze %dma_start3A_82 : memref<1x100xi32, #tpu.memory_space<vmem>> -> memref<100xi32, #tpu.memory_space<vmem>>
    %dma_start3A_84 = arith.constant 0 : i32
    %dma_start3A_85 = arith.constant 0 : i32
    %dma_start3A_86 = tpu.memref_slice %arg2[%dma_start3A_84, %dma_start3A_85] : memref<10000x64xf32, #tpu.memory_space<hbm>> -> memref<10000x64xf32, #tpu.memory_space<hbm>>
    tpu.enqueue_indirect_dma source(%dma_start3A_86 : memref<10000x64xf32, #tpu.memory_space<hbm>>) target(%dma_start3A_80 : memref<100x64xf32, #tpu.memory_space<vmem>>) offsets(%dma_start3A_83 : memref<100xi32, #tpu.memory_space<vmem>>) semaphore(%arg11 : memref<!tpu.dma_semaphore, #tpu.memory_space<semaphore_mem>>)
    %scan3A = arith.constant 0 : i32
    %scan3A_87 = arith.constant 20 : i32
    %scan3A_88 = arith.addi %scan3A, %scan3A_87 : i32
    %scan3A_89 = arith.constant 1 : i32
    scf.for %scan3A_177 = %scan3A to %scan3A_88 step %scan3A_89  : i32 {
      %rem3A = arith.constant 2 : i32
      %rem3A_178 = arith.remsi %scan3A_177, %rem3A : i32
      %mul3A_179 = arith.constant 5 : i32
      %mul3A_180 = arith.muli %rem3A_178, %mul3A_179 : i32
      %sub3A = arith.constant 1 : i32
      %sub3A_181 = arith.subi %sub3A, %rem3A_178 : i32
      %mul3A_182 = arith.constant 5 : i32
      %mul3A_183 = arith.muli %sub3A_181, %mul3A_182 : i32
      %mul3A_184 = arith.constant 5 : i32
      %mul3A_185 = arith.muli %scan3A_177, %mul3A_184 : i32
      %add3A_186 = arith.constant 0 : i32
      %add3A_187 = arith.addi %mul3A_185, %add3A_186 : i32
      %add3A_188 = arith.constant 0 : i32
      %add3A_189 = arith.addi %mul3A_180, %add3A_188 : i32
      %dma_wait3A_190 = arith.constant 0 : i32
      %dma_wait3A_191 = arith.constant 0 : i32
      %dma_wait3A_192 = tpu.memref_slice %arg8[%add3A_189, %dma_wait3A_190, %dma_wait3A_191] : memref<10x100x64xf32, #tpu.memory_space<vmem>> -> memref<1x100x64xf32, #tpu.memory_space<vmem>>
      %dma_wait3A_193 = tpu.memref_squeeze %dma_wait3A_192 : memref<1x100x64xf32, #tpu.memory_space<vmem>> -> memref<100x64xf32, #tpu.memory_space<vmem>>
      %dma_wait3A_194 = arith.constant 0 : i32
      %dma_wait3A_195 = tpu.memref_slice %arg7[%add3A_187, %dma_wait3A_194] : memref<100x100xi32, #tpu.memory_space<vmem>> -> memref<1x100xi32, #tpu.memory_space<vmem>>
      %dma_wait3A_196 = tpu.memref_squeeze %dma_wait3A_195 : memref<1x100xi32, #tpu.memory_space<vmem>> -> memref<100xi32, #tpu.memory_space<vmem>>
      %dma_wait3A_197 = arith.constant 0 : i32
      %dma_wait3A_198 = arith.constant 0 : i32
      %dma_wait3A_199 = tpu.memref_slice %arg2[%dma_wait3A_197, %dma_wait3A_198] : memref<10000x64xf32, #tpu.memory_space<hbm>> -> memref<10000x64xf32, #tpu.memory_space<hbm>>
      tpu.wait_indirect_dma semaphore(%arg11 : memref<!tpu.dma_semaphore, #tpu.memory_space<semaphore_mem>>) src(%dma_wait3A_199 : memref<10000x64xf32, #tpu.memory_space<hbm>>) dst(%dma_wait3A_193 : memref<100x64xf32, #tpu.memory_space<vmem>>)
      %mul3A_200 = arith.constant 5 : i32
      %mul3A_201 = arith.muli %scan3A_177, %mul3A_200 : i32
      %add3A_202 = arith.constant 1 : i32
      %add3A_203 = arith.addi %mul3A_201, %add3A_202 : i32
      %add3A_204 = arith.constant 1 : i32
      %add3A_205 = arith.addi %mul3A_180, %add3A_204 : i32
      %dma_wait3A_206 = arith.constant 0 : i32
      %dma_wait3A_207 = arith.constant 0 : i32
      %dma_wait3A_208 = tpu.memref_slice %arg8[%add3A_205, %dma_wait3A_206, %dma_wait3A_207] : memref<10x100x64xf32, #tpu.memory_space<vmem>> -> memref<1x100x64xf32, #tpu.memory_space<vmem>>
      %dma_wait3A_209 = tpu.memref_squeeze %dma_wait3A_208 : memref<1x100x64xf32, #tpu.memory_space<vmem>> -> memref<100x64xf32, #tpu.memory_space<vmem>>
      %dma_wait3A_210 = arith.constant 0 : i32
      %dma_wait3A_211 = tpu.memref_slice %arg7[%add3A_203, %dma_wait3A_210] : memref<100x100xi32, #tpu.memory_space<vmem>> -> memref<1x100xi32, #tpu.memory_space<vmem>>
      %dma_wait3A_212 = tpu.memref_squeeze %dma_wait3A_211 : memref<1x100xi32, #tpu.memory_space<vmem>> -> memref<100xi32, #tpu.memory_space<vmem>>
      %dma_wait3A_213 = arith.constant 0 : i32
      %dma_wait3A_214 = arith.constant 0 : i32
      %dma_wait3A_215 = tpu.memref_slice %arg2[%dma_wait3A_213, %dma_wait3A_214] : memref<10000x64xf32, #tpu.memory_space<hbm>> -> memref<10000x64xf32, #tpu.memory_space<hbm>>
      tpu.wait_indirect_dma semaphore(%arg11 : memref<!tpu.dma_semaphore, #tpu.memory_space<semaphore_mem>>) src(%dma_wait3A_215 : memref<10000x64xf32, #tpu.memory_space<hbm>>) dst(%dma_wait3A_209 : memref<100x64xf32, #tpu.memory_space<vmem>>)
      %mul3A_216 = arith.constant 5 : i32
      %mul3A_217 = arith.muli %scan3A_177, %mul3A_216 : i32
      %add3A_218 = arith.constant 2 : i32
      %add3A_219 = arith.addi %mul3A_217, %add3A_218 : i32
      %add3A_220 = arith.constant 2 : i32
      %add3A_221 = arith.addi %mul3A_180, %add3A_220 : i32
      %dma_wait3A_222 = arith.constant 0 : i32
      %dma_wait3A_223 = arith.constant 0 : i32
      %dma_wait3A_224 = tpu.memref_slice %arg8[%add3A_221, %dma_wait3A_222, %dma_wait3A_223] : memref<10x100x64xf32, #tpu.memory_space<vmem>> -> memref<1x100x64xf32, #tpu.memory_space<vmem>>
      %dma_wait3A_225 = tpu.memref_squeeze %dma_wait3A_224 : memref<1x100x64xf32, #tpu.memory_space<vmem>> -> memref<100x64xf32, #tpu.memory_space<vmem>>
      %dma_wait3A_226 = arith.constant 0 : i32
      %dma_wait3A_227 = tpu.memref_slice %arg7[%add3A_219, %dma_wait3A_226] : memref<100x100xi32, #tpu.memory_space<vmem>> -> memref<1x100xi32, #tpu.memory_space<vmem>>
      %dma_wait3A_228 = tpu.memref_squeeze %dma_wait3A_227 : memref<1x100xi32, #tpu.memory_space<vmem>> -> memref<100xi32, #tpu.memory_space<vmem>>
      %dma_wait3A_229 = arith.constant 0 : i32
      %dma_wait3A_230 = arith.constant 0 : i32
      %dma_wait3A_231 = tpu.memref_slice %arg2[%dma_wait3A_229, %dma_wait3A_230] : memref<10000x64xf32, #tpu.memory_space<hbm>> -> memref<10000x64xf32, #tpu.memory_space<hbm>>
      tpu.wait_indirect_dma semaphore(%arg11 : memref<!tpu.dma_semaphore, #tpu.memory_space<semaphore_mem>>) src(%dma_wait3A_231 : memref<10000x64xf32, #tpu.memory_space<hbm>>) dst(%dma_wait3A_225 : memref<100x64xf32, #tpu.memory_space<vmem>>)
      %mul3A_232 = arith.constant 5 : i32
      %mul3A_233 = arith.muli %scan3A_177, %mul3A_232 : i32
      %add3A_234 = arith.constant 3 : i32
      %add3A_235 = arith.addi %mul3A_233, %add3A_234 : i32
      %add3A_236 = arith.constant 3 : i32
      %add3A_237 = arith.addi %mul3A_180, %add3A_236 : i32
      %dma_wait3A_238 = arith.constant 0 : i32
      %dma_wait3A_239 = arith.constant 0 : i32
      %dma_wait3A_240 = tpu.memref_slice %arg8[%add3A_237, %dma_wait3A_238, %dma_wait3A_239] : memref<10x100x64xf32, #tpu.memory_space<vmem>> -> memref<1x100x64xf32, #tpu.memory_space<vmem>>
      %dma_wait3A_241 = tpu.memref_squeeze %dma_wait3A_240 : memref<1x100x64xf32, #tpu.memory_space<vmem>> -> memref<100x64xf32, #tpu.memory_space<vmem>>
      %dma_wait3A_242 = arith.constant 0 : i32
      %dma_wait3A_243 = tpu.memref_slice %arg7[%add3A_235, %dma_wait3A_242] : memref<100x100xi32, #tpu.memory_space<vmem>> -> memref<1x100xi32, #tpu.memory_space<vmem>>
      %dma_wait3A_244 = tpu.memref_squeeze %dma_wait3A_243 : memref<1x100xi32, #tpu.memory_space<vmem>> -> memref<100xi32, #tpu.memory_space<vmem>>
      %dma_wait3A_245 = arith.constant 0 : i32
      %dma_wait3A_246 = arith.constant 0 : i32
      %dma_wait3A_247 = tpu.memref_slice %arg2[%dma_wait3A_245, %dma_wait3A_246] : memref<10000x64xf32, #tpu.memory_space<hbm>> -> memref<10000x64xf32, #tpu.memory_space<hbm>>
      tpu.wait_indirect_dma semaphore(%arg11 : memref<!tpu.dma_semaphore, #tpu.memory_space<semaphore_mem>>) src(%dma_wait3A_247 : memref<10000x64xf32, #tpu.memory_space<hbm>>) dst(%dma_wait3A_241 : memref<100x64xf32, #tpu.memory_space<vmem>>)
      %mul3A_248 = arith.constant 5 : i32
      %mul3A_249 = arith.muli %scan3A_177, %mul3A_248 : i32
      %add3A_250 = arith.constant 4 : i32
      %add3A_251 = arith.addi %mul3A_249, %add3A_250 : i32
      %add3A_252 = arith.constant 4 : i32
      %add3A_253 = arith.addi %mul3A_180, %add3A_252 : i32
      %dma_wait3A_254 = arith.constant 0 : i32
      %dma_wait3A_255 = arith.constant 0 : i32
      %dma_wait3A_256 = tpu.memref_slice %arg8[%add3A_253, %dma_wait3A_254, %dma_wait3A_255] : memref<10x100x64xf32, #tpu.memory_space<vmem>> -> memref<1x100x64xf32, #tpu.memory_space<vmem>>
      %dma_wait3A_257 = tpu.memref_squeeze %dma_wait3A_256 : memref<1x100x64xf32, #tpu.memory_space<vmem>> -> memref<100x64xf32, #tpu.memory_space<vmem>>
      %dma_wait3A_258 = arith.constant 0 : i32
      %dma_wait3A_259 = tpu.memref_slice %arg7[%add3A_251, %dma_wait3A_258] : memref<100x100xi32, #tpu.memory_space<vmem>> -> memref<1x100xi32, #tpu.memory_space<vmem>>
      %dma_wait3A_260 = tpu.memref_squeeze %dma_wait3A_259 : memref<1x100xi32, #tpu.memory_space<vmem>> -> memref<100xi32, #tpu.memory_space<vmem>>
      %dma_wait3A_261 = arith.constant 0 : i32
      %dma_wait3A_262 = arith.constant 0 : i32
      %dma_wait3A_263 = tpu.memref_slice %arg2[%dma_wait3A_261, %dma_wait3A_262] : memref<10000x64xf32, #tpu.memory_space<hbm>> -> memref<10000x64xf32, #tpu.memory_space<hbm>>
      tpu.wait_indirect_dma semaphore(%arg11 : memref<!tpu.dma_semaphore, #tpu.memory_space<semaphore_mem>>) src(%dma_wait3A_263 : memref<10000x64xf32, #tpu.memory_space<hbm>>) dst(%dma_wait3A_257 : memref<100x64xf32, #tpu.memory_space<vmem>>)
      %mul3A_264 = arith.constant 5 : i32
      %mul3A_265 = arith.muli %scan3A_177, %mul3A_264 : i32
      %add3A_266 = arith.constant 0 : i32
      %add3A_267 = arith.addi %mul3A_265, %add3A_266 : i32
      %add3A_268 = arith.constant 0 : i32
      %add3A_269 = arith.addi %mul3A_180, %add3A_268 : i32
      %dma_start3A_270 = arith.constant 0 : i32
      %dma_start3A_271 = arith.constant 0 : i32
      %dma_start3A_272 = tpu.memref_slice %arg8[%add3A_269, %dma_start3A_270, %dma_start3A_271] : memref<10x100x64xf32, #tpu.memory_space<vmem>> -> memref<1x100x64xf32, #tpu.memory_space<vmem>>
      %dma_start3A_273 = tpu.memref_squeeze %dma_start3A_272 : memref<1x100x64xf32, #tpu.memory_space<vmem>> -> memref<100x64xf32, #tpu.memory_space<vmem>>
      %dma_start3A_274 = arith.constant 0 : i32
      %dma_start3A_275 = tpu.memref_slice %arg6[%add3A_267, %dma_start3A_274] : memref<100x100xi32, #tpu.memory_space<vmem>> -> memref<1x100xi32, #tpu.memory_space<vmem>>
      %dma_start3A_276 = tpu.memref_squeeze %dma_start3A_275 : memref<1x100xi32, #tpu.memory_space<vmem>> -> memref<100xi32, #tpu.memory_space<vmem>>
      %dma_start3A_277 = arith.constant 0 : i32
      %dma_start3A_278 = arith.constant 0 : i32
      %dma_start3A_279 = tpu.memref_slice %arg9[%dma_start3A_277, %dma_start3A_278] : memref<10000x64xf32, #tpu.memory_space<vmem_shared>> -> memref<10000x64xf32, #tpu.memory_space<vmem_shared>>
      %dma_start3A_280 = tpu.memref_slice %arg12[%rem3A_178] : memref<2x!tpu.dma_semaphore, #tpu.memory_space<semaphore_mem>> -> memref<1x!tpu.dma_semaphore, #tpu.memory_space<semaphore_mem>>
      %dma_start3A_281 = tpu.memref_squeeze %dma_start3A_280 : memref<1x!tpu.dma_semaphore, #tpu.memory_space<semaphore_mem>> -> memref<!tpu.dma_semaphore, #tpu.memory_space<semaphore_mem>>
      tpu.enqueue_indirect_dma source(%dma_start3A_273 : memref<100x64xf32, #tpu.memory_space<vmem>>) target(%dma_start3A_279 : memref<10000x64xf32, #tpu.memory_space<vmem_shared>>) offsets(%dma_start3A_276 : memref<100xi32, #tpu.memory_space<vmem>>) semaphore(%dma_start3A_281 : memref<!tpu.dma_semaphore, #tpu.memory_space<semaphore_mem>>) {add = true}
      %mul3A_282 = arith.constant 5 : i32
      %mul3A_283 = arith.muli %scan3A_177, %mul3A_282 : i32
      %add3A_284 = arith.constant 1 : i32
      %add3A_285 = arith.addi %mul3A_283, %add3A_284 : i32
      %add3A_286 = arith.constant 1 : i32
      %add3A_287 = arith.addi %mul3A_180, %add3A_286 : i32
      %dma_start3A_288 = arith.constant 0 : i32
      %dma_start3A_289 = arith.constant 0 : i32
      %dma_start3A_290 = tpu.memref_slice %arg8[%add3A_287, %dma_start3A_288, %dma_start3A_289] : memref<10x100x64xf32, #tpu.memory_space<vmem>> -> memref<1x100x64xf32, #tpu.memory_space<vmem>>
      %dma_start3A_291 = tpu.memref_squeeze %dma_start3A_290 : memref<1x100x64xf32, #tpu.memory_space<vmem>> -> memref<100x64xf32, #tpu.memory_space<vmem>>
      %dma_start3A_292 = arith.constant 0 : i32
      %dma_start3A_293 = tpu.memref_slice %arg6[%add3A_285, %dma_start3A_292] : memref<100x100xi32, #tpu.memory_space<vmem>> -> memref<1x100xi32, #tpu.memory_space<vmem>>
      %dma_start3A_294 = tpu.memref_squeeze %dma_start3A_293 : memref<1x100xi32, #tpu.memory_space<vmem>> -> memref<100xi32, #tpu.memory_space<vmem>>
      %dma_start3A_295 = arith.constant 0 : i32
      %dma_start3A_296 = arith.constant 0 : i32
      %dma_start3A_297 = tpu.memref_slice %arg9[%dma_start3A_295, %dma_start3A_296] : memref<10000x64xf32, #tpu.memory_space<vmem_shared>> -> memref<10000x64xf32, #tpu.memory_space<vmem_shared>>
      %dma_start3A_298 = tpu.memref_slice %arg12[%rem3A_178] : memref<2x!tpu.dma_semaphore, #tpu.memory_space<semaphore_mem>> -> memref<1x!tpu.dma_semaphore, #tpu.memory_space<semaphore_mem>>
      %dma_start3A_299 = tpu.memref_squeeze %dma_start3A_298 : memref<1x!tpu.dma_semaphore, #tpu.memory_space<semaphore_mem>> -> memref<!tpu.dma_semaphore, #tpu.memory_space<semaphore_mem>>
      tpu.enqueue_indirect_dma source(%dma_start3A_291 : memref<100x64xf32, #tpu.memory_space<vmem>>) target(%dma_start3A_297 : memref<10000x64xf32, #tpu.memory_space<vmem_shared>>) offsets(%dma_start3A_294 : memref<100xi32, #tpu.memory_space<vmem>>) semaphore(%dma_start3A_299 : memref<!tpu.dma_semaphore, #tpu.memory_space<semaphore_mem>>) {add = true}
      %mul3A_300 = arith.constant 5 : i32
      %mul3A_301 = arith.muli %scan3A_177, %mul3A_300 : i32
      %add3A_302 = arith.constant 2 : i32
      %add3A_303 = arith.addi %mul3A_301, %add3A_302 : i32
      %add3A_304 = arith.constant 2 : i32
      %add3A_305 = arith.addi %mul3A_180, %add3A_304 : i32
      %dma_start3A_306 = arith.constant 0 : i32
      %dma_start3A_307 = arith.constant 0 : i32
      %dma_start3A_308 = tpu.memref_slice %arg8[%add3A_305, %dma_start3A_306, %dma_start3A_307] : memref<10x100x64xf32, #tpu.memory_space<vmem>> -> memref<1x100x64xf32, #tpu.memory_space<vmem>>
      %dma_start3A_309 = tpu.memref_squeeze %dma_start3A_308 : memref<1x100x64xf32, #tpu.memory_space<vmem>> -> memref<100x64xf32, #tpu.memory_space<vmem>>
      %dma_start3A_310 = arith.constant 0 : i32
      %dma_start3A_311 = tpu.memref_slice %arg6[%add3A_303, %dma_start3A_310] : memref<100x100xi32, #tpu.memory_space<vmem>> -> memref<1x100xi32, #tpu.memory_space<vmem>>
      %dma_start3A_312 = tpu.memref_squeeze %dma_start3A_311 : memref<1x100xi32, #tpu.memory_space<vmem>> -> memref<100xi32, #tpu.memory_space<vmem>>
      %dma_start3A_313 = arith.constant 0 : i32
      %dma_start3A_314 = arith.constant 0 : i32
      %dma_start3A_315 = tpu.memref_slice %arg9[%dma_start3A_313, %dma_start3A_314] : memref<10000x64xf32, #tpu.memory_space<vmem_shared>> -> memref<10000x64xf32, #tpu.memory_space<vmem_shared>>
      %dma_start3A_316 = tpu.memref_slice %arg12[%rem3A_178] : memref<2x!tpu.dma_semaphore, #tpu.memory_space<semaphore_mem>> -> memref<1x!tpu.dma_semaphore, #tpu.memory_space<semaphore_mem>>
      %dma_start3A_317 = tpu.memref_squeeze %dma_start3A_316 : memref<1x!tpu.dma_semaphore, #tpu.memory_space<semaphore_mem>> -> memref<!tpu.dma_semaphore, #tpu.memory_space<semaphore_mem>>
      tpu.enqueue_indirect_dma source(%dma_start3A_309 : memref<100x64xf32, #tpu.memory_space<vmem>>) target(%dma_start3A_315 : memref<10000x64xf32, #tpu.memory_space<vmem_shared>>) offsets(%dma_start3A_312 : memref<100xi32, #tpu.memory_space<vmem>>) semaphore(%dma_start3A_317 : memref<!tpu.dma_semaphore, #tpu.memory_space<semaphore_mem>>) {add = true}
      %mul3A_318 = arith.constant 5 : i32
      %mul3A_319 = arith.muli %scan3A_177, %mul3A_318 : i32
      %add3A_320 = arith.constant 3 : i32
      %add3A_321 = arith.addi %mul3A_319, %add3A_320 : i32
      %add3A_322 = arith.constant 3 : i32
      %add3A_323 = arith.addi %mul3A_180, %add3A_322 : i32
      %dma_start3A_324 = arith.constant 0 : i32
      %dma_start3A_325 = arith.constant 0 : i32
      %dma_start3A_326 = tpu.memref_slice %arg8[%add3A_323, %dma_start3A_324, %dma_start3A_325] : memref<10x100x64xf32, #tpu.memory_space<vmem>> -> memref<1x100x64xf32, #tpu.memory_space<vmem>>
      %dma_start3A_327 = tpu.memref_squeeze %dma_start3A_326 : memref<1x100x64xf32, #tpu.memory_space<vmem>> -> memref<100x64xf32, #tpu.memory_space<vmem>>
      %dma_start3A_328 = arith.constant 0 : i32
      %dma_start3A_329 = tpu.memref_slice %arg6[%add3A_321, %dma_start3A_328] : memref<100x100xi32, #tpu.memory_space<vmem>> -> memref<1x100xi32, #tpu.memory_space<vmem>>
      %dma_start3A_330 = tpu.memref_squeeze %dma_start3A_329 : memref<1x100xi32, #tpu.memory_space<vmem>> -> memref<100xi32, #tpu.memory_space<vmem>>
      %dma_start3A_331 = arith.constant 0 : i32
      %dma_start3A_332 = arith.constant 0 : i32
      %dma_start3A_333 = tpu.memref_slice %arg9[%dma_start3A_331, %dma_start3A_332] : memref<10000x64xf32, #tpu.memory_space<vmem_shared>> -> memref<10000x64xf32, #tpu.memory_space<vmem_shared>>
      %dma_start3A_334 = tpu.memref_slice %arg12[%rem3A_178] : memref<2x!tpu.dma_semaphore, #tpu.memory_space<semaphore_mem>> -> memref<1x!tpu.dma_semaphore, #tpu.memory_space<semaphore_mem>>
      %dma_start3A_335 = tpu.memref_squeeze %dma_start3A_334 : memref<1x!tpu.dma_semaphore, #tpu.memory_space<semaphore_mem>> -> memref<!tpu.dma_semaphore, #tpu.memory_space<semaphore_mem>>
      tpu.enqueue_indirect_dma source(%dma_start3A_327 : memref<100x64xf32, #tpu.memory_space<vmem>>) target(%dma_start3A_333 : memref<10000x64xf32, #tpu.memory_space<vmem_shared>>) offsets(%dma_start3A_330 : memref<100xi32, #tpu.memory_space<vmem>>) semaphore(%dma_start3A_335 : memref<!tpu.dma_semaphore, #tpu.memory_space<semaphore_mem>>) {add = true}
      %mul3A_336 = arith.constant 5 : i32
      %mul3A_337 = arith.muli %scan3A_177, %mul3A_336 : i32
      %add3A_338 = arith.constant 4 : i32
      %add3A_339 = arith.addi %mul3A_337, %add3A_338 : i32
      %add3A_340 = arith.constant 4 : i32
      %add3A_341 = arith.addi %mul3A_180, %add3A_340 : i32
      %dma_start3A_342 = arith.constant 0 : i32
      %dma_start3A_343 = arith.constant 0 : i32
      %dma_start3A_344 = tpu.memref_slice %arg8[%add3A_341, %dma_start3A_342, %dma_start3A_343] : memref<10x100x64xf32, #tpu.memory_space<vmem>> -> memref<1x100x64xf32, #tpu.memory_space<vmem>>
      %dma_start3A_345 = tpu.memref_squeeze %dma_start3A_344 : memref<1x100x64xf32, #tpu.memory_space<vmem>> -> memref<100x64xf32, #tpu.memory_space<vmem>>
      %dma_start3A_346 = arith.constant 0 : i32
      %dma_start3A_347 = tpu.memref_slice %arg6[%add3A_339, %dma_start3A_346] : memref<100x100xi32, #tpu.memory_space<vmem>> -> memref<1x100xi32, #tpu.memory_space<vmem>>
      %dma_start3A_348 = tpu.memref_squeeze %dma_start3A_347 : memref<1x100xi32, #tpu.memory_space<vmem>> -> memref<100xi32, #tpu.memory_space<vmem>>
      %dma_start3A_349 = arith.constant 0 : i32
      %dma_start3A_350 = arith.constant 0 : i32
      %dma_start3A_351 = tpu.memref_slice %arg9[%dma_start3A_349, %dma_start3A_350] : memref<10000x64xf32, #tpu.memory_space<vmem_shared>> -> memref<10000x64xf32, #tpu.memory_space<vmem_shared>>
      %dma_start3A_352 = tpu.memref_slice %arg12[%rem3A_178] : memref<2x!tpu.dma_semaphore, #tpu.memory_space<semaphore_mem>> -> memref<1x!tpu.dma_semaphore, #tpu.memory_space<semaphore_mem>>
      %dma_start3A_353 = tpu.memref_squeeze %dma_start3A_352 : memref<1x!tpu.dma_semaphore, #tpu.memory_space<semaphore_mem>> -> memref<!tpu.dma_semaphore, #tpu.memory_space<semaphore_mem>>
      tpu.enqueue_indirect_dma source(%dma_start3A_345 : memref<100x64xf32, #tpu.memory_space<vmem>>) target(%dma_start3A_351 : memref<10000x64xf32, #tpu.memory_space<vmem_shared>>) offsets(%dma_start3A_348 : memref<100xi32, #tpu.memory_space<vmem>>) semaphore(%dma_start3A_353 : memref<!tpu.dma_semaphore, #tpu.memory_space<semaphore_mem>>) {add = true}
      %ge3A = arith.constant 1 : i32
      %ge3A_354 = arith.cmpi sge, %scan3A_177, %ge3A : i32
      %convert_element_type3A_355 = arith.extui %ge3A_354 : i1 to i32
      %cond3A_356 = arith.constant 0 : i32
      %cond3A_357 = arith.cmpi ne, %convert_element_type3A_355, %cond3A_356 : i32
      scf.if %cond3A_357 {
        %sub3A_363 = arith.constant 1 : i32
        %sub3A_364 = arith.subi %scan3A_177, %sub3A_363 : i32
        %mul3A_365 = arith.constant 5 : i32
        %mul3A_366 = arith.muli %sub3A_364, %mul3A_365 : i32
        %add3A_367 = arith.constant 0 : i32
        %add3A_368 = arith.addi %mul3A_366, %add3A_367 : i32
        %add3A_369 = arith.constant 0 : i32
        %add3A_370 = arith.addi %mul3A_183, %add3A_369 : i32
        %sub3A_371 = arith.constant 1 : i32
        %sub3A_372 = arith.subi %sub3A_371, %rem3A_178 : i32
        %dma_wait3A_373 = arith.constant 0 : i32
        %dma_wait3A_374 = arith.constant 0 : i32
        %dma_wait3A_375 = tpu.memref_slice %arg8[%add3A_370, %dma_wait3A_373, %dma_wait3A_374] : memref<10x100x64xf32, #tpu.memory_space<vmem>> -> memref<1x100x64xf32, #tpu.memory_space<vmem>>
        %dma_wait3A_376 = tpu.memref_squeeze %dma_wait3A_375 : memref<1x100x64xf32, #tpu.memory_space<vmem>> -> memref<100x64xf32, #tpu.memory_space<vmem>>
        %dma_wait3A_377 = arith.constant 0 : i32
        %dma_wait3A_378 = tpu.memref_slice %arg6[%add3A_368, %dma_wait3A_377] : memref<100x100xi32, #tpu.memory_space<vmem>> -> memref<1x100xi32, #tpu.memory_space<vmem>>
        %dma_wait3A_379 = tpu.memref_squeeze %dma_wait3A_378 : memref<1x100xi32, #tpu.memory_space<vmem>> -> memref<100xi32, #tpu.memory_space<vmem>>
        %dma_wait3A_380 = arith.constant 0 : i32
        %dma_wait3A_381 = arith.constant 0 : i32
        %dma_wait3A_382 = tpu.memref_slice %arg9[%dma_wait3A_380, %dma_wait3A_381] : memref<10000x64xf32, #tpu.memory_space<vmem_shared>> -> memref<10000x64xf32, #tpu.memory_space<vmem_shared>>
        %dma_wait3A_383 = tpu.memref_slice %arg12[%sub3A_372] : memref<2x!tpu.dma_semaphore, #tpu.memory_space<semaphore_mem>> -> memref<1x!tpu.dma_semaphore, #tpu.memory_space<semaphore_mem>>
        %dma_wait3A_384 = tpu.memref_squeeze %dma_wait3A_383 : memref<1x!tpu.dma_semaphore, #tpu.memory_space<semaphore_mem>> -> memref<!tpu.dma_semaphore, #tpu.memory_space<semaphore_mem>>
        tpu.wait_indirect_dma semaphore(%dma_wait3A_384 : memref<!tpu.dma_semaphore, #tpu.memory_space<semaphore_mem>>) src(%dma_wait3A_376 : memref<100x64xf32, #tpu.memory_space<vmem>>) dst(%dma_wait3A_382 : memref<10000x64xf32, #tpu.memory_space<vmem_shared>>)
        %sub3A_385 = arith.constant 1 : i32
        %sub3A_386 = arith.subi %scan3A_177, %sub3A_385 : i32
        %mul3A_387 = arith.constant 5 : i32
        %mul3A_388 = arith.muli %sub3A_386, %mul3A_387 : i32
        %add3A_389 = arith.constant 1 : i32
        %add3A_390 = arith.addi %mul3A_388, %add3A_389 : i32
        %add3A_391 = arith.constant 1 : i32
        %add3A_392 = arith.addi %mul3A_183, %add3A_391 : i32
        %sub3A_393 = arith.constant 1 : i32
        %sub3A_394 = arith.subi %sub3A_393, %rem3A_178 : i32
        %dma_wait3A_395 = arith.constant 0 : i32
        %dma_wait3A_396 = arith.constant 0 : i32
        %dma_wait3A_397 = tpu.memref_slice %arg8[%add3A_392, %dma_wait3A_395, %dma_wait3A_396] : memref<10x100x64xf32, #tpu.memory_space<vmem>> -> memref<1x100x64xf32, #tpu.memory_space<vmem>>
        %dma_wait3A_398 = tpu.memref_squeeze %dma_wait3A_397 : memref<1x100x64xf32, #tpu.memory_space<vmem>> -> memref<100x64xf32, #tpu.memory_space<vmem>>
        %dma_wait3A_399 = arith.constant 0 : i32
        %dma_wait3A_400 = tpu.memref_slice %arg6[%add3A_390, %dma_wait3A_399] : memref<100x100xi32, #tpu.memory_space<vmem>> -> memref<1x100xi32, #tpu.memory_space<vmem>>
        %dma_wait3A_401 = tpu.memref_squeeze %dma_wait3A_400 : memref<1x100xi32, #tpu.memory_space<vmem>> -> memref<100xi32, #tpu.memory_space<vmem>>
        %dma_wait3A_402 = arith.constant 0 : i32
        %dma_wait3A_403 = arith.constant 0 : i32
        %dma_wait3A_404 = tpu.memref_slice %arg9[%dma_wait3A_402, %dma_wait3A_403] : memref<10000x64xf32, #tpu.memory_space<vmem_shared>> -> memref<10000x64xf32, #tpu.memory_space<vmem_shared>>
        %dma_wait3A_405 = tpu.memref_slice %arg12[%sub3A_394] : memref<2x!tpu.dma_semaphore, #tpu.memory_space<semaphore_mem>> -> memref<1x!tpu.dma_semaphore, #tpu.memory_space<semaphore_mem>>
        %dma_wait3A_406 = tpu.memref_squeeze %dma_wait3A_405 : memref<1x!tpu.dma_semaphore, #tpu.memory_space<semaphore_mem>> -> memref<!tpu.dma_semaphore, #tpu.memory_space<semaphore_mem>>
        tpu.wait_indirect_dma semaphore(%dma_wait3A_406 : memref<!tpu.dma_semaphore, #tpu.memory_space<semaphore_mem>>) src(%dma_wait3A_398 : memref<100x64xf32, #tpu.memory_space<vmem>>) dst(%dma_wait3A_404 : memref<10000x64xf32, #tpu.memory_space<vmem_shared>>)
        %sub3A_407 = arith.constant 1 : i32
        %sub3A_408 = arith.subi %scan3A_177, %sub3A_407 : i32
        %mul3A_409 = arith.constant 5 : i32
        %mul3A_410 = arith.muli %sub3A_408, %mul3A_409 : i32
        %add3A_411 = arith.constant 2 : i32
        %add3A_412 = arith.addi %mul3A_410, %add3A_411 : i32
        %add3A_413 = arith.constant 2 : i32
        %add3A_414 = arith.addi %mul3A_183, %add3A_413 : i32
        %sub3A_415 = arith.constant 1 : i32
        %sub3A_416 = arith.subi %sub3A_415, %rem3A_178 : i32
        %dma_wait3A_417 = arith.constant 0 : i32
        %dma_wait3A_418 = arith.constant 0 : i32
        %dma_wait3A_419 = tpu.memref_slice %arg8[%add3A_414, %dma_wait3A_417, %dma_wait3A_418] : memref<10x100x64xf32, #tpu.memory_space<vmem>> -> memref<1x100x64xf32, #tpu.memory_space<vmem>>
        %dma_wait3A_420 = tpu.memref_squeeze %dma_wait3A_419 : memref<1x100x64xf32, #tpu.memory_space<vmem>> -> memref<100x64xf32, #tpu.memory_space<vmem>>
        %dma_wait3A_421 = arith.constant 0 : i32
        %dma_wait3A_422 = tpu.memref_slice %arg6[%add3A_412, %dma_wait3A_421] : memref<100x100xi32, #tpu.memory_space<vmem>> -> memref<1x100xi32, #tpu.memory_space<vmem>>
        %dma_wait3A_423 = tpu.memref_squeeze %dma_wait3A_422 : memref<1x100xi32, #tpu.memory_space<vmem>> -> memref<100xi32, #tpu.memory_space<vmem>>
        %dma_wait3A_424 = arith.constant 0 : i32
        %dma_wait3A_425 = arith.constant 0 : i32
        %dma_wait3A_426 = tpu.memref_slice %arg9[%dma_wait3A_424, %dma_wait3A_425] : memref<10000x64xf32, #tpu.memory_space<vmem_shared>> -> memref<10000x64xf32, #tpu.memory_space<vmem_shared>>
        %dma_wait3A_427 = tpu.memref_slice %arg12[%sub3A_416] : memref<2x!tpu.dma_semaphore, #tpu.memory_space<semaphore_mem>> -> memref<1x!tpu.dma_semaphore, #tpu.memory_space<semaphore_mem>>
        %dma_wait3A_428 = tpu.memref_squeeze %dma_wait3A_427 : memref<1x!tpu.dma_semaphore, #tpu.memory_space<semaphore_mem>> -> memref<!tpu.dma_semaphore, #tpu.memory_space<semaphore_mem>>
        tpu.wait_indirect_dma semaphore(%dma_wait3A_428 : memref<!tpu.dma_semaphore, #tpu.memory_space<semaphore_mem>>) src(%dma_wait3A_420 : memref<100x64xf32, #tpu.memory_space<vmem>>) dst(%dma_wait3A_426 : memref<10000x64xf32, #tpu.memory_space<vmem_shared>>)
        %sub3A_429 = arith.constant 1 : i32
        %sub3A_430 = arith.subi %scan3A_177, %sub3A_429 : i32
        %mul3A_431 = arith.constant 5 : i32
        %mul3A_432 = arith.muli %sub3A_430, %mul3A_431 : i32
        %add3A_433 = arith.constant 3 : i32
        %add3A_434 = arith.addi %mul3A_432, %add3A_433 : i32
        %add3A_435 = arith.constant 3 : i32
        %add3A_436 = arith.addi %mul3A_183, %add3A_435 : i32
        %sub3A_437 = arith.constant 1 : i32
        %sub3A_438 = arith.subi %sub3A_437, %rem3A_178 : i32
        %dma_wait3A_439 = arith.constant 0 : i32
        %dma_wait3A_440 = arith.constant 0 : i32
        %dma_wait3A_441 = tpu.memref_slice %arg8[%add3A_436, %dma_wait3A_439, %dma_wait3A_440] : memref<10x100x64xf32, #tpu.memory_space<vmem>> -> memref<1x100x64xf32, #tpu.memory_space<vmem>>
        %dma_wait3A_442 = tpu.memref_squeeze %dma_wait3A_441 : memref<1x100x64xf32, #tpu.memory_space<vmem>> -> memref<100x64xf32, #tpu.memory_space<vmem>>
        %dma_wait3A_443 = arith.constant 0 : i32
        %dma_wait3A_444 = tpu.memref_slice %arg6[%add3A_434, %dma_wait3A_443] : memref<100x100xi32, #tpu.memory_space<vmem>> -> memref<1x100xi32, #tpu.memory_space<vmem>>
        %dma_wait3A_445 = tpu.memref_squeeze %dma_wait3A_444 : memref<1x100xi32, #tpu.memory_space<vmem>> -> memref<100xi32, #tpu.memory_space<vmem>>
        %dma_wait3A_446 = arith.constant 0 : i32
        %dma_wait3A_447 = arith.constant 0 : i32
        %dma_wait3A_448 = tpu.memref_slice %arg9[%dma_wait3A_446, %dma_wait3A_447] : memref<10000x64xf32, #tpu.memory_space<vmem_shared>> -> memref<10000x64xf32, #tpu.memory_space<vmem_shared>>
        %dma_wait3A_449 = tpu.memref_slice %arg12[%sub3A_438] : memref<2x!tpu.dma_semaphore, #tpu.memory_space<semaphore_mem>> -> memref<1x!tpu.dma_semaphore, #tpu.memory_space<semaphore_mem>>
        %dma_wait3A_450 = tpu.memref_squeeze %dma_wait3A_449 : memref<1x!tpu.dma_semaphore, #tpu.memory_space<semaphore_mem>> -> memref<!tpu.dma_semaphore, #tpu.memory_space<semaphore_mem>>
        tpu.wait_indirect_dma semaphore(%dma_wait3A_450 : memref<!tpu.dma_semaphore, #tpu.memory_space<semaphore_mem>>) src(%dma_wait3A_442 : memref<100x64xf32, #tpu.memory_space<vmem>>) dst(%dma_wait3A_448 : memref<10000x64xf32, #tpu.memory_space<vmem_shared>>)
        %sub3A_451 = arith.constant 1 : i32
        %sub3A_452 = arith.subi %scan3A_177, %sub3A_451 : i32
        %mul3A_453 = arith.constant 5 : i32
        %mul3A_454 = arith.muli %sub3A_452, %mul3A_453 : i32
        %add3A_455 = arith.constant 4 : i32
        %add3A_456 = arith.addi %mul3A_454, %add3A_455 : i32
        %add3A_457 = arith.constant 4 : i32
        %add3A_458 = arith.addi %mul3A_183, %add3A_457 : i32
        %sub3A_459 = arith.constant 1 : i32
        %sub3A_460 = arith.subi %sub3A_459, %rem3A_178 : i32
        %dma_wait3A_461 = arith.constant 0 : i32
        %dma_wait3A_462 = arith.constant 0 : i32
        %dma_wait3A_463 = tpu.memref_slice %arg8[%add3A_458, %dma_wait3A_461, %dma_wait3A_462] : memref<10x100x64xf32, #tpu.memory_space<vmem>> -> memref<1x100x64xf32, #tpu.memory_space<vmem>>
        %dma_wait3A_464 = tpu.memref_squeeze %dma_wait3A_463 : memref<1x100x64xf32, #tpu.memory_space<vmem>> -> memref<100x64xf32, #tpu.memory_space<vmem>>
        %dma_wait3A_465 = arith.constant 0 : i32
        %dma_wait3A_466 = tpu.memref_slice %arg6[%add3A_456, %dma_wait3A_465] : memref<100x100xi32, #tpu.memory_space<vmem>> -> memref<1x100xi32, #tpu.memory_space<vmem>>
        %dma_wait3A_467 = tpu.memref_squeeze %dma_wait3A_466 : memref<1x100xi32, #tpu.memory_space<vmem>> -> memref<100xi32, #tpu.memory_space<vmem>>
        %dma_wait3A_468 = arith.constant 0 : i32
        %dma_wait3A_469 = arith.constant 0 : i32
        %dma_wait3A_470 = tpu.memref_slice %arg9[%dma_wait3A_468, %dma_wait3A_469] : memref<10000x64xf32, #tpu.memory_space<vmem_shared>> -> memref<10000x64xf32, #tpu.memory_space<vmem_shared>>
        %dma_wait3A_471 = tpu.memref_slice %arg12[%sub3A_460] : memref<2x!tpu.dma_semaphore, #tpu.memory_space<semaphore_mem>> -> memref<1x!tpu.dma_semaphore, #tpu.memory_space<semaphore_mem>>
        %dma_wait3A_472 = tpu.memref_squeeze %dma_wait3A_471 : memref<1x!tpu.dma_semaphore, #tpu.memory_space<semaphore_mem>> -> memref<!tpu.dma_semaphore, #tpu.memory_space<semaphore_mem>>
        tpu.wait_indirect_dma semaphore(%dma_wait3A_472 : memref<!tpu.dma_semaphore, #tpu.memory_space<semaphore_mem>>) src(%dma_wait3A_464 : memref<100x64xf32, #tpu.memory_space<vmem>>) dst(%dma_wait3A_470 : memref<10000x64xf32, #tpu.memory_space<vmem_shared>>)
      } else {
      }
      %lt3A_358 = arith.constant 19 : i32
      %lt3A_359 = arith.cmpi slt, %scan3A_177, %lt3A_358 : i32
      %convert_element_type3A_360 = arith.extui %lt3A_359 : i1 to i32
      %cond3A_361 = arith.constant 0 : i32
      %cond3A_362 = arith.cmpi ne, %convert_element_type3A_360, %cond3A_361 : i32
      scf.if %cond3A_362 {
        %add3A_363 = arith.constant 1 : i32
        %add3A_364 = arith.addi %scan3A_177, %add3A_363 : i32
        %mul3A_365 = arith.constant 5 : i32
        %mul3A_366 = arith.muli %add3A_364, %mul3A_365 : i32
        %add3A_367 = arith.constant 0 : i32
        %add3A_368 = arith.addi %mul3A_366, %add3A_367 : i32
        %add3A_369 = arith.constant 0 : i32
        %add3A_370 = arith.addi %mul3A_183, %add3A_369 : i32
        %dma_start3A_371 = arith.constant 0 : i32
        %dma_start3A_372 = arith.constant 0 : i32
        %dma_start3A_373 = tpu.memref_slice %arg8[%add3A_370, %dma_start3A_371, %dma_start3A_372] : memref<10x100x64xf32, #tpu.memory_space<vmem>> -> memref<1x100x64xf32, #tpu.memory_space<vmem>>
        %dma_start3A_374 = tpu.memref_squeeze %dma_start3A_373 : memref<1x100x64xf32, #tpu.memory_space<vmem>> -> memref<100x64xf32, #tpu.memory_space<vmem>>
        %dma_start3A_375 = arith.constant 0 : i32
        %dma_start3A_376 = tpu.memref_slice %arg7[%add3A_368, %dma_start3A_375] : memref<100x100xi32, #tpu.memory_space<vmem>> -> memref<1x100xi32, #tpu.memory_space<vmem>>
        %dma_start3A_377 = tpu.memref_squeeze %dma_start3A_376 : memref<1x100xi32, #tpu.memory_space<vmem>> -> memref<100xi32, #tpu.memory_space<vmem>>
        %dma_start3A_378 = arith.constant 0 : i32
        %dma_start3A_379 = arith.constant 0 : i32
        %dma_start3A_380 = tpu.memref_slice %arg2[%dma_start3A_378, %dma_start3A_379] : memref<10000x64xf32, #tpu.memory_space<hbm>> -> memref<10000x64xf32, #tpu.memory_space<hbm>>
        tpu.enqueue_indirect_dma source(%dma_start3A_380 : memref<10000x64xf32, #tpu.memory_space<hbm>>) target(%dma_start3A_374 : memref<100x64xf32, #tpu.memory_space<vmem>>) offsets(%dma_start3A_377 : memref<100xi32, #tpu.memory_space<vmem>>) semaphore(%arg11 : memref<!tpu.dma_semaphore, #tpu.memory_space<semaphore_mem>>)
        %add3A_381 = arith.constant 1 : i32
        %add3A_382 = arith.addi %scan3A_177, %add3A_381 : i32
        %mul3A_383 = arith.constant 5 : i32
        %mul3A_384 = arith.muli %add3A_382, %mul3A_383 : i32
        %add3A_385 = arith.constant 1 : i32
        %add3A_386 = arith.addi %mul3A_384, %add3A_385 : i32
        %add3A_387 = arith.constant 1 : i32
        %add3A_388 = arith.addi %mul3A_183, %add3A_387 : i32
        %dma_start3A_389 = arith.constant 0 : i32
        %dma_start3A_390 = arith.constant 0 : i32
        %dma_start3A_391 = tpu.memref_slice %arg8[%add3A_388, %dma_start3A_389, %dma_start3A_390] : memref<10x100x64xf32, #tpu.memory_space<vmem>> -> memref<1x100x64xf32, #tpu.memory_space<vmem>>
        %dma_start3A_392 = tpu.memref_squeeze %dma_start3A_391 : memref<1x100x64xf32, #tpu.memory_space<vmem>> -> memref<100x64xf32, #tpu.memory_space<vmem>>
        %dma_start3A_393 = arith.constant 0 : i32
        %dma_start3A_394 = tpu.memref_slice %arg7[%add3A_386, %dma_start3A_393] : memref<100x100xi32, #tpu.memory_space<vmem>> -> memref<1x100xi32, #tpu.memory_space<vmem>>
        %dma_start3A_395 = tpu.memref_squeeze %dma_start3A_394 : memref<1x100xi32, #tpu.memory_space<vmem>> -> memref<100xi32, #tpu.memory_space<vmem>>
        %dma_start3A_396 = arith.constant 0 : i32
        %dma_start3A_397 = arith.constant 0 : i32
        %dma_start3A_398 = tpu.memref_slice %arg2[%dma_start3A_396, %dma_start3A_397] : memref<10000x64xf32, #tpu.memory_space<hbm>> -> memref<10000x64xf32, #tpu.memory_space<hbm>>
        tpu.enqueue_indirect_dma source(%dma_start3A_398 : memref<10000x64xf32, #tpu.memory_space<hbm>>) target(%dma_start3A_392 : memref<100x64xf32, #tpu.memory_space<vmem>>) offsets(%dma_start3A_395 : memref<100xi32, #tpu.memory_space<vmem>>) semaphore(%arg11 : memref<!tpu.dma_semaphore, #tpu.memory_space<semaphore_mem>>)
        %add3A_399 = arith.constant 1 : i32
        %add3A_400 = arith.addi %scan3A_177, %add3A_399 : i32
        %mul3A_401 = arith.constant 5 : i32
        %mul3A_402 = arith.muli %add3A_400, %mul3A_401 : i32
        %add3A_403 = arith.constant 2 : i32
        %add3A_404 = arith.addi %mul3A_402, %add3A_403 : i32
        %add3A_405 = arith.constant 2 : i32
        %add3A_406 = arith.addi %mul3A_183, %add3A_405 : i32
        %dma_start3A_407 = arith.constant 0 : i32
        %dma_start3A_408 = arith.constant 0 : i32
        %dma_start3A_409 = tpu.memref_slice %arg8[%add3A_406, %dma_start3A_407, %dma_start3A_408] : memref<10x100x64xf32, #tpu.memory_space<vmem>> -> memref<1x100x64xf32, #tpu.memory_space<vmem>>
        %dma_start3A_410 = tpu.memref_squeeze %dma_start3A_409 : memref<1x100x64xf32, #tpu.memory_space<vmem>> -> memref<100x64xf32, #tpu.memory_space<vmem>>
        %dma_start3A_411 = arith.constant 0 : i32
        %dma_start3A_412 = tpu.memref_slice %arg7[%add3A_404, %dma_start3A_411] : memref<100x100xi32, #tpu.memory_space<vmem>> -> memref<1x100xi32, #tpu.memory_space<vmem>>
        %dma_start3A_413 = tpu.memref_squeeze %dma_start3A_412 : memref<1x100xi32, #tpu.memory_space<vmem>> -> memref<100xi32, #tpu.memory_space<vmem>>
        %dma_start3A_414 = arith.constant 0 : i32
        %dma_start3A_415 = arith.constant 0 : i32
        %dma_start3A_416 = tpu.memref_slice %arg2[%dma_start3A_414, %dma_start3A_415] : memref<10000x64xf32, #tpu.memory_space<hbm>> -> memref<10000x64xf32, #tpu.memory_space<hbm>>
        tpu.enqueue_indirect_dma source(%dma_start3A_416 : memref<10000x64xf32, #tpu.memory_space<hbm>>) target(%dma_start3A_410 : memref<100x64xf32, #tpu.memory_space<vmem>>) offsets(%dma_start3A_413 : memref<100xi32, #tpu.memory_space<vmem>>) semaphore(%arg11 : memref<!tpu.dma_semaphore, #tpu.memory_space<semaphore_mem>>)
        %add3A_417 = arith.constant 1 : i32
        %add3A_418 = arith.addi %scan3A_177, %add3A_417 : i32
        %mul3A_419 = arith.constant 5 : i32
        %mul3A_420 = arith.muli %add3A_418, %mul3A_419 : i32
        %add3A_421 = arith.constant 3 : i32
        %add3A_422 = arith.addi %mul3A_420, %add3A_421 : i32
        %add3A_423 = arith.constant 3 : i32
        %add3A_424 = arith.addi %mul3A_183, %add3A_423 : i32
        %dma_start3A_425 = arith.constant 0 : i32
        %dma_start3A_426 = arith.constant 0 : i32
        %dma_start3A_427 = tpu.memref_slice %arg8[%add3A_424, %dma_start3A_425, %dma_start3A_426] : memref<10x100x64xf32, #tpu.memory_space<vmem>> -> memref<1x100x64xf32, #tpu.memory_space<vmem>>
        %dma_start3A_428 = tpu.memref_squeeze %dma_start3A_427 : memref<1x100x64xf32, #tpu.memory_space<vmem>> -> memref<100x64xf32, #tpu.memory_space<vmem>>
        %dma_start3A_429 = arith.constant 0 : i32
        %dma_start3A_430 = tpu.memref_slice %arg7[%add3A_422, %dma_start3A_429] : memref<100x100xi32, #tpu.memory_space<vmem>> -> memref<1x100xi32, #tpu.memory_space<vmem>>
        %dma_start3A_431 = tpu.memref_squeeze %dma_start3A_430 : memref<1x100xi32, #tpu.memory_space<vmem>> -> memref<100xi32, #tpu.memory_space<vmem>>
        %dma_start3A_432 = arith.constant 0 : i32
        %dma_start3A_433 = arith.constant 0 : i32
        %dma_start3A_434 = tpu.memref_slice %arg2[%dma_start3A_432, %dma_start3A_433] : memref<10000x64xf32, #tpu.memory_space<hbm>> -> memref<10000x64xf32, #tpu.memory_space<hbm>>
        tpu.enqueue_indirect_dma source(%dma_start3A_434 : memref<10000x64xf32, #tpu.memory_space<hbm>>) target(%dma_start3A_428 : memref<100x64xf32, #tpu.memory_space<vmem>>) offsets(%dma_start3A_431 : memref<100xi32, #tpu.memory_space<vmem>>) semaphore(%arg11 : memref<!tpu.dma_semaphore, #tpu.memory_space<semaphore_mem>>)
        %add3A_435 = arith.constant 1 : i32
        %add3A_436 = arith.addi %scan3A_177, %add3A_435 : i32
        %mul3A_437 = arith.constant 5 : i32
        %mul3A_438 = arith.muli %add3A_436, %mul3A_437 : i32
        %add3A_439 = arith.constant 4 : i32
        %add3A_440 = arith.addi %mul3A_438, %add3A_439 : i32
        %add3A_441 = arith.constant 4 : i32
        %add3A_442 = arith.addi %mul3A_183, %add3A_441 : i32
        %dma_start3A_443 = arith.constant 0 : i32
        %dma_start3A_444 = arith.constant 0 : i32
        %dma_start3A_445 = tpu.memref_slice %arg8[%add3A_442, %dma_start3A_443, %dma_start3A_444] : memref<10x100x64xf32, #tpu.memory_space<vmem>> -> memref<1x100x64xf32, #tpu.memory_space<vmem>>
        %dma_start3A_446 = tpu.memref_squeeze %dma_start3A_445 : memref<1x100x64xf32, #tpu.memory_space<vmem>> -> memref<100x64xf32, #tpu.memory_space<vmem>>
        %dma_start3A_447 = arith.constant 0 : i32
        %dma_start3A_448 = tpu.memref_slice %arg7[%add3A_440, %dma_start3A_447] : memref<100x100xi32, #tpu.memory_space<vmem>> -> memref<1x100xi32, #tpu.memory_space<vmem>>
        %dma_start3A_449 = tpu.memref_squeeze %dma_start3A_448 : memref<1x100xi32, #tpu.memory_space<vmem>> -> memref<100xi32, #tpu.memory_space<vmem>>
        %dma_start3A_450 = arith.constant 0 : i32
        %dma_start3A_451 = arith.constant 0 : i32
        %dma_start3A_452 = tpu.memref_slice %arg2[%dma_start3A_450, %dma_start3A_451] : memref<10000x64xf32, #tpu.memory_space<hbm>> -> memref<10000x64xf32, #tpu.memory_space<hbm>>
        tpu.enqueue_indirect_dma source(%dma_start3A_452 : memref<10000x64xf32, #tpu.memory_space<hbm>>) target(%dma_start3A_446 : memref<100x64xf32, #tpu.memory_space<vmem>>) offsets(%dma_start3A_449 : memref<100xi32, #tpu.memory_space<vmem>>) semaphore(%arg11 : memref<!tpu.dma_semaphore, #tpu.memory_space<semaphore_mem>>)
      } else {
      }
    }
    %scan3A_90 = arith.constant 20 : i32
    %dma_wait3A_91 = arith.constant 5 : i32
    %dma_wait3A_92 = arith.constant 95 : i32
    %dma_wait3A_93 = arith.constant 1 : i32
    %dma_wait3A_94 = arith.constant 0 : i32
    %dma_wait3A_95 = arith.constant 0 : i32
    %dma_wait3A_96 = tpu.memref_slice %arg8[%dma_wait3A_91, %dma_wait3A_94, %dma_wait3A_95] : memref<10x100x64xf32, #tpu.memory_space<vmem>> -> memref<1x100x64xf32, #tpu.memory_space<vmem>>
    %dma_wait3A_97 = tpu.memref_squeeze %dma_wait3A_96 : memref<1x100x64xf32, #tpu.memory_space<vmem>> -> memref<100x64xf32, #tpu.memory_space<vmem>>
    %dma_wait3A_98 = arith.constant 0 : i32
    %dma_wait3A_99 = tpu.memref_slice %arg6[%dma_wait3A_92, %dma_wait3A_98] : memref<100x100xi32, #tpu.memory_space<vmem>> -> memref<1x100xi32, #tpu.memory_space<vmem>>
    %dma_wait3A_100 = tpu.memref_squeeze %dma_wait3A_99 : memref<1x100xi32, #tpu.memory_space<vmem>> -> memref<100xi32, #tpu.memory_space<vmem>>
    %dma_wait3A_101 = arith.constant 0 : i32
    %dma_wait3A_102 = arith.constant 0 : i32
    %dma_wait3A_103 = tpu.memref_slice %arg9[%dma_wait3A_101, %dma_wait3A_102] : memref<10000x64xf32, #tpu.memory_space<vmem_shared>> -> memref<10000x64xf32, #tpu.memory_space<vmem_shared>>
    %dma_wait3A_104 = tpu.memref_slice %arg12[%dma_wait3A_93] : memref<2x!tpu.dma_semaphore, #tpu.memory_space<semaphore_mem>> -> memref<1x!tpu.dma_semaphore, #tpu.memory_space<semaphore_mem>>
    %dma_wait3A_105 = tpu.memref_squeeze %dma_wait3A_104 : memref<1x!tpu.dma_semaphore, #tpu.memory_space<semaphore_mem>> -> memref<!tpu.dma_semaphore, #tpu.memory_space<semaphore_mem>>
    tpu.wait_indirect_dma semaphore(%dma_wait3A_105 : memref<!tpu.dma_semaphore, #tpu.memory_space<semaphore_mem>>) src(%dma_wait3A_97 : memref<100x64xf32, #tpu.memory_space<vmem>>) dst(%dma_wait3A_103 : memref<10000x64xf32, #tpu.memory_space<vmem_shared>>)
    %dma_wait3A_106 = arith.constant 6 : i32
    %dma_wait3A_107 = arith.constant 96 : i32
    %dma_wait3A_108 = arith.constant 1 : i32
    %dma_wait3A_109 = arith.constant 0 : i32
    %dma_wait3A_110 = arith.constant 0 : i32
    %dma_wait3A_111 = tpu.memref_slice %arg8[%dma_wait3A_106, %dma_wait3A_109, %dma_wait3A_110] : memref<10x100x64xf32, #tpu.memory_space<vmem>> -> memref<1x100x64xf32, #tpu.memory_space<vmem>>
    %dma_wait3A_112 = tpu.memref_squeeze %dma_wait3A_111 : memref<1x100x64xf32, #tpu.memory_space<vmem>> -> memref<100x64xf32, #tpu.memory_space<vmem>>
    %dma_wait3A_113 = arith.constant 0 : i32
    %dma_wait3A_114 = tpu.memref_slice %arg6[%dma_wait3A_107, %dma_wait3A_113] : memref<100x100xi32, #tpu.memory_space<vmem>> -> memref<1x100xi32, #tpu.memory_space<vmem>>
    %dma_wait3A_115 = tpu.memref_squeeze %dma_wait3A_114 : memref<1x100xi32, #tpu.memory_space<vmem>> -> memref<100xi32, #tpu.memory_space<vmem>>
    %dma_wait3A_116 = arith.constant 0 : i32
    %dma_wait3A_117 = arith.constant 0 : i32
    %dma_wait3A_118 = tpu.memref_slice %arg9[%dma_wait3A_116, %dma_wait3A_117] : memref<10000x64xf32, #tpu.memory_space<vmem_shared>> -> memref<10000x64xf32, #tpu.memory_space<vmem_shared>>
    %dma_wait3A_119 = tpu.memref_slice %arg12[%dma_wait3A_108] : memref<2x!tpu.dma_semaphore, #tpu.memory_space<semaphore_mem>> -> memref<1x!tpu.dma_semaphore, #tpu.memory_space<semaphore_mem>>
    %dma_wait3A_120 = tpu.memref_squeeze %dma_wait3A_119 : memref<1x!tpu.dma_semaphore, #tpu.memory_space<semaphore_mem>> -> memref<!tpu.dma_semaphore, #tpu.memory_space<semaphore_mem>>
    tpu.wait_indirect_dma semaphore(%dma_wait3A_120 : memref<!tpu.dma_semaphore, #tpu.memory_space<semaphore_mem>>) src(%dma_wait3A_112 : memref<100x64xf32, #tpu.memory_space<vmem>>) dst(%dma_wait3A_118 : memref<10000x64xf32, #tpu.memory_space<vmem_shared>>)
    %dma_wait3A_121 = arith.constant 7 : i32
    %dma_wait3A_122 = arith.constant 97 : i32
    %dma_wait3A_123 = arith.constant 1 : i32
    %dma_wait3A_124 = arith.constant 0 : i32
    %dma_wait3A_125 = arith.constant 0 : i32
    %dma_wait3A_126 = tpu.memref_slice %arg8[%dma_wait3A_121, %dma_wait3A_124, %dma_wait3A_125] : memref<10x100x64xf32, #tpu.memory_space<vmem>> -> memref<1x100x64xf32, #tpu.memory_space<vmem>>
    %dma_wait3A_127 = tpu.memref_squeeze %dma_wait3A_126 : memref<1x100x64xf32, #tpu.memory_space<vmem>> -> memref<100x64xf32, #tpu.memory_space<vmem>>
    %dma_wait3A_128 = arith.constant 0 : i32
    %dma_wait3A_129 = tpu.memref_slice %arg6[%dma_wait3A_122, %dma_wait3A_128] : memref<100x100xi32, #tpu.memory_space<vmem>> -> memref<1x100xi32, #tpu.memory_space<vmem>>
    %dma_wait3A_130 = tpu.memref_squeeze %dma_wait3A_129 : memref<1x100xi32, #tpu.memory_space<vmem>> -> memref<100xi32, #tpu.memory_space<vmem>>
    %dma_wait3A_131 = arith.constant 0 : i32
    %dma_wait3A_132 = arith.constant 0 : i32
    %dma_wait3A_133 = tpu.memref_slice %arg9[%dma_wait3A_131, %dma_wait3A_132] : memref<10000x64xf32, #tpu.memory_space<vmem_shared>> -> memref<10000x64xf32, #tpu.memory_space<vmem_shared>>
    %dma_wait3A_134 = tpu.memref_slice %arg12[%dma_wait3A_123] : memref<2x!tpu.dma_semaphore, #tpu.memory_space<semaphore_mem>> -> memref<1x!tpu.dma_semaphore, #tpu.memory_space<semaphore_mem>>
    %dma_wait3A_135 = tpu.memref_squeeze %dma_wait3A_134 : memref<1x!tpu.dma_semaphore, #tpu.memory_space<semaphore_mem>> -> memref<!tpu.dma_semaphore, #tpu.memory_space<semaphore_mem>>
    tpu.wait_indirect_dma semaphore(%dma_wait3A_135 : memref<!tpu.dma_semaphore, #tpu.memory_space<semaphore_mem>>) src(%dma_wait3A_127 : memref<100x64xf32, #tpu.memory_space<vmem>>) dst(%dma_wait3A_133 : memref<10000x64xf32, #tpu.memory_space<vmem_shared>>)
    %dma_wait3A_136 = arith.constant 8 : i32
    %dma_wait3A_137 = arith.constant 98 : i32
    %dma_wait3A_138 = arith.constant 1 : i32
    %dma_wait3A_139 = arith.constant 0 : i32
    %dma_wait3A_140 = arith.constant 0 : i32
    %dma_wait3A_141 = tpu.memref_slice %arg8[%dma_wait3A_136, %dma_wait3A_139, %dma_wait3A_140] : memref<10x100x64xf32, #tpu.memory_space<vmem>> -> memref<1x100x64xf32, #tpu.memory_space<vmem>>
    %dma_wait3A_142 = tpu.memref_squeeze %dma_wait3A_141 : memref<1x100x64xf32, #tpu.memory_space<vmem>> -> memref<100x64xf32, #tpu.memory_space<vmem>>
    %dma_wait3A_143 = arith.constant 0 : i32
    %dma_wait3A_144 = tpu.memref_slice %arg6[%dma_wait3A_137, %dma_wait3A_143] : memref<100x100xi32, #tpu.memory_space<vmem>> -> memref<1x100xi32, #tpu.memory_space<vmem>>
    %dma_wait3A_145 = tpu.memref_squeeze %dma_wait3A_144 : memref<1x100xi32, #tpu.memory_space<vmem>> -> memref<100xi32, #tpu.memory_space<vmem>>
    %dma_wait3A_146 = arith.constant 0 : i32
    %dma_wait3A_147 = arith.constant 0 : i32
    %dma_wait3A_148 = tpu.memref_slice %arg9[%dma_wait3A_146, %dma_wait3A_147] : memref<10000x64xf32, #tpu.memory_space<vmem_shared>> -> memref<10000x64xf32, #tpu.memory_space<vmem_shared>>
    %dma_wait3A_149 = tpu.memref_slice %arg12[%dma_wait3A_138] : memref<2x!tpu.dma_semaphore, #tpu.memory_space<semaphore_mem>> -> memref<1x!tpu.dma_semaphore, #tpu.memory_space<semaphore_mem>>
    %dma_wait3A_150 = tpu.memref_squeeze %dma_wait3A_149 : memref<1x!tpu.dma_semaphore, #tpu.memory_space<semaphore_mem>> -> memref<!tpu.dma_semaphore, #tpu.memory_space<semaphore_mem>>
    tpu.wait_indirect_dma semaphore(%dma_wait3A_150 : memref<!tpu.dma_semaphore, #tpu.memory_space<semaphore_mem>>) src(%dma_wait3A_142 : memref<100x64xf32, #tpu.memory_space<vmem>>) dst(%dma_wait3A_148 : memref<10000x64xf32, #tpu.memory_space<vmem_shared>>)
    %dma_wait3A_151 = arith.constant 9 : i32
    %dma_wait3A_152 = arith.constant 99 : i32
    %dma_wait3A_153 = arith.constant 1 : i32
    %dma_wait3A_154 = arith.constant 0 : i32
    %dma_wait3A_155 = arith.constant 0 : i32
    %dma_wait3A_156 = tpu.memref_slice %arg8[%dma_wait3A_151, %dma_wait3A_154, %dma_wait3A_155] : memref<10x100x64xf32, #tpu.memory_space<vmem>> -> memref<1x100x64xf32, #tpu.memory_space<vmem>>
    %dma_wait3A_157 = tpu.memref_squeeze %dma_wait3A_156 : memref<1x100x64xf32, #tpu.memory_space<vmem>> -> memref<100x64xf32, #tpu.memory_space<vmem>>
    %dma_wait3A_158 = arith.constant 0 : i32
    %dma_wait3A_159 = tpu.memref_slice %arg6[%dma_wait3A_152, %dma_wait3A_158] : memref<100x100xi32, #tpu.memory_space<vmem>> -> memref<1x100xi32, #tpu.memory_space<vmem>>
    %dma_wait3A_160 = tpu.memref_squeeze %dma_wait3A_159 : memref<1x100xi32, #tpu.memory_space<vmem>> -> memref<100xi32, #tpu.memory_space<vmem>>
    %dma_wait3A_161 = arith.constant 0 : i32
    %dma_wait3A_162 = arith.constant 0 : i32
    %dma_wait3A_163 = tpu.memref_slice %arg9[%dma_wait3A_161, %dma_wait3A_162] : memref<10000x64xf32, #tpu.memory_space<vmem_shared>> -> memref<10000x64xf32, #tpu.memory_space<vmem_shared>>
    %dma_wait3A_164 = tpu.memref_slice %arg12[%dma_wait3A_153] : memref<2x!tpu.dma_semaphore, #tpu.memory_space<semaphore_mem>> -> memref<1x!tpu.dma_semaphore, #tpu.memory_space<semaphore_mem>>
    %dma_wait3A_165 = tpu.memref_squeeze %dma_wait3A_164 : memref<1x!tpu.dma_semaphore, #tpu.memory_space<semaphore_mem>> -> memref<!tpu.dma_semaphore, #tpu.memory_space<semaphore_mem>>
    tpu.wait_indirect_dma semaphore(%dma_wait3A_165 : memref<!tpu.dma_semaphore, #tpu.memory_space<semaphore_mem>>) src(%dma_wait3A_157 : memref<100x64xf32, #tpu.memory_space<vmem>>) dst(%dma_wait3A_163 : memref<10000x64xf32, #tpu.memory_space<vmem_shared>>)
    %barrier3A_166 = arith.constant 0 : index
    tpu.barrier barrier_id(%barrier3A_166)
    %lt3A_167 = arith.constant 15 : i32
    %lt3A_168 = arith.cmpi slt, %arg1, %lt3A_167 : i32
    %convert_element_type3A_169 = arith.extui %lt3A_168 : i1 to i32
    %cond3A_170 = arith.constant 0 : i32
    %cond3A_171 = arith.cmpi ne, %convert_element_type3A_169, %cond3A_170 : i32
    scf.if %cond3A_171 {
      %mul3A_177 = arith.constant 632 : i32
      %mul3A_178 = arith.muli %arg1, %mul3A_177 : i32
      %mul3A_179 = arith.constant 632 : i32
      %mul3A_180 = arith.muli %arg1, %mul3A_179 : i32
      "tpu.region"() ({
        %run_scoped3A = tpu.sem_alloc : memref<!tpu.dma_semaphore, #tpu.memory_space<semaphore_mem>>
        %dma_start3A_181 = arith.constant 0 : i32
        %dma_start3A_182 = tpu.memref_slice %arg5[%arg0, %mul3A_180, %dma_start3A_181] : memref<2x10000x64xf32, #tpu.memory_space<hbm>> -> memref<1x632x64xf32, #tpu.memory_space<hbm>>
        %dma_start3A_183 = tpu.memref_squeeze %dma_start3A_182 : memref<1x632x64xf32, #tpu.memory_space<hbm>> -> memref<632x64xf32, #tpu.memory_space<hbm>>
        %dma_start3A_184 = arith.constant 0 : i32
        %dma_start3A_185 = tpu.memref_slice %arg9[%mul3A_178, %dma_start3A_184] : memref<10000x64xf32, #tpu.memory_space<vmem_shared>> -> memref<632x64xf32, #tpu.memory_space<vmem_shared>>
        tpu.enqueue_dma source(%dma_start3A_185 : memref<632x64xf32, #tpu.memory_space<vmem_shared>>) target(%dma_start3A_183 : memref<632x64xf32, #tpu.memory_space<hbm>>) target_semaphore(%run_scoped3A : memref<!tpu.dma_semaphore, #tpu.memory_space<semaphore_mem>>)
        %dma_wait3A_186 = arith.constant 0 : i32
        %dma_wait3A_187 = tpu.memref_slice %arg5[%arg0, %mul3A_180, %dma_wait3A_186] : memref<2x10000x64xf32, #tpu.memory_space<hbm>> -> memref<1x632x64xf32, #tpu.memory_space<hbm>>
        %dma_wait3A_188 = tpu.memref_squeeze %dma_wait3A_187 : memref<1x632x64xf32, #tpu.memory_space<hbm>> -> memref<632x64xf32, #tpu.memory_space<hbm>>
        %dma_wait3A_189 = arith.constant 0 : i32
        %dma_wait3A_190 = tpu.memref_slice %arg9[%mul3A_178, %dma_wait3A_189] : memref<10000x64xf32, #tpu.memory_space<vmem_shared>> -> memref<632x64xf32, #tpu.memory_space<vmem_shared>>
        tpu.wait_dma2 semaphore(%run_scoped3A : memref<!tpu.dma_semaphore, #tpu.memory_space<semaphore_mem>>) src(%dma_wait3A_190 : memref<632x64xf32, #tpu.memory_space<vmem_shared>>) dst(%dma_wait3A_188 : memref<632x64xf32, #tpu.memory_space<hbm>>)
        tpu.yield
      }) : () -> ()
    } else {
    }
    %eq3A_172 = arith.constant 15 : i32
    %eq3A_173 = arith.cmpi eq, %arg1, %eq3A_172 : i32
    %convert_element_type3A_174 = arith.extui %eq3A_173 : i1 to i32
    %cond3A_175 = arith.constant 0 : i32
    %cond3A_176 = arith.cmpi ne, %convert_element_type3A_174, %cond3A_175 : i32
    scf.if %cond3A_176 {
      "tpu.region"() ({
        %run_scoped3A = tpu.sem_alloc : memref<!tpu.dma_semaphore, #tpu.memory_space<semaphore_mem>>
        %dma_start3A_177 = arith.constant 9480 : i32
        %dma_start3A_178 = arith.constant 0 : i32
        %dma_start3A_179 = tpu.memref_slice %arg5[%arg0, %dma_start3A_177, %dma_start3A_178] : memref<2x10000x64xf32, #tpu.memory_space<hbm>> -> memref<1x520x64xf32, #tpu.memory_space<hbm>>
        %dma_start3A_180 = tpu.memref_squeeze %dma_start3A_179 : memref<1x520x64xf32, #tpu.memory_space<hbm>> -> memref<520x64xf32, #tpu.memory_space<hbm>>
        %dma_start3A_181 = arith.constant 9480 : i32
        %dma_start3A_182 = arith.constant 0 : i32
        %dma_start3A_183 = tpu.memref_slice %arg9[%dma_start3A_181, %dma_start3A_182] : memref<10000x64xf32, #tpu.memory_space<vmem_shared>> -> memref<520x64xf32, #tpu.memory_space<vmem_shared>>
        tpu.enqueue_dma source(%dma_start3A_183 : memref<520x64xf32, #tpu.memory_space<vmem_shared>>) target(%dma_start3A_180 : memref<520x64xf32, #tpu.memory_space<hbm>>) target_semaphore(%run_scoped3A : memref<!tpu.dma_semaphore, #tpu.memory_space<semaphore_mem>>)
        %dma_wait3A_184 = arith.constant 9480 : i32
        %dma_wait3A_185 = arith.constant 0 : i32
        %dma_wait3A_186 = tpu.memref_slice %arg5[%arg0, %dma_wait3A_184, %dma_wait3A_185] : memref<2x10000x64xf32, #tpu.memory_space<hbm>> -> memref<1x520x64xf32, #tpu.memory_space<hbm>>
        %dma_wait3A_187 = tpu.memref_squeeze %dma_wait3A_186 : memref<1x520x64xf32, #tpu.memory_space<hbm>> -> memref<520x64xf32, #tpu.memory_space<hbm>>
        %dma_wait3A_188 = arith.constant 9480 : i32
        %dma_wait3A_189 = arith.constant 0 : i32
        %dma_wait3A_190 = tpu.memref_slice %arg9[%dma_wait3A_188, %dma_wait3A_189] : memref<10000x64xf32, #tpu.memory_space<vmem_shared>> -> memref<520x64xf32, #tpu.memory_space<vmem_shared>>
        tpu.wait_dma2 semaphore(%run_scoped3A : memref<!tpu.dma_semaphore, #tpu.memory_space<semaphore_mem>>) src(%dma_wait3A_190 : memref<520x64xf32, #tpu.memory_space<vmem_shared>>) dst(%dma_wait3A_187 : memref<520x64xf32, #tpu.memory_space<hbm>>)
        tpu.yield
      }) : () -> ()
    } else {
    }
    return
  }
}

#map = affine_map<(d0, d1) -> (0, 0)>
#map1 = affine_map<(d0, d1) -> (0)>
module attributes {stable_mosaic.version = 14 : i64} {
  func.func @_link_kernel(%arg0: i32, %arg1: i32, %arg2: memref<10000x64xf32, #tpu.memory_space<hbm>>, %arg3: memref<660000xi32, #tpu.memory_space<hbm>>, %arg4: memref<660000xi32, #tpu.memory_space<hbm>>, %arg5: memref<10000xi32, #tpu.memory_space<hbm>>, %arg6: memref<660000x64xf32, #tpu.memory_space<hbm>>, %arg7: memref<660000xi32, #tpu.memory_space<hbm>>, %arg8: memref<10000xi32, #tpu.memory_space<vmem>>, %arg9: memref<16x128xi32, #tpu.memory_space<vmem>>, %arg10: memref<16x128xi32, #tpu.memory_space<vmem>>, %arg11: memref<4x128x64xf32, #tpu.memory_space<vmem>>, %arg12: memref<4x128x64xf32, #tpu.memory_space<vmem>>, %arg13: memref<4x128xi32, #tpu.memory_space<vmem>>, %arg14: memref<32xi32, #tpu.memory_space<vmem>>, %arg15: memref<32xi32, #tpu.memory_space<vmem>>, %arg16: memref<32x64xf32, #tpu.memory_space<vmem>>, %arg17: memref<32x64xf32, #tpu.memory_space<vmem>>, %arg18: memref<32xi32, #tpu.memory_space<vmem>>, %arg19: memref<10000x64xf32, #tpu.memory_space<vmem_shared>>, %arg20: memref<4x!tpu.dma_semaphore, #tpu.memory_space<semaphore_mem>>, %arg21: memref<4x!tpu.dma_semaphore, #tpu.memory_space<semaphore_mem>>, %arg22: memref<!tpu.dma_semaphore, #tpu.memory_space<semaphore_mem>>) attributes {dimension_semantics = [#tpu.dimension_semantics<core_parallel>, #tpu.dimension_semantics<subcore_parallel>], iteration_bounds = array<i64: 2, 16>, scalar_prefetch = 0 : i64, scratch_operands = 15 : i64, tpu.core_type = #tpu.core_type<sc_vector_subcore>, window_params = [{transform_indices = #map}, {transform_indices = #map1}, {transform_indices = #map1}, {transform_indices = #map1}, {transform_indices = #map}, {transform_indices = #map1}]} {
    %mul3A = arith.constant 2 : i32
    %mul3A_0 = arith.muli %arg1, %mul3A : i32
    %add3A = arith.addi %mul3A_0, %arg0 : i32
    "tpu.region"() ({
      %run_scoped3A = tpu.sem_alloc : memref<!tpu.dma_semaphore, #tpu.memory_space<semaphore_mem>>
      tpu.enqueue_dma source(%arg5 : memref<10000xi32, #tpu.memory_space<hbm>>) target(%arg8 : memref<10000xi32, #tpu.memory_space<vmem>>) target_semaphore(%run_scoped3A : memref<!tpu.dma_semaphore, #tpu.memory_space<semaphore_mem>>)
      tpu.wait_dma2 semaphore(%run_scoped3A : memref<!tpu.dma_semaphore, #tpu.memory_space<semaphore_mem>>) src(%arg5 : memref<10000xi32, #tpu.memory_space<hbm>>) dst(%arg8 : memref<10000xi32, #tpu.memory_space<vmem>>)
      tpu.yield
    }) : () -> ()
    %lt3A = arith.constant 15 : i32
    %lt3A_1 = arith.cmpi slt, %arg1, %lt3A : i32
    %convert_element_type3A = arith.extui %lt3A_1 : i1 to i32
    %cond3A = arith.constant 0 : i32
    %cond3A_2 = arith.cmpi ne, %convert_element_type3A, %cond3A : i32
    scf.if %cond3A_2 {
      %mul3A_59 = arith.constant 632 : i32
      %mul3A_60 = arith.muli %arg1, %mul3A_59 : i32
      %mul3A_61 = arith.constant 632 : i32
      %mul3A_62 = arith.muli %arg1, %mul3A_61 : i32
      "tpu.region"() ({
        %run_scoped3A = tpu.sem_alloc : memref<!tpu.dma_semaphore, #tpu.memory_space<semaphore_mem>>
        %dma_start3A = arith.constant 0 : i32
        %dma_start3A_63 = tpu.memref_slice %arg19[%mul3A_62, %dma_start3A] : memref<10000x64xf32, #tpu.memory_space<vmem_shared>> -> memref<632x64xf32, #tpu.memory_space<vmem_shared>>
        %dma_start3A_64 = arith.constant 0 : i32
        %dma_start3A_65 = tpu.memref_slice %arg2[%mul3A_60, %dma_start3A_64] : memref<10000x64xf32, #tpu.memory_space<hbm>> -> memref<632x64xf32, #tpu.memory_space<hbm>>
        tpu.enqueue_dma source(%dma_start3A_65 : memref<632x64xf32, #tpu.memory_space<hbm>>) target(%dma_start3A_63 : memref<632x64xf32, #tpu.memory_space<vmem_shared>>) target_semaphore(%run_scoped3A : memref<!tpu.dma_semaphore, #tpu.memory_space<semaphore_mem>>)
        %dma_wait3A = arith.constant 0 : i32
        %dma_wait3A_66 = tpu.memref_slice %arg19[%mul3A_62, %dma_wait3A] : memref<10000x64xf32, #tpu.memory_space<vmem_shared>> -> memref<632x64xf32, #tpu.memory_space<vmem_shared>>
        %dma_wait3A_67 = arith.constant 0 : i32
        %dma_wait3A_68 = tpu.memref_slice %arg2[%mul3A_60, %dma_wait3A_67] : memref<10000x64xf32, #tpu.memory_space<hbm>> -> memref<632x64xf32, #tpu.memory_space<hbm>>
        tpu.wait_dma2 semaphore(%run_scoped3A : memref<!tpu.dma_semaphore, #tpu.memory_space<semaphore_mem>>) src(%dma_wait3A_68 : memref<632x64xf32, #tpu.memory_space<hbm>>) dst(%dma_wait3A_66 : memref<632x64xf32, #tpu.memory_space<vmem_shared>>)
        tpu.yield
      }) : () -> ()
    } else {
    }
    %eq3A = arith.constant 15 : i32
    %eq3A_3 = arith.cmpi eq, %arg1, %eq3A : i32
    %convert_element_type3A_4 = arith.extui %eq3A_3 : i1 to i32
    %cond3A_5 = arith.constant 0 : i32
    %cond3A_6 = arith.cmpi ne, %convert_element_type3A_4, %cond3A_5 : i32
    scf.if %cond3A_6 {
      "tpu.region"() ({
        %run_scoped3A = tpu.sem_alloc : memref<!tpu.dma_semaphore, #tpu.memory_space<semaphore_mem>>
        %dma_start3A = arith.constant 9480 : i32
        %dma_start3A_59 = arith.constant 0 : i32
        %dma_start3A_60 = tpu.memref_slice %arg19[%dma_start3A, %dma_start3A_59] : memref<10000x64xf32, #tpu.memory_space<vmem_shared>> -> memref<520x64xf32, #tpu.memory_space<vmem_shared>>
        %dma_start3A_61 = arith.constant 9480 : i32
        %dma_start3A_62 = arith.constant 0 : i32
        %dma_start3A_63 = tpu.memref_slice %arg2[%dma_start3A_61, %dma_start3A_62] : memref<10000x64xf32, #tpu.memory_space<hbm>> -> memref<520x64xf32, #tpu.memory_space<hbm>>
        tpu.enqueue_dma source(%dma_start3A_63 : memref<520x64xf32, #tpu.memory_space<hbm>>) target(%dma_start3A_60 : memref<520x64xf32, #tpu.memory_space<vmem_shared>>) target_semaphore(%run_scoped3A : memref<!tpu.dma_semaphore, #tpu.memory_space<semaphore_mem>>)
        %dma_wait3A = arith.constant 9480 : i32
        %dma_wait3A_64 = arith.constant 0 : i32
        %dma_wait3A_65 = tpu.memref_slice %arg19[%dma_wait3A, %dma_wait3A_64] : memref<10000x64xf32, #tpu.memory_space<vmem_shared>> -> memref<520x64xf32, #tpu.memory_space<vmem_shared>>
        %dma_wait3A_66 = arith.constant 9480 : i32
        %dma_wait3A_67 = arith.constant 0 : i32
        %dma_wait3A_68 = tpu.memref_slice %arg2[%dma_wait3A_66, %dma_wait3A_67] : memref<10000x64xf32, #tpu.memory_space<hbm>> -> memref<520x64xf32, #tpu.memory_space<hbm>>
        tpu.wait_dma2 semaphore(%run_scoped3A : memref<!tpu.dma_semaphore, #tpu.memory_space<semaphore_mem>>) src(%dma_wait3A_68 : memref<520x64xf32, #tpu.memory_space<hbm>>) dst(%dma_wait3A_65 : memref<520x64xf32, #tpu.memory_space<vmem_shared>>)
        tpu.yield
      }) : () -> ()
    } else {
    }
    %barrier3A = arith.constant 0 : index
    tpu.barrier barrier_id(%barrier3A)
    %add3A_7 = arith.constant 0 : i32
    %add3A_8 = arith.addi %add3A_7, %add3A : i32
    %lt3A_9 = arith.constant 5156 : i32
    %lt3A_10 = arith.cmpi slt, %add3A_8, %lt3A_9 : i32
    %and3A = arith.constant true
    %and3A_11 = arith.andi %and3A, %lt3A_10 : i1
    %and3A_12 = arith.constant true
    %and3A_13 = arith.andi %and3A_12, %and3A_11 : i1
    %convert_element_type3A_14 = arith.extui %and3A_13 : i1 to i32
    %cond3A_15 = arith.constant 0 : i32
    %cond3A_16 = arith.cmpi ne, %convert_element_type3A_14, %cond3A_15 : i32
    scf.if %cond3A_16 {
      %rem3A = arith.constant 0 : i32
      %rem3A_59 = arith.constant 16 : i32
      %rem3A_60 = arith.remsi %rem3A, %rem3A_59 : i32
      %rem3A_61 = arith.constant 0 : i32
      %rem3A_62 = arith.constant 4 : i32
      %rem3A_63 = arith.remsi %rem3A_61, %rem3A_62 : i32
      %add3A_64 = arith.constant 0 : i32
      %add3A_65 = arith.addi %add3A_64, %add3A : i32
      %mul3A_66 = arith.constant 128 : i32
      %mul3A_67 = arith.muli %add3A_65, %mul3A_66 : i32
      %dma_start3A = arith.constant 0 : i32
      %dma_start3A_68 = tpu.memref_slice %arg9[%rem3A_60, %dma_start3A] : memref<16x128xi32, #tpu.memory_space<vmem>> -> memref<1x128xi32, #tpu.memory_space<vmem>>
      %dma_start3A_69 = tpu.memref_squeeze %dma_start3A_68 : memref<1x128xi32, #tpu.memory_space<vmem>> -> memref<128xi32, #tpu.memory_space<vmem>>
      %dma_start3A_70 = tpu.memref_slice %arg3[%mul3A_67] : memref<660000xi32, #tpu.memory_space<hbm>> -> memref<128xi32, #tpu.memory_space<hbm>>
      %dma_start3A_71 = tpu.memref_slice %arg20[%rem3A_63] : memref<4x!tpu.dma_semaphore, #tpu.memory_space<semaphore_mem>> -> memref<1x!tpu.dma_semaphore, #tpu.memory_space<semaphore_mem>>
      %dma_start3A_72 = tpu.memref_squeeze %dma_start3A_71 : memref<1x!tpu.dma_semaphore, #tpu.memory_space<semaphore_mem>> -> memref<!tpu.dma_semaphore, #tpu.memory_space<semaphore_mem>>
      %dma_start3A_73 = arith.constant 0 : i32
      %dma_start3A_74 = tpu.memref_slice %arg9[%rem3A_60, %dma_start3A_73] : memref<16x128xi32, #tpu.memory_space<vmem>> -> memref<1x128xi32, #tpu.memory_space<vmem>>
      %dma_start3A_75 = tpu.memref_squeeze %dma_start3A_74 : memref<1x128xi32, #tpu.memory_space<vmem>> -> memref<128xi32, #tpu.memory_space<vmem>>
      %dma_start3A_76 = tpu.memref_slice %arg3[%mul3A_67] : memref<660000xi32, #tpu.memory_space<hbm>> -> memref<128xi32, #tpu.memory_space<hbm>>
      tpu.enqueue_dma source(%dma_start3A_76 : memref<128xi32, #tpu.memory_space<hbm>>) target(%dma_start3A_75 : memref<128xi32, #tpu.memory_space<vmem>>) target_semaphore(%dma_start3A_72 : memref<!tpu.dma_semaphore, #tpu.memory_space<semaphore_mem>>)
      %dma_start3A_77 = arith.constant 0 : i32
      %dma_start3A_78 = tpu.memref_slice %arg10[%rem3A_60, %dma_start3A_77] : memref<16x128xi32, #tpu.memory_space<vmem>> -> memref<1x128xi32, #tpu.memory_space<vmem>>
      %dma_start3A_79 = tpu.memref_squeeze %dma_start3A_78 : memref<1x128xi32, #tpu.memory_space<vmem>> -> memref<128xi32, #tpu.memory_space<vmem>>
      %dma_start3A_80 = tpu.memref_slice %arg4[%mul3A_67] : memref<660000xi32, #tpu.memory_space<hbm>> -> memref<128xi32, #tpu.memory_space<hbm>>
      %dma_start3A_81 = tpu.memref_slice %arg20[%rem3A_63] : memref<4x!tpu.dma_semaphore, #tpu.memory_space<semaphore_mem>> -> memref<1x!tpu.dma_semaphore, #tpu.memory_space<semaphore_mem>>
      %dma_start3A_82 = tpu.memref_squeeze %dma_start3A_81 : memref<1x!tpu.dma_semaphore, #tpu.memory_space<semaphore_mem>> -> memref<!tpu.dma_semaphore, #tpu.memory_space<semaphore_mem>>
      %dma_start3A_83 = arith.constant 0 : i32
      %dma_start3A_84 = tpu.memref_slice %arg10[%rem3A_60, %dma_start3A_83] : memref<16x128xi32, #tpu.memory_space<vmem>> -> memref<1x128xi32, #tpu.memory_space<vmem>>
      %dma_start3A_85 = tpu.memref_squeeze %dma_start3A_84 : memref<1x128xi32, #tpu.memory_space<vmem>> -> memref<128xi32, #tpu.memory_space<vmem>>
      %dma_start3A_86 = tpu.memref_slice %arg4[%mul3A_67] : memref<660000xi32, #tpu.memory_space<hbm>> -> memref<128xi32, #tpu.memory_space<hbm>>
      tpu.enqueue_dma source(%dma_start3A_86 : memref<128xi32, #tpu.memory_space<hbm>>) target(%dma_start3A_85 : memref<128xi32, #tpu.memory_space<vmem>>) target_semaphore(%dma_start3A_82 : memref<!tpu.dma_semaphore, #tpu.memory_space<semaphore_mem>>)
    } else {
    }
    %add3A_17 = arith.constant 32 : i32
    %add3A_18 = arith.addi %add3A_17, %add3A : i32
    %lt3A_19 = arith.constant 5156 : i32
    %lt3A_20 = arith.cmpi slt, %add3A_18, %lt3A_19 : i32
    %and3A_21 = arith.constant true
    %and3A_22 = arith.andi %and3A_21, %lt3A_20 : i1
    %and3A_23 = arith.constant true
    %and3A_24 = arith.andi %and3A_23, %and3A_22 : i1
    %convert_element_type3A_25 = arith.extui %and3A_24 : i1 to i32
    %cond3A_26 = arith.constant 0 : i32
    %cond3A_27 = arith.cmpi ne, %convert_element_type3A_25, %cond3A_26 : i32
    scf.if %cond3A_27 {
      %rem3A = arith.constant 1 : i32
      %rem3A_59 = arith.constant 16 : i32
      %rem3A_60 = arith.remsi %rem3A, %rem3A_59 : i32
      %rem3A_61 = arith.constant 1 : i32
      %rem3A_62 = arith.constant 4 : i32
      %rem3A_63 = arith.remsi %rem3A_61, %rem3A_62 : i32
      %add3A_64 = arith.constant 32 : i32
      %add3A_65 = arith.addi %add3A_64, %add3A : i32
      %mul3A_66 = arith.constant 128 : i32
      %mul3A_67 = arith.muli %add3A_65, %mul3A_66 : i32
      %dma_start3A = arith.constant 0 : i32
      %dma_start3A_68 = tpu.memref_slice %arg9[%rem3A_60, %dma_start3A] : memref<16x128xi32, #tpu.memory_space<vmem>> -> memref<1x128xi32, #tpu.memory_space<vmem>>
      %dma_start3A_69 = tpu.memref_squeeze %dma_start3A_68 : memref<1x128xi32, #tpu.memory_space<vmem>> -> memref<128xi32, #tpu.memory_space<vmem>>
      %dma_start3A_70 = tpu.memref_slice %arg3[%mul3A_67] : memref<660000xi32, #tpu.memory_space<hbm>> -> memref<128xi32, #tpu.memory_space<hbm>>
      %dma_start3A_71 = tpu.memref_slice %arg20[%rem3A_63] : memref<4x!tpu.dma_semaphore, #tpu.memory_space<semaphore_mem>> -> memref<1x!tpu.dma_semaphore, #tpu.memory_space<semaphore_mem>>
      %dma_start3A_72 = tpu.memref_squeeze %dma_start3A_71 : memref<1x!tpu.dma_semaphore, #tpu.memory_space<semaphore_mem>> -> memref<!tpu.dma_semaphore, #tpu.memory_space<semaphore_mem>>
      %dma_start3A_73 = arith.constant 0 : i32
      %dma_start3A_74 = tpu.memref_slice %arg9[%rem3A_60, %dma_start3A_73] : memref<16x128xi32, #tpu.memory_space<vmem>> -> memref<1x128xi32, #tpu.memory_space<vmem>>
      %dma_start3A_75 = tpu.memref_squeeze %dma_start3A_74 : memref<1x128xi32, #tpu.memory_space<vmem>> -> memref<128xi32, #tpu.memory_space<vmem>>
      %dma_start3A_76 = tpu.memref_slice %arg3[%mul3A_67] : memref<660000xi32, #tpu.memory_space<hbm>> -> memref<128xi32, #tpu.memory_space<hbm>>
      tpu.enqueue_dma source(%dma_start3A_76 : memref<128xi32, #tpu.memory_space<hbm>>) target(%dma_start3A_75 : memref<128xi32, #tpu.memory_space<vmem>>) target_semaphore(%dma_start3A_72 : memref<!tpu.dma_semaphore, #tpu.memory_space<semaphore_mem>>)
      %dma_start3A_77 = arith.constant 0 : i32
      %dma_start3A_78 = tpu.memref_slice %arg10[%rem3A_60, %dma_start3A_77] : memref<16x128xi32, #tpu.memory_space<vmem>> -> memref<1x128xi32, #tpu.memory_space<vmem>>
      %dma_start3A_79 = tpu.memref_squeeze %dma_start3A_78 : memref<1x128xi32, #tpu.memory_space<vmem>> -> memref<128xi32, #tpu.memory_space<vmem>>
      %dma_start3A_80 = tpu.memref_slice %arg4[%mul3A_67] : memref<660000xi32, #tpu.memory_space<hbm>> -> memref<128xi32, #tpu.memory_space<hbm>>
      %dma_start3A_81 = tpu.memref_slice %arg20[%rem3A_63] : memref<4x!tpu.dma_semaphore, #tpu.memory_space<semaphore_mem>> -> memref<1x!tpu.dma_semaphore, #tpu.memory_space<semaphore_mem>>
      %dma_start3A_82 = tpu.memref_squeeze %dma_start3A_81 : memref<1x!tpu.dma_semaphore, #tpu.memory_space<semaphore_mem>> -> memref<!tpu.dma_semaphore, #tpu.memory_space<semaphore_mem>>
      %dma_start3A_83 = arith.constant 0 : i32
      %dma_start3A_84 = tpu.memref_slice %arg10[%rem3A_60, %dma_start3A_83] : memref<16x128xi32, #tpu.memory_space<vmem>> -> memref<1x128xi32, #tpu.memory_space<vmem>>
      %dma_start3A_85 = tpu.memref_squeeze %dma_start3A_84 : memref<1x128xi32, #tpu.memory_space<vmem>> -> memref<128xi32, #tpu.memory_space<vmem>>
      %dma_start3A_86 = tpu.memref_slice %arg4[%mul3A_67] : memref<660000xi32, #tpu.memory_space<hbm>> -> memref<128xi32, #tpu.memory_space<hbm>>
      tpu.enqueue_dma source(%dma_start3A_86 : memref<128xi32, #tpu.memory_space<hbm>>) target(%dma_start3A_85 : memref<128xi32, #tpu.memory_space<vmem>>) target_semaphore(%dma_start3A_82 : memref<!tpu.dma_semaphore, #tpu.memory_space<semaphore_mem>>)
    } else {
    }
    %add3A_28 = arith.constant 64 : i32
    %add3A_29 = arith.addi %add3A_28, %add3A : i32
    %lt3A_30 = arith.constant 5156 : i32
    %lt3A_31 = arith.cmpi slt, %add3A_29, %lt3A_30 : i32
    %and3A_32 = arith.constant true
    %and3A_33 = arith.andi %and3A_32, %lt3A_31 : i1
    %and3A_34 = arith.constant true
    %and3A_35 = arith.andi %and3A_34, %and3A_33 : i1
    %convert_element_type3A_36 = arith.extui %and3A_35 : i1 to i32
    %cond3A_37 = arith.constant 0 : i32
    %cond3A_38 = arith.cmpi ne, %convert_element_type3A_36, %cond3A_37 : i32
    scf.if %cond3A_38 {
      %rem3A = arith.constant 2 : i32
      %rem3A_59 = arith.constant 16 : i32
      %rem3A_60 = arith.remsi %rem3A, %rem3A_59 : i32
      %rem3A_61 = arith.constant 2 : i32
      %rem3A_62 = arith.constant 4 : i32
      %rem3A_63 = arith.remsi %rem3A_61, %rem3A_62 : i32
      %add3A_64 = arith.constant 64 : i32
      %add3A_65 = arith.addi %add3A_64, %add3A : i32
      %mul3A_66 = arith.constant 128 : i32
      %mul3A_67 = arith.muli %add3A_65, %mul3A_66 : i32
      %dma_start3A = arith.constant 0 : i32
      %dma_start3A_68 = tpu.memref_slice %arg9[%rem3A_60, %dma_start3A] : memref<16x128xi32, #tpu.memory_space<vmem>> -> memref<1x128xi32, #tpu.memory_space<vmem>>
      %dma_start3A_69 = tpu.memref_squeeze %dma_start3A_68 : memref<1x128xi32, #tpu.memory_space<vmem>> -> memref<128xi32, #tpu.memory_space<vmem>>
      %dma_start3A_70 = tpu.memref_slice %arg3[%mul3A_67] : memref<660000xi32, #tpu.memory_space<hbm>> -> memref<128xi32, #tpu.memory_space<hbm>>
      %dma_start3A_71 = tpu.memref_slice %arg20[%rem3A_63] : memref<4x!tpu.dma_semaphore, #tpu.memory_space<semaphore_mem>> -> memref<1x!tpu.dma_semaphore, #tpu.memory_space<semaphore_mem>>
      %dma_start3A_72 = tpu.memref_squeeze %dma_start3A_71 : memref<1x!tpu.dma_semaphore, #tpu.memory_space<semaphore_mem>> -> memref<!tpu.dma_semaphore, #tpu.memory_space<semaphore_mem>>
      %dma_start3A_73 = arith.constant 0 : i32
      %dma_start3A_74 = tpu.memref_slice %arg9[%rem3A_60, %dma_start3A_73] : memref<16x128xi32, #tpu.memory_space<vmem>> -> memref<1x128xi32, #tpu.memory_space<vmem>>
      %dma_start3A_75 = tpu.memref_squeeze %dma_start3A_74 : memref<1x128xi32, #tpu.memory_space<vmem>> -> memref<128xi32, #tpu.memory_space<vmem>>
      %dma_start3A_76 = tpu.memref_slice %arg3[%mul3A_67] : memref<660000xi32, #tpu.memory_space<hbm>> -> memref<128xi32, #tpu.memory_space<hbm>>
      tpu.enqueue_dma source(%dma_start3A_76 : memref<128xi32, #tpu.memory_space<hbm>>) target(%dma_start3A_75 : memref<128xi32, #tpu.memory_space<vmem>>) target_semaphore(%dma_start3A_72 : memref<!tpu.dma_semaphore, #tpu.memory_space<semaphore_mem>>)
      %dma_start3A_77 = arith.constant 0 : i32
      %dma_start3A_78 = tpu.memref_slice %arg10[%rem3A_60, %dma_start3A_77] : memref<16x128xi32, #tpu.memory_space<vmem>> -> memref<1x128xi32, #tpu.memory_space<vmem>>
      %dma_start3A_79 = tpu.memref_squeeze %dma_start3A_78 : memref<1x128xi32, #tpu.memory_space<vmem>> -> memref<128xi32, #tpu.memory_space<vmem>>
      %dma_start3A_80 = tpu.memref_slice %arg4[%mul3A_67] : memref<660000xi32, #tpu.memory_space<hbm>> -> memref<128xi32, #tpu.memory_space<hbm>>
      %dma_start3A_81 = tpu.memref_slice %arg20[%rem3A_63] : memref<4x!tpu.dma_semaphore, #tpu.memory_space<semaphore_mem>> -> memref<1x!tpu.dma_semaphore, #tpu.memory_space<semaphore_mem>>
      %dma_start3A_82 = tpu.memref_squeeze %dma_start3A_81 : memref<1x!tpu.dma_semaphore, #tpu.memory_space<semaphore_mem>> -> memref<!tpu.dma_semaphore, #tpu.memory_space<semaphore_mem>>
      %dma_start3A_83 = arith.constant 0 : i32
      %dma_start3A_84 = tpu.memref_slice %arg10[%rem3A_60, %dma_start3A_83] : memref<16x128xi32, #tpu.memory_space<vmem>> -> memref<1x128xi32, #tpu.memory_space<vmem>>
      %dma_start3A_85 = tpu.memref_squeeze %dma_start3A_84 : memref<1x128xi32, #tpu.memory_space<vmem>> -> memref<128xi32, #tpu.memory_space<vmem>>
      %dma_start3A_86 = tpu.memref_slice %arg4[%mul3A_67] : memref<660000xi32, #tpu.memory_space<hbm>> -> memref<128xi32, #tpu.memory_space<hbm>>
      tpu.enqueue_dma source(%dma_start3A_86 : memref<128xi32, #tpu.memory_space<hbm>>) target(%dma_start3A_85 : memref<128xi32, #tpu.memory_space<vmem>>) target_semaphore(%dma_start3A_82 : memref<!tpu.dma_semaphore, #tpu.memory_space<semaphore_mem>>)
    } else {
    }
    %scan3A = arith.constant 0 : i32
    %scan3A_39 = arith.constant 165 : i32
    %scan3A_40 = arith.addi %scan3A, %scan3A_39 : i32
    %scan3A_41 = arith.constant 1 : i32
    scf.for %scan3A_59 = %scan3A to %scan3A_40 step %scan3A_41  : i32 {
      %sub3A = arith.constant 3 : i32
      %sub3A_60 = arith.subi %scan3A_59, %sub3A : i32
      %sub3A_61 = arith.constant 1 : i32
      %sub3A_62 = arith.subi %sub3A_60, %sub3A_61 : i32
      %ge3A = arith.constant 0 : i32
      %ge3A_63 = arith.cmpi sge, %sub3A_62, %ge3A : i32
      %lt3A_64 = arith.constant 162 : i32
      %lt3A_65 = arith.cmpi slt, %sub3A_62, %lt3A_64 : i32
      %mul3A_66 = arith.constant 32 : i32
      %mul3A_67 = arith.muli %sub3A_62, %mul3A_66 : i32
      %add3A_68 = arith.addi %mul3A_67, %add3A : i32
      %lt3A_69 = arith.constant 5156 : i32
      %lt3A_70 = arith.cmpi slt, %add3A_68, %lt3A_69 : i32
      %and3A_71 = arith.andi %lt3A_65, %lt3A_70 : i1
      %and3A_72 = arith.andi %ge3A_63, %and3A_71 : i1
      %convert_element_type3A_73 = arith.extui %and3A_72 : i1 to i32
      %cond3A_74 = arith.constant 0 : i32
      %cond3A_75 = arith.cmpi ne, %convert_element_type3A_73, %cond3A_74 : i32
      scf.if %cond3A_75 {
        %sub3A_124 = arith.constant 1 : i32
        %sub3A_125 = arith.subi %sub3A_60, %sub3A_124 : i32
        %rem3A = arith.constant 4 : i32
        %rem3A_126 = arith.remsi %sub3A_125, %rem3A : i32
        %mul3A_127 = arith.constant 32 : i32
        %mul3A_128 = arith.muli %sub3A_125, %mul3A_127 : i32
        %add3A_129 = arith.addi %mul3A_128, %add3A : i32
        %mul3A_130 = arith.constant 128 : i32
        %mul3A_131 = arith.muli %add3A_129, %mul3A_130 : i32
        %dma_wait3A = arith.constant 0 : i32
        %dma_wait3A_132 = arith.constant 0 : i32
        %dma_wait3A_133 = tpu.memref_slice %arg11[%rem3A_126, %dma_wait3A, %dma_wait3A_132] : memref<4x128x64xf32, #tpu.memory_space<vmem>> -> memref<1x128x64xf32, #tpu.memory_space<vmem>>
        %dma_wait3A_134 = tpu.memref_squeeze %dma_wait3A_133 : memref<1x128x64xf32, #tpu.memory_space<vmem>> -> memref<128x64xf32, #tpu.memory_space<vmem>>
        %dma_wait3A_135 = arith.constant 0 : i32
        %dma_wait3A_136 = tpu.memref_slice %arg6[%mul3A_131, %dma_wait3A_135] : memref<660000x64xf32, #tpu.memory_space<hbm>> -> memref<128x64xf32, #tpu.memory_space<hbm>>
        %dma_wait3A_137 = arith.constant 0 : i32
        %dma_wait3A_138 = tpu.memref_slice %arg6[%mul3A_131, %dma_wait3A_137] : memref<660000x64xf32, #tpu.memory_space<hbm>> -> memref<128x64xf32, #tpu.memory_space<hbm>>
        %dma_wait3A_139 = arith.constant 0 : i32
        %dma_wait3A_140 = arith.constant 0 : i32
        %dma_wait3A_141 = tpu.memref_slice %arg11[%rem3A_126, %dma_wait3A_139, %dma_wait3A_140] : memref<4x128x64xf32, #tpu.memory_space<vmem>> -> memref<1x128x64xf32, #tpu.memory_space<vmem>>
        %dma_wait3A_142 = tpu.memref_squeeze %dma_wait3A_141 : memref<1x128x64xf32, #tpu.memory_space<vmem>> -> memref<128x64xf32, #tpu.memory_space<vmem>>
        tpu.wait_dma2 semaphore(%arg22 : memref<!tpu.dma_semaphore, #tpu.memory_space<semaphore_mem>>) src(%dma_wait3A_142 : memref<128x64xf32, #tpu.memory_space<vmem>>) dst(%dma_wait3A_138 : memref<128x64xf32, #tpu.memory_space<hbm>>)
        %dma_wait3A_143 = arith.constant 0 : i32
        %dma_wait3A_144 = tpu.memref_slice %arg13[%rem3A_126, %dma_wait3A_143] : memref<4x128xi32, #tpu.memory_space<vmem>> -> memref<1x128xi32, #tpu.memory_space<vmem>>
        %dma_wait3A_145 = tpu.memref_squeeze %dma_wait3A_144 : memref<1x128xi32, #tpu.memory_space<vmem>> -> memref<128xi32, #tpu.memory_space<vmem>>
        %dma_wait3A_146 = tpu.memref_slice %arg7[%mul3A_131] : memref<660000xi32, #tpu.memory_space<hbm>> -> memref<128xi32, #tpu.memory_space<hbm>>
        %dma_wait3A_147 = tpu.memref_slice %arg7[%mul3A_131] : memref<660000xi32, #tpu.memory_space<hbm>> -> memref<128xi32, #tpu.memory_space<hbm>>
        %dma_wait3A_148 = arith.constant 0 : i32
        %dma_wait3A_149 = tpu.memref_slice %arg13[%rem3A_126, %dma_wait3A_148] : memref<4x128xi32, #tpu.memory_space<vmem>> -> memref<1x128xi32, #tpu.memory_space<vmem>>
        %dma_wait3A_150 = tpu.memref_squeeze %dma_wait3A_149 : memref<1x128xi32, #tpu.memory_space<vmem>> -> memref<128xi32, #tpu.memory_space<vmem>>
        tpu.wait_dma2 semaphore(%arg22 : memref<!tpu.dma_semaphore, #tpu.memory_space<semaphore_mem>>) src(%dma_wait3A_150 : memref<128xi32, #tpu.memory_space<vmem>>) dst(%dma_wait3A_147 : memref<128xi32, #tpu.memory_space<hbm>>)
      } else {
      }
      %add3A_76 = arith.constant 3 : i32
      %add3A_77 = arith.addi %sub3A_60, %add3A_76 : i32
      %ge3A_78 = arith.constant 0 : i32
      %ge3A_79 = arith.cmpi sge, %add3A_77, %ge3A_78 : i32
      %lt3A_80 = arith.constant 162 : i32
      %lt3A_81 = arith.cmpi slt, %add3A_77, %lt3A_80 : i32
      %mul3A_82 = arith.constant 32 : i32
      %mul3A_83 = arith.muli %add3A_77, %mul3A_82 : i32
      %add3A_84 = arith.addi %mul3A_83, %add3A : i32
      %lt3A_85 = arith.constant 5156 : i32
      %lt3A_86 = arith.cmpi slt, %add3A_84, %lt3A_85 : i32
      %and3A_87 = arith.andi %lt3A_81, %lt3A_86 : i1
      %and3A_88 = arith.andi %ge3A_79, %and3A_87 : i1
      %convert_element_type3A_89 = arith.extui %and3A_88 : i1 to i32
      %cond3A_90 = arith.constant 0 : i32
      %cond3A_91 = arith.cmpi ne, %convert_element_type3A_89, %cond3A_90 : i32
      scf.if %cond3A_91 {
        %add3A_124 = arith.constant 3 : i32
        %add3A_125 = arith.addi %sub3A_60, %add3A_124 : i32
        %rem3A = arith.constant 16 : i32
        %rem3A_126 = arith.remsi %add3A_125, %rem3A : i32
        %rem3A_127 = arith.constant 4 : i32
        %rem3A_128 = arith.remsi %add3A_125, %rem3A_127 : i32
        %mul3A_129 = arith.constant 32 : i32
        %mul3A_130 = arith.muli %add3A_125, %mul3A_129 : i32
        %add3A_131 = arith.addi %mul3A_130, %add3A : i32
        %mul3A_132 = arith.constant 128 : i32
        %mul3A_133 = arith.muli %add3A_131, %mul3A_132 : i32
        %dma_wait3A = arith.constant 0 : i32
        %dma_wait3A_134 = tpu.memref_slice %arg9[%rem3A_126, %dma_wait3A] : memref<16x128xi32, #tpu.memory_space<vmem>> -> memref<1x128xi32, #tpu.memory_space<vmem>>
        %dma_wait3A_135 = tpu.memref_squeeze %dma_wait3A_134 : memref<1x128xi32, #tpu.memory_space<vmem>> -> memref<128xi32, #tpu.memory_space<vmem>>
        %dma_wait3A_136 = tpu.memref_slice %arg3[%mul3A_133] : memref<660000xi32, #tpu.memory_space<hbm>> -> memref<128xi32, #tpu.memory_space<hbm>>
        %dma_wait3A_137 = tpu.memref_slice %arg20[%rem3A_128] : memref<4x!tpu.dma_semaphore, #tpu.memory_space<semaphore_mem>> -> memref<1x!tpu.dma_semaphore, #tpu.memory_space<semaphore_mem>>
        %dma_wait3A_138 = tpu.memref_squeeze %dma_wait3A_137 : memref<1x!tpu.dma_semaphore, #tpu.memory_space<semaphore_mem>> -> memref<!tpu.dma_semaphore, #tpu.memory_space<semaphore_mem>>
        %dma_wait3A_139 = arith.constant 0 : i32
        %dma_wait3A_140 = tpu.memref_slice %arg9[%rem3A_126, %dma_wait3A_139] : memref<16x128xi32, #tpu.memory_space<vmem>> -> memref<1x128xi32, #tpu.memory_space<vmem>>
        %dma_wait3A_141 = tpu.memref_squeeze %dma_wait3A_140 : memref<1x128xi32, #tpu.memory_space<vmem>> -> memref<128xi32, #tpu.memory_space<vmem>>
        %dma_wait3A_142 = tpu.memref_slice %arg3[%mul3A_133] : memref<660000xi32, #tpu.memory_space<hbm>> -> memref<128xi32, #tpu.memory_space<hbm>>
        tpu.wait_dma2 semaphore(%dma_wait3A_138 : memref<!tpu.dma_semaphore, #tpu.memory_space<semaphore_mem>>) src(%dma_wait3A_142 : memref<128xi32, #tpu.memory_space<hbm>>) dst(%dma_wait3A_141 : memref<128xi32, #tpu.memory_space<vmem>>)
        %dma_wait3A_143 = arith.constant 0 : i32
        %dma_wait3A_144 = tpu.memref_slice %arg10[%rem3A_126, %dma_wait3A_143] : memref<16x128xi32, #tpu.memory_space<vmem>> -> memref<1x128xi32, #tpu.memory_space<vmem>>
        %dma_wait3A_145 = tpu.memref_squeeze %dma_wait3A_144 : memref<1x128xi32, #tpu.memory_space<vmem>> -> memref<128xi32, #tpu.memory_space<vmem>>
        %dma_wait3A_146 = tpu.memref_slice %arg4[%mul3A_133] : memref<660000xi32, #tpu.memory_space<hbm>> -> memref<128xi32, #tpu.memory_space<hbm>>
        %dma_wait3A_147 = tpu.memref_slice %arg20[%rem3A_128] : memref<4x!tpu.dma_semaphore, #tpu.memory_space<semaphore_mem>> -> memref<1x!tpu.dma_semaphore, #tpu.memory_space<semaphore_mem>>
        %dma_wait3A_148 = tpu.memref_squeeze %dma_wait3A_147 : memref<1x!tpu.dma_semaphore, #tpu.memory_space<semaphore_mem>> -> memref<!tpu.dma_semaphore, #tpu.memory_space<semaphore_mem>>
        %dma_wait3A_149 = arith.constant 0 : i32
        %dma_wait3A_150 = tpu.memref_slice %arg10[%rem3A_126, %dma_wait3A_149] : memref<16x128xi32, #tpu.memory_space<vmem>> -> memref<1x128xi32, #tpu.memory_space<vmem>>
        %dma_wait3A_151 = tpu.memref_squeeze %dma_wait3A_150 : memref<1x128xi32, #tpu.memory_space<vmem>> -> memref<128xi32, #tpu.memory_space<vmem>>
        %dma_wait3A_152 = tpu.memref_slice %arg4[%mul3A_133] : memref<660000xi32, #tpu.memory_space<hbm>> -> memref<128xi32, #tpu.memory_space<hbm>>
        tpu.wait_dma2 semaphore(%dma_wait3A_148 : memref<!tpu.dma_semaphore, #tpu.memory_space<semaphore_mem>>) src(%dma_wait3A_152 : memref<128xi32, #tpu.memory_space<hbm>>) dst(%dma_wait3A_151 : memref<128xi32, #tpu.memory_space<vmem>>)
        %add3A_153 = arith.constant 3 : i32
        %add3A_154 = arith.addi %sub3A_60, %add3A_153 : i32
        %rem3A_155 = arith.constant 16 : i32
        %rem3A_156 = arith.remsi %add3A_154, %rem3A_155 : i32
        %rem3A_157 = arith.constant 4 : i32
        %rem3A_158 = arith.remsi %add3A_154, %rem3A_157 : i32
        %dma_start3A = arith.constant 0 : i32
        %dma_start3A_159 = arith.constant 0 : i32
        %dma_start3A_160 = tpu.memref_slice %arg11[%rem3A_158, %dma_start3A, %dma_start3A_159] : memref<4x128x64xf32, #tpu.memory_space<vmem>> -> memref<1x128x64xf32, #tpu.memory_space<vmem>>
        %dma_start3A_161 = tpu.memref_squeeze %dma_start3A_160 : memref<1x128x64xf32, #tpu.memory_space<vmem>> -> memref<128x64xf32, #tpu.memory_space<vmem>>
        %dma_start3A_162 = arith.constant 0 : i32
        %dma_start3A_163 = tpu.memref_slice %arg9[%rem3A_156, %dma_start3A_162] : memref<16x128xi32, #tpu.memory_space<vmem>> -> memref<1x128xi32, #tpu.memory_space<vmem>>
        %dma_start3A_164 = tpu.memref_squeeze %dma_start3A_163 : memref<1x128xi32, #tpu.memory_space<vmem>> -> memref<128xi32, #tpu.memory_space<vmem>>
        %dma_start3A_165 = arith.constant 0 : i32
        %dma_start3A_166 = arith.constant 0 : i32
        %dma_start3A_167 = tpu.memref_slice %arg19[%dma_start3A_165, %dma_start3A_166] : memref<10000x64xf32, #tpu.memory_space<vmem_shared>> -> memref<10000x64xf32, #tpu.memory_space<vmem_shared>>
        %dma_start3A_168 = tpu.memref_slice %arg21[%rem3A_158] : memref<4x!tpu.dma_semaphore, #tpu.memory_space<semaphore_mem>> -> memref<1x!tpu.dma_semaphore, #tpu.memory_space<semaphore_mem>>
        %dma_start3A_169 = tpu.memref_squeeze %dma_start3A_168 : memref<1x!tpu.dma_semaphore, #tpu.memory_space<semaphore_mem>> -> memref<!tpu.dma_semaphore, #tpu.memory_space<semaphore_mem>>
        tpu.enqueue_indirect_dma source(%dma_start3A_167 : memref<10000x64xf32, #tpu.memory_space<vmem_shared>>) target(%dma_start3A_161 : memref<128x64xf32, #tpu.memory_space<vmem>>) offsets(%dma_start3A_164 : memref<128xi32, #tpu.memory_space<vmem>>) semaphore(%dma_start3A_169 : memref<!tpu.dma_semaphore, #tpu.memory_space<semaphore_mem>>)
        %dma_start3A_170 = arith.constant 0 : i32
        %dma_start3A_171 = arith.constant 0 : i32
        %dma_start3A_172 = tpu.memref_slice %arg12[%rem3A_158, %dma_start3A_170, %dma_start3A_171] : memref<4x128x64xf32, #tpu.memory_space<vmem>> -> memref<1x128x64xf32, #tpu.memory_space<vmem>>
        %dma_start3A_173 = tpu.memref_squeeze %dma_start3A_172 : memref<1x128x64xf32, #tpu.memory_space<vmem>> -> memref<128x64xf32, #tpu.memory_space<vmem>>
        %dma_start3A_174 = arith.constant 0 : i32
        %dma_start3A_175 = tpu.memref_slice %arg10[%rem3A_156, %dma_start3A_174] : memref<16x128xi32, #tpu.memory_space<vmem>> -> memref<1x128xi32, #tpu.memory_space<vmem>>
        %dma_start3A_176 = tpu.memref_squeeze %dma_start3A_175 : memref<1x128xi32, #tpu.memory_space<vmem>> -> memref<128xi32, #tpu.memory_space<vmem>>
        %dma_start3A_177 = arith.constant 0 : i32
        %dma_start3A_178 = arith.constant 0 : i32
        %dma_start3A_179 = tpu.memref_slice %arg19[%dma_start3A_177, %dma_start3A_178] : memref<10000x64xf32, #tpu.memory_space<vmem_shared>> -> memref<10000x64xf32, #tpu.memory_space<vmem_shared>>
        %dma_start3A_180 = tpu.memref_slice %arg21[%rem3A_158] : memref<4x!tpu.dma_semaphore, #tpu.memory_space<semaphore_mem>> -> memref<1x!tpu.dma_semaphore, #tpu.memory_space<semaphore_mem>>
        %dma_start3A_181 = tpu.memref_squeeze %dma_start3A_180 : memref<1x!tpu.dma_semaphore, #tpu.memory_space<semaphore_mem>> -> memref<!tpu.dma_semaphore, #tpu.memory_space<semaphore_mem>>
        tpu.enqueue_indirect_dma source(%dma_start3A_179 : memref<10000x64xf32, #tpu.memory_space<vmem_shared>>) target(%dma_start3A_173 : memref<128x64xf32, #tpu.memory_space<vmem>>) offsets(%dma_start3A_176 : memref<128xi32, #tpu.memory_space<vmem>>) semaphore(%dma_start3A_181 : memref<!tpu.dma_semaphore, #tpu.memory_space<semaphore_mem>>)
      } else {
      }
      %add3A_92 = arith.constant 3 : i32
      %add3A_93 = arith.addi %sub3A_60, %add3A_92 : i32
      %add3A_94 = arith.constant 3 : i32
      %add3A_95 = arith.addi %add3A_93, %add3A_94 : i32
      %ge3A_96 = arith.constant 0 : i32
      %ge3A_97 = arith.cmpi sge, %add3A_95, %ge3A_96 : i32
      %lt3A_98 = arith.constant 162 : i32
      %lt3A_99 = arith.cmpi slt, %add3A_95, %lt3A_98 : i32
      %mul3A_100 = arith.constant 32 : i32
      %mul3A_101 = arith.muli %add3A_95, %mul3A_100 : i32
      %add3A_102 = arith.addi %mul3A_101, %add3A : i32
      %lt3A_103 = arith.constant 5156 : i32
      %lt3A_104 = arith.cmpi slt, %add3A_102, %lt3A_103 : i32
      %and3A_105 = arith.andi %lt3A_99, %lt3A_104 : i1
      %and3A_106 = arith.andi %ge3A_97, %and3A_105 : i1
      %convert_element_type3A_107 = arith.extui %and3A_106 : i1 to i32
      %cond3A_108 = arith.constant 0 : i32
      %cond3A_109 = arith.cmpi ne, %convert_element_type3A_107, %cond3A_108 : i32
      scf.if %cond3A_109 {
        %add3A_124 = arith.constant 3 : i32
        %add3A_125 = arith.addi %sub3A_60, %add3A_124 : i32
        %add3A_126 = arith.constant 3 : i32
        %add3A_127 = arith.addi %add3A_125, %add3A_126 : i32
        %rem3A = arith.constant 16 : i32
        %rem3A_128 = arith.remsi %add3A_127, %rem3A : i32
        %rem3A_129 = arith.constant 4 : i32
        %rem3A_130 = arith.remsi %add3A_127, %rem3A_129 : i32
        %mul3A_131 = arith.constant 32 : i32
        %mul3A_132 = arith.muli %add3A_127, %mul3A_131 : i32
        %add3A_133 = arith.addi %mul3A_132, %add3A : i32
        %mul3A_134 = arith.constant 128 : i32
        %mul3A_135 = arith.muli %add3A_133, %mul3A_134 : i32
        %dma_start3A = arith.constant 0 : i32
        %dma_start3A_136 = tpu.memref_slice %arg9[%rem3A_128, %dma_start3A] : memref<16x128xi32, #tpu.memory_space<vmem>> -> memref<1x128xi32, #tpu.memory_space<vmem>>
        %dma_start3A_137 = tpu.memref_squeeze %dma_start3A_136 : memref<1x128xi32, #tpu.memory_space<vmem>> -> memref<128xi32, #tpu.memory_space<vmem>>
        %dma_start3A_138 = tpu.memref_slice %arg3[%mul3A_135] : memref<660000xi32, #tpu.memory_space<hbm>> -> memref<128xi32, #tpu.memory_space<hbm>>
        %dma_start3A_139 = tpu.memref_slice %arg20[%rem3A_130] : memref<4x!tpu.dma_semaphore, #tpu.memory_space<semaphore_mem>> -> memref<1x!tpu.dma_semaphore, #tpu.memory_space<semaphore_mem>>
        %dma_start3A_140 = tpu.memref_squeeze %dma_start3A_139 : memref<1x!tpu.dma_semaphore, #tpu.memory_space<semaphore_mem>> -> memref<!tpu.dma_semaphore, #tpu.memory_space<semaphore_mem>>
        %dma_start3A_141 = arith.constant 0 : i32
        %dma_start3A_142 = tpu.memref_slice %arg9[%rem3A_128, %dma_start3A_141] : memref<16x128xi32, #tpu.memory_space<vmem>> -> memref<1x128xi32, #tpu.memory_space<vmem>>
        %dma_start3A_143 = tpu.memref_squeeze %dma_start3A_142 : memref<1x128xi32, #tpu.memory_space<vmem>> -> memref<128xi32, #tpu.memory_space<vmem>>
        %dma_start3A_144 = tpu.memref_slice %arg3[%mul3A_135] : memref<660000xi32, #tpu.memory_space<hbm>> -> memref<128xi32, #tpu.memory_space<hbm>>
        tpu.enqueue_dma source(%dma_start3A_144 : memref<128xi32, #tpu.memory_space<hbm>>) target(%dma_start3A_143 : memref<128xi32, #tpu.memory_space<vmem>>) target_semaphore(%dma_start3A_140 : memref<!tpu.dma_semaphore, #tpu.memory_space<semaphore_mem>>)
        %dma_start3A_145 = arith.constant 0 : i32
        %dma_start3A_146 = tpu.memref_slice %arg10[%rem3A_128, %dma_start3A_145] : memref<16x128xi32, #tpu.memory_space<vmem>> -> memref<1x128xi32, #tpu.memory_space<vmem>>
        %dma_start3A_147 = tpu.memref_squeeze %dma_start3A_146 : memref<1x128xi32, #tpu.memory_space<vmem>> -> memref<128xi32, #tpu.memory_space<vmem>>
        %dma_start3A_148 = tpu.memref_slice %arg4[%mul3A_135] : memref<660000xi32, #tpu.memory_space<hbm>> -> memref<128xi32, #tpu.memory_space<hbm>>
        %dma_start3A_149 = tpu.memref_slice %arg20[%rem3A_130] : memref<4x!tpu.dma_semaphore, #tpu.memory_space<semaphore_mem>> -> memref<1x!tpu.dma_semaphore, #tpu.memory_space<semaphore_mem>>
        %dma_start3A_150 = tpu.memref_squeeze %dma_start3A_149 : memref<1x!tpu.dma_semaphore, #tpu.memory_space<semaphore_mem>> -> memref<!tpu.dma_semaphore, #tpu.memory_space<semaphore_mem>>
        %dma_start3A_151 = arith.constant 0 : i32
        %dma_start3A_152 = tpu.memref_slice %arg10[%rem3A_128, %dma_start3A_151] : memref<16x128xi32, #tpu.memory_space<vmem>> -> memref<1x128xi32, #tpu.memory_space<vmem>>
        %dma_start3A_153 = tpu.memref_squeeze %dma_start3A_152 : memref<1x128xi32, #tpu.memory_space<vmem>> -> memref<128xi32, #tpu.memory_space<vmem>>
        %dma_start3A_154 = tpu.memref_slice %arg4[%mul3A_135] : memref<660000xi32, #tpu.memory_space<hbm>> -> memref<128xi32, #tpu.memory_space<hbm>>
        tpu.enqueue_dma source(%dma_start3A_154 : memref<128xi32, #tpu.memory_space<hbm>>) target(%dma_start3A_153 : memref<128xi32, #tpu.memory_space<vmem>>) target_semaphore(%dma_start3A_150 : memref<!tpu.dma_semaphore, #tpu.memory_space<semaphore_mem>>)
      } else {
      }
      %ge3A_110 = arith.constant 0 : i32
      %ge3A_111 = arith.cmpi sge, %sub3A_60, %ge3A_110 : i32
      %lt3A_112 = arith.constant 162 : i32
      %lt3A_113 = arith.cmpi slt, %sub3A_60, %lt3A_112 : i32
      %mul3A_114 = arith.constant 32 : i32
      %mul3A_115 = arith.muli %sub3A_60, %mul3A_114 : i32
      %add3A_116 = arith.addi %mul3A_115, %add3A : i32
      %lt3A_117 = arith.constant 5156 : i32
      %lt3A_118 = arith.cmpi slt, %add3A_116, %lt3A_117 : i32
      %and3A_119 = arith.andi %lt3A_113, %lt3A_118 : i1
      %and3A_120 = arith.andi %ge3A_111, %and3A_119 : i1
      %convert_element_type3A_121 = arith.extui %and3A_120 : i1 to i32
      %cond3A_122 = arith.constant 0 : i32
      %cond3A_123 = arith.cmpi ne, %convert_element_type3A_121, %cond3A_122 : i32
      scf.if %cond3A_123 {
        %rem3A = arith.constant 16 : i32
        %rem3A_124 = arith.remsi %sub3A_60, %rem3A : i32
        %rem3A_125 = arith.constant 4 : i32
        %rem3A_126 = arith.remsi %sub3A_60, %rem3A_125 : i32
        %dma_wait3A = arith.constant 0 : i32
        %dma_wait3A_127 = arith.constant 0 : i32
        %dma_wait3A_128 = tpu.memref_slice %arg11[%rem3A_126, %dma_wait3A, %dma_wait3A_127] : memref<4x128x64xf32, #tpu.memory_space<vmem>> -> memref<1x128x64xf32, #tpu.memory_space<vmem>>
        %dma_wait3A_129 = tpu.memref_squeeze %dma_wait3A_128 : memref<1x128x64xf32, #tpu.memory_space<vmem>> -> memref<128x64xf32, #tpu.memory_space<vmem>>
        %dma_wait3A_130 = arith.constant 0 : i32
        %dma_wait3A_131 = tpu.memref_slice %arg9[%rem3A_124, %dma_wait3A_130] : memref<16x128xi32, #tpu.memory_space<vmem>> -> memref<1x128xi32, #tpu.memory_space<vmem>>
        %dma_wait3A_132 = tpu.memref_squeeze %dma_wait3A_131 : memref<1x128xi32, #tpu.memory_space<vmem>> -> memref<128xi32, #tpu.memory_space<vmem>>
        %dma_wait3A_133 = arith.constant 0 : i32
        %dma_wait3A_134 = arith.constant 0 : i32
        %dma_wait3A_135 = tpu.memref_slice %arg19[%dma_wait3A_133, %dma_wait3A_134] : memref<10000x64xf32, #tpu.memory_space<vmem_shared>> -> memref<10000x64xf32, #tpu.memory_space<vmem_shared>>
        %dma_wait3A_136 = tpu.memref_slice %arg21[%rem3A_126] : memref<4x!tpu.dma_semaphore, #tpu.memory_space<semaphore_mem>> -> memref<1x!tpu.dma_semaphore, #tpu.memory_space<semaphore_mem>>
        %dma_wait3A_137 = tpu.memref_squeeze %dma_wait3A_136 : memref<1x!tpu.dma_semaphore, #tpu.memory_space<semaphore_mem>> -> memref<!tpu.dma_semaphore, #tpu.memory_space<semaphore_mem>>
        tpu.wait_indirect_dma semaphore(%dma_wait3A_137 : memref<!tpu.dma_semaphore, #tpu.memory_space<semaphore_mem>>) src(%dma_wait3A_135 : memref<10000x64xf32, #tpu.memory_space<vmem_shared>>) dst(%dma_wait3A_129 : memref<128x64xf32, #tpu.memory_space<vmem>>)
        %dma_wait3A_138 = arith.constant 0 : i32
        %dma_wait3A_139 = arith.constant 0 : i32
        %dma_wait3A_140 = tpu.memref_slice %arg12[%rem3A_126, %dma_wait3A_138, %dma_wait3A_139] : memref<4x128x64xf32, #tpu.memory_space<vmem>> -> memref<1x128x64xf32, #tpu.memory_space<vmem>>
        %dma_wait3A_141 = tpu.memref_squeeze %dma_wait3A_140 : memref<1x128x64xf32, #tpu.memory_space<vmem>> -> memref<128x64xf32, #tpu.memory_space<vmem>>
        %dma_wait3A_142 = arith.constant 0 : i32
        %dma_wait3A_143 = tpu.memref_slice %arg10[%rem3A_124, %dma_wait3A_142] : memref<16x128xi32, #tpu.memory_space<vmem>> -> memref<1x128xi32, #tpu.memory_space<vmem>>
        %dma_wait3A_144 = tpu.memref_squeeze %dma_wait3A_143 : memref<1x128xi32, #tpu.memory_space<vmem>> -> memref<128xi32, #tpu.memory_space<vmem>>
        %dma_wait3A_145 = arith.constant 0 : i32
        %dma_wait3A_146 = arith.constant 0 : i32
        %dma_wait3A_147 = tpu.memref_slice %arg19[%dma_wait3A_145, %dma_wait3A_146] : memref<10000x64xf32, #tpu.memory_space<vmem_shared>> -> memref<10000x64xf32, #tpu.memory_space<vmem_shared>>
        %dma_wait3A_148 = tpu.memref_slice %arg21[%rem3A_126] : memref<4x!tpu.dma_semaphore, #tpu.memory_space<semaphore_mem>> -> memref<1x!tpu.dma_semaphore, #tpu.memory_space<semaphore_mem>>
        %dma_wait3A_149 = tpu.memref_squeeze %dma_wait3A_148 : memref<1x!tpu.dma_semaphore, #tpu.memory_space<semaphore_mem>> -> memref<!tpu.dma_semaphore, #tpu.memory_space<semaphore_mem>>
        tpu.wait_indirect_dma semaphore(%dma_wait3A_149 : memref<!tpu.dma_semaphore, #tpu.memory_space<semaphore_mem>>) src(%dma_wait3A_147 : memref<10000x64xf32, #tpu.memory_space<vmem_shared>>) dst(%dma_wait3A_141 : memref<128x64xf32, #tpu.memory_space<vmem>>)
        %rem3A_150 = arith.constant 16 : i32
        %rem3A_151 = arith.remsi %sub3A_60, %rem3A_150 : i32
        %rem3A_152 = arith.constant 4 : i32
        %rem3A_153 = arith.remsi %sub3A_60, %rem3A_152 : i32
        %scan3A_154 = arith.constant 0 : i32
        %scan3A_155 = arith.constant 32 : i32
        %scan3A_156 = arith.addi %scan3A_154, %scan3A_155 : i32
        %scan3A_157 = arith.constant 1 : i32
        scf.for %scan3A_278 = %scan3A_154 to %scan3A_156 step %scan3A_157  : i32 {
          %mul3A_279 = arith.constant 4 : i32
          %mul3A_280 = arith.muli %scan3A_278, %mul3A_279 : i32
          %add3A_281 = arith.constant 0 : i32
          %add3A_282 = arith.addi %mul3A_280, %add3A_281 : i32
          %get3A_283 = arith.index_cast %rem3A_153 : i32 to index
          %get3A_284 = arith.index_cast %add3A_282 : i32 to index
          %get3A_285 = arith.constant 0 : index
          %get3A_286 = tpu.vector_load %arg11[%get3A_283, %get3A_284, %get3A_285] {strides = array<i32>} : memref<4x128x64xf32, #tpu.memory_space<vmem>>, vector<16xf32>,
          %get3A_287 = arith.index_cast %rem3A_153 : i32 to index
          %get3A_288 = arith.index_cast %add3A_282 : i32 to index
          %get3A_289 = arith.constant 0 : index
          %get3A_290 = tpu.vector_load %arg12[%get3A_287, %get3A_288, %get3A_289] {strides = array<i32>} : memref<4x128x64xf32, #tpu.memory_space<vmem>>, vector<16xf32>,
          %mul3A_291 = arith.mulf %get3A_286, %get3A_290 : vector<16xf32>
          %swap3A_292 = arith.index_cast %rem3A_153 : i32 to index
          %swap3A_293 = arith.index_cast %add3A_282 : i32 to index
          %swap3A_294 = arith.constant 0 : index
          %swap3A_295 = tpu.vector_load %arg11[%swap3A_292, %swap3A_293, %swap3A_294] {strides = array<i32>} : memref<4x128x64xf32, #tpu.memory_space<vmem>>, vector<16xf32>,
          tpu.vector_store %arg11[%swap3A_292, %swap3A_293, %swap3A_294], %mul3A_291 {strides = array<i32>} : memref<4x128x64xf32, #tpu.memory_space<vmem>>, vector<16xf32>,
          %get3A_296 = arith.index_cast %rem3A_153 : i32 to index
          %get3A_297 = arith.index_cast %add3A_282 : i32 to index
          %get3A_298 = arith.constant 16 : index
          %get3A_299 = tpu.vector_load %arg11[%get3A_296, %get3A_297, %get3A_298] {strides = array<i32>} : memref<4x128x64xf32, #tpu.memory_space<vmem>>, vector<16xf32>,
          %get3A_300 = arith.index_cast %rem3A_153 : i32 to index
          %get3A_301 = arith.index_cast %add3A_282 : i32 to index
          %get3A_302 = arith.constant 16 : index
          %get3A_303 = tpu.vector_load %arg12[%get3A_300, %get3A_301, %get3A_302] {strides = array<i32>} : memref<4x128x64xf32, #tpu.memory_space<vmem>>, vector<16xf32>,
          %mul3A_304 = arith.mulf %get3A_299, %get3A_303 : vector<16xf32>
          %swap3A_305 = arith.index_cast %rem3A_153 : i32 to index
          %swap3A_306 = arith.index_cast %add3A_282 : i32 to index
          %swap3A_307 = arith.constant 16 : index
          %swap3A_308 = tpu.vector_load %arg11[%swap3A_305, %swap3A_306, %swap3A_307] {strides = array<i32>} : memref<4x128x64xf32, #tpu.memory_space<vmem>>, vector<16xf32>,
          tpu.vector_store %arg11[%swap3A_305, %swap3A_306, %swap3A_307], %mul3A_304 {strides = array<i32>} : memref<4x128x64xf32, #tpu.memory_space<vmem>>, vector<16xf32>,
          %get3A_309 = arith.index_cast %rem3A_153 : i32 to index
          %get3A_310 = arith.index_cast %add3A_282 : i32 to index
          %get3A_311 = arith.constant 32 : index
          %get3A_312 = tpu.vector_load %arg11[%get3A_309, %get3A_310, %get3A_311] {strides = array<i32>} : memref<4x128x64xf32, #tpu.memory_space<vmem>>, vector<16xf32>,
          %get3A_313 = arith.index_cast %rem3A_153 : i32 to index
          %get3A_314 = arith.index_cast %add3A_282 : i32 to index
          %get3A_315 = arith.constant 32 : index
          %get3A_316 = tpu.vector_load %arg12[%get3A_313, %get3A_314, %get3A_315] {strides = array<i32>} : memref<4x128x64xf32, #tpu.memory_space<vmem>>, vector<16xf32>,
          %mul3A_317 = arith.mulf %get3A_312, %get3A_316 : vector<16xf32>
          %swap3A_318 = arith.index_cast %rem3A_153 : i32 to index
          %swap3A_319 = arith.index_cast %add3A_282 : i32 to index
          %swap3A_320 = arith.constant 32 : index
          %swap3A_321 = tpu.vector_load %arg11[%swap3A_318, %swap3A_319, %swap3A_320] {strides = array<i32>} : memref<4x128x64xf32, #tpu.memory_space<vmem>>, vector<16xf32>,
          tpu.vector_store %arg11[%swap3A_318, %swap3A_319, %swap3A_320], %mul3A_317 {strides = array<i32>} : memref<4x128x64xf32, #tpu.memory_space<vmem>>, vector<16xf32>,
          %get3A_322 = arith.index_cast %rem3A_153 : i32 to index
          %get3A_323 = arith.index_cast %add3A_282 : i32 to index
          %get3A_324 = arith.constant 48 : index
          %get3A_325 = tpu.vector_load %arg11[%get3A_322, %get3A_323, %get3A_324] {strides = array<i32>} : memref<4x128x64xf32, #tpu.memory_space<vmem>>, vector<16xf32>,
          %get3A_326 = arith.index_cast %rem3A_153 : i32 to index
          %get3A_327 = arith.index_cast %add3A_282 : i32 to index
          %get3A_328 = arith.constant 48 : index
          %get3A_329 = tpu.vector_load %arg12[%get3A_326, %get3A_327, %get3A_328] {strides = array<i32>} : memref<4x128x64xf32, #tpu.memory_space<vmem>>, vector<16xf32>,
          %mul3A_330 = arith.mulf %get3A_325, %get3A_329 : vector<16xf32>
          %swap3A_331 = arith.index_cast %rem3A_153 : i32 to index
          %swap3A_332 = arith.index_cast %add3A_282 : i32 to index
          %swap3A_333 = arith.constant 48 : index
          %swap3A_334 = tpu.vector_load %arg11[%swap3A_331, %swap3A_332, %swap3A_333] {strides = array<i32>} : memref<4x128x64xf32, #tpu.memory_space<vmem>>, vector<16xf32>,
          tpu.vector_store %arg11[%swap3A_331, %swap3A_332, %swap3A_333], %mul3A_330 {strides = array<i32>} : memref<4x128x64xf32, #tpu.memory_space<vmem>>, vector<16xf32>,
          %mul3A_335 = arith.constant 4 : i32
          %mul3A_336 = arith.muli %scan3A_278, %mul3A_335 : i32
          %add3A_337 = arith.constant 1 : i32
          %add3A_338 = arith.addi %mul3A_336, %add3A_337 : i32
          %get3A_339 = arith.index_cast %rem3A_153 : i32 to index
          %get3A_340 = arith.index_cast %add3A_338 : i32 to index
          %get3A_341 = arith.constant 0 : index
          %get3A_342 = tpu.vector_load %arg11[%get3A_339, %get3A_340, %get3A_341] {strides = array<i32>} : memref<4x128x64xf32, #tpu.memory_space<vmem>>, vector<16xf32>,
          %get3A_343 = arith.index_cast %rem3A_153 : i32 to index
          %get3A_344 = arith.index_cast %add3A_338 : i32 to index
          %get3A_345 = arith.constant 0 : index
          %get3A_346 = tpu.vector_load %arg12[%get3A_343, %get3A_344, %get3A_345] {strides = array<i32>} : memref<4x128x64xf32, #tpu.memory_space<vmem>>, vector<16xf32>,
          %mul3A_347 = arith.mulf %get3A_342, %get3A_346 : vector<16xf32>
          %swap3A_348 = arith.index_cast %rem3A_153 : i32 to index
          %swap3A_349 = arith.index_cast %add3A_338 : i32 to index
          %swap3A_350 = arith.constant 0 : index
          %swap3A_351 = tpu.vector_load %arg11[%swap3A_348, %swap3A_349, %swap3A_350] {strides = array<i32>} : memref<4x128x64xf32, #tpu.memory_space<vmem>>, vector<16xf32>,
          tpu.vector_store %arg11[%swap3A_348, %swap3A_349, %swap3A_350], %mul3A_347 {strides = array<i32>} : memref<4x128x64xf32, #tpu.memory_space<vmem>>, vector<16xf32>,
          %get3A_352 = arith.index_cast %rem3A_153 : i32 to index
          %get3A_353 = arith.index_cast %add3A_338 : i32 to index
          %get3A_354 = arith.constant 16 : index
          %get3A_355 = tpu.vector_load %arg11[%get3A_352, %get3A_353, %get3A_354] {strides = array<i32>} : memref<4x128x64xf32, #tpu.memory_space<vmem>>, vector<16xf32>,
          %get3A_356 = arith.index_cast %rem3A_153 : i32 to index
          %get3A_357 = arith.index_cast %add3A_338 : i32 to index
          %get3A_358 = arith.constant 16 : index
          %get3A_359 = tpu.vector_load %arg12[%get3A_356, %get3A_357, %get3A_358] {strides = array<i32>} : memref<4x128x64xf32, #tpu.memory_space<vmem>>, vector<16xf32>,
          %mul3A_360 = arith.mulf %get3A_355, %get3A_359 : vector<16xf32>
          %swap3A_361 = arith.index_cast %rem3A_153 : i32 to index
          %swap3A_362 = arith.index_cast %add3A_338 : i32 to index
          %swap3A_363 = arith.constant 16 : index
          %swap3A_364 = tpu.vector_load %arg11[%swap3A_361, %swap3A_362, %swap3A_363] {strides = array<i32>} : memref<4x128x64xf32, #tpu.memory_space<vmem>>, vector<16xf32>,
          tpu.vector_store %arg11[%swap3A_361, %swap3A_362, %swap3A_363], %mul3A_360 {strides = array<i32>} : memref<4x128x64xf32, #tpu.memory_space<vmem>>, vector<16xf32>,
          %get3A_365 = arith.index_cast %rem3A_153 : i32 to index
          %get3A_366 = arith.index_cast %add3A_338 : i32 to index
          %get3A_367 = arith.constant 32 : index
          %get3A_368 = tpu.vector_load %arg11[%get3A_365, %get3A_366, %get3A_367] {strides = array<i32>} : memref<4x128x64xf32, #tpu.memory_space<vmem>>, vector<16xf32>,
          %get3A_369 = arith.index_cast %rem3A_153 : i32 to index
          %get3A_370 = arith.index_cast %add3A_338 : i32 to index
          %get3A_371 = arith.constant 32 : index
          %get3A_372 = tpu.vector_load %arg12[%get3A_369, %get3A_370, %get3A_371] {strides = array<i32>} : memref<4x128x64xf32, #tpu.memory_space<vmem>>, vector<16xf32>,
          %mul3A_373 = arith.mulf %get3A_368, %get3A_372 : vector<16xf32>
          %swap3A_374 = arith.index_cast %rem3A_153 : i32 to index
          %swap3A_375 = arith.index_cast %add3A_338 : i32 to index
          %swap3A_376 = arith.constant 32 : index
          %swap3A_377 = tpu.vector_load %arg11[%swap3A_374, %swap3A_375, %swap3A_376] {strides = array<i32>} : memref<4x128x64xf32, #tpu.memory_space<vmem>>, vector<16xf32>,
          tpu.vector_store %arg11[%swap3A_374, %swap3A_375, %swap3A_376], %mul3A_373 {strides = array<i32>} : memref<4x128x64xf32, #tpu.memory_space<vmem>>, vector<16xf32>,
          %get3A_378 = arith.index_cast %rem3A_153 : i32 to index
          %get3A_379 = arith.index_cast %add3A_338 : i32 to index
          %get3A_380 = arith.constant 48 : index
          %get3A_381 = tpu.vector_load %arg11[%get3A_378, %get3A_379, %get3A_380] {strides = array<i32>} : memref<4x128x64xf32, #tpu.memory_space<vmem>>, vector<16xf32>,
          %get3A_382 = arith.index_cast %rem3A_153 : i32 to index
          %get3A_383 = arith.index_cast %add3A_338 : i32 to index
          %get3A_384 = arith.constant 48 : index
          %get3A_385 = tpu.vector_load %arg12[%get3A_382, %get3A_383, %get3A_384] {strides = array<i32>} : memref<4x128x64xf32, #tpu.memory_space<vmem>>, vector<16xf32>,
          %mul3A_386 = arith.mulf %get3A_381, %get3A_385 : vector<16xf32>
          %swap3A_387 = arith.index_cast %rem3A_153 : i32 to index
          %swap3A_388 = arith.index_cast %add3A_338 : i32 to index
          %swap3A_389 = arith.constant 48 : index
          %swap3A_390 = tpu.vector_load %arg11[%swap3A_387, %swap3A_388, %swap3A_389] {strides = array<i32>} : memref<4x128x64xf32, #tpu.memory_space<vmem>>, vector<16xf32>,
          tpu.vector_store %arg11[%swap3A_387, %swap3A_388, %swap3A_389], %mul3A_386 {strides = array<i32>} : memref<4x128x64xf32, #tpu.memory_space<vmem>>, vector<16xf32>,
          %mul3A_391 = arith.constant 4 : i32
          %mul3A_392 = arith.muli %scan3A_278, %mul3A_391 : i32
          %add3A_393 = arith.constant 2 : i32
          %add3A_394 = arith.addi %mul3A_392, %add3A_393 : i32
          %get3A_395 = arith.index_cast %rem3A_153 : i32 to index
          %get3A_396 = arith.index_cast %add3A_394 : i32 to index
          %get3A_397 = arith.constant 0 : index
          %get3A_398 = tpu.vector_load %arg11[%get3A_395, %get3A_396, %get3A_397] {strides = array<i32>} : memref<4x128x64xf32, #tpu.memory_space<vmem>>, vector<16xf32>,
          %get3A_399 = arith.index_cast %rem3A_153 : i32 to index
          %get3A_400 = arith.index_cast %add3A_394 : i32 to index
          %get3A_401 = arith.constant 0 : index
          %get3A_402 = tpu.vector_load %arg12[%get3A_399, %get3A_400, %get3A_401] {strides = array<i32>} : memref<4x128x64xf32, #tpu.memory_space<vmem>>, vector<16xf32>,
          %mul3A_403 = arith.mulf %get3A_398, %get3A_402 : vector<16xf32>
          %swap3A_404 = arith.index_cast %rem3A_153 : i32 to index
          %swap3A_405 = arith.index_cast %add3A_394 : i32 to index
          %swap3A_406 = arith.constant 0 : index
          %swap3A_407 = tpu.vector_load %arg11[%swap3A_404, %swap3A_405, %swap3A_406] {strides = array<i32>} : memref<4x128x64xf32, #tpu.memory_space<vmem>>, vector<16xf32>,
          tpu.vector_store %arg11[%swap3A_404, %swap3A_405, %swap3A_406], %mul3A_403 {strides = array<i32>} : memref<4x128x64xf32, #tpu.memory_space<vmem>>, vector<16xf32>,
          %get3A_408 = arith.index_cast %rem3A_153 : i32 to index
          %get3A_409 = arith.index_cast %add3A_394 : i32 to index
          %get3A_410 = arith.constant 16 : index
          %get3A_411 = tpu.vector_load %arg11[%get3A_408, %get3A_409, %get3A_410] {strides = array<i32>} : memref<4x128x64xf32, #tpu.memory_space<vmem>>, vector<16xf32>,
          %get3A_412 = arith.index_cast %rem3A_153 : i32 to index
          %get3A_413 = arith.index_cast %add3A_394 : i32 to index
          %get3A_414 = arith.constant 16 : index
          %get3A_415 = tpu.vector_load %arg12[%get3A_412, %get3A_413, %get3A_414] {strides = array<i32>} : memref<4x128x64xf32, #tpu.memory_space<vmem>>, vector<16xf32>,
          %mul3A_416 = arith.mulf %get3A_411, %get3A_415 : vector<16xf32>
          %swap3A_417 = arith.index_cast %rem3A_153 : i32 to index
          %swap3A_418 = arith.index_cast %add3A_394 : i32 to index
          %swap3A_419 = arith.constant 16 : index
          %swap3A_420 = tpu.vector_load %arg11[%swap3A_417, %swap3A_418, %swap3A_419] {strides = array<i32>} : memref<4x128x64xf32, #tpu.memory_space<vmem>>, vector<16xf32>,
          tpu.vector_store %arg11[%swap3A_417, %swap3A_418, %swap3A_419], %mul3A_416 {strides = array<i32>} : memref<4x128x64xf32, #tpu.memory_space<vmem>>, vector<16xf32>,
          %get3A_421 = arith.index_cast %rem3A_153 : i32 to index
          %get3A_422 = arith.index_cast %add3A_394 : i32 to index
          %get3A_423 = arith.constant 32 : index
          %get3A_424 = tpu.vector_load %arg11[%get3A_421, %get3A_422, %get3A_423] {strides = array<i32>} : memref<4x128x64xf32, #tpu.memory_space<vmem>>, vector<16xf32>,
          %get3A_425 = arith.index_cast %rem3A_153 : i32 to index
          %get3A_426 = arith.index_cast %add3A_394 : i32 to index
          %get3A_427 = arith.constant 32 : index
          %get3A_428 = tpu.vector_load %arg12[%get3A_425, %get3A_426, %get3A_427] {strides = array<i32>} : memref<4x128x64xf32, #tpu.memory_space<vmem>>, vector<16xf32>,
          %mul3A_429 = arith.mulf %get3A_424, %get3A_428 : vector<16xf32>
          %swap3A_430 = arith.index_cast %rem3A_153 : i32 to index
          %swap3A_431 = arith.index_cast %add3A_394 : i32 to index
          %swap3A_432 = arith.constant 32 : index
          %swap3A_433 = tpu.vector_load %arg11[%swap3A_430, %swap3A_431, %swap3A_432] {strides = array<i32>} : memref<4x128x64xf32, #tpu.memory_space<vmem>>, vector<16xf32>,
          tpu.vector_store %arg11[%swap3A_430, %swap3A_431, %swap3A_432], %mul3A_429 {strides = array<i32>} : memref<4x128x64xf32, #tpu.memory_space<vmem>>, vector<16xf32>,
          %get3A_434 = arith.index_cast %rem3A_153 : i32 to index
          %get3A_435 = arith.index_cast %add3A_394 : i32 to index
          %get3A_436 = arith.constant 48 : index
          %get3A_437 = tpu.vector_load %arg11[%get3A_434, %get3A_435, %get3A_436] {strides = array<i32>} : memref<4x128x64xf32, #tpu.memory_space<vmem>>, vector<16xf32>,
          %get3A_438 = arith.index_cast %rem3A_153 : i32 to index
          %get3A_439 = arith.index_cast %add3A_394 : i32 to index
          %get3A_440 = arith.constant 48 : index
          %get3A_441 = tpu.vector_load %arg12[%get3A_438, %get3A_439, %get3A_440] {strides = array<i32>} : memref<4x128x64xf32, #tpu.memory_space<vmem>>, vector<16xf32>,
          %mul3A_442 = arith.mulf %get3A_437, %get3A_441 : vector<16xf32>
          %swap3A_443 = arith.index_cast %rem3A_153 : i32 to index
          %swap3A_444 = arith.index_cast %add3A_394 : i32 to index
          %swap3A_445 = arith.constant 48 : index
          %swap3A_446 = tpu.vector_load %arg11[%swap3A_443, %swap3A_444, %swap3A_445] {strides = array<i32>} : memref<4x128x64xf32, #tpu.memory_space<vmem>>, vector<16xf32>,
          tpu.vector_store %arg11[%swap3A_443, %swap3A_444, %swap3A_445], %mul3A_442 {strides = array<i32>} : memref<4x128x64xf32, #tpu.memory_space<vmem>>, vector<16xf32>,
          %mul3A_447 = arith.constant 4 : i32
          %mul3A_448 = arith.muli %scan3A_278, %mul3A_447 : i32
          %add3A_449 = arith.constant 3 : i32
          %add3A_450 = arith.addi %mul3A_448, %add3A_449 : i32
          %get3A_451 = arith.index_cast %rem3A_153 : i32 to index
          %get3A_452 = arith.index_cast %add3A_450 : i32 to index
          %get3A_453 = arith.constant 0 : index
          %get3A_454 = tpu.vector_load %arg11[%get3A_451, %get3A_452, %get3A_453] {strides = array<i32>} : memref<4x128x64xf32, #tpu.memory_space<vmem>>, vector<16xf32>,
          %get3A_455 = arith.index_cast %rem3A_153 : i32 to index
          %get3A_456 = arith.index_cast %add3A_450 : i32 to index
          %get3A_457 = arith.constant 0 : index
          %get3A_458 = tpu.vector_load %arg12[%get3A_455, %get3A_456, %get3A_457] {strides = array<i32>} : memref<4x128x64xf32, #tpu.memory_space<vmem>>, vector<16xf32>,
          %mul3A_459 = arith.mulf %get3A_454, %get3A_458 : vector<16xf32>
          %swap3A_460 = arith.index_cast %rem3A_153 : i32 to index
          %swap3A_461 = arith.index_cast %add3A_450 : i32 to index
          %swap3A_462 = arith.constant 0 : index
          %swap3A_463 = tpu.vector_load %arg11[%swap3A_460, %swap3A_461, %swap3A_462] {strides = array<i32>} : memref<4x128x64xf32, #tpu.memory_space<vmem>>, vector<16xf32>,
          tpu.vector_store %arg11[%swap3A_460, %swap3A_461, %swap3A_462], %mul3A_459 {strides = array<i32>} : memref<4x128x64xf32, #tpu.memory_space<vmem>>, vector<16xf32>,
          %get3A_464 = arith.index_cast %rem3A_153 : i32 to index
          %get3A_465 = arith.index_cast %add3A_450 : i32 to index
          %get3A_466 = arith.constant 16 : index
          %get3A_467 = tpu.vector_load %arg11[%get3A_464, %get3A_465, %get3A_466] {strides = array<i32>} : memref<4x128x64xf32, #tpu.memory_space<vmem>>, vector<16xf32>,
          %get3A_468 = arith.index_cast %rem3A_153 : i32 to index
          %get3A_469 = arith.index_cast %add3A_450 : i32 to index
          %get3A_470 = arith.constant 16 : index
          %get3A_471 = tpu.vector_load %arg12[%get3A_468, %get3A_469, %get3A_470] {strides = array<i32>} : memref<4x128x64xf32, #tpu.memory_space<vmem>>, vector<16xf32>,
          %mul3A_472 = arith.mulf %get3A_467, %get3A_471 : vector<16xf32>
          %swap3A_473 = arith.index_cast %rem3A_153 : i32 to index
          %swap3A_474 = arith.index_cast %add3A_450 : i32 to index
          %swap3A_475 = arith.constant 16 : index
          %swap3A_476 = tpu.vector_load %arg11[%swap3A_473, %swap3A_474, %swap3A_475] {strides = array<i32>} : memref<4x128x64xf32, #tpu.memory_space<vmem>>, vector<16xf32>,
          tpu.vector_store %arg11[%swap3A_473, %swap3A_474, %swap3A_475], %mul3A_472 {strides = array<i32>} : memref<4x128x64xf32, #tpu.memory_space<vmem>>, vector<16xf32>,
          %get3A_477 = arith.index_cast %rem3A_153 : i32 to index
          %get3A_478 = arith.index_cast %add3A_450 : i32 to index
          %get3A_479 = arith.constant 32 : index
          %get3A_480 = tpu.vector_load %arg11[%get3A_477, %get3A_478, %get3A_479] {strides = array<i32>} : memref<4x128x64xf32, #tpu.memory_space<vmem>>, vector<16xf32>,
          %get3A_481 = arith.index_cast %rem3A_153 : i32 to index
          %get3A_482 = arith.index_cast %add3A_450 : i32 to index
          %get3A_483 = arith.constant 32 : index
          %get3A_484 = tpu.vector_load %arg12[%get3A_481, %get3A_482, %get3A_483] {strides = array<i32>} : memref<4x128x64xf32, #tpu.memory_space<vmem>>, vector<16xf32>,
          %mul3A_485 = arith.mulf %get3A_480, %get3A_484 : vector<16xf32>
          %swap3A_486 = arith.index_cast %rem3A_153 : i32 to index
          %swap3A_487 = arith.index_cast %add3A_450 : i32 to index
          %swap3A_488 = arith.constant 32 : index
          %swap3A_489 = tpu.vector_load %arg11[%swap3A_486, %swap3A_487, %swap3A_488] {strides = array<i32>} : memref<4x128x64xf32, #tpu.memory_space<vmem>>, vector<16xf32>,
          tpu.vector_store %arg11[%swap3A_486, %swap3A_487, %swap3A_488], %mul3A_485 {strides = array<i32>} : memref<4x128x64xf32, #tpu.memory_space<vmem>>, vector<16xf32>,
          %get3A_490 = arith.index_cast %rem3A_153 : i32 to index
          %get3A_491 = arith.index_cast %add3A_450 : i32 to index
          %get3A_492 = arith.constant 48 : index
          %get3A_493 = tpu.vector_load %arg11[%get3A_490, %get3A_491, %get3A_492] {strides = array<i32>} : memref<4x128x64xf32, #tpu.memory_space<vmem>>, vector<16xf32>,
          %get3A_494 = arith.index_cast %rem3A_153 : i32 to index
          %get3A_495 = arith.index_cast %add3A_450 : i32 to index
          %get3A_496 = arith.constant 48 : index
          %get3A_497 = tpu.vector_load %arg12[%get3A_494, %get3A_495, %get3A_496] {strides = array<i32>} : memref<4x128x64xf32, #tpu.memory_space<vmem>>, vector<16xf32>,
          %mul3A_498 = arith.mulf %get3A_493, %get3A_497 : vector<16xf32>
          %swap3A_499 = arith.index_cast %rem3A_153 : i32 to index
          %swap3A_500 = arith.index_cast %add3A_450 : i32 to index
          %swap3A_501 = arith.constant 48 : index
          %swap3A_502 = tpu.vector_load %arg11[%swap3A_499, %swap3A_500, %swap3A_501] {strides = array<i32>} : memref<4x128x64xf32, #tpu.memory_space<vmem>>, vector<16xf32>,
          tpu.vector_store %arg11[%swap3A_499, %swap3A_500, %swap3A_501], %mul3A_498 {strides = array<i32>} : memref<4x128x64xf32, #tpu.memory_space<vmem>>, vector<16xf32>,
        }
        %scan3A_158 = arith.constant 32 : i32
        %get3A = arith.index_cast %rem3A_151 : i32 to index
        %get3A_159 = arith.constant 0 : index
        %get3A_160 = tpu.vector_load %arg9[%get3A, %get3A_159] {strides = array<i32>} : memref<16x128xi32, #tpu.memory_space<vmem>>, vector<16xi32>,
        %gather3A = tpu.vector_load_idx %arg8[%get3A_160] : memref<10000xi32, #tpu.memory_space<vmem>>[vector<16xi32>], vector<16xi32>,
        %get3A_161 = arith.index_cast %rem3A_151 : i32 to index
        %get3A_162 = arith.constant 0 : index
        %get3A_163 = tpu.vector_load %arg10[%get3A_161, %get3A_162] {strides = array<i32>} : memref<16x128xi32, #tpu.memory_space<vmem>>, vector<16xi32>,
        %gather3A_164 = tpu.vector_load_idx %arg8[%get3A_163] : memref<10000xi32, #tpu.memory_space<vmem>>[vector<16xi32>], vector<16xi32>,
        %add3A_165 = arith.addi %gather3A, %gather3A_164 : vector<16xi32>
        %swap3A = arith.index_cast %rem3A_153 : i32 to index
        %swap3A_166 = arith.constant 0 : index
        %swap3A_167 = tpu.vector_load %arg13[%swap3A, %swap3A_166] {strides = array<i32>} : memref<4x128xi32, #tpu.memory_space<vmem>>, vector<16xi32>,
        tpu.vector_store %arg13[%swap3A, %swap3A_166], %add3A_165 {strides = array<i32>} : memref<4x128xi32, #tpu.memory_space<vmem>>, vector<16xi32>,
        %get3A_168 = arith.index_cast %rem3A_151 : i32 to index
        %get3A_169 = arith.constant 16 : index
        %get3A_170 = tpu.vector_load %arg9[%get3A_168, %get3A_169] {strides = array<i32>} : memref<16x128xi32, #tpu.memory_space<vmem>>, vector<16xi32>,
        %gather3A_171 = tpu.vector_load_idx %arg8[%get3A_170] : memref<10000xi32, #tpu.memory_space<vmem>>[vector<16xi32>], vector<16xi32>,
        %get3A_172 = arith.index_cast %rem3A_151 : i32 to index
        %get3A_173 = arith.constant 16 : index
        %get3A_174 = tpu.vector_load %arg10[%get3A_172, %get3A_173] {strides = array<i32>} : memref<16x128xi32, #tpu.memory_space<vmem>>, vector<16xi32>,
        %gather3A_175 = tpu.vector_load_idx %arg8[%get3A_174] : memref<10000xi32, #tpu.memory_space<vmem>>[vector<16xi32>], vector<16xi32>,
        %add3A_176 = arith.addi %gather3A_171, %gather3A_175 : vector<16xi32>
        %swap3A_177 = arith.index_cast %rem3A_153 : i32 to index
        %swap3A_178 = arith.constant 16 : index
        %swap3A_179 = tpu.vector_load %arg13[%swap3A_177, %swap3A_178] {strides = array<i32>} : memref<4x128xi32, #tpu.memory_space<vmem>>, vector<16xi32>,
        tpu.vector_store %arg13[%swap3A_177, %swap3A_178], %add3A_176 {strides = array<i32>} : memref<4x128xi32, #tpu.memory_space<vmem>>, vector<16xi32>,
        %get3A_180 = arith.index_cast %rem3A_151 : i32 to index
        %get3A_181 = arith.constant 32 : index
        %get3A_182 = tpu.vector_load %arg9[%get3A_180, %get3A_181] {strides = array<i32>} : memref<16x128xi32, #tpu.memory_space<vmem>>, vector<16xi32>,
        %gather3A_183 = tpu.vector_load_idx %arg8[%get3A_182] : memref<10000xi32, #tpu.memory_space<vmem>>[vector<16xi32>], vector<16xi32>,
        %get3A_184 = arith.index_cast %rem3A_151 : i32 to index
        %get3A_185 = arith.constant 32 : index
        %get3A_186 = tpu.vector_load %arg10[%get3A_184, %get3A_185] {strides = array<i32>} : memref<16x128xi32, #tpu.memory_space<vmem>>, vector<16xi32>,
        %gather3A_187 = tpu.vector_load_idx %arg8[%get3A_186] : memref<10000xi32, #tpu.memory_space<vmem>>[vector<16xi32>], vector<16xi32>,
        %add3A_188 = arith.addi %gather3A_183, %gather3A_187 : vector<16xi32>
        %swap3A_189 = arith.index_cast %rem3A_153 : i32 to index
        %swap3A_190 = arith.constant 32 : index
        %swap3A_191 = tpu.vector_load %arg13[%swap3A_189, %swap3A_190] {strides = array<i32>} : memref<4x128xi32, #tpu.memory_space<vmem>>, vector<16xi32>,
        tpu.vector_store %arg13[%swap3A_189, %swap3A_190], %add3A_188 {strides = array<i32>} : memref<4x128xi32, #tpu.memory_space<vmem>>, vector<16xi32>,
        %get3A_192 = arith.index_cast %rem3A_151 : i32 to index
        %get3A_193 = arith.constant 48 : index
        %get3A_194 = tpu.vector_load %arg9[%get3A_192, %get3A_193] {strides = array<i32>} : memref<16x128xi32, #tpu.memory_space<vmem>>, vector<16xi32>,
        %gather3A_195 = tpu.vector_load_idx %arg8[%get3A_194] : memref<10000xi32, #tpu.memory_space<vmem>>[vector<16xi32>], vector<16xi32>,
        %get3A_196 = arith.index_cast %rem3A_151 : i32 to index
        %get3A_197 = arith.constant 48 : index
        %get3A_198 = tpu.vector_load %arg10[%get3A_196, %get3A_197] {strides = array<i32>} : memref<16x128xi32, #tpu.memory_space<vmem>>, vector<16xi32>,
        %gather3A_199 = tpu.vector_load_idx %arg8[%get3A_198] : memref<10000xi32, #tpu.memory_space<vmem>>[vector<16xi32>], vector<16xi32>,
        %add3A_200 = arith.addi %gather3A_195, %gather3A_199 : vector<16xi32>
        %swap3A_201 = arith.index_cast %rem3A_153 : i32 to index
        %swap3A_202 = arith.constant 48 : index
        %swap3A_203 = tpu.vector_load %arg13[%swap3A_201, %swap3A_202] {strides = array<i32>} : memref<4x128xi32, #tpu.memory_space<vmem>>, vector<16xi32>,
        tpu.vector_store %arg13[%swap3A_201, %swap3A_202], %add3A_200 {strides = array<i32>} : memref<4x128xi32, #tpu.memory_space<vmem>>, vector<16xi32>,
        %get3A_204 = arith.index_cast %rem3A_151 : i32 to index
        %get3A_205 = arith.constant 64 : index
        %get3A_206 = tpu.vector_load %arg9[%get3A_204, %get3A_205] {strides = array<i32>} : memref<16x128xi32, #tpu.memory_space<vmem>>, vector<16xi32>,
        %gather3A_207 = tpu.vector_load_idx %arg8[%get3A_206] : memref<10000xi32, #tpu.memory_space<vmem>>[vector<16xi32>], vector<16xi32>,
        %get3A_208 = arith.index_cast %rem3A_151 : i32 to index
        %get3A_209 = arith.constant 64 : index
        %get3A_210 = tpu.vector_load %arg10[%get3A_208, %get3A_209] {strides = array<i32>} : memref<16x128xi32, #tpu.memory_space<vmem>>, vector<16xi32>,
        %gather3A_211 = tpu.vector_load_idx %arg8[%get3A_210] : memref<10000xi32, #tpu.memory_space<vmem>>[vector<16xi32>], vector<16xi32>,
        %add3A_212 = arith.addi %gather3A_207, %gather3A_211 : vector<16xi32>
        %swap3A_213 = arith.index_cast %rem3A_153 : i32 to index
        %swap3A_214 = arith.constant 64 : index
        %swap3A_215 = tpu.vector_load %arg13[%swap3A_213, %swap3A_214] {strides = array<i32>} : memref<4x128xi32, #tpu.memory_space<vmem>>, vector<16xi32>,
        tpu.vector_store %arg13[%swap3A_213, %swap3A_214], %add3A_212 {strides = array<i32>} : memref<4x128xi32, #tpu.memory_space<vmem>>, vector<16xi32>,
        %get3A_216 = arith.index_cast %rem3A_151 : i32 to index
        %get3A_217 = arith.constant 80 : index
        %get3A_218 = tpu.vector_load %arg9[%get3A_216, %get3A_217] {strides = array<i32>} : memref<16x128xi32, #tpu.memory_space<vmem>>, vector<16xi32>,
        %gather3A_219 = tpu.vector_load_idx %arg8[%get3A_218] : memref<10000xi32, #tpu.memory_space<vmem>>[vector<16xi32>], vector<16xi32>,
        %get3A_220 = arith.index_cast %rem3A_151 : i32 to index
        %get3A_221 = arith.constant 80 : index
        %get3A_222 = tpu.vector_load %arg10[%get3A_220, %get3A_221] {strides = array<i32>} : memref<16x128xi32, #tpu.memory_space<vmem>>, vector<16xi32>,
        %gather3A_223 = tpu.vector_load_idx %arg8[%get3A_222] : memref<10000xi32, #tpu.memory_space<vmem>>[vector<16xi32>], vector<16xi32>,
        %add3A_224 = arith.addi %gather3A_219, %gather3A_223 : vector<16xi32>
        %swap3A_225 = arith.index_cast %rem3A_153 : i32 to index
        %swap3A_226 = arith.constant 80 : index
        %swap3A_227 = tpu.vector_load %arg13[%swap3A_225, %swap3A_226] {strides = array<i32>} : memref<4x128xi32, #tpu.memory_space<vmem>>, vector<16xi32>,
        tpu.vector_store %arg13[%swap3A_225, %swap3A_226], %add3A_224 {strides = array<i32>} : memref<4x128xi32, #tpu.memory_space<vmem>>, vector<16xi32>,
        %get3A_228 = arith.index_cast %rem3A_151 : i32 to index
        %get3A_229 = arith.constant 96 : index
        %get3A_230 = tpu.vector_load %arg9[%get3A_228, %get3A_229] {strides = array<i32>} : memref<16x128xi32, #tpu.memory_space<vmem>>, vector<16xi32>,
        %gather3A_231 = tpu.vector_load_idx %arg8[%get3A_230] : memref<10000xi32, #tpu.memory_space<vmem>>[vector<16xi32>], vector<16xi32>,
        %get3A_232 = arith.index_cast %rem3A_151 : i32 to index
        %get3A_233 = arith.constant 96 : index
        %get3A_234 = tpu.vector_load %arg10[%get3A_232, %get3A_233] {strides = array<i32>} : memref<16x128xi32, #tpu.memory_space<vmem>>, vector<16xi32>,
        %gather3A_235 = tpu.vector_load_idx %arg8[%get3A_234] : memref<10000xi32, #tpu.memory_space<vmem>>[vector<16xi32>], vector<16xi32>,
        %add3A_236 = arith.addi %gather3A_231, %gather3A_235 : vector<16xi32>
        %swap3A_237 = arith.index_cast %rem3A_153 : i32 to index
        %swap3A_238 = arith.constant 96 : index
        %swap3A_239 = tpu.vector_load %arg13[%swap3A_237, %swap3A_238] {strides = array<i32>} : memref<4x128xi32, #tpu.memory_space<vmem>>, vector<16xi32>,
        tpu.vector_store %arg13[%swap3A_237, %swap3A_238], %add3A_236 {strides = array<i32>} : memref<4x128xi32, #tpu.memory_space<vmem>>, vector<16xi32>,
        %get3A_240 = arith.index_cast %rem3A_151 : i32 to index
        %get3A_241 = arith.constant 112 : index
        %get3A_242 = tpu.vector_load %arg9[%get3A_240, %get3A_241] {strides = array<i32>} : memref<16x128xi32, #tpu.memory_space<vmem>>, vector<16xi32>,
        %gather3A_243 = tpu.vector_load_idx %arg8[%get3A_242] : memref<10000xi32, #tpu.memory_space<vmem>>[vector<16xi32>], vector<16xi32>,
        %get3A_244 = arith.index_cast %rem3A_151 : i32 to index
        %get3A_245 = arith.constant 112 : index
        %get3A_246 = tpu.vector_load %arg10[%get3A_244, %get3A_245] {strides = array<i32>} : memref<16x128xi32, #tpu.memory_space<vmem>>, vector<16xi32>,
        %gather3A_247 = tpu.vector_load_idx %arg8[%get3A_246] : memref<10000xi32, #tpu.memory_space<vmem>>[vector<16xi32>], vector<16xi32>,
        %add3A_248 = arith.addi %gather3A_243, %gather3A_247 : vector<16xi32>
        %swap3A_249 = arith.index_cast %rem3A_153 : i32 to index
        %swap3A_250 = arith.constant 112 : index
        %swap3A_251 = tpu.vector_load %arg13[%swap3A_249, %swap3A_250] {strides = array<i32>} : memref<4x128xi32, #tpu.memory_space<vmem>>, vector<16xi32>,
        tpu.vector_store %arg13[%swap3A_249, %swap3A_250], %add3A_248 {strides = array<i32>} : memref<4x128xi32, #tpu.memory_space<vmem>>, vector<16xi32>,
        %rem3A_252 = arith.constant 4 : i32
        %rem3A_253 = arith.remsi %sub3A_60, %rem3A_252 : i32
        %mul3A_254 = arith.constant 32 : i32
        %mul3A_255 = arith.muli %sub3A_60, %mul3A_254 : i32
        %add3A_256 = arith.addi %mul3A_255, %add3A : i32
        %mul3A_257 = arith.constant 128 : i32
        %mul3A_258 = arith.muli %add3A_256, %mul3A_257 : i32
        %dma_start3A = arith.constant 0 : i32
        %dma_start3A_259 = arith.constant 0 : i32
        %dma_start3A_260 = tpu.memref_slice %arg11[%rem3A_253, %dma_start3A, %dma_start3A_259] : memref<4x128x64xf32, #tpu.memory_space<vmem>> -> memref<1x128x64xf32, #tpu.memory_space<vmem>>
        %dma_start3A_261 = tpu.memref_squeeze %dma_start3A_260 : memref<1x128x64xf32, #tpu.memory_space<vmem>> -> memref<128x64xf32, #tpu.memory_space<vmem>>
        %dma_start3A_262 = arith.constant 0 : i32
        %dma_start3A_263 = tpu.memref_slice %arg6[%mul3A_258, %dma_start3A_262] : memref<660000x64xf32, #tpu.memory_space<hbm>> -> memref<128x64xf32, #tpu.memory_space<hbm>>
        %dma_start3A_264 = arith.constant 0 : i32
        %dma_start3A_265 = tpu.memref_slice %arg6[%mul3A_258, %dma_start3A_264] : memref<660000x64xf32, #tpu.memory_space<hbm>> -> memref<128x64xf32, #tpu.memory_space<hbm>>
        %dma_start3A_266 = arith.constant 0 : i32
        %dma_start3A_267 = arith.constant 0 : i32
        %dma_start3A_268 = tpu.memref_slice %arg11[%rem3A_253, %dma_start3A_266, %dma_start3A_267] : memref<4x128x64xf32, #tpu.memory_space<vmem>> -> memref<1x128x64xf32, #tpu.memory_space<vmem>>
        %dma_start3A_269 = tpu.memref_squeeze %dma_start3A_268 : memref<1x128x64xf32, #tpu.memory_space<vmem>> -> memref<128x64xf32, #tpu.memory_space<vmem>>
        tpu.enqueue_dma source(%dma_start3A_269 : memref<128x64xf32, #tpu.memory_space<vmem>>) target(%dma_start3A_265 : memref<128x64xf32, #tpu.memory_space<hbm>>) target_semaphore(%arg22 : memref<!tpu.dma_semaphore, #tpu.memory_space<semaphore_mem>>)
        %dma_start3A_270 = arith.constant 0 : i32
        %dma_start3A_271 = tpu.memref_slice %arg13[%rem3A_253, %dma_start3A_270] : memref<4x128xi32, #tpu.memory_space<vmem>> -> memref<1x128xi32, #tpu.memory_space<vmem>>
        %dma_start3A_272 = tpu.memref_squeeze %dma_start3A_271 : memref<1x128xi32, #tpu.memory_space<vmem>> -> memref<128xi32, #tpu.memory_space<vmem>>
        %dma_start3A_273 = tpu.memref_slice %arg7[%mul3A_258] : memref<660000xi32, #tpu.memory_space<hbm>> -> memref<128xi32, #tpu.memory_space<hbm>>
        %dma_start3A_274 = tpu.memref_slice %arg7[%mul3A_258] : memref<660000xi32, #tpu.memory_space<hbm>> -> memref<128xi32, #tpu.memory_space<hbm>>
        %dma_start3A_275 = arith.constant 0 : i32
        %dma_start3A_276 = tpu.memref_slice %arg13[%rem3A_253, %dma_start3A_275] : memref<4x128xi32, #tpu.memory_space<vmem>> -> memref<1x128xi32, #tpu.memory_space<vmem>>
        %dma_start3A_277 = tpu.memref_squeeze %dma_start3A_276 : memref<1x128xi32, #tpu.memory_space<vmem>> -> memref<128xi32, #tpu.memory_space<vmem>>
        tpu.enqueue_dma source(%dma_start3A_277 : memref<128xi32, #tpu.memory_space<vmem>>) target(%dma_start3A_274 : memref<128xi32, #tpu.memory_space<hbm>>) target_semaphore(%arg22 : memref<!tpu.dma_semaphore, #tpu.memory_space<semaphore_mem>>)
      } else {
      }
    }
    %scan3A_42 = arith.constant 165 : i32
    %add3A_43 = arith.constant 5152 : i32
    %add3A_44 = arith.addi %add3A_43, %add3A : i32
    %lt3A_45 = arith.constant 5156 : i32
    %lt3A_46 = arith.cmpi slt, %add3A_44, %lt3A_45 : i32
    %and3A_47 = arith.constant true
    %and3A_48 = arith.andi %and3A_47, %lt3A_46 : i1
    %and3A_49 = arith.constant true
    %and3A_50 = arith.andi %and3A_49, %and3A_48 : i1
    %convert_element_type3A_51 = arith.extui %and3A_50 : i1 to i32
    %cond3A_52 = arith.constant 0 : i32
    %cond3A_53 = arith.cmpi ne, %convert_element_type3A_51, %cond3A_52 : i32
    scf.if %cond3A_53 {
      %rem3A = arith.constant 161 : i32
      %rem3A_59 = arith.constant 4 : i32
      %rem3A_60 = arith.remsi %rem3A, %rem3A_59 : i32
      %add3A_61 = arith.constant 5152 : i32
      %add3A_62 = arith.addi %add3A_61, %add3A : i32
      %mul3A_63 = arith.constant 128 : i32
      %mul3A_64 = arith.muli %add3A_62, %mul3A_63 : i32
      %dma_wait3A = arith.constant 0 : i32
      %dma_wait3A_65 = arith.constant 0 : i32
      %dma_wait3A_66 = tpu.memref_slice %arg11[%rem3A_60, %dma_wait3A, %dma_wait3A_65] : memref<4x128x64xf32, #tpu.memory_space<vmem>> -> memref<1x128x64xf32, #tpu.memory_space<vmem>>
      %dma_wait3A_67 = tpu.memref_squeeze %dma_wait3A_66 : memref<1x128x64xf32, #tpu.memory_space<vmem>> -> memref<128x64xf32, #tpu.memory_space<vmem>>
      %dma_wait3A_68 = arith.constant 0 : i32
      %dma_wait3A_69 = tpu.memref_slice %arg6[%mul3A_64, %dma_wait3A_68] : memref<660000x64xf32, #tpu.memory_space<hbm>> -> memref<128x64xf32, #tpu.memory_space<hbm>>
      %dma_wait3A_70 = arith.constant 0 : i32
      %dma_wait3A_71 = tpu.memref_slice %arg6[%mul3A_64, %dma_wait3A_70] : memref<660000x64xf32, #tpu.memory_space<hbm>> -> memref<128x64xf32, #tpu.memory_space<hbm>>
      %dma_wait3A_72 = arith.constant 0 : i32
      %dma_wait3A_73 = arith.constant 0 : i32
      %dma_wait3A_74 = tpu.memref_slice %arg11[%rem3A_60, %dma_wait3A_72, %dma_wait3A_73] : memref<4x128x64xf32, #tpu.memory_space<vmem>> -> memref<1x128x64xf32, #tpu.memory_space<vmem>>
      %dma_wait3A_75 = tpu.memref_squeeze %dma_wait3A_74 : memref<1x128x64xf32, #tpu.memory_space<vmem>> -> memref<128x64xf32, #tpu.memory_space<vmem>>
      tpu.wait_dma2 semaphore(%arg22 : memref<!tpu.dma_semaphore, #tpu.memory_space<semaphore_mem>>) src(%dma_wait3A_75 : memref<128x64xf32, #tpu.memory_space<vmem>>) dst(%dma_wait3A_71 : memref<128x64xf32, #tpu.memory_space<hbm>>)
      %dma_wait3A_76 = arith.constant 0 : i32
      %dma_wait3A_77 = tpu.memref_slice %arg13[%rem3A_60, %dma_wait3A_76] : memref<4x128xi32, #tpu.memory_space<vmem>> -> memref<1x128xi32, #tpu.memory_space<vmem>>
      %dma_wait3A_78 = tpu.memref_squeeze %dma_wait3A_77 : memref<1x128xi32, #tpu.memory_space<vmem>> -> memref<128xi32, #tpu.memory_space<vmem>>
      %dma_wait3A_79 = tpu.memref_slice %arg7[%mul3A_64] : memref<660000xi32, #tpu.memory_space<hbm>> -> memref<128xi32, #tpu.memory_space<hbm>>
      %dma_wait3A_80 = tpu.memref_slice %arg7[%mul3A_64] : memref<660000xi32, #tpu.memory_space<hbm>> -> memref<128xi32, #tpu.memory_space<hbm>>
      %dma_wait3A_81 = arith.constant 0 : i32
      %dma_wait3A_82 = tpu.memref_slice %arg13[%rem3A_60, %dma_wait3A_81] : memref<4x128xi32, #tpu.memory_space<vmem>> -> memref<1x128xi32, #tpu.memory_space<vmem>>
      %dma_wait3A_83 = tpu.memref_squeeze %dma_wait3A_82 : memref<1x128xi32, #tpu.memory_space<vmem>> -> memref<128xi32, #tpu.memory_space<vmem>>
      tpu.wait_dma2 semaphore(%arg22 : memref<!tpu.dma_semaphore, #tpu.memory_space<semaphore_mem>>) src(%dma_wait3A_83 : memref<128xi32, #tpu.memory_space<vmem>>) dst(%dma_wait3A_80 : memref<128xi32, #tpu.memory_space<hbm>>)
    } else {
    }
    %eq3A_54 = arith.constant 0 : i32
    %eq3A_55 = arith.cmpi eq, %add3A, %eq3A_54 : i32
    %convert_element_type3A_56 = arith.extui %eq3A_55 : i1 to i32
    %cond3A_57 = arith.constant 0 : i32
    %cond3A_58 = arith.cmpi ne, %convert_element_type3A_56, %cond3A_57 : i32
    scf.if %cond3A_58 {
      "tpu.region"() ({
        %run_scoped3A = tpu.sem_alloc : memref<!tpu.dma_semaphore, #tpu.memory_space<semaphore_mem>>
        %dma_start3A_101 = arith.constant 659968 : i32
        %dma_start3A_102 = tpu.memref_slice %arg3[%dma_start3A_101] : memref<660000xi32, #tpu.memory_space<hbm>> -> memref<32xi32, #tpu.memory_space<hbm>>
        %dma_start3A_103 = arith.constant 659968 : i32
        %dma_start3A_104 = tpu.memref_slice %arg3[%dma_start3A_103] : memref<660000xi32, #tpu.memory_space<hbm>> -> memref<32xi32, #tpu.memory_space<hbm>>
        tpu.enqueue_dma source(%dma_start3A_104 : memref<32xi32, #tpu.memory_space<hbm>>) target(%arg14 : memref<32xi32, #tpu.memory_space<vmem>>) target_semaphore(%run_scoped3A : memref<!tpu.dma_semaphore, #tpu.memory_space<semaphore_mem>>)
        %dma_wait3A_105 = arith.constant 659968 : i32
        %dma_wait3A_106 = tpu.memref_slice %arg3[%dma_wait3A_105] : memref<660000xi32, #tpu.memory_space<hbm>> -> memref<32xi32, #tpu.memory_space<hbm>>
        %dma_wait3A_107 = arith.constant 659968 : i32
        %dma_wait3A_108 = tpu.memref_slice %arg3[%dma_wait3A_107] : memref<660000xi32, #tpu.memory_space<hbm>> -> memref<32xi32, #tpu.memory_space<hbm>>
        tpu.wait_dma2 semaphore(%run_scoped3A : memref<!tpu.dma_semaphore, #tpu.memory_space<semaphore_mem>>) src(%dma_wait3A_108 : memref<32xi32, #tpu.memory_space<hbm>>) dst(%arg14 : memref<32xi32, #tpu.memory_space<vmem>>)
        tpu.yield
      }) : () -> ()
      "tpu.region"() ({
        %run_scoped3A = tpu.sem_alloc : memref<!tpu.dma_semaphore, #tpu.memory_space<semaphore_mem>>
        %dma_start3A_101 = arith.constant 659968 : i32
        %dma_start3A_102 = tpu.memref_slice %arg4[%dma_start3A_101] : memref<660000xi32, #tpu.memory_space<hbm>> -> memref<32xi32, #tpu.memory_space<hbm>>
        %dma_start3A_103 = arith.constant 659968 : i32
        %dma_start3A_104 = tpu.memref_slice %arg4[%dma_start3A_103] : memref<660000xi32, #tpu.memory_space<hbm>> -> memref<32xi32, #tpu.memory_space<hbm>>
        tpu.enqueue_dma source(%dma_start3A_104 : memref<32xi32, #tpu.memory_space<hbm>>) target(%arg15 : memref<32xi32, #tpu.memory_space<vmem>>) target_semaphore(%run_scoped3A : memref<!tpu.dma_semaphore, #tpu.memory_space<semaphore_mem>>)
        %dma_wait3A_105 = arith.constant 659968 : i32
        %dma_wait3A_106 = tpu.memref_slice %arg4[%dma_wait3A_105] : memref<660000xi32, #tpu.memory_space<hbm>> -> memref<32xi32, #tpu.memory_space<hbm>>
        %dma_wait3A_107 = arith.constant 659968 : i32
        %dma_wait3A_108 = tpu.memref_slice %arg4[%dma_wait3A_107] : memref<660000xi32, #tpu.memory_space<hbm>> -> memref<32xi32, #tpu.memory_space<hbm>>
        tpu.wait_dma2 semaphore(%run_scoped3A : memref<!tpu.dma_semaphore, #tpu.memory_space<semaphore_mem>>) src(%dma_wait3A_108 : memref<32xi32, #tpu.memory_space<hbm>>) dst(%arg15 : memref<32xi32, #tpu.memory_space<vmem>>)
        tpu.yield
      }) : () -> ()
      %dma_start3A = arith.constant 0 : i32
      %dma_start3A_59 = arith.constant 0 : i32
      %dma_start3A_60 = arith.constant 0 : i32
      %dma_start3A_61 = tpu.memref_slice %arg19[%dma_start3A_59, %dma_start3A_60] : memref<10000x64xf32, #tpu.memory_space<vmem_shared>> -> memref<10000x64xf32, #tpu.memory_space<vmem_shared>>
      %dma_start3A_62 = tpu.memref_slice %arg21[%dma_start3A] : memref<4x!tpu.dma_semaphore, #tpu.memory_space<semaphore_mem>> -> memref<1x!tpu.dma_semaphore, #tpu.memory_space<semaphore_mem>>
      %dma_start3A_63 = tpu.memref_squeeze %dma_start3A_62 : memref<1x!tpu.dma_semaphore, #tpu.memory_space<semaphore_mem>> -> memref<!tpu.dma_semaphore, #tpu.memory_space<semaphore_mem>>
      tpu.enqueue_indirect_dma source(%dma_start3A_61 : memref<10000x64xf32, #tpu.memory_space<vmem_shared>>) target(%arg16 : memref<32x64xf32, #tpu.memory_space<vmem>>) offsets(%arg14 : memref<32xi32, #tpu.memory_space<vmem>>) semaphore(%dma_start3A_63 : memref<!tpu.dma_semaphore, #tpu.memory_space<semaphore_mem>>)
      %dma_start3A_64 = arith.constant 0 : i32
      %dma_start3A_65 = arith.constant 0 : i32
      %dma_start3A_66 = arith.constant 0 : i32
      %dma_start3A_67 = tpu.memref_slice %arg19[%dma_start3A_65, %dma_start3A_66] : memref<10000x64xf32, #tpu.memory_space<vmem_shared>> -> memref<10000x64xf32, #tpu.memory_space<vmem_shared>>
      %dma_start3A_68 = tpu.memref_slice %arg21[%dma_start3A_64] : memref<4x!tpu.dma_semaphore, #tpu.memory_space<semaphore_mem>> -> memref<1x!tpu.dma_semaphore, #tpu.memory_space<semaphore_mem>>
      %dma_start3A_69 = tpu.memref_squeeze %dma_start3A_68 : memref<1x!tpu.dma_semaphore, #tpu.memory_space<semaphore_mem>> -> memref<!tpu.dma_semaphore, #tpu.memory_space<semaphore_mem>>
      tpu.enqueue_indirect_dma source(%dma_start3A_67 : memref<10000x64xf32, #tpu.memory_space<vmem_shared>>) target(%arg17 : memref<32x64xf32, #tpu.memory_space<vmem>>) offsets(%arg15 : memref<32xi32, #tpu.memory_space<vmem>>) semaphore(%dma_start3A_69 : memref<!tpu.dma_semaphore, #tpu.memory_space<semaphore_mem>>)
      %dma_wait3A = arith.constant 0 : i32
      %dma_wait3A_70 = arith.constant 0 : i32
      %dma_wait3A_71 = arith.constant 0 : i32
      %dma_wait3A_72 = tpu.memref_slice %arg19[%dma_wait3A_70, %dma_wait3A_71] : memref<10000x64xf32, #tpu.memory_space<vmem_shared>> -> memref<10000x64xf32, #tpu.memory_space<vmem_shared>>
      %dma_wait3A_73 = tpu.memref_slice %arg21[%dma_wait3A] : memref<4x!tpu.dma_semaphore, #tpu.memory_space<semaphore_mem>> -> memref<1x!tpu.dma_semaphore, #tpu.memory_space<semaphore_mem>>
      %dma_wait3A_74 = tpu.memref_squeeze %dma_wait3A_73 : memref<1x!tpu.dma_semaphore, #tpu.memory_space<semaphore_mem>> -> memref<!tpu.dma_semaphore, #tpu.memory_space<semaphore_mem>>
      tpu.wait_indirect_dma semaphore(%dma_wait3A_74 : memref<!tpu.dma_semaphore, #tpu.memory_space<semaphore_mem>>) src(%dma_wait3A_72 : memref<10000x64xf32, #tpu.memory_space<vmem_shared>>) dst(%arg16 : memref<32x64xf32, #tpu.memory_space<vmem>>)
      %dma_wait3A_75 = arith.constant 0 : i32
      %dma_wait3A_76 = arith.constant 0 : i32
      %dma_wait3A_77 = arith.constant 0 : i32
      %dma_wait3A_78 = tpu.memref_slice %arg19[%dma_wait3A_76, %dma_wait3A_77] : memref<10000x64xf32, #tpu.memory_space<vmem_shared>> -> memref<10000x64xf32, #tpu.memory_space<vmem_shared>>
      %dma_wait3A_79 = tpu.memref_slice %arg21[%dma_wait3A_75] : memref<4x!tpu.dma_semaphore, #tpu.memory_space<semaphore_mem>> -> memref<1x!tpu.dma_semaphore, #tpu.memory_space<semaphore_mem>>
      %dma_wait3A_80 = tpu.memref_squeeze %dma_wait3A_79 : memref<1x!tpu.dma_semaphore, #tpu.memory_space<semaphore_mem>> -> memref<!tpu.dma_semaphore, #tpu.memory_space<semaphore_mem>>
      tpu.wait_indirect_dma semaphore(%dma_wait3A_80 : memref<!tpu.dma_semaphore, #tpu.memory_space<semaphore_mem>>) src(%dma_wait3A_78 : memref<10000x64xf32, #tpu.memory_space<vmem_shared>>) dst(%arg17 : memref<32x64xf32, #tpu.memory_space<vmem>>)
      %scan3A_81 = arith.constant 0 : i32
      %scan3A_82 = arith.constant 32 : i32
      %scan3A_83 = arith.addi %scan3A_81, %scan3A_82 : i32
      %scan3A_84 = arith.constant 1 : i32
      scf.for %scan3A_101 = %scan3A_81 to %scan3A_83 step %scan3A_84  : i32 {
        %get3A_102 = arith.index_cast %scan3A_101 : i32 to index
        %get3A_103 = arith.constant 0 : index
        %get3A_104 = tpu.vector_load %arg16[%get3A_102, %get3A_103] {strides = array<i32>} : memref<32x64xf32, #tpu.memory_space<vmem>>, vector<16xf32>,
        %get3A_105 = arith.index_cast %scan3A_101 : i32 to index
        %get3A_106 = arith.constant 0 : index
        %get3A_107 = tpu.vector_load %arg17[%get3A_105, %get3A_106] {strides = array<i32>} : memref<32x64xf32, #tpu.memory_space<vmem>>, vector<16xf32>,
        %mul3A_108 = arith.mulf %get3A_104, %get3A_107 : vector<16xf32>
        %swap3A_109 = arith.index_cast %scan3A_101 : i32 to index
        %swap3A_110 = arith.constant 0 : index
        %swap3A_111 = tpu.vector_load %arg16[%swap3A_109, %swap3A_110] {strides = array<i32>} : memref<32x64xf32, #tpu.memory_space<vmem>>, vector<16xf32>,
        tpu.vector_store %arg16[%swap3A_109, %swap3A_110], %mul3A_108 {strides = array<i32>} : memref<32x64xf32, #tpu.memory_space<vmem>>, vector<16xf32>,
        %get3A_112 = arith.index_cast %scan3A_101 : i32 to index
        %get3A_113 = arith.constant 16 : index
        %get3A_114 = tpu.vector_load %arg16[%get3A_112, %get3A_113] {strides = array<i32>} : memref<32x64xf32, #tpu.memory_space<vmem>>, vector<16xf32>,
        %get3A_115 = arith.index_cast %scan3A_101 : i32 to index
        %get3A_116 = arith.constant 16 : index
        %get3A_117 = tpu.vector_load %arg17[%get3A_115, %get3A_116] {strides = array<i32>} : memref<32x64xf32, #tpu.memory_space<vmem>>, vector<16xf32>,
        %mul3A_118 = arith.mulf %get3A_114, %get3A_117 : vector<16xf32>
        %swap3A_119 = arith.index_cast %scan3A_101 : i32 to index
        %swap3A_120 = arith.constant 16 : index
        %swap3A_121 = tpu.vector_load %arg16[%swap3A_119, %swap3A_120] {strides = array<i32>} : memref<32x64xf32, #tpu.memory_space<vmem>>, vector<16xf32>,
        tpu.vector_store %arg16[%swap3A_119, %swap3A_120], %mul3A_118 {strides = array<i32>} : memref<32x64xf32, #tpu.memory_space<vmem>>, vector<16xf32>,
        %get3A_122 = arith.index_cast %scan3A_101 : i32 to index
        %get3A_123 = arith.constant 32 : index
        %get3A_124 = tpu.vector_load %arg16[%get3A_122, %get3A_123] {strides = array<i32>} : memref<32x64xf32, #tpu.memory_space<vmem>>, vector<16xf32>,
        %get3A_125 = arith.index_cast %scan3A_101 : i32 to index
        %get3A_126 = arith.constant 32 : index
        %get3A_127 = tpu.vector_load %arg17[%get3A_125, %get3A_126] {strides = array<i32>} : memref<32x64xf32, #tpu.memory_space<vmem>>, vector<16xf32>,
        %mul3A_128 = arith.mulf %get3A_124, %get3A_127 : vector<16xf32>
        %swap3A_129 = arith.index_cast %scan3A_101 : i32 to index
        %swap3A_130 = arith.constant 32 : index
        %swap3A_131 = tpu.vector_load %arg16[%swap3A_129, %swap3A_130] {strides = array<i32>} : memref<32x64xf32, #tpu.memory_space<vmem>>, vector<16xf32>,
        tpu.vector_store %arg16[%swap3A_129, %swap3A_130], %mul3A_128 {strides = array<i32>} : memref<32x64xf32, #tpu.memory_space<vmem>>, vector<16xf32>,
        %get3A_132 = arith.index_cast %scan3A_101 : i32 to index
        %get3A_133 = arith.constant 48 : index
        %get3A_134 = tpu.vector_load %arg16[%get3A_132, %get3A_133] {strides = array<i32>} : memref<32x64xf32, #tpu.memory_space<vmem>>, vector<16xf32>,
        %get3A_135 = arith.index_cast %scan3A_101 : i32 to index
        %get3A_136 = arith.constant 48 : index
        %get3A_137 = tpu.vector_load %arg17[%get3A_135, %get3A_136] {strides = array<i32>} : memref<32x64xf32, #tpu.memory_space<vmem>>, vector<16xf32>,
        %mul3A_138 = arith.mulf %get3A_134, %get3A_137 : vector<16xf32>
        %swap3A_139 = arith.index_cast %scan3A_101 : i32 to index
        %swap3A_140 = arith.constant 48 : index
        %swap3A_141 = tpu.vector_load %arg16[%swap3A_139, %swap3A_140] {strides = array<i32>} : memref<32x64xf32, #tpu.memory_space<vmem>>, vector<16xf32>,
        tpu.vector_store %arg16[%swap3A_139, %swap3A_140], %mul3A_138 {strides = array<i32>} : memref<32x64xf32, #tpu.memory_space<vmem>>, vector<16xf32>,
      }
      %scan3A_85 = arith.constant 32 : i32
      %get3A = arith.constant 0 : index
      %get3A_86 = tpu.vector_load %arg14[%get3A] {strides = array<i32>} : memref<32xi32, #tpu.memory_space<vmem>>, vector<16xi32>,
      %gather3A = tpu.vector_load_idx %arg8[%get3A_86] : memref<10000xi32, #tpu.memory_space<vmem>>[vector<16xi32>], vector<16xi32>,
      %get3A_87 = arith.constant 0 : index
      %get3A_88 = tpu.vector_load %arg15[%get3A_87] {strides = array<i32>} : memref<32xi32, #tpu.memory_space<vmem>>, vector<16xi32>,
      %gather3A_89 = tpu.vector_load_idx %arg8[%get3A_88] : memref<10000xi32, #tpu.memory_space<vmem>>[vector<16xi32>], vector<16xi32>,
      %add3A_90 = arith.addi %gather3A, %gather3A_89 : vector<16xi32>
      %swap3A = arith.constant 0 : index
      %swap3A_91 = tpu.vector_load %arg18[%swap3A] {strides = array<i32>} : memref<32xi32, #tpu.memory_space<vmem>>, vector<16xi32>,
      tpu.vector_store %arg18[%swap3A], %add3A_90 {strides = array<i32>} : memref<32xi32, #tpu.memory_space<vmem>>, vector<16xi32>,
      %get3A_92 = arith.constant 16 : index
      %get3A_93 = tpu.vector_load %arg14[%get3A_92] {strides = array<i32>} : memref<32xi32, #tpu.memory_space<vmem>>, vector<16xi32>,
      %gather3A_94 = tpu.vector_load_idx %arg8[%get3A_93] : memref<10000xi32, #tpu.memory_space<vmem>>[vector<16xi32>], vector<16xi32>,
      %get3A_95 = arith.constant 16 : index
      %get3A_96 = tpu.vector_load %arg15[%get3A_95] {strides = array<i32>} : memref<32xi32, #tpu.memory_space<vmem>>, vector<16xi32>,
      %gather3A_97 = tpu.vector_load_idx %arg8[%get3A_96] : memref<10000xi32, #tpu.memory_space<vmem>>[vector<16xi32>], vector<16xi32>,
      %add3A_98 = arith.addi %gather3A_94, %gather3A_97 : vector<16xi32>
      %swap3A_99 = arith.constant 16 : index
      %swap3A_100 = tpu.vector_load %arg18[%swap3A_99] {strides = array<i32>} : memref<32xi32, #tpu.memory_space<vmem>>, vector<16xi32>,
      tpu.vector_store %arg18[%swap3A_99], %add3A_98 {strides = array<i32>} : memref<32xi32, #tpu.memory_space<vmem>>, vector<16xi32>,
      "tpu.region"() ({
        %run_scoped3A = tpu.sem_alloc : memref<!tpu.dma_semaphore, #tpu.memory_space<semaphore_mem>>
        %dma_start3A_101 = arith.constant 659968 : i32
        %dma_start3A_102 = arith.constant 0 : i32
        %dma_start3A_103 = tpu.memref_slice %arg6[%dma_start3A_101, %dma_start3A_102] : memref<660000x64xf32, #tpu.memory_space<hbm>> -> memref<32x64xf32, #tpu.memory_space<hbm>>
        %dma_start3A_104 = arith.constant 659968 : i32
        %dma_start3A_105 = arith.constant 0 : i32
        %dma_start3A_106 = tpu.memref_slice %arg6[%dma_start3A_104, %dma_start3A_105] : memref<660000x64xf32, #tpu.memory_space<hbm>> -> memref<32x64xf32, #tpu.memory_space<hbm>>
        tpu.enqueue_dma source(%arg16 : memref<32x64xf32, #tpu.memory_space<vmem>>) target(%dma_start3A_106 : memref<32x64xf32, #tpu.memory_space<hbm>>) target_semaphore(%run_scoped3A : memref<!tpu.dma_semaphore, #tpu.memory_space<semaphore_mem>>)
        %dma_wait3A_107 = arith.constant 659968 : i32
        %dma_wait3A_108 = arith.constant 0 : i32
        %dma_wait3A_109 = tpu.memref_slice %arg6[%dma_wait3A_107, %dma_wait3A_108] : memref<660000x64xf32, #tpu.memory_space<hbm>> -> memref<32x64xf32, #tpu.memory_space<hbm>>
        %dma_wait3A_110 = arith.constant 659968 : i32
        %dma_wait3A_111 = arith.constant 0 : i32
        %dma_wait3A_112 = tpu.memref_slice %arg6[%dma_wait3A_110, %dma_wait3A_111] : memref<660000x64xf32, #tpu.memory_space<hbm>> -> memref<32x64xf32, #tpu.memory_space<hbm>>
        tpu.wait_dma2 semaphore(%run_scoped3A : memref<!tpu.dma_semaphore, #tpu.memory_space<semaphore_mem>>) src(%arg16 : memref<32x64xf32, #tpu.memory_space<vmem>>) dst(%dma_wait3A_112 : memref<32x64xf32, #tpu.memory_space<hbm>>)
        tpu.yield
      }) : () -> ()
      "tpu.region"() ({
        %run_scoped3A = tpu.sem_alloc : memref<!tpu.dma_semaphore, #tpu.memory_space<semaphore_mem>>
        %dma_start3A_101 = arith.constant 659968 : i32
        %dma_start3A_102 = tpu.memref_slice %arg7[%dma_start3A_101] : memref<660000xi32, #tpu.memory_space<hbm>> -> memref<32xi32, #tpu.memory_space<hbm>>
        %dma_start3A_103 = arith.constant 659968 : i32
        %dma_start3A_104 = tpu.memref_slice %arg7[%dma_start3A_103] : memref<660000xi32, #tpu.memory_space<hbm>> -> memref<32xi32, #tpu.memory_space<hbm>>
        tpu.enqueue_dma source(%arg18 : memref<32xi32, #tpu.memory_space<vmem>>) target(%dma_start3A_104 : memref<32xi32, #tpu.memory_space<hbm>>) target_semaphore(%run_scoped3A : memref<!tpu.dma_semaphore, #tpu.memory_space<semaphore_mem>>)
        %dma_wait3A_105 = arith.constant 659968 : i32
        %dma_wait3A_106 = tpu.memref_slice %arg7[%dma_wait3A_105] : memref<660000xi32, #tpu.memory_space<hbm>> -> memref<32xi32, #tpu.memory_space<hbm>>
        %dma_wait3A_107 = arith.constant 659968 : i32
        %dma_wait3A_108 = tpu.memref_slice %arg7[%dma_wait3A_107] : memref<660000xi32, #tpu.memory_space<hbm>> -> memref<32xi32, #tpu.memory_space<hbm>>
        tpu.wait_dma2 semaphore(%run_scoped3A : memref<!tpu.dma_semaphore, #tpu.memory_space<semaphore_mem>>) src(%arg18 : memref<32xi32, #tpu.memory_space<vmem>>) dst(%dma_wait3A_108 : memref<32xi32, #tpu.memory_space<hbm>>)
        tpu.yield
      }) : () -> ()
    } else {
    }
    return
  }
}

module attributes {stable_mosaic.version = 14 : i64} {
  func.func @_tc0_body(%arg0: memref<10000x128xf32, #tpu.memory_space<vmem>>, %arg1: memref<128x64xf32, #tpu.memory_space<vmem>>, %arg2: memref<10000x64xf32, #tpu.memory_space<vmem>>) attributes {dimension_semantics = [], scalar_prefetch = 0 : i64, scratch_operands = 0 : i64, tpu.core_type = #tpu.core_type<tc>} {
    %get3A = arith.constant 0 : index
    %get3A_0 = arith.constant 0 : index
    %get3A_1 = vector.load %arg0[%get3A, %get3A_0] : memref<10000x128xf32, #tpu.memory_space<vmem>>, vector<10000x128xf32>
    %get3A_2 = arith.constant 0 : index
    %get3A_3 = arith.constant 0 : index
    %get3A_4 = vector.load %arg1[%get3A_2, %get3A_3] : memref<128x64xf32, #tpu.memory_space<vmem>>, vector<128x64xf32>
    %dot_general3A = arith.constant dense<0.000000e+00> : vector<10000x64xf32>
    %dot_general3A_5 = tpu.matmul %get3A_1, %get3A_4, %dot_general3A {dimension_numbers = #tpu.dot_dimension_numbers<[1], [0], [0], [1], [0, 0, 1, 1], [], []>, transpose_lhs_hint = false} : vector<10000x128xf32>, vector<128x64xf32>, vector<10000x64xf32> -> vector<10000x64xf32>
    %swap3A = arith.constant 0 : index
    %swap3A_6 = arith.constant 0 : index
    %swap3A_7 = vector.load %arg2[%swap3A, %swap3A_6] : memref<10000x64xf32, #tpu.memory_space<vmem>>, vector<10000x64xf32>
    tpu.vector_store %arg2[%swap3A, %swap3A_6], %dot_general3A_5 {strides = array<i32>} : memref<10000x64xf32, #tpu.memory_space<vmem>>, vector<10000x64xf32>,
    return
  }
}

module attributes {stable_mosaic.version = 14 : i64} {
  func.func @_tc1_body(%arg0: memref<32x10000xf32, #tpu.memory_space<vmem>>, %arg1: memref<10000x64xf32, #tpu.memory_space<vmem>>, %arg2: memref<10000x64xf32, #tpu.memory_space<vmem>>, %arg3: memref<10000x1xf32, #tpu.memory_space<vmem>>) attributes {dimension_semantics = [], scalar_prefetch = 0 : i64, scratch_operands = 0 : i64, tpu.core_type = #tpu.core_type<tc>} {
    %broadcast_in_dim3A = arith.constant 1.000000e+00 : f32
    %broadcast_in_dim3A_0 = vector.broadcast %broadcast_in_dim3A : f32 to vector<32x1xf32>
    %get3A = arith.constant 0 : index
    %get3A_1 = arith.constant 0 : index
    %get3A_2 = vector.load %arg0[%get3A, %get3A_1] : memref<32x10000xf32, #tpu.memory_space<vmem>>, vector<32x10000xf32>
    %dot_general3A = arith.constant dense<0.000000e+00> : vector<10000x1xf32>
    %dot_general3A_3 = tpu.matmul %get3A_2, %broadcast_in_dim3A_0, %dot_general3A {dimension_numbers = #tpu.dot_dimension_numbers<[0], [0], [1], [1], [0, 1, 1, 1], [], []>, transpose_lhs_hint = false} : vector<32x10000xf32>, vector<32x1xf32>, vector<10000x1xf32> -> vector<10000x1xf32>
    %add3A = arith.constant 1.000000e+00 : f32
    %add3A_4 = vector.broadcast %add3A : f32 to vector<10000x1xf32>
    %add3A_5 = arith.addf %dot_general3A_3, %add3A_4 : vector<10000x1xf32>
    %rsqrt3A = math.rsqrt %add3A_5 : vector<10000x1xf32>
    %get3A_6 = arith.constant 0 : index
    %get3A_7 = arith.constant 0 : index
    %get3A_8 = vector.load %arg1[%get3A_6, %get3A_7] : memref<10000x64xf32, #tpu.memory_space<vmem>>, vector<10000x64xf32>
    %mul3A = vector.broadcast %rsqrt3A : vector<10000x1xf32> to vector<10000x64xf32>
    %mul3A_9 = arith.mulf %mul3A, %get3A_8 : vector<10000x64xf32>
    %swap3A = arith.constant 0 : index
    %swap3A_10 = arith.constant 0 : index
    %swap3A_11 = vector.load %arg2[%swap3A, %swap3A_10] : memref<10000x64xf32, #tpu.memory_space<vmem>>, vector<10000x64xf32>
    tpu.vector_store %arg2[%swap3A, %swap3A_10], %mul3A_9 {strides = array<i32>} : memref<10000x64xf32, #tpu.memory_space<vmem>>, vector<10000x64xf32>,
    %swap3A_12 = arith.constant 0 : index
    %swap3A_13 = arith.constant 0 : index
    %swap3A_14 = vector.load %arg3[%swap3A_12, %swap3A_13] : memref<10000x1xf32, #tpu.memory_space<vmem>>, vector<10000x1xf32>
    tpu.vector_store %arg3[%swap3A_12, %swap3A_13], %rsqrt3A {strides = array<i32>} : memref<10000x1xf32, #tpu.memory_space<vmem>>, vector<10000x1xf32>,
    return
  }
}

module attributes {stable_mosaic.version = 14 : i64} {
  func.func @_tc_mid_body(%arg0: memref<2x10000x64xf32, #tpu.memory_space<vmem>>, %arg1: memref<10000x64xf32, #tpu.memory_space<vmem>>, %arg2: memref<10000x1xf32, #tpu.memory_space<vmem>>, %arg3: memref<64x64xf32, #tpu.memory_space<vmem>>, %arg4: memref<1x64xf32, #tpu.memory_space<vmem>>, %arg5: memref<10000x64xf32, #tpu.memory_space<vmem>>) attributes {dimension_semantics = [], scalar_prefetch = 0 : i64, scratch_operands = 0 : i64, tpu.core_type = #tpu.core_type<tc>} {
    %get3A = arith.constant 0 : index
    %get3A_0 = arith.constant 0 : index
    %get3A_1 = vector.load %arg2[%get3A, %get3A_0] : memref<10000x1xf32, #tpu.memory_space<vmem>>, vector<10000x1xf32>
    %get3A_2 = arith.constant 0 : index
    %get3A_3 = arith.constant 0 : index
    %get3A_4 = arith.constant 0 : index
    %get3A_5 = vector.load %arg0[%get3A_2, %get3A_3, %get3A_4] : memref<2x10000x64xf32, #tpu.memory_space<vmem>>, vector<1x10000x64xf32>
    %get3A_6 = vector.shape_cast %get3A_5 : vector<1x10000x64xf32> to vector<10000x64xf32>
    %get3A_7 = arith.constant 1 : index
    %get3A_8 = arith.constant 0 : index
    %get3A_9 = arith.constant 0 : index
    %get3A_10 = vector.load %arg0[%get3A_7, %get3A_8, %get3A_9] : memref<2x10000x64xf32, #tpu.memory_space<vmem>>, vector<1x10000x64xf32>
    %get3A_11 = vector.shape_cast %get3A_10 : vector<1x10000x64xf32> to vector<10000x64xf32>
    %add3A = arith.addf %get3A_6, %get3A_11 : vector<10000x64xf32>
    %get3A_12 = arith.constant 0 : index
    %get3A_13 = arith.constant 0 : index
    %get3A_14 = vector.load %arg1[%get3A_12, %get3A_13] : memref<10000x64xf32, #tpu.memory_space<vmem>>, vector<10000x64xf32>
    %add3A_15 = arith.addf %add3A, %get3A_14 : vector<10000x64xf32>
    %mul3A = vector.broadcast %get3A_1 : vector<10000x1xf32> to vector<10000x64xf32>
    %mul3A_16 = arith.mulf %mul3A, %add3A_15 : vector<10000x64xf32>
    %get3A_17 = arith.constant 0 : index
    %get3A_18 = arith.constant 0 : index
    %get3A_19 = vector.load %arg4[%get3A_17, %get3A_18] : memref<1x64xf32, #tpu.memory_space<vmem>>, vector<1x64xf32>
    %add3A_20 = vector.broadcast %get3A_19 : vector<1x64xf32> to vector<10000x64xf32>
    %add3A_21 = arith.addf %mul3A_16, %add3A_20 : vector<10000x64xf32>
    %max3A = arith.constant 0.000000e+00 : f32
    %max3A_22 = vector.broadcast %max3A : f32 to vector<10000x64xf32>
    %max3A_23 = arith.maximumf %add3A_21, %max3A_22 : vector<10000x64xf32>
    %get3A_24 = arith.constant 0 : index
    %get3A_25 = arith.constant 0 : index
    %get3A_26 = vector.load %arg3[%get3A_24, %get3A_25] : memref<64x64xf32, #tpu.memory_space<vmem>>, vector<64x64xf32>
    %dot_general3A = arith.constant dense<0.000000e+00> : vector<10000x64xf32>
    %dot_general3A_27 = tpu.matmul %max3A_23, %get3A_26, %dot_general3A {dimension_numbers = #tpu.dot_dimension_numbers<[1], [0], [0], [1], [0, 0, 1, 1], [], []>, transpose_lhs_hint = false} : vector<10000x64xf32>, vector<64x64xf32>, vector<10000x64xf32> -> vector<10000x64xf32>
    %mul3A_28 = vector.broadcast %get3A_1 : vector<10000x1xf32> to vector<10000x64xf32>
    %mul3A_29 = arith.mulf %mul3A_28, %dot_general3A_27 : vector<10000x64xf32>
    %swap3A = arith.constant 0 : index
    %swap3A_30 = arith.constant 0 : index
    %swap3A_31 = vector.load %arg5[%swap3A, %swap3A_30] : memref<10000x64xf32, #tpu.memory_space<vmem>>, vector<10000x64xf32>
    tpu.vector_store %arg5[%swap3A, %swap3A_30], %mul3A_29 {strides = array<i32>} : memref<10000x64xf32, #tpu.memory_space<vmem>>, vector<10000x64xf32>,
    return
  }
}

module attributes {stable_mosaic.version = 14 : i64} {
  func.func @_tc_final_body(%arg0: memref<2x10000x64xf32, #tpu.memory_space<vmem>>, %arg1: memref<10000x64xf32, #tpu.memory_space<vmem>>, %arg2: memref<10000x1xf32, #tpu.memory_space<vmem>>, %arg3: memref<1x64xf32, #tpu.memory_space<vmem>>, %arg4: memref<10000x64xf32, #tpu.memory_space<vmem>>) attributes {dimension_semantics = [], scalar_prefetch = 0 : i64, scratch_operands = 0 : i64, tpu.core_type = #tpu.core_type<tc>} {
    %get3A = arith.constant 0 : index
    %get3A_0 = arith.constant 0 : index
    %get3A_1 = vector.load %arg2[%get3A, %get3A_0] : memref<10000x1xf32, #tpu.memory_space<vmem>>, vector<10000x1xf32>
    %get3A_2 = arith.constant 0 : index
    %get3A_3 = arith.constant 0 : index
    %get3A_4 = arith.constant 0 : index
    %get3A_5 = vector.load %arg0[%get3A_2, %get3A_3, %get3A_4] : memref<2x10000x64xf32, #tpu.memory_space<vmem>>, vector<1x10000x64xf32>
    %get3A_6 = vector.shape_cast %get3A_5 : vector<1x10000x64xf32> to vector<10000x64xf32>
    %get3A_7 = arith.constant 1 : index
    %get3A_8 = arith.constant 0 : index
    %get3A_9 = arith.constant 0 : index
    %get3A_10 = vector.load %arg0[%get3A_7, %get3A_8, %get3A_9] : memref<2x10000x64xf32, #tpu.memory_space<vmem>>, vector<1x10000x64xf32>
    %get3A_11 = vector.shape_cast %get3A_10 : vector<1x10000x64xf32> to vector<10000x64xf32>
    %add3A = arith.addf %get3A_6, %get3A_11 : vector<10000x64xf32>
    %get3A_12 = arith.constant 0 : index
    %get3A_13 = arith.constant 0 : index
    %get3A_14 = vector.load %arg1[%get3A_12, %get3A_13] : memref<10000x64xf32, #tpu.memory_space<vmem>>, vector<10000x64xf32>
    %add3A_15 = arith.addf %add3A, %get3A_14 : vector<10000x64xf32>
    %mul3A = vector.broadcast %get3A_1 : vector<10000x1xf32> to vector<10000x64xf32>
    %mul3A_16 = arith.mulf %mul3A, %add3A_15 : vector<10000x64xf32>
    %get3A_17 = arith.constant 0 : index
    %get3A_18 = arith.constant 0 : index
    %get3A_19 = vector.load %arg3[%get3A_17, %get3A_18] : memref<1x64xf32, #tpu.memory_space<vmem>>, vector<1x64xf32>
    %add3A_20 = vector.broadcast %get3A_19 : vector<1x64xf32> to vector<10000x64xf32>
    %add3A_21 = arith.addf %mul3A_16, %add3A_20 : vector<10000x64xf32>
    %swap3A = arith.constant 0 : index
    %swap3A_22 = arith.constant 0 : index
    %swap3A_23 = vector.load %arg4[%swap3A, %swap3A_22] : memref<10000x64xf32, #tpu.memory_space<vmem>>, vector<10000x64xf32>
    tpu.vector_store %arg4[%swap3A, %swap3A_22], %add3A_21 {strides = array<i32>} : memref<10000x64xf32, #tpu.memory_space<vmem>>, vector<10000x64xf32>,
    return
  }
}

</mosaic_0001>

<sc_bundles>
// kernel: kernel.12.cloned.1.call-start
scs
__scs_entry_jumppad:
0x0: {  	(pc) =	sbr.rel $0x88, $3  }
0x1: {  	(tag) =	ssettag $0x0;
	lr =	simm.s32 $0x1  }
0x2: {  	[smem:$0x3F97] =	sst lr;
	_ =	strace $0xD0000000  }
0x3: {  	_ = 	snop  }
0x4: {  	_ = 	snop  }
0x5: {  	_ = 	snop  }
0x6: {  	_ = 	snop  }
0x7: {  	_ = 	snop  }
__scs_overlays_trampoline_lowered:
0x8: {  	[smem:$0x3FA6] =	sst s0  }
0x9: {  	[smem:$0x3FA7] =	sst s1  }
0xa: {  	[smem:$0x3FA8] =	sst s2  }
0xb: {  	[smem:$0x3FA9] =	sst s3  }
0xc: {  	[smem:$0x3FAA] =	sst s4  }
0xd: {  	[smem:$0x3FAB] =	sst s5  }
0xe: {  	[smem:$0x3FAC] =	sst s6  }
0xf: {  	[smem:$0x3FAD] =	sst s7  }
0x10: {  	[smem:$0x3FAE] =	sst s8  }
0x11: {  	[smem:$0x3FAF] =	sst s9;
	s0 =	simm.s32 @!p0 $0x0  }
0x12: {  	s1 =	sld [smem:$0x3F95];
	s0 =	simm.s32 @p0 $0x1  }
0x13: {  	[smem:$0x3FB0] =	sst s0;
	s0 =	simm.s32 @!p1 $0x0  }
0x14: {  	s2 =	sld [smem:$0x3F94];
	s0 =	simm.s32 @p1 $0x1  }
0x15: {  	[smem:$0x3FB1] =	sst s0;
	s0 =	simm.s32 @!p2 $0x0  }
0x16: {  	s3 =	sld [smem:$0x3FDB];
	s0 =	simm.s32 @p2 $0x1  }
0x17: {  	s4 =	simm.s32 $0x1BF5;
	[smem:$0x3FB3] =	sst s0  }
0x18: {  	s0 =	sld [smem:$0x3F96];
	_ =	swait.ge [sflag:s4], $0x0  }
0x19: {  	s7 =	sld [smem:$0x3F97]  }
0x1a: {  	s8 =	sadd.s32 $0xFFFFE003, lr  }
0x1b: {  	s9 =	sadd.s32 $0xFFFFFEF7, lr;
	s5 =	simm.s32 $0xFFFFFFFF;
	p2 =	slt.u32 s8, $0xFFFFF086  }
0x1c: {  	p1 =	slt.u32 s9, $0xF7A;
	s5 =	simm.s32 @!p2 $0x0  }
0x1d: {  	s5 =	simm.s32 @p1 $0x1;
	p0 =	seq.s32 s7, s2  }
0x1e: {  	s7 =	smul.u32 @!p0 $0xF7A, s2;
	p2 =	seq.s32 @!p0 s5, $0x0  }
0x1f: {  	s9 =	smul.u32 $0xF7A, s1;
	s8 =	simm.s32 @!p0 $0x1BF5;
	p2 =	por !p2, p0  }
0x20: {  	[sflag:s8] =	ssyncset.s32 @!p0 $0xFFFFF086;
	s6 =	sadd.s32 @!p0 s3, s7;
	s7 =	simm.s32 @!p0 $0x108  }
0x21: {  	s3 =	sadd.s32 s3, s9;
	s6 =	sadd.s32 @!p0 $0x88, s6;
	s7 =	simm.s32 @p2 $0x1082  }
0x22: {  	[simem:s7], [sflag:s8] =	dma.local @!p0 [hbm:s6], $0xF7A  }
0x23: {  	s9 =	sor.u32 $0xD0000000, s2;
	s6 =	simm.s32 $0x108;
	_ =	swait.ge @!p0 [sflag:s8], $0x0  }
0x24: {  	s3 =	sadd.s32 $0x88, s3;
	s6 =	simm.s32 @!p1 $0x1082;
	[sflag:s4] =	ssyncset.s32 $0xFFFFF086  }
0x25: {  	[simem:s6], [sflag:s4] =	dma.local [hbm:s3], $0xF7A  }
0x26: {  	[smem:$0x3F97] =	sst s1;
	(tag) =	ssettag s2;
	_ =	strace s9  }
0x27: {  	s1 =	sld [smem:$0x3FA7]  }
0x28: {  	s2 =	sld [smem:$0x3FA8]  }
0x29: {  	s4 =	sld [smem:$0x3FAA]  }
0x2a: {  	p0 =	seq.s32 s5, $0x0;
	s5 =	sld [smem:$0x3FAB]  }
0x2b: {  	s6 =	sld [smem:$0x3FAC]  }
0x2c: {  	s7 =	sld [smem:$0x3FAD]  }
0x2d: {  	s3 =	simm.s32 $0x108;
	s8 =	sld [smem:$0x3FAE]  }
0x2e: {  	s3 =	simm.s32 @!p0 $0x1082;
	s9 =	sld [smem:$0x3FAF]  }
0x2f: {  	lr =	sadd.s32 s0, s3;
	s0 =	sld [smem:$0x3FA6]  }
0x30: {  	s3 =	sld [smem:$0x3FA9]  }
0x31: {  	[smem:$0x3FB2] =	sst s10  }
0x32: {  	s10 =	sld [smem:$0x3FB0];
	_ =	sdelay $0x3  }
0x33: {  	p0 =	seq.s32 s10, $0x1;
	s10 =	sld [smem:$0x3FB2];
	_ =	sdelay $0x3  }
0x34: {  	[smem:$0x3FB2] =	sst s10  }
0x35: {  	s10 =	sld [smem:$0x3FB1];
	_ =	sdelay $0x3  }
0x36: {  	p1 =	seq.s32 s10, $0x1;
	s10 =	sld [smem:$0x3FB2];
	_ =	sdelay $0x3  }
0x37: {  	[smem:$0x3FB2] =	sst s10  }
0x38: {  	s10 =	sld [smem:$0x3FB3]  }
0x39: {  	_ = 	snop;
	(pc) =	sbr.ind lr, $3  }
0x3a: {  	_ = 	snop  }
0x3b: {  	_ = 	snop  }
0x3c: {  	p2 =	seq.s32 s10, $0x1;
	s10 =	sld [smem:$0x3FB2]  }
0x3d: {  	_ =	shalt  }
0x3e: {  	_ =	shalt  }
0x3f: {  	_ =	shalt  }
0x40: {  	_ =	shalt  }
0x41: {  	_ =	shalt  }
0x42: {  	_ =	shalt  }
0x43: {  	_ =	shalt  }
0x44: {  	_ =	shalt  }
0x45: {  	_ =	shalt  }
0x46: {  	_ =	shalt  }
0x47: {  	_ =	shalt  }
0x48: {  	_ =	shalt  }
0x49: {  	_ =	shalt  }
0x4a: {  	_ =	shalt  }
0x4b: {  	_ =	shalt  }
0x4c: {  	_ =	shalt  }
0x4d: {  	_ =	shalt  }
0x4e: {  	_ =	shalt  }
0x4f: {  	_ =	shalt  }
0x50: {  	_ =	shalt  }
0x51: {  	_ =	shalt  }
0x52: {  	_ =	shalt  }
0x53: {  	_ =	shalt  }
0x54: {  	_ =	shalt  }
0x55: {  	_ =	shalt  }
0x56: {  	_ =	shalt  }
0x57: {  	_ =	shalt  }
0x58: {  	_ =	shalt  }
0x59: {  	_ =	shalt  }
0x5a: {  	_ =	shalt  }
0x5b: {  	_ =	shalt  }
0x5c: {  	_ =	shalt  }
0x5d: {  	_ =	shalt  }
0x5e: {  	_ =	shalt  }
0x5f: {  	_ =	shalt  }
0x60: {  	_ =	shalt  }
0x61: {  	_ =	shalt  }
0x62: {  	_ =	shalt  }
0x63: {  	_ =	shalt  }
0x64: {  	_ =	shalt  }
0x65: {  	_ =	shalt  }
0x66: {  	_ =	shalt  }
0x67: {  	_ =	shalt  }
0x68: {  	_ =	shalt  }
0x69: {  	_ =	shalt  }
0x6a: {  	_ =	shalt  }
0x6b: {  	_ =	shalt  }
0x6c: {  	_ =	shalt  }
0x6d: {  	_ =	shalt  }
0x6e: {  	_ =	shalt  }
0x6f: {  	_ =	shalt  }
0x70: {  	_ =	shalt  }
0x71: {  	_ =	shalt  }
0x72: {  	_ =	shalt  }
0x73: {  	_ =	shalt  }
0x74: {  	_ =	shalt  }
0x75: {  	_ =	shalt  }
0x76: {  	_ =	shalt  }
0x77: {  	_ =	shalt  }
0x78: {  	_ =	shalt  }
0x79: {  	_ =	shalt  }
0x7a: {  	_ =	shalt  }
0x7b: {  	_ =	shalt  }
0x7c: {  	_ =	shalt  }
0x7d: {  	_ =	shalt  }
0x7e: {  	_ =	shalt  }
0x7f: {  	_ =	shalt  }
0x80: {  	_ =	shalt  }
0x81: {  	_ =	shalt  }
0x82: {  	_ =	shalt  }
0x83: {  	_ =	shalt  }
0x84: {  	_ =	shalt  }
0x85: {  	_ =	shalt  }
0x86: {  	_ =	shalt  }
0x87: {  	_ =	shalt  }
.Lfunc_end0:
.L_simem_size_0:
called_computation.1_lowered:
.L_overlay_start_0:
0x88: {  	s2 =	sld [smem:$0x3FD9]  }
0x89: {  	s3 =	sld [smem:$0x3FFE];
	_ =	sdelay $0x1  }
0x8a: {  	s1 =	srdreg.scid  }
0x8b: {  	s0 =	sand.u32 $0x1, s1  }
0x8c: {  	s14 =	sshll.u32 s0, $0xA;
	s2 =	sadd.s32 s3, s2  }
0x8d: {  	s2 =	sadd.s32 s2, s14  }
0x8e: {  	[smem:$0x3FBE] =	sst s2  }
0x8f: {  	_ = 	snop  }
0x90: {  	s2 =	sld [smem:$0x3FD0];
	_ =	sdelay $0x2  }
0x91: {  	s15 =	simm.s32 $0xA;
	s4 =	simm.s32 $0x10  }
0x92: {  	[smem:s4], [sflag:s15] =	dma.local [hbm:s2], $0x1  }
0x93: {  	_ =	swait.eq [sflag:s15], $0x1  }
0x94: {  	s16 =	sld [smem:$0x10]  }
0x95: {  	s17 =	sld [smem:$0x11];
	[sflag:s15] =	ssyncset.done $0x0  }
0x96: {  	s5 =	sld [smem:$0x12];
	[sflag:s15] =	ssyncadd.s32 $0xFFFFFFFF  }
0x97: {  	s18 =	sld [smem:$0x13];
	(tm) =	ssettm $0x1  }
0x98: {  	s6 =	sld [smem:$0x3FFB];
	_ =	sdelay $0x3  }
0x99: {  	_ =	strace s6  }
0x9a: {  	s6 =	sld [smem:$0x3FFC];
	_ =	sdelay $0x3  }
0x9b: {  	_ =	strace s6  }
0x9c: {  	s6 =	sld [smem:$0x3FFD];
	_ =	sdelay $0x3  }
0x9d: {  	_ =	strace s6  }
0x9e: {  	_ =	strace $0x8FFFFFFF  }
0x9f: {  	s19 =	sld [smem:$0x3FDB];
	_ =	sdelay $0x1  }
0xa0: {  	s7 =	simm.s32 $_scs_section_size  }
0xa1: {  	s8 =	simm.s32 $_size__tile_overlayer_lowered;
	s9 =	simm.s32 $_tile_overlayer_lowered  }
0xa2: {  	s22 =	simm.s32 $0x1BFF;
	s21 =	sshll.u32 s9, $0x1;
	s6 =	sadd.s32 s7, s19  }
0xa3: {  	s10 =	simm.s32 $0x0;
	s20 =	sshll.u32 s8, $0x1;
	s8 =	sadd.s32 s21, s6  }
0xa4: {  	[timem:s10], [sflag:s22] =	dma.local [hbm:s8], s20  }
0xa5: {  	_ =	swait.ge [sflag:s22], s20  }
0xa6: {  	s7 =	ssub.s32 $0x0, s20;
	[sflag:s22] =	ssyncset.done $0x0  }
0xa7: {  	[sflag:s22] =	ssyncadd.s32 s7;
	_ =	sdelay $0x1  }
0xa8: {  	s23 =	simm.s32 $0x1B8B  }
0xa9: {  	_ =	swait.ge [sflag:s23], $0x1  }
0xaa: {  	[sflag:s23] =	ssyncset.done $0x0  }
0xab: {  	s25 =	simm.s32 $0x1B8E;
	s24 =	sld [smem:$0x3FFE];
	[sflag:s23] =	ssyncadd.s32 $0xFFFFFFFF  }
0xac: {  	s26 =	simm.s32 $execute0_lowered;
	[smem:$0x3FD2] =	sst s25  }
0xad: {  	s8 =	sshll.u32 s26, $0x1;
	_ =	strace $0x80000046;
	[dreg:$0x1] =	wrdreg $0xFFFFFFFF  }
0xae: {  	s28 =	simm.s32 $_size_execute0_lowered;
	s6 =	sadd.s32 s6, s8;
	[dreg:$0x0] =	wrdreg $0x0  }
0xaf: {  	s8 =	sshll.u32 s28, $0x1;
	[dreg:$0x2] =	wrdreg s6  }
0xb0: {  	[dreg:$0x3] =	wrdreg s8  }
0xb1: {  	[dreg:$0x4] =	wrdreg $0xC0  }
0xb2: {  	_ =	task [dreg:s10], $0x5FFFF  }
0xb3: {  	[dreg:$0x1] =	wrdreg $0xFFFFFFFF  }
0xb4: {  	[dreg:$0x0] =	wrdreg $0x60  }
0xb5: {  	[dreg:$0x2] =	wrdreg s17  }
0xb6: {  	[dreg:$0x3] =	wrdreg s5  }
0xb7: {  	[dreg:$0x4] =	wrdreg s18  }
0xb8: {  	[dreg:$0x5] =	wrdreg s16  }
0xb9: {  	[dreg:$0x6] =	wrdreg s24  }
0xba: {  	[dreg:$0x7] =	wrdreg $0x9  }
0xbb: {  	_ =	task.clear_ibuf [dreg:s10], $0x8FFFF;
	_ =	strace $0x90000046  }
0xbc: {  	s29 =	simm.s32 $0x9;
	_ =	strace $0x80000048  }
0xbd: {  	_ =	swait.ge [sflag:s29], $0x1  }
0xbe: {  	[sflag:s29] =	ssyncadd.s32 $0xFFFFFFFF  }
0xbf: {  	_ =	strace $0x90000048  }
0xc0: {  	_ =	sfence  }
0xc1: {  	s30 =	sld [smem:$0x0];
	_ =	sdelay $0x2  }
0xc2: {  	s31 =	sshll.u32 s1, $0xD;
	s1 =	sshrl.u32 s1, $0x2  }
0xc3: {  	s3 =	sand.u32 $0x4000, s31;
	s1 =	sadd.s32 s1, s30  }
0xc4: {  	s0 =	sor.u32 s3, s0;
	s1 =	sshll.u32 s1, $0x11  }
0xc5: {  	s0 =	sor.u32 s1, s0  }
0xc6: {  	s0 =	sadd.s32 $0x8F2B, s0  }
0xc7: {  	[sflag:s0] =	ssyncadd.remote.s32 $0x1  }
0xc8: {  	_ =	sfence.sel $0xFFFF  }
0xc9: {  	[dreg:$0x0] =	wrdreg $0xFFFFFFFF;
	(pc) =	sbr.abs _section_cstart, $3  }
0xca: {  	[dreg:$0x1] =	wrdreg $0xFFFFFFFF  }
0xcb: {  	_ =	task.clear_ibuf [dreg:s10], $0x2FFFF;
	_ =	strace $0x9FFFFFFF  }
0xcc: {  	(tm) =	ssettm $0x7FFFFFFF  }
0xcd: {  	_ =	shalt  }
tec
execute0_lowered:
.L_overlay_start_1:
0x0: {  	(tag) =	ssettag $0x1  }
0x1: {  	s3 =	rddreg [dreg:$0x0]  }
0x2: {  	s6 =	rddreg [dreg:$0x1]  }
0x3: {  	s10 =	rddreg [dreg:$0x2]  }
0x4: {  	s1 =	srdreg.scid;
	s11 =	rddreg [dreg:$0x3]  }
0x5: {  	s0 =	stileid.u32;
	s21 =	rddreg [dreg:$0x4];
	s2 =	simm.s32 $0x0  }
0x6: {  	s23 =	simm.s32 $0x2710;
	s25 =	simm.s32 $0xA148;
	s26 =	simm.s32 $0x2  }
0x7: {  	s28 =	simm.s32 $0x0;
	s5 =	sand.u32 $0x1, s1;
	s1 =	rddreg [dreg:$0x5]  }
0x8: {  	s29 =	sshll.u32 s0, $0x1;
	[smem:$0x7FF] =	sst s2;
	s18 =	sadd.s32 $0x3A00, s21  }
0x9: {  	s19 =	sadd.s32 $0x17E00, s21;
	p1 =	sne.s32 s0, $0xF;
	s8 =	smul.u32 $0x4F, s0  }
0xa: {  	p2 =	seq.s32 s0, $0xF;
	s12 =	smul.u32 $0x278, s0;
	s16 =	sadd.s32 $0xDAE1, s21  }
0xb: {  	s17 =	sadd.s32 $0x21EE1, s21;
	s24 =	sor.u32 s5, s29;
	_ =	strace $0x80000047  }
0xc: {  	s7 =	ssub.s32 $0x2, s5;
	p0 =	seq.s32 s5, $0x0;
	s5 =	sadd.s32 $0x4A1, s6  }
0xd: {  	s4 =	smul.u32 $0x2710, s24;
	s30 =	sshrl.u32 s7, $0x1;
	p1 =	por !p0, !p1  }
0xe: {  	p2 =	por !p0, !p2;
	s31 =	smul.u32 $0x2848, s24;
	s6 =	sadd.s32 s6, s8  }
0xf: {  	s12 =	sshrl.u32 s12, $0x3;
	s22 =	ssub.s32 s7, s30;
	p0 =	por !p1, !p1  }
0x10: {  	p6 =	por !p2, !p2;
	s15 =	sadd.s32 $0x9C40, s12;
	p2 =	seq.s32 s24, $0x1F  }
0x11: {  	s24 =	simm.s32 $0x1;
	s13 =	sshrl.u32 s4, $0x3;
	s9 =	sshrl.u32 s31, $0x3  }
0x12: {  	s14 =	sadd.s32 s18, s15;
	s15 =	sadd.s32 s19, s15;
	s22 =	smax.u32 s22, $0x1  }
0x13: {  	p1 =	por !p6, p0;
	s3 =	sadd.s32 s3, s13;
	s7 =	sadd.s32 s10, s9  }
0x14: {  	s20 =	sadd.s32 $0xA122, s9;
	s9 =	sadd.s32 $0x9C17, s10;
	s11 =	sadd.s32 s11, s13  }
0x15: {  	s12 =	sadd.s32 s18, s13;
	s13 =	sadd.s32 s19, s13;
	s4 =	sadd.s32 $0x9C40, s3  }
0x16: {  	s8 =	sadd.s32 s10, s20;
	s10 =	sadd.s32 $0x13D39, s10;
	s18 =	sadd.s32 s18, s20  }
0x17: {  	v0 =	vimm.f32 $0.0e+00;
	v1 =	vimm.f32 $1.000000000e+00;
	s19 =	sadd.s32 s19, s20;
	s20 =	sadd.s32 $0x17739, s21;
	s21 =	sadd.s32 $0x2BB39, s21  }
.LBB2_1:
0x18: {  	[tilespmem:s2], [sflag:$0x1] =	stream.linear.gather [hbm4b:s3+s2], $0x2710, $0x38;
	[tilespmem:$0xC858] =	vst v63  }
0x19: {  	_ = 	snop  }
0x1a: {  	[tilespmem:s23], [sflag:$0x1] =	stream.linear.gather [hbm4b:s4+s2], $0x2710, $0x38;
	[tilespmem:$0xC858] =	vst v63  }
0x1b: {  	s29 =	simm.s32 @!p1 $0x0;
	s30 =	simm.s32 @!p1 $0x4E20  }
0x1c: {  	[tilespmem:s30], [sflag:$0x1] =	stream.linear.gather @!p1 [hbm4b:s5+s29], $0x208, $0x38;
	[tilespmem:$0xC858] =	vst v63  }
0x1d: {  	s29 =	simm.s32 @p0 $0x0;
	s30 =	simm.s32 @p0 $0x4E20  }
0x1e: {  	[tilespmem:s30], [sflag:$0x1] =	stream.linear.gather @p0 [hbm4b:s6+s29], $0x278, $0x38;
	[tilespmem:$0xC858] =	vst v63  }
0x1f: {  	s29 =	simm.s32 @p2 $0x0;
	s30 =	simm.s32 @p2 $0x5098  }
0x20: {  	[tilespmem:s30], [sflag:$0x1] =	stream.linear.gather @p2 [hbm4b:s9+s29], $0x2858, $0x38;
	[tilespmem:$0xC858] =	vst v63  }
0x21: {  	p4 =	por @!p0 $0x0, $0x0;
	s30 =	simm.s32 @p2 $0x78F0  }
0x22: {  	[tilespmem:s30], [sflag:$0x1] =	stream.linear.gather @p2 [hbm4b:s10+s29], $0x2858, $0x38;
	[tilespmem:$0xC858] =	vst v63  }
0x23: {  	p3 =	por @!p1 $0x1, $0x1;
	s29 =	simm.s32 @!p2 $0x0;
	s30 =	simm.s32 @!p2 $0x5098  }
0x24: {  	[tilespmem:s30], [sflag:$0x1] =	stream.linear.gather @!p2 [hbm4b:s7+s29], $0x2848, $0x38;
	[tilespmem:$0xC858] =	vst v63  }
0x25: {  	p4 =	por @!p1 p3, p3;
	p3 =	por @p0 $0x0, $0x0;
	s30 =	simm.s32 @!p2 $0x78F0  }
0x26: {  	[tilespmem:s30], [sflag:$0x1] =	stream.linear.gather @!p2 [hbm4b:s8+s29], $0x2848, $0x38;
	[tilespmem:$0xC858] =	vst v63  }
0x27: {  	p3 =	por @!p0 p4, p4;
	s29 =	simm.s32 $0x40;
	s30 =	simm.s32 $0x0  }
.LBB2_2:
0x28: {  	p4 =	sne.s32 s29, $0x9C00;
	[tilespmem:s30+$0xA148] =	vst v0;
	s30 =	smov.u32 s29;
	s29 =	sadd.s32 $0x40, s29  }
.Ltmp0:
0x29: {  	(pc) =	sbr.rel @p4 .LBB2_2-.Ltmp0, $2  }
0x2a: {  	_ =	sdelay $0x2  }
0x2b: {  	s30 =	sshra.s32 s30, $0x2  }
0x2c: {  	[tilespmem:s30+$0xA148] =	vst v0  }
0x2d: {  	_ =	swait.ge [sflag:s24], $0x2710  }
0x2e: {  	[sflag:s24] =	ssyncset.done $0x0  }
0x2f: {  	s30 =	simm.s32 $0x0;
	s29 =	simm.s32 $0x40;
	[sflag:s24] =	ssyncadd.s32 $0xFFFFD8F0  }
.LBB2_4:
0x30: {  	p4 =	sne.s32 s29, $0x9C00;
	v2 =	vld [tilespmem:s30+$0x0];
	_ =	sdelay $0x3  }
.Ltmp1:
0x31: {  	(pc) =	sbr.rel @p4 .LBB2_4-.Ltmp1, $2  }
0x32: {  	_ =	sdelay $0x2  }
0x33: {  	s30 =	sshra.s32 s29, $0x2;
	s29 =	sadd.s32 $0x40, s29;
	[tilespmem:v2+s25+$0x0] =	vst.idx.add.f32.msk $0xffff, v1  }
0x34: {  	v2 =	vld [tilespmem:s30+$0x0];
	_ =	sdelay $0x7  }
0x35: {  	[tilespmem:v2+s25+$0x0] =	vst.idx.add.f32.msk $0xffff, v1  }
0x36: {  	[hbm4b:s11+s2] =	stream.linear.scatter [tilespmem:s25], [sflag:$0x2], $0x2710, $0x38;
	[tilespmem:$0xC858] =	vst v63  }
0x37: {  	_ =	swait.ge [sflag:s26], $0x2710  }
0x38: {  	[sflag:s26] =	ssyncset.done $0x0  }
0x39: {  	[sflag:s26] =	ssyncadd.s32 $0xFFFFD8F0  }
0x3a: {  	_ =	swait.ge [sflag:s24], $0x2710  }
0x3b: {  	[sflag:s24] =	ssyncset.done $0x0  }
0x3c: {  	[sflag:s24] =	ssyncadd.s32 $0xFFFFD8F0  }
0x3d: {  	[hbm4b:s12+s2] =	stream.linear.scatter [tilespmem:s2], [sflag:$0x2], $0x2710, $0x38;
	[tilespmem:$0xC858] =	vst v63  }
0x3e: {  	_ =	swait.ge [sflag:s26], $0x2710  }
0x3f: {  	[sflag:s26] =	ssyncset.done $0x0  }
0x40: {  	[sflag:s26] =	ssyncadd.s32 $0xFFFFD8F0  }
0x41: {  	[hbm4b:s13+s2] =	stream.linear.scatter [tilespmem:s23], [sflag:$0x2], $0x2710, $0x38;
	[tilespmem:$0xC858] =	vst v63  }
0x42: {  	_ =	swait.ge [sflag:s26], $0x2710  }
0x43: {  	[sflag:s26] =	ssyncset.done $0x0  }
0x44: {  	s29 =	simm.s32 @p0 $0x1;
	[sflag:s26] =	ssyncadd.s32 $0xFFFFD8F0  }
0x45: {  	_ =	swait.ge @p0 [sflag:s29], $0x278  }
0x46: {  	s30 =	simm.s32 @p0 $0x4E20;
	[sflag:s29] =	ssyncset.done @p0 $0x0  }
0x47: {  	s31 =	simm.s32 @p0 $0x2;
	[sflag:s29] =	ssyncadd.s32 @p0 $0xFFFFFD88;
	s29 =	simm.s32 @p0 $0x0  }
0x48: {  	[hbm4b:s14+s29] =	stream.linear.scatter @p0 [tilespmem:s30], [sflag:$0x2], $0x278, $0x38;
	[tilespmem:$0xC858] =	vst v63  }
0x49: {  	_ =	swait.ge @p0 [sflag:s31], $0x278  }
0x4a: {  	[sflag:s31] =	ssyncset.done @p0 $0x0  }
0x4b: {  	[sflag:s31] =	ssyncadd.s32 @p0 $0xFFFFFD88  }
0x4c: {  	[hbm4b:s15+s29] =	stream.linear.scatter @p0 [tilespmem:s30], [sflag:$0x2], $0x278, $0x38;
	[tilespmem:$0xC858] =	vst v63  }
0x4d: {  	_ =	swait.ge @p0 [sflag:s31], $0x278  }
0x4e: {  	[sflag:s31] =	ssyncset.done @p0 $0x0  }
0x4f: {  	s29 =	simm.s32 @p3 $0x1;
	[sflag:s31] =	ssyncadd.s32 @p0 $0xFFFFFD88  }
0x50: {  	_ =	swait.ge @p3 [sflag:s29], $0x208  }
0x51: {  	s30 =	simm.s32 @p3 $0x4E20;
	[sflag:s29] =	ssyncset.done @p3 $0x0  }
0x52: {  	s31 =	simm.s32 @p3 $0x2;
	[sflag:s29] =	ssyncadd.s32 @p3 $0xFFFFFDF8;
	s29 =	simm.s32 @p3 $0x0  }
0x53: {  	[hbm4b:s16+s29] =	stream.linear.scatter @p3 [tilespmem:s30], [sflag:$0x2], $0x208, $0x38;
	[tilespmem:$0xC858] =	vst v63  }
0x54: {  	_ =	swait.ge @p3 [sflag:s31], $0x208  }
0x55: {  	[sflag:s31] =	ssyncset.done @p3 $0x0  }
0x56: {  	[sflag:s31] =	ssyncadd.s32 @p3 $0xFFFFFDF8  }
0x57: {  	[hbm4b:s17+s29] =	stream.linear.scatter @p3 [tilespmem:s30], [sflag:$0x2], $0x208, $0x38;
	[tilespmem:$0xC858] =	vst v63  }
0x58: {  	_ =	swait.ge @p3 [sflag:s31], $0x208  }
0x59: {  	[sflag:s31] =	ssyncset.done @p3 $0x0  }
0x5a: {  	s29 =	simm.s32 @p2 $0x1;
	[sflag:s31] =	ssyncadd.s32 @p3 $0xFFFFFDF8  }
0x5b: {  	_ =	swait.ge @p2 [sflag:s29], $0x2858  }
0x5c: {  	[sflag:s29] =	ssyncset.done @p2 $0x0  }
0x5d: {  	[sflag:s29] =	ssyncadd.s32 @p2 $0xFFFFD7A8  }
0x5e: {  	_ =	swait.ge @p2 [sflag:s29], $0x2858  }
0x5f: {  	[sflag:s29] =	ssyncset.done @p2 $0x0  }
0x60: {  	s30 =	simm.s32 @p2 $0x5098;
	[sflag:s29] =	ssyncadd.s32 @p2 $0xFFFFD7A8;
	s29 =	simm.s32 @p2 $0x0  }
0x61: {  	[hbm4b:s20+s29] =	stream.linear.scatter @p2 [tilespmem:s30], [sflag:$0x2], $0x2858, $0x38;
	[tilespmem:$0xC858] =	vst v63  }
0x62: {  	s30 =	simm.s32 @p2 $0x2  }
0x63: {  	_ =	swait.ge @p2 [sflag:s30], $0x2858  }
0x64: {  	[sflag:s30] =	ssyncset.done @p2 $0x0  }
0x65: {  	s31 =	simm.s32 @p2 $0x78F0;
	[sflag:s30] =	ssyncadd.s32 @p2 $0xFFFFD7A8  }
0x66: {  	[hbm4b:s21+s29] =	stream.linear.scatter @p2 [tilespmem:s31], [sflag:$0x2], $0x2858, $0x38;
	[tilespmem:$0xC858] =	vst v63  }
0x67: {  	_ =	swait.ge @p2 [sflag:s30], $0x2858  }
0x68: {  	[sflag:s30] =	ssyncset.done @p2 $0x0  }
0x69: {  	s29 =	simm.s32 @!p2 $0x1;
	[sflag:s30] =	ssyncadd.s32 @p2 $0xFFFFD7A8  }
0x6a: {  	_ =	swait.ge @!p2 [sflag:s29], $0x2848  }
0x6b: {  	[sflag:s29] =	ssyncset.done @!p2 $0x0  }
0x6c: {  	[sflag:s29] =	ssyncadd.s32 @!p2 $0xFFFFD7B8  }
0x6d: {  	_ =	swait.ge @!p2 [sflag:s29], $0x2848  }
0x6e: {  	[sflag:s29] =	ssyncset.done @!p2 $0x0  }
0x6f: {  	s30 =	simm.s32 @!p2 $0x5098;
	[sflag:s29] =	ssyncadd.s32 @!p2 $0xFFFFD7B8;
	s29 =	simm.s32 @!p2 $0x0  }
0x70: {  	[hbm4b:s18+s29] =	stream.linear.scatter @!p2 [tilespmem:s30], [sflag:$0x2], $0x2848, $0x38;
	[tilespmem:$0xC858] =	vst v63  }
0x71: {  	s30 =	simm.s32 @!p2 $0x2  }
0x72: {  	s28 =	sadd.s32 $0x1, s28;
	_ =	swait.ge @!p2 [sflag:s30], $0x2848  }
0x73: {  	p3 =	sne.s32 s28, s22;
	[sflag:s30] =	ssyncset.done @!p2 $0x0  }
.Ltmp2:
0x74: {  	s31 =	simm.s32 @!p2 $0x78F0;
	[sflag:s30] =	ssyncadd.s32 @!p2 $0xFFFFD7B8;
	(pc) =	sbr.rel @p3 .LBB2_1-.Ltmp2, $4  }
0x75: {  	[hbm4b:s19+s29] =	stream.linear.scatter @!p2 [tilespmem:s31], [sflag:$0x2], $0x2848, $0x38;
	[tilespmem:$0xC858] =	vst v63  }
0x76: {  	_ =	swait.ge @!p2 [sflag:s30], $0x2848  }
0x77: {  	[sflag:s30] =	ssyncset.done @!p2 $0x0  }
0x78: {  	[sflag:s30] =	ssyncadd.s32 @!p2 $0xFFFFD7B8  }
0x79: {  	_ =	sfence.sel $0x180000  }
0x7a: {  	[bflag:$0x0] =	sbarrier.arrive $0xFFFF  }
0x7b: {  	p0 =	sne.s32 s0, $0x0;
	_ =	strace $0x90000047  }
0x7c: {  	s0 =	sadd.s32 @!p0 $0x100000, s1;
	[bflag:$0x2] =	sbarrier.arrive $0xFFFF  }
0x7d: {  	[sflag:s0] =	ssyncadd.tile.s32 @!p0 $0x1;
	_ =	shalt  }
.Lfunc_end2:
_tile_overlayer_lowered:
.L_overlay_start_2:
0x7e: {  	(tag) =	ssettag $0x2  }
0x7f: {  	s0 =	rddreg [dreg:$0x0];
	s2 =	stileid.u32  }
0x80: {  	s1 =	rddreg [dreg:$0x1];
	p0 =	sne.s32 s2, $0x0  }
0x81: {  	s3 =	rddreg [dreg:$0x2];
	[bflag:$0x3] =	sbarrier.arrive $0xFFFF;
	s2 =	simm.s32 @!p0 $0x1C02  }
0x82: {  	[timem:s3], [sflag:s2] =	dma.local @!p0 [hbm:s0], s1  }
0x83: {  	s0 =	simm.s32 @!p0 $0x2  }
0x84: {  	_ =	swait.ge @!p0 [sflag:s0], s1  }
0x85: {  	s1 =	ssub.s32 @!p0 $0x0, s1;
	[sflag:s0] =	ssyncset.done @!p0 $0x0  }
0x86: {  	[sflag:s0] =	ssyncadd.s32 @!p0 s1  }
0x87: {  	[bflag:$0x3] =	sbarrier.arrive $0xFFFF  }
0x88: {  	_ =	shalt  }

// kernel: kernel.15.cloned.1.call-start
scs
__scs_entry_jumppad:
0x0: {  	(pc) =	sbr.rel $0x88, $3  }
0x1: {  	(tag) =	ssettag $0x0;
	lr =	simm.s32 $0x1  }
0x2: {  	[smem:$0x3F97] =	sst lr;
	_ =	strace $0xD0000000  }
0x3: {  	_ = 	snop  }
0x4: {  	_ = 	snop  }
0x5: {  	_ = 	snop  }
0x6: {  	_ = 	snop  }
0x7: {  	_ = 	snop  }
__scs_overlays_trampoline_lowered:
0x8: {  	[smem:$0x3FA6] =	sst s0  }
0x9: {  	[smem:$0x3FA7] =	sst s1  }
0xa: {  	[smem:$0x3FA8] =	sst s2  }
0xb: {  	[smem:$0x3FA9] =	sst s3  }
0xc: {  	[smem:$0x3FAA] =	sst s4  }
0xd: {  	[smem:$0x3FAB] =	sst s5  }
0xe: {  	[smem:$0x3FAC] =	sst s6  }
0xf: {  	[smem:$0x3FAD] =	sst s7  }
0x10: {  	[smem:$0x3FAE] =	sst s8  }
0x11: {  	[smem:$0x3FAF] =	sst s9;
	s0 =	simm.s32 @!p0 $0x0  }
0x12: {  	s1 =	sld [smem:$0x3F95];
	s0 =	simm.s32 @p0 $0x1  }
0x13: {  	[smem:$0x3FB0] =	sst s0;
	s0 =	simm.s32 @!p1 $0x0  }
0x14: {  	s2 =	sld [smem:$0x3F94];
	s0 =	simm.s32 @p1 $0x1  }
0x15: {  	[smem:$0x3FB1] =	sst s0;
	s0 =	simm.s32 @!p2 $0x0  }
0x16: {  	s3 =	sld [smem:$0x3FDB];
	s0 =	simm.s32 @p2 $0x1  }
0x17: {  	s4 =	simm.s32 $0x1BF5;
	[smem:$0x3FB3] =	sst s0  }
0x18: {  	s0 =	sld [smem:$0x3F96];
	_ =	swait.ge [sflag:s4], $0x0  }
0x19: {  	s7 =	sld [smem:$0x3F97]  }
0x1a: {  	s8 =	sadd.s32 $0xFFFFE003, lr  }
0x1b: {  	s9 =	sadd.s32 $0xFFFFFEF7, lr;
	s5 =	simm.s32 $0xFFFFFFFF;
	p2 =	slt.u32 s8, $0xFFFFF086  }
0x1c: {  	p1 =	slt.u32 s9, $0xF7A;
	s5 =	simm.s32 @!p2 $0x0  }
0x1d: {  	s5 =	simm.s32 @p1 $0x1;
	p0 =	seq.s32 s7, s2  }
0x1e: {  	s7 =	smul.u32 @!p0 $0xF7A, s2;
	p2 =	seq.s32 @!p0 s5, $0x0  }
0x1f: {  	s9 =	smul.u32 $0xF7A, s1;
	s8 =	simm.s32 @!p0 $0x1BF5;
	p2 =	por !p2, p0  }
0x20: {  	[sflag:s8] =	ssyncset.s32 @!p0 $0xFFFFF086;
	s6 =	sadd.s32 @!p0 s3, s7;
	s7 =	simm.s32 @!p0 $0x108  }
0x21: {  	s3 =	sadd.s32 s3, s9;
	s6 =	sadd.s32 @!p0 $0x88, s6;
	s7 =	simm.s32 @p2 $0x1082  }
0x22: {  	[simem:s7], [sflag:s8] =	dma.local @!p0 [hbm:s6], $0xF7A  }
0x23: {  	s9 =	sor.u32 $0xD0000000, s2;
	s6 =	simm.s32 $0x108;
	_ =	swait.ge @!p0 [sflag:s8], $0x0  }
0x24: {  	s3 =	sadd.s32 $0x88, s3;
	s6 =	simm.s32 @!p1 $0x1082;
	[sflag:s4] =	ssyncset.s32 $0xFFFFF086  }
0x25: {  	[simem:s6], [sflag:s4] =	dma.local [hbm:s3], $0xF7A  }
0x26: {  	[smem:$0x3F97] =	sst s1;
	(tag) =	ssettag s2;
	_ =	strace s9  }
0x27: {  	s1 =	sld [smem:$0x3FA7]  }
0x28: {  	s2 =	sld [smem:$0x3FA8]  }
0x29: {  	s4 =	sld [smem:$0x3FAA]  }
0x2a: {  	p0 =	seq.s32 s5, $0x0;
	s5 =	sld [smem:$0x3FAB]  }
0x2b: {  	s6 =	sld [smem:$0x3FAC]  }
0x2c: {  	s7 =	sld [smem:$0x3FAD]  }
0x2d: {  	s3 =	simm.s32 $0x108;
	s8 =	sld [smem:$0x3FAE]  }
0x2e: {  	s3 =	simm.s32 @!p0 $0x1082;
	s9 =	sld [smem:$0x3FAF]  }
0x2f: {  	lr =	sadd.s32 s0, s3;
	s0 =	sld [smem:$0x3FA6]  }
0x30: {  	s3 =	sld [smem:$0x3FA9]  }
0x31: {  	[smem:$0x3FB2] =	sst s10  }
0x32: {  	s10 =	sld [smem:$0x3FB0];
	_ =	sdelay $0x3  }
0x33: {  	p0 =	seq.s32 s10, $0x1;
	s10 =	sld [smem:$0x3FB2];
	_ =	sdelay $0x3  }
0x34: {  	[smem:$0x3FB2] =	sst s10  }
0x35: {  	s10 =	sld [smem:$0x3FB1];
	_ =	sdelay $0x3  }
0x36: {  	p1 =	seq.s32 s10, $0x1;
	s10 =	sld [smem:$0x3FB2];
	_ =	sdelay $0x3  }
0x37: {  	[smem:$0x3FB2] =	sst s10  }
0x38: {  	s10 =	sld [smem:$0x3FB3]  }
0x39: {  	_ = 	snop;
	(pc) =	sbr.ind lr, $3  }
0x3a: {  	_ = 	snop  }
0x3b: {  	_ = 	snop  }
0x3c: {  	p2 =	seq.s32 s10, $0x1;
	s10 =	sld [smem:$0x3FB2]  }
0x3d: {  	_ =	shalt  }
0x3e: {  	_ =	shalt  }
0x3f: {  	_ =	shalt  }
0x40: {  	_ =	shalt  }
0x41: {  	_ =	shalt  }
0x42: {  	_ =	shalt  }
0x43: {  	_ =	shalt  }
0x44: {  	_ =	shalt  }
0x45: {  	_ =	shalt  }
0x46: {  	_ =	shalt  }
0x47: {  	_ =	shalt  }
0x48: {  	_ =	shalt  }
0x49: {  	_ =	shalt  }
0x4a: {  	_ =	shalt  }
0x4b: {  	_ =	shalt  }
0x4c: {  	_ =	shalt  }
0x4d: {  	_ =	shalt  }
0x4e: {  	_ =	shalt  }
0x4f: {  	_ =	shalt  }
0x50: {  	_ =	shalt  }
0x51: {  	_ =	shalt  }
0x52: {  	_ =	shalt  }
0x53: {  	_ =	shalt  }
0x54: {  	_ =	shalt  }
0x55: {  	_ =	shalt  }
0x56: {  	_ =	shalt  }
0x57: {  	_ =	shalt  }
0x58: {  	_ =	shalt  }
0x59: {  	_ =	shalt  }
0x5a: {  	_ =	shalt  }
0x5b: {  	_ =	shalt  }
0x5c: {  	_ =	shalt  }
0x5d: {  	_ =	shalt  }
0x5e: {  	_ =	shalt  }
0x5f: {  	_ =	shalt  }
0x60: {  	_ =	shalt  }
0x61: {  	_ =	shalt  }
0x62: {  	_ =	shalt  }
0x63: {  	_ =	shalt  }
0x64: {  	_ =	shalt  }
0x65: {  	_ =	shalt  }
0x66: {  	_ =	shalt  }
0x67: {  	_ =	shalt  }
0x68: {  	_ =	shalt  }
0x69: {  	_ =	shalt  }
0x6a: {  	_ =	shalt  }
0x6b: {  	_ =	shalt  }
0x6c: {  	_ =	shalt  }
0x6d: {  	_ =	shalt  }
0x6e: {  	_ =	shalt  }
0x6f: {  	_ =	shalt  }
0x70: {  	_ =	shalt  }
0x71: {  	_ =	shalt  }
0x72: {  	_ =	shalt  }
0x73: {  	_ =	shalt  }
0x74: {  	_ =	shalt  }
0x75: {  	_ =	shalt  }
0x76: {  	_ =	shalt  }
0x77: {  	_ =	shalt  }
0x78: {  	_ =	shalt  }
0x79: {  	_ =	shalt  }
0x7a: {  	_ =	shalt  }
0x7b: {  	_ =	shalt  }
0x7c: {  	_ =	shalt  }
0x7d: {  	_ =	shalt  }
0x7e: {  	_ =	shalt  }
0x7f: {  	_ =	shalt  }
0x80: {  	_ =	shalt  }
0x81: {  	_ =	shalt  }
0x82: {  	_ =	shalt  }
0x83: {  	_ =	shalt  }
0x84: {  	_ =	shalt  }
0x85: {  	_ =	shalt  }
0x86: {  	_ =	shalt  }
0x87: {  	_ =	shalt  }
.Lfunc_end0:
.L_simem_size_0:
called_computation.2_lowered:
.L_overlay_start_0:
0x88: {  	s2 =	sld [smem:$0x3FD9]  }
0x89: {  	s3 =	sld [smem:$0x3FFE];
	_ =	sdelay $0x1  }
0x8a: {  	s1 =	srdreg.scid  }
0x8b: {  	s0 =	sand.u32 $0x1, s1  }
0x8c: {  	s14 =	sshll.u32 s0, $0xA;
	s2 =	sadd.s32 s3, s2  }
0x8d: {  	s2 =	sadd.s32 s2, s14  }
0x8e: {  	[smem:$0x3FBE] =	sst s2  }
0x8f: {  	_ = 	snop  }
0x90: {  	s2 =	sld [smem:$0x3FD0];
	_ =	sdelay $0x2  }
0x91: {  	s15 =	simm.s32 $0xA;
	s4 =	simm.s32 $0x10  }
0x92: {  	[smem:s4], [sflag:s15] =	dma.local [hbm:s2], $0x1  }
0x93: {  	_ =	swait.eq [sflag:s15], $0x1  }
0x94: {  	[sflag:s15] =	ssyncset.done $0x0  }
0x95: {  	s16 =	sld [smem:$0x12];
	[sflag:s15] =	ssyncadd.s32 $0xFFFFFFFF  }
0x96: {  	s17 =	sld [smem:$0x13];
	(tm) =	ssettm $0x1  }
0x97: {  	s18 =	sld [smem:$0x3FFB];
	_ =	sdelay $0x3  }
0x98: {  	_ =	strace s18  }
0x99: {  	s4 =	sld [smem:$0x3FFC];
	_ =	sdelay $0x3  }
0x9a: {  	_ =	strace s4  }
0x9b: {  	s4 =	sld [smem:$0x3FFD];
	_ =	sdelay $0x3  }
0x9c: {  	_ =	strace s4  }
0x9d: {  	_ =	strace $0x8FFFFFFF  }
0x9e: {  	s19 =	sld [smem:$0x3FDB];
	_ =	sdelay $0x1  }
0x9f: {  	s5 =	simm.s32 $_scs_section_size  }
0xa0: {  	s6 =	simm.s32 $_size__tile_overlayer_lowered;
	s7 =	simm.s32 $_tile_overlayer_lowered  }
0xa1: {  	s22 =	simm.s32 $0x1BFF;
	s21 =	sshll.u32 s7, $0x1;
	s4 =	sadd.s32 s5, s19  }
0xa2: {  	s8 =	simm.s32 $0x0;
	s20 =	sshll.u32 s6, $0x1;
	s6 =	sadd.s32 s21, s4  }
0xa3: {  	[timem:s8], [sflag:s22] =	dma.local [hbm:s6], s20  }
0xa4: {  	_ =	swait.ge [sflag:s22], s20  }
0xa5: {  	s5 =	ssub.s32 $0x0, s20;
	[sflag:s22] =	ssyncset.done $0x0  }
0xa6: {  	[sflag:s22] =	ssyncadd.s32 s5;
	_ =	sdelay $0x1  }
0xa7: {  	s23 =	simm.s32 $0x1B8B  }
0xa8: {  	_ =	swait.ge [sflag:s23], $0x1  }
0xa9: {  	[sflag:s23] =	ssyncset.done $0x0  }
0xaa: {  	s25 =	simm.s32 $0x1B8E;
	s24 =	sld [smem:$0x3FFE];
	[sflag:s23] =	ssyncadd.s32 $0xFFFFFFFF  }
0xab: {  	s26 =	simm.s32 $execute0_lowered;
	[smem:$0x3FD2] =	sst s25  }
0xac: {  	s6 =	sshll.u32 s26, $0x1;
	_ =	strace $0x80000049;
	[dreg:$0x1] =	wrdreg $0xFFFFFFFF  }
0xad: {  	s28 =	simm.s32 $_size_execute0_lowered;
	s4 =	sadd.s32 s4, s6;
	[dreg:$0x0] =	wrdreg $0x0  }
0xae: {  	s6 =	sshll.u32 s28, $0x1;
	[dreg:$0x2] =	wrdreg s4  }
0xaf: {  	[dreg:$0x3] =	wrdreg s6  }
0xb0: {  	[dreg:$0x4] =	wrdreg $0xC0  }
0xb1: {  	_ =	task [dreg:s8], $0x5FFFF  }
0xb2: {  	[dreg:$0x1] =	wrdreg $0xFFFFFFFF  }
0xb3: {  	[dreg:$0x0] =	wrdreg $0x60  }
0xb4: {  	[dreg:$0x2] =	wrdreg s17  }
0xb5: {  	[dreg:$0x3] =	wrdreg s24  }
0xb6: {  	[dreg:$0x4] =	wrdreg s16  }
0xb7: {  	[dreg:$0x5] =	wrdreg $0x14B400  }
0xb8: {  	[dreg:$0x6] =	wrdreg $0x9  }
0xb9: {  	_ =	task.clear_ibuf [dreg:s8], $0x7FFFF;
	_ =	strace $0x90000049  }
0xba: {  	s29 =	simm.s32 $0x9;
	_ =	strace $0x8000004B  }
0xbb: {  	_ =	swait.ge [sflag:s29], $0x1  }
0xbc: {  	[sflag:s29] =	ssyncadd.s32 $0xFFFFFFFF  }
0xbd: {  	_ =	strace $0x9000004B  }
0xbe: {  	_ =	sfence  }
0xbf: {  	s30 =	sld [smem:$0x0];
	_ =	sdelay $0x2  }
0xc0: {  	s31 =	sshll.u32 s1, $0xD;
	s1 =	sshrl.u32 s1, $0x2  }
0xc1: {  	s3 =	sand.u32 $0x4000, s31;
	s1 =	sadd.s32 s1, s30  }
0xc2: {  	s0 =	sor.u32 s3, s0;
	s1 =	sshll.u32 s1, $0x11  }
0xc3: {  	s0 =	sor.u32 s1, s0  }
0xc4: {  	s0 =	sadd.s32 $0x8F2B, s0  }
0xc5: {  	[sflag:s0] =	ssyncadd.remote.s32 $0x1  }
0xc6: {  	_ =	sfence.sel $0xFFFF  }
0xc7: {  	[dreg:$0x0] =	wrdreg $0xFFFFFFFF;
	(pc) =	sbr.abs _section_cstart, $3  }
0xc8: {  	[dreg:$0x1] =	wrdreg $0xFFFFFFFF  }
0xc9: {  	_ =	task.clear_ibuf [dreg:s8], $0x2FFFF;
	_ =	strace $0x9FFFFFFF  }
0xca: {  	(tm) =	ssettm $0x7FFFFFFF  }
0xcb: {  	_ =	shalt  }
tec
execute0_lowered:
.L_overlay_start_1:
0x0: {  	(tag) =	ssettag $0x1  }
0x1: {  	s1 =	rddreg [dreg:$0x0]  }
0x2: {  	s0 =	rddreg [dreg:$0x1]  }
0x3: {  	s3 =	rddreg [dreg:$0x2];
	s2 =	srdreg.scid  }
0x4: {  	s15 =	stileid.u32;
	s4 =	rddreg [dreg:$0x3]  }
0x5: {  	s5 =	simm.s32 $0x0;
	s16 =	simm.s32 $0x5140;
	s18 =	simm.s32 $0x6A40  }
0x6: {  	s20 =	simm.s32 $0x8340;
	s22 =	simm.s32 $0x9C40;
	s24 =	simm.s32 $0xB540  }
0x7: {  	s26 =	simm.s32 $0x2;
	s2 =	sand.u32 $0x1, s2;
	s6 =	sshll.u32 s15, $0x1  }
0x8: {  	[smem:$0x7FF] =	sst s5;
	s8 =	sadd.s32 $0x2C200, s0;
	s10 =	smul.u32 $0x27800, s15  }
0x9: {  	s0 =	sadd.s32 $0x40800, s0;
	s12 =	smul.u32 $0x9E00, s15;
	s13 =	sadd.s32 $0x94200, s4  }
0xa: {  	s6 =	sor.u32 s2, s6;
	s9 =	ssub.s32 $0x2, s2;
	s2 =	smul.u32 $0x9C400, s2  }
0xb: {  	p0 =	seq.s32 s15, $0xF;
	_ =	strace $0x8000004A;
	s7 =	smul.u32 $0x514, s6  }
0xc: {  	s6 =	smul.u32 $0x28A0, s6;
	s11 =	sshrl.u32 s9, $0x1;
	s30 =	sshrl.u32 s10, $0x2  }
0xd: {  	s17 =	sadd.s32 s12, s4;
	s11 =	ssub.s32 s9, s11;
	s14 =	sadd.s32 s30, s4  }
0xe: {  	s31 =	sadd.s32 s12, s2;
	s2 =	sshrl.u32 s2, $0x3;
	s12 =	sshrl.u32 @p0 s13, $0x3  }
0xf: {  	s25 =	sshrl.u32 @!p0 s17, $0x3;
	s28 =	sshrl.u32 s6, $0x3;
	s6 =	sadd.s32 s8, s7  }
.Ltmp0:
0x10: {  	s10 =	smax.u32 s11, $0x1;
	s11 =	simm.s32 $0x28A0;
	(pc) =	sbr.rel .LBB2_1-.Ltmp0, $4  }
0x11: {  	s14 =	sshrl.u32 @!p0 s14, $0x3;
	s29 =	sadd.s32 s8, s28;
	s8 =	sshrl.u32 s31, $0x3  }
0x12: {  	s7 =	sadd.s32 $0xA280, s29;
	s8 =	sadd.s32 s0, s8;
	s0 =	sadd.s32 s0, s2  }
0x13: {  	s2 =	simm.s32 $0x4;
	s9 =	sadd.s32 $0x12840, s0;
	s0 =	sshll.u32 @!p0 s15, $0x6  }
0x14: {  	s15 =	simm.s32 $0x64;
	s13 =	sor.u32 @!p0 $0x1C05, s0;
	s0 =	simm.s32 $0x0  }
.LBB2_4:
0x15: {  	_ =	swait.ge [sflag:s2], $0x1900  }
0x16: {  	[sflag:s2] =	ssyncset.done $0x0  }
0x17: {  	[sflag:s2] =	ssyncadd.s32 $0xFFFFE700  }
0x18: {  	_ =	swait.ge [sflag:s2], $0x1900  }
0x19: {  	[sflag:s2] =	ssyncset.done $0x0  }
0x1a: {  	[sflag:s2] =	ssyncadd.s32 $0xFFFFE700  }
0x1b: {  	_ =	swait.ge [sflag:s2], $0x1900  }
0x1c: {  	[sflag:s2] =	ssyncset.done $0x0  }
0x1d: {  	[sflag:s2] =	ssyncadd.s32 $0xFFFFE700  }
0x1e: {  	_ =	swait.ge [sflag:s2], $0x1900  }
0x1f: {  	[sflag:s2] =	ssyncset.done $0x0  }
0x20: {  	[sflag:s2] =	ssyncadd.s32 $0xFFFFE700  }
0x21: {  	_ =	swait.ge [sflag:s2], $0x1900  }
0x22: {  	[sflag:s2] =	ssyncset.done $0x0  }
0x23: {  	[sflag:s2] =	ssyncadd.s32 $0xFFFFE700  }
0x24: {  	s17 =	simm.s32 @p0 $0x1FC5;
	[bflag:$0x0] =	sbarrier.arrive $0xFFFF  }
0x25: {  	[hbm:s9], [sflag:s17] =	dma.local @p0 [spmem:s12], $0x1040  }
0x26: {  	s17 =	simm.s32 @p0 $0x5  }
0x27: {  	s0 =	sadd.s32 $0x1, s0;
	_ =	swait.ge @p0 [sflag:s17], $0x1040  }
0x28: {  	p1 =	sne.s32 s0, s10;
	[sflag:s17] =	ssyncset.done @p0 $0x0  }
.Ltmp1:
0x29: {  	[sflag:s17] =	ssyncadd.s32 @p0 $0xFFFFEFC0;
	s17 =	simm.s32 @!p0 $0x5;
	(pc) =	sbr.rel @!p1 .LBB2_5-.Ltmp1, $4  }
0x2a: {  	[hbm:s8], [sflag:s13] =	dma.local @!p0 [spmem:s25], $0x13C0  }
0x2b: {  	_ =	swait.ge @!p0 [sflag:s17], $0x13C0  }
0x2c: {  	[sflag:s17] =	ssyncset.done @!p0 $0x0  }
0x2d: {  	[sflag:s17] =	ssyncadd.s32 @!p0 $0xFFFFEC40  }
.LBB2_1:
0x2e: {  	[tilespmem:s5], [sflag:$0x1] =	stream.linear.gather [hbm4b:s6+s5], $0x28A0, $0x38;
	[tilespmem:$0x1E780] =	vst v63  }
0x2f: {  	s17 =	simm.s32 @p0 $0x1FC5  }
0x30: {  	[tilespmem:s11], [sflag:$0x1] =	stream.linear.gather [hbm4b:s7+s5], $0x28A0, $0x38;
	[tilespmem:$0x1E780] =	vst v63  }
0x31: {  	[spmem:s12], [sflag:s17] =	dma.local @p0 [hbm:s3], $0x1040  }
0x32: {  	s17 =	simm.s32 @p0 $0x5  }
0x33: {  	_ =	swait.ge @p0 [sflag:s17], $0x1040  }
0x34: {  	[sflag:s17] =	ssyncset.done @p0 $0x0  }
0x35: {  	[sflag:s17] =	ssyncadd.s32 @p0 $0xFFFFEFC0;
	s17 =	simm.s32 @!p0 $0x5  }
0x36: {  	[spmem:s14], [sflag:s13] =	dma.local @!p0 [hbm:s3], $0x13C0  }
0x37: {  	_ =	swait.ge @!p0 [sflag:s17], $0x13C0  }
0x38: {  	[sflag:s17] =	ssyncset.done @!p0 $0x0  }
0x39: {  	[sflag:s17] =	ssyncadd.s32 @!p0 $0xFFFFEC40  }
0x3a: {  	s17 =	simm.s32 $0x1;
	[bflag:$0x0] =	sbarrier.arrive $0xFFFF  }
0x3b: {  	_ =	swait.ge [sflag:s17], $0x28A0  }
0x3c: {  	[sflag:s17] =	ssyncset.done $0x0  }
0x3d: {  	[sflag:s17] =	ssyncadd.s32 $0xFFFFD760  }
0x3e: {  	_ =	swait.ge [sflag:s17], $0x28A0  }
0x3f: {  	[sflag:s17] =	ssyncset.done $0x0  }
0x40: {  	[sflag:s17] =	ssyncadd.s32 $0xFFFFD760  }
0x41: {  	[tilespmem:s16], [sflag:$0x2] =	stream.indirect.gather [hbm4b:s1+s15], $0x40, s11, s15, $0xb8;
	[tilespmem:$0x1E780] =	vst v63  }
0x42: {  	s19 =	simm.s32 $0x2908  }
0x43: {  	[tilespmem:s18], [sflag:$0x2] =	stream.indirect.gather [hbm4b:s1+s15], $0x40, s19, s15, $0xb8;
	[tilespmem:$0x1E780] =	vst v63  }
0x44: {  	s28 =	simm.s32 $0x2970  }
0x45: {  	[tilespmem:s20], [sflag:$0x2] =	stream.indirect.gather [hbm4b:s1+s15], $0x40, s28, s15, $0xb8;
	[tilespmem:$0x1E780] =	vst v63  }
0x46: {  	s29 =	simm.s32 $0x29D8  }
0x47: {  	[tilespmem:s22], [sflag:$0x2] =	stream.indirect.gather [hbm4b:s1+s15], $0x40, s29, s15, $0xb8;
	[tilespmem:$0x1E780] =	vst v63  }
0x48: {  	s30 =	simm.s32 $0x2A40  }
0x49: {  	[tilespmem:s24], [sflag:$0x2] =	stream.indirect.gather [hbm4b:s1+s15], $0x40, s30, s15, $0xb8;
	[tilespmem:$0x1E780] =	vst v63  }
0x4a: {  	_ =	swait.ge [sflag:s26], $0x1900  }
0x4b: {  	[sflag:s26] =	ssyncset.done $0x0  }
0x4c: {  	[sflag:s26] =	ssyncadd.s32 $0xFFFFE700  }
0x4d: {  	_ =	swait.ge [sflag:s26], $0x1900  }
0x4e: {  	[sflag:s26] =	ssyncset.done $0x0  }
0x4f: {  	[sflag:s26] =	ssyncadd.s32 $0xFFFFE700  }
0x50: {  	_ =	swait.ge [sflag:s26], $0x1900  }
0x51: {  	[sflag:s26] =	ssyncset.done $0x0  }
0x52: {  	[sflag:s26] =	ssyncadd.s32 $0xFFFFE700  }
0x53: {  	_ =	swait.ge [sflag:s26], $0x1900  }
0x54: {  	[sflag:s26] =	ssyncset.done $0x0  }
0x55: {  	[sflag:s26] =	ssyncadd.s32 $0xFFFFE700  }
0x56: {  	_ =	swait.ge [sflag:s26], $0x1900  }
0x57: {  	[sflag:s26] =	ssyncset.done $0x0  }
0x58: {  	[sflag:s26] =	ssyncadd.s32 $0xFFFFE700  }
0x59: {  	[spmem:s4] =	stream.indirect.scatter.add.f32 [tilespmem:s16], [sflag:$0x3], $0x40, s5, s15, $0xb8;
	[tilespmem:$0x1E780] =	vst v63  }
0x5a: {  	s31 =	simm.s32 $0x68  }
0x5b: {  	[spmem:s4] =	stream.indirect.scatter.add.f32 [tilespmem:s18], [sflag:$0x3], $0x40, s31, s15, $0xb8;
	[tilespmem:$0x1E780] =	vst v63  }
0x5c: {  	s21 =	simm.s32 $0xD0  }
0x5d: {  	[spmem:s4] =	stream.indirect.scatter.add.f32 [tilespmem:s20], [sflag:$0x3], $0x40, s21, s15, $0xb8;
	[tilespmem:$0x1E780] =	vst v63  }
0x5e: {  	s23 =	simm.s32 $0x138  }
0x5f: {  	[spmem:s4] =	stream.indirect.scatter.add.f32 [tilespmem:s22], [sflag:$0x3], $0x40, s23, s15, $0xb8;
	[tilespmem:$0x1E780] =	vst v63  }
0x60: {  	s28 =	simm.s32 $0x1A0  }
0x61: {  	[spmem:s4] =	stream.indirect.scatter.add.f32 [tilespmem:s24], [sflag:$0x3], $0x40, s28, s15, $0xb8;
	[tilespmem:$0x1E780] =	vst v63  }
0x62: {  	s29 =	simm.s32 $0x2AA8;
	s21 =	simm.s32 $0xCE40  }
0x63: {  	[tilespmem:s21], [sflag:$0x2] =	stream.indirect.gather [hbm4b:s1+s15], $0x40, s29, s15, $0xb8;
	[tilespmem:$0x1E780] =	vst v63  }
0x64: {  	s30 =	simm.s32 $0x2B10;
	s31 =	simm.s32 $0xE740  }
0x65: {  	[tilespmem:s31], [sflag:$0x2] =	stream.indirect.gather [hbm4b:s1+s15], $0x40, s30, s15, $0xb8;
	[tilespmem:$0x1E780] =	vst v63  }
0x66: {  	s23 =	simm.s32 $0x10040;
	s21 =	simm.s32 $0x2B78  }
0x67: {  	[tilespmem:s23], [sflag:$0x2] =	stream.indirect.gather [hbm4b:s1+s15], $0x40, s21, s15, $0xb8;
	[tilespmem:$0x1E780] =	vst v63  }
0x68: {  	s28 =	simm.s32 $0x2BE0;
	s29 =	simm.s32 $0x11940  }
0x69: {  	[tilespmem:s29], [sflag:$0x2] =	stream.indirect.gather [hbm4b:s1+s15], $0x40, s28, s15, $0xb8;
	[tilespmem:$0x1E780] =	vst v63  }
0x6a: {  	s19 =	simm.s32 $0x0;
	s30 =	simm.s32 $0x2C48;
	s31 =	simm.s32 $0x13240  }
0x6b: {  	[tilespmem:s31], [sflag:$0x2] =	stream.indirect.gather [hbm4b:s1+s15], $0x40, s30, s15, $0xb8;
	[tilespmem:$0x1E780] =	vst v63  }
.LBB2_2:
0x6c: {  	_ =	swait.ge [sflag:s26], $0x1900  }
0x6d: {  	[sflag:s26] =	ssyncset.done $0x0  }
0x6e: {  	[sflag:s26] =	ssyncadd.s32 $0xFFFFE700  }
0x6f: {  	_ =	swait.ge [sflag:s26], $0x1900  }
0x70: {  	[sflag:s26] =	ssyncset.done $0x0  }
0x71: {  	[sflag:s26] =	ssyncadd.s32 $0xFFFFE700  }
0x72: {  	_ =	swait.ge [sflag:s26], $0x1900  }
0x73: {  	[sflag:s26] =	ssyncset.done $0x0  }
0x74: {  	[sflag:s26] =	ssyncadd.s32 $0xFFFFE700  }
0x75: {  	_ =	swait.ge [sflag:s26], $0x1900  }
0x76: {  	s23 =	sand.u32 $0x1, s17;
	[sflag:s26] =	ssyncset.done $0x0  }
0x77: {  	s21 =	smul.u32 $0x1F400, s23;
	[sflag:s26] =	ssyncadd.s32 $0xFFFFE700  }
0x78: {  	s31 =	sadd.s32 $0x3, s23;
	_ =	swait.ge [sflag:s26], $0x1900  }
0x79: {  	s28 =	sshrl.u32 s21, $0x2;
	s21 =	sshra.s32 s19, $0x2;
	[sflag:s26] =	ssyncset.done $0x0  }
0x7a: {  	s29 =	sadd.s32 $0x5140, s28;
	s30 =	sadd.s32 $0x208, s21;
	[sflag:s26] =	ssyncadd.s32 $0xFFFFE700  }
0x7b: {  	[spmem:s4] =	stream.indirect.scatter.add.f32 [tilespmem:s29], [sflag:s31], $0x40, s30, s15, $0xb8;
	[tilespmem:$0x1E780] =	vst v63  }
0x7c: {  	s29 =	sadd.s32 $0x6A40, s28;
	s30 =	sadd.s32 $0x270, s21  }
0x7d: {  	[spmem:s4] =	stream.indirect.scatter.add.f32 [tilespmem:s29], [sflag:s31], $0x40, s30, s15, $0xb8;
	[tilespmem:$0x1E780] =	vst v63  }
0x7e: {  	s29 =	sadd.s32 $0x8340, s28;
	s30 =	sadd.s32 $0x2D8, s21  }
0x7f: {  	[spmem:s4] =	stream.indirect.scatter.add.f32 [tilespmem:s29], [sflag:s31], $0x40, s30, s15, $0xb8;
	[tilespmem:$0x1E780] =	vst v63  }
0x80: {  	s29 =	sadd.s32 $0x9C40, s28;
	s30 =	sadd.s32 $0x340, s21  }
0x81: {  	[spmem:s4] =	stream.indirect.scatter.add.f32 [tilespmem:s29], [sflag:s31], $0x40, s30, s15, $0xb8;
	[tilespmem:$0x1E780] =	vst v63  }
0x82: {  	s23 =	sxor.u32 $0x1, s23;
	s28 =	sadd.s32 $0xB540, s28;
	s30 =	sadd.s32 $0x3A8, s21  }
0x83: {  	[spmem:s4] =	stream.indirect.scatter.add.f32 [tilespmem:s28], [sflag:s31], $0x40, s30, s15, $0xb8;
	[tilespmem:$0x1E780] =	vst v63  }
0x84: {  	s31 =	sadd.s32 $0x3, s23  }
0x85: {  	_ =	swait.ge [sflag:s31], $0x1900  }
0x86: {  	[sflag:s31] =	ssyncset.done $0x0  }
0x87: {  	[sflag:s31] =	ssyncadd.s32 $0xFFFFE700  }
0x88: {  	_ =	swait.ge [sflag:s31], $0x1900  }
0x89: {  	[sflag:s31] =	ssyncset.done $0x0  }
0x8a: {  	[sflag:s31] =	ssyncadd.s32 $0xFFFFE700  }
0x8b: {  	_ =	swait.ge [sflag:s31], $0x1900  }
0x8c: {  	[sflag:s31] =	ssyncset.done $0x0  }
0x8d: {  	[sflag:s31] =	ssyncadd.s32 $0xFFFFE700  }
0x8e: {  	p1 =	seq.s32 s19, $0x9240;
	_ =	swait.ge [sflag:s31], $0x1900  }
.Ltmp2:
0x8f: {  	[sflag:s31] =	ssyncset.done $0x0;
	(pc) =	sbr.rel @p1 .LBB2_4-.Ltmp2, $4  }
0x90: {  	[sflag:s31] =	ssyncadd.s32 $0xFFFFE700  }
0x91: {  	_ =	swait.ge [sflag:s31], $0x1900  }
0x92: {  	[sflag:s31] =	ssyncset.done $0x0  }
0x93: {  	[sflag:s31] =	ssyncadd.s32 $0xFFFFE700  }
0x94: {  	s23 =	smul.u32 $0x1F400, s23;
	_ =	sdelay $0x1  }
0x95: {  	s23 =	sshrl.u32 s23, $0x2  }
0x96: {  	s29 =	sadd.s32 $0x2CB0, s21;
	s28 =	sadd.s32 $0x5140, s23  }
0x97: {  	[tilespmem:s28], [sflag:$0x2] =	stream.indirect.gather [hbm4b:s1+s15], $0x40, s29, s15, $0xb8;
	[tilespmem:$0x1E780] =	vst v63  }
0x98: {  	s30 =	sadd.s32 $0x2D18, s21;
	s31 =	sadd.s32 $0x6A40, s23  }
0x99: {  	[tilespmem:s31], [sflag:$0x2] =	stream.indirect.gather [hbm4b:s1+s15], $0x40, s30, s15, $0xb8;
	[tilespmem:$0x1E780] =	vst v63  }
0x9a: {  	s31 =	sadd.s32 $0x8340, s23;
	s30 =	sadd.s32 $0x2D80, s21  }
0x9b: {  	[tilespmem:s31], [sflag:$0x2] =	stream.indirect.gather [hbm4b:s1+s15], $0x40, s30, s15, $0xb8;
	[tilespmem:$0x1E780] =	vst v63  }
.Ltmp3:
0x9c: {  	_ = 	snop;
	(pc) =	sbr.rel .LBB2_2-.Ltmp3, $4  }
0x9d: {  	s17 =	sadd.s32 $0x1, s17;
	s31 =	sadd.s32 $0x9C40, s23;
	s30 =	sadd.s32 $0x2DE8, s21  }
0x9e: {  	[tilespmem:s31], [sflag:$0x2] =	stream.indirect.gather [hbm4b:s1+s15], $0x40, s30, s15, $0xb8;
	[tilespmem:$0x1E780] =	vst v63  }
0x9f: {  	s19 =	sadd.s32 $0x820, s19;
	s23 =	sadd.s32 $0xB540, s23;
	s31 =	sadd.s32 $0x2E50, s21  }
0xa0: {  	[tilespmem:s23], [sflag:$0x2] =	stream.indirect.gather [hbm4b:s1+s15], $0x40, s31, s15, $0xb8;
	[tilespmem:$0x1E780] =	vst v63  }
.LBB2_5:
0xa1: {  	_ =	sfence.sel $0x180000  }
0xa2: {  	[bflag:$0x0] =	sbarrier.arrive $0xFFFF  }
0xa3: {  	_ =	strace $0x9000004A  }
0xa4: {  	s0 =	stileid.u32;
	[bflag:$0x2] =	sbarrier.arrive $0xFFFF  }
0xa5: {  	p0 =	sne.s32 s0, $0x0;
	s0 =	rddreg [dreg:$0x4]  }
0xa6: {  	s0 =	sadd.s32 @!p0 $0x100000, s0  }
0xa7: {  	[sflag:s0] =	ssyncadd.tile.s32 @!p0 $0x1;
	_ =	shalt  }
.Lfunc_end2:
_tile_overlayer_lowered:
.L_overlay_start_2:
0xa8: {  	(tag) =	ssettag $0x2  }
0xa9: {  	s0 =	rddreg [dreg:$0x0];
	s2 =	stileid.u32  }
0xaa: {  	s1 =	rddreg [dreg:$0x1];
	p0 =	sne.s32 s2, $0x0  }
0xab: {  	s3 =	rddreg [dreg:$0x2];
	[bflag:$0x3] =	sbarrier.arrive $0xFFFF;
	s2 =	simm.s32 @!p0 $0x1C05  }
0xac: {  	[timem:s3], [sflag:s2] =	dma.local @!p0 [hbm:s0], s1  }
0xad: {  	s0 =	simm.s32 @!p0 $0x5  }
0xae: {  	_ =	swait.ge @!p0 [sflag:s0], s1  }
0xaf: {  	s1 =	ssub.s32 @!p0 $0x0, s1;
	[sflag:s0] =	ssyncset.done @!p0 $0x0  }
0xb0: {  	[sflag:s0] =	ssyncadd.s32 @!p0 s1  }
0xb1: {  	[bflag:$0x3] =	sbarrier.arrive $0xFFFF  }
0xb2: {  	_ =	shalt  }

// kernel: kernel.18.cloned.1.call-start
scs
__scs_entry_jumppad:
0x0: {  	(pc) =	sbr.rel $0x88, $3  }
0x1: {  	(tag) =	ssettag $0x0;
	lr =	simm.s32 $0x1  }
0x2: {  	[smem:$0x3F97] =	sst lr;
	_ =	strace $0xD0000000  }
0x3: {  	_ = 	snop  }
0x4: {  	_ = 	snop  }
0x5: {  	_ = 	snop  }
0x6: {  	_ = 	snop  }
0x7: {  	_ = 	snop  }
__scs_overlays_trampoline_lowered:
0x8: {  	[smem:$0x3FA6] =	sst s0  }
0x9: {  	[smem:$0x3FA7] =	sst s1  }
0xa: {  	[smem:$0x3FA8] =	sst s2  }
0xb: {  	[smem:$0x3FA9] =	sst s3  }
0xc: {  	[smem:$0x3FAA] =	sst s4  }
0xd: {  	[smem:$0x3FAB] =	sst s5  }
0xe: {  	[smem:$0x3FAC] =	sst s6  }
0xf: {  	[smem:$0x3FAD] =	sst s7  }
0x10: {  	[smem:$0x3FAE] =	sst s8  }
0x11: {  	[smem:$0x3FAF] =	sst s9;
	s0 =	simm.s32 @!p0 $0x0  }
0x12: {  	s1 =	sld [smem:$0x3F95];
	s0 =	simm.s32 @p0 $0x1  }
0x13: {  	[smem:$0x3FB0] =	sst s0;
	s0 =	simm.s32 @!p1 $0x0  }
0x14: {  	s2 =	sld [smem:$0x3F94];
	s0 =	simm.s32 @p1 $0x1  }
0x15: {  	[smem:$0x3FB1] =	sst s0;
	s0 =	simm.s32 @!p2 $0x0  }
0x16: {  	s3 =	sld [smem:$0x3FDB];
	s0 =	simm.s32 @p2 $0x1  }
0x17: {  	s4 =	simm.s32 $0x1BF5;
	[smem:$0x3FB3] =	sst s0  }
0x18: {  	s0 =	sld [smem:$0x3F96];
	_ =	swait.ge [sflag:s4], $0x0  }
0x19: {  	s7 =	sld [smem:$0x3F97]  }
0x1a: {  	s8 =	sadd.s32 $0xFFFFE003, lr  }
0x1b: {  	s9 =	sadd.s32 $0xFFFFFEF7, lr;
	s5 =	simm.s32 $0xFFFFFFFF;
	p2 =	slt.u32 s8, $0xFFFFF086  }
0x1c: {  	p1 =	slt.u32 s9, $0xF7A;
	s5 =	simm.s32 @!p2 $0x0  }
0x1d: {  	s5 =	simm.s32 @p1 $0x1;
	p0 =	seq.s32 s7, s2  }
0x1e: {  	s7 =	smul.u32 @!p0 $0xF7A, s2;
	p2 =	seq.s32 @!p0 s5, $0x0  }
0x1f: {  	s9 =	smul.u32 $0xF7A, s1;
	s8 =	simm.s32 @!p0 $0x1BF5;
	p2 =	por !p2, p0  }
0x20: {  	[sflag:s8] =	ssyncset.s32 @!p0 $0xFFFFF086;
	s6 =	sadd.s32 @!p0 s3, s7;
	s7 =	simm.s32 @!p0 $0x108  }
0x21: {  	s3 =	sadd.s32 s3, s9;
	s6 =	sadd.s32 @!p0 $0x88, s6;
	s7 =	simm.s32 @p2 $0x1082  }
0x22: {  	[simem:s7], [sflag:s8] =	dma.local @!p0 [hbm:s6], $0xF7A  }
0x23: {  	s9 =	sor.u32 $0xD0000000, s2;
	s6 =	simm.s32 $0x108;
	_ =	swait.ge @!p0 [sflag:s8], $0x0  }
0x24: {  	s3 =	sadd.s32 $0x88, s3;
	s6 =	simm.s32 @!p1 $0x1082;
	[sflag:s4] =	ssyncset.s32 $0xFFFFF086  }
0x25: {  	[simem:s6], [sflag:s4] =	dma.local [hbm:s3], $0xF7A  }
0x26: {  	[smem:$0x3F97] =	sst s1;
	(tag) =	ssettag s2;
	_ =	strace s9  }
0x27: {  	s1 =	sld [smem:$0x3FA7]  }
0x28: {  	s2 =	sld [smem:$0x3FA8]  }
0x29: {  	s4 =	sld [smem:$0x3FAA]  }
0x2a: {  	p0 =	seq.s32 s5, $0x0;
	s5 =	sld [smem:$0x3FAB]  }
0x2b: {  	s6 =	sld [smem:$0x3FAC]  }
0x2c: {  	s7 =	sld [smem:$0x3FAD]  }
0x2d: {  	s3 =	simm.s32 $0x108;
	s8 =	sld [smem:$0x3FAE]  }
0x2e: {  	s3 =	simm.s32 @!p0 $0x1082;
	s9 =	sld [smem:$0x3FAF]  }
0x2f: {  	lr =	sadd.s32 s0, s3;
	s0 =	sld [smem:$0x3FA6]  }
0x30: {  	s3 =	sld [smem:$0x3FA9]  }
0x31: {  	[smem:$0x3FB2] =	sst s10  }
0x32: {  	s10 =	sld [smem:$0x3FB0];
	_ =	sdelay $0x3  }
0x33: {  	p0 =	seq.s32 s10, $0x1;
	s10 =	sld [smem:$0x3FB2];
	_ =	sdelay $0x3  }
0x34: {  	[smem:$0x3FB2] =	sst s10  }
0x35: {  	s10 =	sld [smem:$0x3FB1];
	_ =	sdelay $0x3  }
0x36: {  	p1 =	seq.s32 s10, $0x1;
	s10 =	sld [smem:$0x3FB2];
	_ =	sdelay $0x3  }
0x37: {  	[smem:$0x3FB2] =	sst s10  }
0x38: {  	s10 =	sld [smem:$0x3FB3]  }
0x39: {  	_ = 	snop;
	(pc) =	sbr.ind lr, $3  }
0x3a: {  	_ = 	snop  }
0x3b: {  	_ = 	snop  }
0x3c: {  	p2 =	seq.s32 s10, $0x1;
	s10 =	sld [smem:$0x3FB2]  }
0x3d: {  	_ =	shalt  }
0x3e: {  	_ =	shalt  }
0x3f: {  	_ =	shalt  }
0x40: {  	_ =	shalt  }
0x41: {  	_ =	shalt  }
0x42: {  	_ =	shalt  }
0x43: {  	_ =	shalt  }
0x44: {  	_ =	shalt  }
0x45: {  	_ =	shalt  }
0x46: {  	_ =	shalt  }
0x47: {  	_ =	shalt  }
0x48: {  	_ =	shalt  }
0x49: {  	_ =	shalt  }
0x4a: {  	_ =	shalt  }
0x4b: {  	_ =	shalt  }
0x4c: {  	_ =	shalt  }
0x4d: {  	_ =	shalt  }
0x4e: {  	_ =	shalt  }
0x4f: {  	_ =	shalt  }
0x50: {  	_ =	shalt  }
0x51: {  	_ =	shalt  }
0x52: {  	_ =	shalt  }
0x53: {  	_ =	shalt  }
0x54: {  	_ =	shalt  }
0x55: {  	_ =	shalt  }
0x56: {  	_ =	shalt  }
0x57: {  	_ =	shalt  }
0x58: {  	_ =	shalt  }
0x59: {  	_ =	shalt  }
0x5a: {  	_ =	shalt  }
0x5b: {  	_ =	shalt  }
0x5c: {  	_ =	shalt  }
0x5d: {  	_ =	shalt  }
0x5e: {  	_ =	shalt  }
0x5f: {  	_ =	shalt  }
0x60: {  	_ =	shalt  }
0x61: {  	_ =	shalt  }
0x62: {  	_ =	shalt  }
0x63: {  	_ =	shalt  }
0x64: {  	_ =	shalt  }
0x65: {  	_ =	shalt  }
0x66: {  	_ =	shalt  }
0x67: {  	_ =	shalt  }
0x68: {  	_ =	shalt  }
0x69: {  	_ =	shalt  }
0x6a: {  	_ =	shalt  }
0x6b: {  	_ =	shalt  }
0x6c: {  	_ =	shalt  }
0x6d: {  	_ =	shalt  }
0x6e: {  	_ =	shalt  }
0x6f: {  	_ =	shalt  }
0x70: {  	_ =	shalt  }
0x71: {  	_ =	shalt  }
0x72: {  	_ =	shalt  }
0x73: {  	_ =	shalt  }
0x74: {  	_ =	shalt  }
0x75: {  	_ =	shalt  }
0x76: {  	_ =	shalt  }
0x77: {  	_ =	shalt  }
0x78: {  	_ =	shalt  }
0x79: {  	_ =	shalt  }
0x7a: {  	_ =	shalt  }
0x7b: {  	_ =	shalt  }
0x7c: {  	_ =	shalt  }
0x7d: {  	_ =	shalt  }
0x7e: {  	_ =	shalt  }
0x7f: {  	_ =	shalt  }
0x80: {  	_ =	shalt  }
0x81: {  	_ =	shalt  }
0x82: {  	_ =	shalt  }
0x83: {  	_ =	shalt  }
0x84: {  	_ =	shalt  }
0x85: {  	_ =	shalt  }
0x86: {  	_ =	shalt  }
0x87: {  	_ =	shalt  }
.Lfunc_end0:
.L_simem_size_0:
called_computation.3_lowered:
.L_overlay_start_0:
0x88: {  	s2 =	sld [smem:$0x3FD9]  }
0x89: {  	s3 =	sld [smem:$0x3FFE];
	_ =	sdelay $0x1  }
0x8a: {  	s1 =	srdreg.scid  }
0x8b: {  	s0 =	sand.u32 $0x1, s1  }
0x8c: {  	s14 =	sshll.u32 s0, $0xA;
	s2 =	sadd.s32 s3, s2  }
0x8d: {  	s2 =	sadd.s32 s2, s14  }
0x8e: {  	[smem:$0x3FBE] =	sst s2  }
0x8f: {  	_ = 	snop  }
0x90: {  	s2 =	sld [smem:$0x3FD0];
	_ =	sdelay $0x2  }
0x91: {  	s15 =	simm.s32 $0xA;
	s4 =	simm.s32 $0x10  }
0x92: {  	[smem:s4], [sflag:s15] =	dma.local [hbm:s2], $0x1  }
0x93: {  	_ =	swait.eq [sflag:s15], $0x1  }
0x94: {  	[sflag:s15] =	ssyncset.done $0x0  }
0x95: {  	s16 =	sld [smem:$0x12];
	[sflag:s15] =	ssyncadd.s32 $0xFFFFFFFF  }
0x96: {  	s17 =	sld [smem:$0x13];
	(tm) =	ssettm $0x1  }
0x97: {  	s18 =	sld [smem:$0x3FFB];
	_ =	sdelay $0x3  }
0x98: {  	_ =	strace s18  }
0x99: {  	s4 =	sld [smem:$0x3FFC];
	_ =	sdelay $0x3  }
0x9a: {  	_ =	strace s4  }
0x9b: {  	s4 =	sld [smem:$0x3FFD];
	_ =	sdelay $0x3  }
0x9c: {  	_ =	strace s4  }
0x9d: {  	_ =	strace $0x8FFFFFFF  }
0x9e: {  	s19 =	sld [smem:$0x3FDB];
	_ =	sdelay $0x1  }
0x9f: {  	s5 =	simm.s32 $_scs_section_size  }
0xa0: {  	s6 =	simm.s32 $_size__tile_overlayer_lowered;
	s7 =	simm.s32 $_tile_overlayer_lowered  }
0xa1: {  	s22 =	simm.s32 $0x1BFF;
	s21 =	sshll.u32 s7, $0x1;
	s4 =	sadd.s32 s5, s19  }
0xa2: {  	s8 =	simm.s32 $0x0;
	s20 =	sshll.u32 s6, $0x1;
	s6 =	sadd.s32 s21, s4  }
0xa3: {  	[timem:s8], [sflag:s22] =	dma.local [hbm:s6], s20  }
0xa4: {  	_ =	swait.ge [sflag:s22], s20  }
0xa5: {  	s5 =	ssub.s32 $0x0, s20;
	[sflag:s22] =	ssyncset.done $0x0  }
0xa6: {  	[sflag:s22] =	ssyncadd.s32 s5;
	_ =	sdelay $0x1  }
0xa7: {  	s23 =	simm.s32 $0x1B8B  }
0xa8: {  	_ =	swait.ge [sflag:s23], $0x1  }
0xa9: {  	[sflag:s23] =	ssyncset.done $0x0  }
0xaa: {  	s25 =	simm.s32 $0x1B8E;
	s24 =	sld [smem:$0x3FFE];
	[sflag:s23] =	ssyncadd.s32 $0xFFFFFFFF  }
0xab: {  	s26 =	simm.s32 $execute0_lowered;
	[smem:$0x3FD2] =	sst s25  }
0xac: {  	s6 =	sshll.u32 s26, $0x1;
	_ =	strace $0x8000004C;
	[dreg:$0x1] =	wrdreg $0xFFFFFFFF  }
0xad: {  	s28 =	simm.s32 $_size_execute0_lowered;
	s4 =	sadd.s32 s4, s6;
	[dreg:$0x0] =	wrdreg $0x0  }
0xae: {  	s6 =	sshll.u32 s28, $0x1;
	[dreg:$0x2] =	wrdreg s4  }
0xaf: {  	[dreg:$0x3] =	wrdreg s6  }
0xb0: {  	[dreg:$0x4] =	wrdreg $0xC0  }
0xb1: {  	_ =	task [dreg:s8], $0x5FFFF  }
0xb2: {  	[dreg:$0x1] =	wrdreg $0xFFFFFFFF  }
0xb3: {  	[dreg:$0x0] =	wrdreg $0x60  }
0xb4: {  	[dreg:$0x2] =	wrdreg s17  }
0xb5: {  	[dreg:$0x3] =	wrdreg s24  }
0xb6: {  	[dreg:$0x4] =	wrdreg s16  }
0xb7: {  	[dreg:$0x5] =	wrdreg $0x14B400  }
0xb8: {  	[dreg:$0x6] =	wrdreg $0x9  }
0xb9: {  	_ =	task.clear_ibuf [dreg:s8], $0x7FFFF;
	_ =	strace $0x9000004C  }
0xba: {  	s29 =	simm.s32 $0x9;
	_ =	strace $0x8000004E  }
0xbb: {  	_ =	swait.ge [sflag:s29], $0x1  }
0xbc: {  	[sflag:s29] =	ssyncadd.s32 $0xFFFFFFFF  }
0xbd: {  	_ =	strace $0x9000004E  }
0xbe: {  	_ =	sfence  }
0xbf: {  	s30 =	sld [smem:$0x0];
	_ =	sdelay $0x2  }
0xc0: {  	s31 =	sshll.u32 s1, $0xD;
	s1 =	sshrl.u32 s1, $0x2  }
0xc1: {  	s3 =	sand.u32 $0x4000, s31;
	s1 =	sadd.s32 s1, s30  }
0xc2: {  	s0 =	sor.u32 s3, s0;
	s1 =	sshll.u32 s1, $0x11  }
0xc3: {  	s0 =	sor.u32 s1, s0  }
0xc4: {  	s0 =	sadd.s32 $0x8F2B, s0  }
0xc5: {  	[sflag:s0] =	ssyncadd.remote.s32 $0x1  }
0xc6: {  	_ =	sfence.sel $0xFFFF  }
0xc7: {  	[dreg:$0x0] =	wrdreg $0xFFFFFFFF;
	(pc) =	sbr.abs _section_cstart, $3  }
0xc8: {  	[dreg:$0x1] =	wrdreg $0xFFFFFFFF  }
0xc9: {  	_ =	task.clear_ibuf [dreg:s8], $0x2FFFF;
	_ =	strace $0x9FFFFFFF  }
0xca: {  	(tm) =	ssettm $0x7FFFFFFF  }
0xcb: {  	_ =	shalt  }
tec
execute0_lowered:
.L_overlay_start_1:
0x0: {  	(tag) =	ssettag $0x1  }
0x1: {  	s1 =	rddreg [dreg:$0x0]  }
0x2: {  	s0 =	rddreg [dreg:$0x1]  }
0x3: {  	s3 =	rddreg [dreg:$0x2];
	s2 =	srdreg.scid  }
0x4: {  	s15 =	stileid.u32;
	s4 =	rddreg [dreg:$0x3]  }
0x5: {  	s5 =	simm.s32 $0x0;
	s16 =	simm.s32 $0x5140;
	s18 =	simm.s32 $0x6A40  }
0x6: {  	s20 =	simm.s32 $0x8340;
	s22 =	simm.s32 $0x9C40;
	s24 =	simm.s32 $0xB540  }
0x7: {  	s26 =	simm.s32 $0x2;
	s2 =	sand.u32 $0x1, s2;
	s6 =	sshll.u32 s15, $0x1  }
0x8: {  	[smem:$0x7FF] =	sst s5;
	s8 =	sadd.s32 $0x2C200, s0;
	s10 =	smul.u32 $0x27800, s15  }
0x9: {  	s0 =	sadd.s32 $0x40800, s0;
	s12 =	smul.u32 $0x9E00, s15;
	s13 =	sadd.s32 $0x94200, s4  }
0xa: {  	s6 =	sor.u32 s2, s6;
	s9 =	ssub.s32 $0x2, s2;
	s2 =	smul.u32 $0x9C400, s2  }
0xb: {  	p0 =	seq.s32 s15, $0xF;
	_ =	strace $0x8000004D;
	s7 =	smul.u32 $0x514, s6  }
0xc: {  	s6 =	smul.u32 $0x28A0, s6;
	s11 =	sshrl.u32 s9, $0x1;
	s30 =	sshrl.u32 s10, $0x2  }
0xd: {  	s17 =	sadd.s32 s12, s4;
	s11 =	ssub.s32 s9, s11;
	s14 =	sadd.s32 s30, s4  }
0xe: {  	s31 =	sadd.s32 s12, s2;
	s2 =	sshrl.u32 s2, $0x3;
	s12 =	sshrl.u32 @p0 s13, $0x3  }
0xf: {  	s25 =	sshrl.u32 @!p0 s17, $0x3;
	s28 =	sshrl.u32 s6, $0x3;
	s6 =	sadd.s32 s8, s7  }
.Ltmp0:
0x10: {  	s10 =	smax.u32 s11, $0x1;
	s11 =	simm.s32 $0x28A0;
	(pc) =	sbr.rel .LBB2_1-.Ltmp0, $4  }
0x11: {  	s14 =	sshrl.u32 @!p0 s14, $0x3;
	s29 =	sadd.s32 s8, s28;
	s8 =	sshrl.u32 s31, $0x3  }
0x12: {  	s7 =	sadd.s32 $0xA280, s29;
	s8 =	sadd.s32 s0, s8;
	s0 =	sadd.s32 s0, s2  }
0x13: {  	s2 =	simm.s32 $0x4;
	s9 =	sadd.s32 $0x12840, s0;
	s0 =	sshll.u32 @!p0 s15, $0x6  }
0x14: {  	s15 =	simm.s32 $0x64;
	s13 =	sor.u32 @!p0 $0x1C05, s0;
	s0 =	simm.s32 $0x0  }
.LBB2_4:
0x15: {  	_ =	swait.ge [sflag:s2], $0x1900  }
0x16: {  	[sflag:s2] =	ssyncset.done $0x0  }
0x17: {  	[sflag:s2] =	ssyncadd.s32 $0xFFFFE700  }
0x18: {  	_ =	swait.ge [sflag:s2], $0x1900  }
0x19: {  	[sflag:s2] =	ssyncset.done $0x0  }
0x1a: {  	[sflag:s2] =	ssyncadd.s32 $0xFFFFE700  }
0x1b: {  	_ =	swait.ge [sflag:s2], $0x1900  }
0x1c: {  	[sflag:s2] =	ssyncset.done $0x0  }
0x1d: {  	[sflag:s2] =	ssyncadd.s32 $0xFFFFE700  }
0x1e: {  	_ =	swait.ge [sflag:s2], $0x1900  }
0x1f: {  	[sflag:s2] =	ssyncset.done $0x0  }
0x20: {  	[sflag:s2] =	ssyncadd.s32 $0xFFFFE700  }
0x21: {  	_ =	swait.ge [sflag:s2], $0x1900  }
0x22: {  	[sflag:s2] =	ssyncset.done $0x0  }
0x23: {  	[sflag:s2] =	ssyncadd.s32 $0xFFFFE700  }
0x24: {  	s17 =	simm.s32 @p0 $0x1FC5;
	[bflag:$0x0] =	sbarrier.arrive $0xFFFF  }
0x25: {  	[hbm:s9], [sflag:s17] =	dma.local @p0 [spmem:s12], $0x1040  }
0x26: {  	s17 =	simm.s32 @p0 $0x5  }
0x27: {  	s0 =	sadd.s32 $0x1, s0;
	_ =	swait.ge @p0 [sflag:s17], $0x1040  }
0x28: {  	p1 =	sne.s32 s0, s10;
	[sflag:s17] =	ssyncset.done @p0 $0x0  }
.Ltmp1:
0x29: {  	[sflag:s17] =	ssyncadd.s32 @p0 $0xFFFFEFC0;
	s17 =	simm.s32 @!p0 $0x5;
	(pc) =	sbr.rel @!p1 .LBB2_5-.Ltmp1, $4  }
0x2a: {  	[hbm:s8], [sflag:s13] =	dma.local @!p0 [spmem:s25], $0x13C0  }
0x2b: {  	_ =	swait.ge @!p0 [sflag:s17], $0x13C0  }
0x2c: {  	[sflag:s17] =	ssyncset.done @!p0 $0x0  }
0x2d: {  	[sflag:s17] =	ssyncadd.s32 @!p0 $0xFFFFEC40  }
.LBB2_1:
0x2e: {  	[tilespmem:s5], [sflag:$0x1] =	stream.linear.gather [hbm4b:s6+s5], $0x28A0, $0x38;
	[tilespmem:$0x1E780] =	vst v63  }
0x2f: {  	s17 =	simm.s32 @p0 $0x1FC5  }
0x30: {  	[tilespmem:s11], [sflag:$0x1] =	stream.linear.gather [hbm4b:s7+s5], $0x28A0, $0x38;
	[tilespmem:$0x1E780] =	vst v63  }
0x31: {  	[spmem:s12], [sflag:s17] =	dma.local @p0 [hbm:s3], $0x1040  }
0x32: {  	s17 =	simm.s32 @p0 $0x5  }
0x33: {  	_ =	swait.ge @p0 [sflag:s17], $0x1040  }
0x34: {  	[sflag:s17] =	ssyncset.done @p0 $0x0  }
0x35: {  	[sflag:s17] =	ssyncadd.s32 @p0 $0xFFFFEFC0;
	s17 =	simm.s32 @!p0 $0x5  }
0x36: {  	[spmem:s14], [sflag:s13] =	dma.local @!p0 [hbm:s3], $0x13C0  }
0x37: {  	_ =	swait.ge @!p0 [sflag:s17], $0x13C0  }
0x38: {  	[sflag:s17] =	ssyncset.done @!p0 $0x0  }
0x39: {  	[sflag:s17] =	ssyncadd.s32 @!p0 $0xFFFFEC40  }
0x3a: {  	s17 =	simm.s32 $0x1;
	[bflag:$0x0] =	sbarrier.arrive $0xFFFF  }
0x3b: {  	_ =	swait.ge [sflag:s17], $0x28A0  }
0x3c: {  	[sflag:s17] =	ssyncset.done $0x0  }
0x3d: {  	[sflag:s17] =	ssyncadd.s32 $0xFFFFD760  }
0x3e: {  	_ =	swait.ge [sflag:s17], $0x28A0  }
0x3f: {  	[sflag:s17] =	ssyncset.done $0x0  }
0x40: {  	[sflag:s17] =	ssyncadd.s32 $0xFFFFD760  }
0x41: {  	[tilespmem:s16], [sflag:$0x2] =	stream.indirect.gather [hbm4b:s1+s15], $0x40, s11, s15, $0xb8;
	[tilespmem:$0x1E780] =	vst v63  }
0x42: {  	s19 =	simm.s32 $0x2908  }
0x43: {  	[tilespmem:s18], [sflag:$0x2] =	stream.indirect.gather [hbm4b:s1+s15], $0x40, s19, s15, $0xb8;
	[tilespmem:$0x1E780] =	vst v63  }
0x44: {  	s28 =	simm.s32 $0x2970  }
0x45: {  	[tilespmem:s20], [sflag:$0x2] =	stream.indirect.gather [hbm4b:s1+s15], $0x40, s28, s15, $0xb8;
	[tilespmem:$0x1E780] =	vst v63  }
0x46: {  	s29 =	simm.s32 $0x29D8  }
0x47: {  	[tilespmem:s22], [sflag:$0x2] =	stream.indirect.gather [hbm4b:s1+s15], $0x40, s29, s15, $0xb8;
	[tilespmem:$0x1E780] =	vst v63  }
0x48: {  	s30 =	simm.s32 $0x2A40  }
0x49: {  	[tilespmem:s24], [sflag:$0x2] =	stream.indirect.gather [hbm4b:s1+s15], $0x40, s30, s15, $0xb8;
	[tilespmem:$0x1E780] =	vst v63  }
0x4a: {  	_ =	swait.ge [sflag:s26], $0x1900  }
0x4b: {  	[sflag:s26] =	ssyncset.done $0x0  }
0x4c: {  	[sflag:s26] =	ssyncadd.s32 $0xFFFFE700  }
0x4d: {  	_ =	swait.ge [sflag:s26], $0x1900  }
0x4e: {  	[sflag:s26] =	ssyncset.done $0x0  }
0x4f: {  	[sflag:s26] =	ssyncadd.s32 $0xFFFFE700  }
0x50: {  	_ =	swait.ge [sflag:s26], $0x1900  }
0x51: {  	[sflag:s26] =	ssyncset.done $0x0  }
0x52: {  	[sflag:s26] =	ssyncadd.s32 $0xFFFFE700  }
0x53: {  	_ =	swait.ge [sflag:s26], $0x1900  }
0x54: {  	[sflag:s26] =	ssyncset.done $0x0  }
0x55: {  	[sflag:s26] =	ssyncadd.s32 $0xFFFFE700  }
0x56: {  	_ =	swait.ge [sflag:s26], $0x1900  }
0x57: {  	[sflag:s26] =	ssyncset.done $0x0  }
0x58: {  	[sflag:s26] =	ssyncadd.s32 $0xFFFFE700  }
0x59: {  	[spmem:s4] =	stream.indirect.scatter.add.f32 [tilespmem:s16], [sflag:$0x3], $0x40, s5, s15, $0xb8;
	[tilespmem:$0x1E780] =	vst v63  }
0x5a: {  	s31 =	simm.s32 $0x68  }
0x5b: {  	[spmem:s4] =	stream.indirect.scatter.add.f32 [tilespmem:s18], [sflag:$0x3], $0x40, s31, s15, $0xb8;
	[tilespmem:$0x1E780] =	vst v63  }
0x5c: {  	s21 =	simm.s32 $0xD0  }
0x5d: {  	[spmem:s4] =	stream.indirect.scatter.add.f32 [tilespmem:s20], [sflag:$0x3], $0x40, s21, s15, $0xb8;
	[tilespmem:$0x1E780] =	vst v63  }
0x5e: {  	s23 =	simm.s32 $0x138  }
0x5f: {  	[spmem:s4] =	stream.indirect.scatter.add.f32 [tilespmem:s22], [sflag:$0x3], $0x40, s23, s15, $0xb8;
	[tilespmem:$0x1E780] =	vst v63  }
0x60: {  	s28 =	simm.s32 $0x1A0  }
0x61: {  	[spmem:s4] =	stream.indirect.scatter.add.f32 [tilespmem:s24], [sflag:$0x3], $0x40, s28, s15, $0xb8;
	[tilespmem:$0x1E780] =	vst v63  }
0x62: {  	s29 =	simm.s32 $0x2AA8;
	s21 =	simm.s32 $0xCE40  }
0x63: {  	[tilespmem:s21], [sflag:$0x2] =	stream.indirect.gather [hbm4b:s1+s15], $0x40, s29, s15, $0xb8;
	[tilespmem:$0x1E780] =	vst v63  }
0x64: {  	s30 =	simm.s32 $0x2B10;
	s31 =	simm.s32 $0xE740  }
0x65: {  	[tilespmem:s31], [sflag:$0x2] =	stream.indirect.gather [hbm4b:s1+s15], $0x40, s30, s15, $0xb8;
	[tilespmem:$0x1E780] =	vst v63  }
0x66: {  	s23 =	simm.s32 $0x10040;
	s21 =	simm.s32 $0x2B78  }
0x67: {  	[tilespmem:s23], [sflag:$0x2] =	stream.indirect.gather [hbm4b:s1+s15], $0x40, s21, s15, $0xb8;
	[tilespmem:$0x1E780] =	vst v63  }
0x68: {  	s28 =	simm.s32 $0x2BE0;
	s29 =	simm.s32 $0x11940  }
0x69: {  	[tilespmem:s29], [sflag:$0x2] =	stream.indirect.gather [hbm4b:s1+s15], $0x40, s28, s15, $0xb8;
	[tilespmem:$0x1E780] =	vst v63  }
0x6a: {  	s19 =	simm.s32 $0x0;
	s30 =	simm.s32 $0x2C48;
	s31 =	simm.s32 $0x13240  }
0x6b: {  	[tilespmem:s31], [sflag:$0x2] =	stream.indirect.gather [hbm4b:s1+s15], $0x40, s30, s15, $0xb8;
	[tilespmem:$0x1E780] =	vst v63  }
.LBB2_2:
0x6c: {  	_ =	swait.ge [sflag:s26], $0x1900  }
0x6d: {  	[sflag:s26] =	ssyncset.done $0x0  }
0x6e: {  	[sflag:s26] =	ssyncadd.s32 $0xFFFFE700  }
0x6f: {  	_ =	swait.ge [sflag:s26], $0x1900  }
0x70: {  	[sflag:s26] =	ssyncset.done $0x0  }
0x71: {  	[sflag:s26] =	ssyncadd.s32 $0xFFFFE700  }
0x72: {  	_ =	swait.ge [sflag:s26], $0x1900  }
0x73: {  	[sflag:s26] =	ssyncset.done $0x0  }
0x74: {  	[sflag:s26] =	ssyncadd.s32 $0xFFFFE700  }
0x75: {  	_ =	swait.ge [sflag:s26], $0x1900  }
0x76: {  	s23 =	sand.u32 $0x1, s17;
	[sflag:s26] =	ssyncset.done $0x0  }
0x77: {  	s21 =	smul.u32 $0x1F400, s23;
	[sflag:s26] =	ssyncadd.s32 $0xFFFFE700  }
0x78: {  	s31 =	sadd.s32 $0x3, s23;
	_ =	swait.ge [sflag:s26], $0x1900  }
0x79: {  	s28 =	sshrl.u32 s21, $0x2;
	s21 =	sshra.s32 s19, $0x2;
	[sflag:s26] =	ssyncset.done $0x0  }
0x7a: {  	s29 =	sadd.s32 $0x5140, s28;
	s30 =	sadd.s32 $0x208, s21;
	[sflag:s26] =	ssyncadd.s32 $0xFFFFE700  }
0x7b: {  	[spmem:s4] =	stream.indirect.scatter.add.f32 [tilespmem:s29], [sflag:s31], $0x40, s30, s15, $0xb8;
	[tilespmem:$0x1E780] =	vst v63  }
0x7c: {  	s29 =	sadd.s32 $0x6A40, s28;
	s30 =	sadd.s32 $0x270, s21  }
0x7d: {  	[spmem:s4] =	stream.indirect.scatter.add.f32 [tilespmem:s29], [sflag:s31], $0x40, s30, s15, $0xb8;
	[tilespmem:$0x1E780] =	vst v63  }
0x7e: {  	s29 =	sadd.s32 $0x8340, s28;
	s30 =	sadd.s32 $0x2D8, s21  }
0x7f: {  	[spmem:s4] =	stream.indirect.scatter.add.f32 [tilespmem:s29], [sflag:s31], $0x40, s30, s15, $0xb8;
	[tilespmem:$0x1E780] =	vst v63  }
0x80: {  	s29 =	sadd.s32 $0x9C40, s28;
	s30 =	sadd.s32 $0x340, s21  }
0x81: {  	[spmem:s4] =	stream.indirect.scatter.add.f32 [tilespmem:s29], [sflag:s31], $0x40, s30, s15, $0xb8;
	[tilespmem:$0x1E780] =	vst v63  }
0x82: {  	s23 =	sxor.u32 $0x1, s23;
	s28 =	sadd.s32 $0xB540, s28;
	s30 =	sadd.s32 $0x3A8, s21  }
0x83: {  	[spmem:s4] =	stream.indirect.scatter.add.f32 [tilespmem:s28], [sflag:s31], $0x40, s30, s15, $0xb8;
	[tilespmem:$0x1E780] =	vst v63  }
0x84: {  	s31 =	sadd.s32 $0x3, s23  }
0x85: {  	_ =	swait.ge [sflag:s31], $0x1900  }
0x86: {  	[sflag:s31] =	ssyncset.done $0x0  }
0x87: {  	[sflag:s31] =	ssyncadd.s32 $0xFFFFE700  }
0x88: {  	_ =	swait.ge [sflag:s31], $0x1900  }
0x89: {  	[sflag:s31] =	ssyncset.done $0x0  }
0x8a: {  	[sflag:s31] =	ssyncadd.s32 $0xFFFFE700  }
0x8b: {  	_ =	swait.ge [sflag:s31], $0x1900  }
0x8c: {  	[sflag:s31] =	ssyncset.done $0x0  }
0x8d: {  	[sflag:s31] =	ssyncadd.s32 $0xFFFFE700  }
0x8e: {  	p1 =	seq.s32 s19, $0x9240;
	_ =	swait.ge [sflag:s31], $0x1900  }
.Ltmp2:
0x8f: {  	[sflag:s31] =	ssyncset.done $0x0;
	(pc) =	sbr.rel @p1 .LBB2_4-.Ltmp2, $4  }
0x90: {  	[sflag:s31] =	ssyncadd.s32 $0xFFFFE700  }
0x91: {  	_ =	swait.ge [sflag:s31], $0x1900  }
0x92: {  	[sflag:s31] =	ssyncset.done $0x0  }
0x93: {  	[sflag:s31] =	ssyncadd.s32 $0xFFFFE700  }
0x94: {  	s23 =	smul.u32 $0x1F400, s23;
	_ =	sdelay $0x1  }
0x95: {  	s23 =	sshrl.u32 s23, $0x2  }
0x96: {  	s29 =	sadd.s32 $0x2CB0, s21;
	s28 =	sadd.s32 $0x5140, s23  }
0x97: {  	[tilespmem:s28], [sflag:$0x2] =	stream.indirect.gather [hbm4b:s1+s15], $0x40, s29, s15, $0xb8;
	[tilespmem:$0x1E780] =	vst v63  }
0x98: {  	s30 =	sadd.s32 $0x2D18, s21;
	s31 =	sadd.s32 $0x6A40, s23  }
0x99: {  	[tilespmem:s31], [sflag:$0x2] =	stream.indirect.gather [hbm4b:s1+s15], $0x40, s30, s15, $0xb8;
	[tilespmem:$0x1E780] =	vst v63  }
0x9a: {  	s31 =	sadd.s32 $0x8340, s23;
	s30 =	sadd.s32 $0x2D80, s21  }
0x9b: {  	[tilespmem:s31], [sflag:$0x2] =	stream.indirect.gather [hbm4b:s1+s15], $0x40, s30, s15, $0xb8;
	[tilespmem:$0x1E780] =	vst v63  }
.Ltmp3:
0x9c: {  	_ = 	snop;
	(pc) =	sbr.rel .LBB2_2-.Ltmp3, $4  }
0x9d: {  	s17 =	sadd.s32 $0x1, s17;
	s31 =	sadd.s32 $0x9C40, s23;
	s30 =	sadd.s32 $0x2DE8, s21  }
0x9e: {  	[tilespmem:s31], [sflag:$0x2] =	stream.indirect.gather [hbm4b:s1+s15], $0x40, s30, s15, $0xb8;
	[tilespmem:$0x1E780] =	vst v63  }
0x9f: {  	s19 =	sadd.s32 $0x820, s19;
	s23 =	sadd.s32 $0xB540, s23;
	s31 =	sadd.s32 $0x2E50, s21  }
0xa0: {  	[tilespmem:s23], [sflag:$0x2] =	stream.indirect.gather [hbm4b:s1+s15], $0x40, s31, s15, $0xb8;
	[tilespmem:$0x1E780] =	vst v63  }
.LBB2_5:
0xa1: {  	_ =	sfence.sel $0x180000  }
0xa2: {  	[bflag:$0x0] =	sbarrier.arrive $0xFFFF  }
0xa3: {  	_ =	strace $0x9000004D  }
0xa4: {  	s0 =	stileid.u32;
	[bflag:$0x2] =	sbarrier.arrive $0xFFFF  }
0xa5: {  	p0 =	sne.s32 s0, $0x0;
	s0 =	rddreg [dreg:$0x4]  }
0xa6: {  	s0 =	sadd.s32 @!p0 $0x100000, s0  }
0xa7: {  	[sflag:s0] =	ssyncadd.tile.s32 @!p0 $0x1;
	_ =	shalt  }
.Lfunc_end2:
_tile_overlayer_lowered:
.L_overlay_start_2:
0xa8: {  	(tag) =	ssettag $0x2  }
0xa9: {  	s0 =	rddreg [dreg:$0x0];
	s2 =	stileid.u32  }
0xaa: {  	s1 =	rddreg [dreg:$0x1];
	p0 =	sne.s32 s2, $0x0  }
0xab: {  	s3 =	rddreg [dreg:$0x2];
	[bflag:$0x3] =	sbarrier.arrive $0xFFFF;
	s2 =	simm.s32 @!p0 $0x1C05  }
0xac: {  	[timem:s3], [sflag:s2] =	dma.local @!p0 [hbm:s0], s1  }
0xad: {  	s0 =	simm.s32 @!p0 $0x5  }
0xae: {  	_ =	swait.ge @!p0 [sflag:s0], s1  }
0xaf: {  	s1 =	ssub.s32 @!p0 $0x0, s1;
	[sflag:s0] =	ssyncset.done @!p0 $0x0  }
0xb0: {  	[sflag:s0] =	ssyncadd.s32 @!p0 s1  }
0xb1: {  	[bflag:$0x3] =	sbarrier.arrive $0xFFFF  }
0xb2: {  	_ =	shalt  }

// kernel: kernel.21.cloned.1.call-start
scs
__scs_entry_jumppad:
0x0: {  	(pc) =	sbr.rel $0x88, $3  }
0x1: {  	(tag) =	ssettag $0x0;
	lr =	simm.s32 $0x1  }
0x2: {  	[smem:$0x3F97] =	sst lr;
	_ =	strace $0xD0000000  }
0x3: {  	_ = 	snop  }
0x4: {  	_ = 	snop  }
0x5: {  	_ = 	snop  }
0x6: {  	_ = 	snop  }
0x7: {  	_ = 	snop  }
__scs_overlays_trampoline_lowered:
0x8: {  	[smem:$0x3FA6] =	sst s0  }
0x9: {  	[smem:$0x3FA7] =	sst s1  }
0xa: {  	[smem:$0x3FA8] =	sst s2  }
0xb: {  	[smem:$0x3FA9] =	sst s3  }
0xc: {  	[smem:$0x3FAA] =	sst s4  }
0xd: {  	[smem:$0x3FAB] =	sst s5  }
0xe: {  	[smem:$0x3FAC] =	sst s6  }
0xf: {  	[smem:$0x3FAD] =	sst s7  }
0x10: {  	[smem:$0x3FAE] =	sst s8  }
0x11: {  	[smem:$0x3FAF] =	sst s9;
	s0 =	simm.s32 @!p0 $0x0  }
0x12: {  	s1 =	sld [smem:$0x3F95];
	s0 =	simm.s32 @p0 $0x1  }
0x13: {  	[smem:$0x3FB0] =	sst s0;
	s0 =	simm.s32 @!p1 $0x0  }
0x14: {  	s2 =	sld [smem:$0x3F94];
	s0 =	simm.s32 @p1 $0x1  }
0x15: {  	[smem:$0x3FB1] =	sst s0;
	s0 =	simm.s32 @!p2 $0x0  }
0x16: {  	s3 =	sld [smem:$0x3FDB];
	s0 =	simm.s32 @p2 $0x1  }
0x17: {  	s4 =	simm.s32 $0x1BF5;
	[smem:$0x3FB3] =	sst s0  }
0x18: {  	s0 =	sld [smem:$0x3F96];
	_ =	swait.ge [sflag:s4], $0x0  }
0x19: {  	s7 =	sld [smem:$0x3F97]  }
0x1a: {  	s8 =	sadd.s32 $0xFFFFE003, lr  }
0x1b: {  	s9 =	sadd.s32 $0xFFFFFEF7, lr;
	s5 =	simm.s32 $0xFFFFFFFF;
	p2 =	slt.u32 s8, $0xFFFFF086  }
0x1c: {  	p1 =	slt.u32 s9, $0xF7A;
	s5 =	simm.s32 @!p2 $0x0  }
0x1d: {  	s5 =	simm.s32 @p1 $0x1;
	p0 =	seq.s32 s7, s2  }
0x1e: {  	s7 =	smul.u32 @!p0 $0xF7A, s2;
	p2 =	seq.s32 @!p0 s5, $0x0  }
0x1f: {  	s9 =	smul.u32 $0xF7A, s1;
	s8 =	simm.s32 @!p0 $0x1BF5;
	p2 =	por !p2, p0  }
0x20: {  	[sflag:s8] =	ssyncset.s32 @!p0 $0xFFFFF086;
	s6 =	sadd.s32 @!p0 s3, s7;
	s7 =	simm.s32 @!p0 $0x108  }
0x21: {  	s3 =	sadd.s32 s3, s9;
	s6 =	sadd.s32 @!p0 $0x88, s6;
	s7 =	simm.s32 @p2 $0x1082  }
0x22: {  	[simem:s7], [sflag:s8] =	dma.local @!p0 [hbm:s6], $0xF7A  }
0x23: {  	s9 =	sor.u32 $0xD0000000, s2;
	s6 =	simm.s32 $0x108;
	_ =	swait.ge @!p0 [sflag:s8], $0x0  }
0x24: {  	s3 =	sadd.s32 $0x88, s3;
	s6 =	simm.s32 @!p1 $0x1082;
	[sflag:s4] =	ssyncset.s32 $0xFFFFF086  }
0x25: {  	[simem:s6], [sflag:s4] =	dma.local [hbm:s3], $0xF7A  }
0x26: {  	[smem:$0x3F97] =	sst s1;
	(tag) =	ssettag s2;
	_ =	strace s9  }
0x27: {  	s1 =	sld [smem:$0x3FA7]  }
0x28: {  	s2 =	sld [smem:$0x3FA8]  }
0x29: {  	s4 =	sld [smem:$0x3FAA]  }
0x2a: {  	p0 =	seq.s32 s5, $0x0;
	s5 =	sld [smem:$0x3FAB]  }
0x2b: {  	s6 =	sld [smem:$0x3FAC]  }
0x2c: {  	s7 =	sld [smem:$0x3FAD]  }
0x2d: {  	s3 =	simm.s32 $0x108;
	s8 =	sld [smem:$0x3FAE]  }
0x2e: {  	s3 =	simm.s32 @!p0 $0x1082;
	s9 =	sld [smem:$0x3FAF]  }
0x2f: {  	lr =	sadd.s32 s0, s3;
	s0 =	sld [smem:$0x3FA6]  }
0x30: {  	s3 =	sld [smem:$0x3FA9]  }
0x31: {  	[smem:$0x3FB2] =	sst s10  }
0x32: {  	s10 =	sld [smem:$0x3FB0];
	_ =	sdelay $0x3  }
0x33: {  	p0 =	seq.s32 s10, $0x1;
	s10 =	sld [smem:$0x3FB2];
	_ =	sdelay $0x3  }
0x34: {  	[smem:$0x3FB2] =	sst s10  }
0x35: {  	s10 =	sld [smem:$0x3FB1];
	_ =	sdelay $0x3  }
0x36: {  	p1 =	seq.s32 s10, $0x1;
	s10 =	sld [smem:$0x3FB2];
	_ =	sdelay $0x3  }
0x37: {  	[smem:$0x3FB2] =	sst s10  }
0x38: {  	s10 =	sld [smem:$0x3FB3]  }
0x39: {  	_ = 	snop;
	(pc) =	sbr.ind lr, $3  }
0x3a: {  	_ = 	snop  }
0x3b: {  	_ = 	snop  }
0x3c: {  	p2 =	seq.s32 s10, $0x1;
	s10 =	sld [smem:$0x3FB2]  }
0x3d: {  	_ =	shalt  }
0x3e: {  	_ =	shalt  }
0x3f: {  	_ =	shalt  }
0x40: {  	_ =	shalt  }
0x41: {  	_ =	shalt  }
0x42: {  	_ =	shalt  }
0x43: {  	_ =	shalt  }
0x44: {  	_ =	shalt  }
0x45: {  	_ =	shalt  }
0x46: {  	_ =	shalt  }
0x47: {  	_ =	shalt  }
0x48: {  	_ =	shalt  }
0x49: {  	_ =	shalt  }
0x4a: {  	_ =	shalt  }
0x4b: {  	_ =	shalt  }
0x4c: {  	_ =	shalt  }
0x4d: {  	_ =	shalt  }
0x4e: {  	_ =	shalt  }
0x4f: {  	_ =	shalt  }
0x50: {  	_ =	shalt  }
0x51: {  	_ =	shalt  }
0x52: {  	_ =	shalt  }
0x53: {  	_ =	shalt  }
0x54: {  	_ =	shalt  }
0x55: {  	_ =	shalt  }
0x56: {  	_ =	shalt  }
0x57: {  	_ =	shalt  }
0x58: {  	_ =	shalt  }
0x59: {  	_ =	shalt  }
0x5a: {  	_ =	shalt  }
0x5b: {  	_ =	shalt  }
0x5c: {  	_ =	shalt  }
0x5d: {  	_ =	shalt  }
0x5e: {  	_ =	shalt  }
0x5f: {  	_ =	shalt  }
0x60: {  	_ =	shalt  }
0x61: {  	_ =	shalt  }
0x62: {  	_ =	shalt  }
0x63: {  	_ =	shalt  }
0x64: {  	_ =	shalt  }
0x65: {  	_ =	shalt  }
0x66: {  	_ =	shalt  }
0x67: {  	_ =	shalt  }
0x68: {  	_ =	shalt  }
0x69: {  	_ =	shalt  }
0x6a: {  	_ =	shalt  }
0x6b: {  	_ =	shalt  }
0x6c: {  	_ =	shalt  }
0x6d: {  	_ =	shalt  }
0x6e: {  	_ =	shalt  }
0x6f: {  	_ =	shalt  }
0x70: {  	_ =	shalt  }
0x71: {  	_ =	shalt  }
0x72: {  	_ =	shalt  }
0x73: {  	_ =	shalt  }
0x74: {  	_ =	shalt  }
0x75: {  	_ =	shalt  }
0x76: {  	_ =	shalt  }
0x77: {  	_ =	shalt  }
0x78: {  	_ =	shalt  }
0x79: {  	_ =	shalt  }
0x7a: {  	_ =	shalt  }
0x7b: {  	_ =	shalt  }
0x7c: {  	_ =	shalt  }
0x7d: {  	_ =	shalt  }
0x7e: {  	_ =	shalt  }
0x7f: {  	_ =	shalt  }
0x80: {  	_ =	shalt  }
0x81: {  	_ =	shalt  }
0x82: {  	_ =	shalt  }
0x83: {  	_ =	shalt  }
0x84: {  	_ =	shalt  }
0x85: {  	_ =	shalt  }
0x86: {  	_ =	shalt  }
0x87: {  	_ =	shalt  }
.Lfunc_end0:
.L_simem_size_0:
called_computation.4_lowered:
.L_overlay_start_0:
0x88: {  	s2 =	sld [smem:$0x3FD9]  }
0x89: {  	s3 =	sld [smem:$0x3FFE];
	_ =	sdelay $0x1  }
0x8a: {  	s1 =	srdreg.scid  }
0x8b: {  	s0 =	sand.u32 $0x1, s1  }
0x8c: {  	s14 =	sshll.u32 s0, $0xA;
	s2 =	sadd.s32 s3, s2  }
0x8d: {  	s2 =	sadd.s32 s2, s14  }
0x8e: {  	[smem:$0x3FBE] =	sst s2  }
0x8f: {  	_ = 	snop  }
0x90: {  	s2 =	sld [smem:$0x3FD0];
	_ =	sdelay $0x2  }
0x91: {  	s15 =	simm.s32 $0xA;
	s4 =	simm.s32 $0x10  }
0x92: {  	[smem:s4], [sflag:s15] =	dma.local [hbm:s2], $0x1  }
0x93: {  	_ =	swait.eq [sflag:s15], $0x1  }
0x94: {  	[sflag:s15] =	ssyncset.done $0x0  }
0x95: {  	s16 =	sld [smem:$0x12];
	[sflag:s15] =	ssyncadd.s32 $0xFFFFFFFF  }
0x96: {  	s17 =	sld [smem:$0x13];
	(tm) =	ssettm $0x1  }
0x97: {  	s18 =	sld [smem:$0x3FFB];
	_ =	sdelay $0x3  }
0x98: {  	_ =	strace s18  }
0x99: {  	s4 =	sld [smem:$0x3FFC];
	_ =	sdelay $0x3  }
0x9a: {  	_ =	strace s4  }
0x9b: {  	s4 =	sld [smem:$0x3FFD];
	_ =	sdelay $0x3  }
0x9c: {  	_ =	strace s4  }
0x9d: {  	_ =	strace $0x8FFFFFFF  }
0x9e: {  	s19 =	sld [smem:$0x3FDB];
	_ =	sdelay $0x1  }
0x9f: {  	s5 =	simm.s32 $_scs_section_size  }
0xa0: {  	s6 =	simm.s32 $_size__tile_overlayer_lowered;
	s7 =	simm.s32 $_tile_overlayer_lowered  }
0xa1: {  	s22 =	simm.s32 $0x1BFF;
	s21 =	sshll.u32 s7, $0x1;
	s4 =	sadd.s32 s5, s19  }
0xa2: {  	s8 =	simm.s32 $0x0;
	s20 =	sshll.u32 s6, $0x1;
	s6 =	sadd.s32 s21, s4  }
0xa3: {  	[timem:s8], [sflag:s22] =	dma.local [hbm:s6], s20  }
0xa4: {  	_ =	swait.ge [sflag:s22], s20  }
0xa5: {  	s5 =	ssub.s32 $0x0, s20;
	[sflag:s22] =	ssyncset.done $0x0  }
0xa6: {  	[sflag:s22] =	ssyncadd.s32 s5;
	_ =	sdelay $0x1  }
0xa7: {  	s23 =	simm.s32 $0x1B8B  }
0xa8: {  	_ =	swait.ge [sflag:s23], $0x1  }
0xa9: {  	[sflag:s23] =	ssyncset.done $0x0  }
0xaa: {  	s25 =	simm.s32 $0x1B8E;
	s24 =	sld [smem:$0x3FFE];
	[sflag:s23] =	ssyncadd.s32 $0xFFFFFFFF  }
0xab: {  	s26 =	simm.s32 $execute0_lowered;
	[smem:$0x3FD2] =	sst s25  }
0xac: {  	s6 =	sshll.u32 s26, $0x1;
	_ =	strace $0x8000004F;
	[dreg:$0x1] =	wrdreg $0xFFFFFFFF  }
0xad: {  	s28 =	simm.s32 $_size_execute0_lowered;
	s4 =	sadd.s32 s4, s6;
	[dreg:$0x0] =	wrdreg $0x0  }
0xae: {  	s6 =	sshll.u32 s28, $0x1;
	[dreg:$0x2] =	wrdreg s4  }
0xaf: {  	[dreg:$0x3] =	wrdreg s6  }
0xb0: {  	[dreg:$0x4] =	wrdreg $0xC0  }
0xb1: {  	_ =	task [dreg:s8], $0x5FFFF  }
0xb2: {  	[dreg:$0x1] =	wrdreg $0xFFFFFFFF  }
0xb3: {  	[dreg:$0x0] =	wrdreg $0x60  }
0xb4: {  	[dreg:$0x2] =	wrdreg s17  }
0xb5: {  	[dreg:$0x3] =	wrdreg s24  }
0xb6: {  	[dreg:$0x4] =	wrdreg s16  }
0xb7: {  	[dreg:$0x5] =	wrdreg $0x14B400  }
0xb8: {  	[dreg:$0x6] =	wrdreg $0x9  }
0xb9: {  	_ =	task.clear_ibuf [dreg:s8], $0x7FFFF;
	_ =	strace $0x9000004F  }
0xba: {  	s29 =	simm.s32 $0x9;
	_ =	strace $0x80000051  }
0xbb: {  	_ =	swait.ge [sflag:s29], $0x1  }
0xbc: {  	[sflag:s29] =	ssyncadd.s32 $0xFFFFFFFF  }
0xbd: {  	_ =	strace $0x90000051  }
0xbe: {  	_ =	sfence  }
0xbf: {  	s30 =	sld [smem:$0x0];
	_ =	sdelay $0x2  }
0xc0: {  	s31 =	sshll.u32 s1, $0xD;
	s1 =	sshrl.u32 s1, $0x2  }
0xc1: {  	s3 =	sand.u32 $0x4000, s31;
	s1 =	sadd.s32 s1, s30  }
0xc2: {  	s0 =	sor.u32 s3, s0;
	s1 =	sshll.u32 s1, $0x11  }
0xc3: {  	s0 =	sor.u32 s1, s0  }
0xc4: {  	s0 =	sadd.s32 $0x8F2B, s0  }
0xc5: {  	[sflag:s0] =	ssyncadd.remote.s32 $0x1  }
0xc6: {  	_ =	sfence.sel $0xFFFF  }
0xc7: {  	[dreg:$0x0] =	wrdreg $0xFFFFFFFF;
	(pc) =	sbr.abs _section_cstart, $3  }
0xc8: {  	[dreg:$0x1] =	wrdreg $0xFFFFFFFF  }
0xc9: {  	_ =	task.clear_ibuf [dreg:s8], $0x2FFFF;
	_ =	strace $0x9FFFFFFF  }
0xca: {  	(tm) =	ssettm $0x7FFFFFFF  }
0xcb: {  	_ =	shalt  }
tec
execute0_lowered:
.L_overlay_start_1:
0x0: {  	(tag) =	ssettag $0x1  }
0x1: {  	s1 =	rddreg [dreg:$0x0]  }
0x2: {  	s0 =	rddreg [dreg:$0x1]  }
0x3: {  	s3 =	rddreg [dreg:$0x2];
	s2 =	srdreg.scid  }
0x4: {  	s15 =	stileid.u32;
	s4 =	rddreg [dreg:$0x3]  }
0x5: {  	s5 =	simm.s32 $0x0;
	s16 =	simm.s32 $0x5140;
	s18 =	simm.s32 $0x6A40  }
0x6: {  	s20 =	simm.s32 $0x8340;
	s22 =	simm.s32 $0x9C40;
	s24 =	simm.s32 $0xB540  }
0x7: {  	s26 =	simm.s32 $0x2;
	s2 =	sand.u32 $0x1, s2;
	s6 =	sshll.u32 s15, $0x1  }
0x8: {  	[smem:$0x7FF] =	sst s5;
	s8 =	sadd.s32 $0x2C200, s0;
	s10 =	smul.u32 $0x27800, s15  }
0x9: {  	s0 =	sadd.s32 $0x40800, s0;
	s12 =	smul.u32 $0x9E00, s15;
	s13 =	sadd.s32 $0x94200, s4  }
0xa: {  	s6 =	sor.u32 s2, s6;
	s9 =	ssub.s32 $0x2, s2;
	s2 =	smul.u32 $0x9C400, s2  }
0xb: {  	p0 =	seq.s32 s15, $0xF;
	_ =	strace $0x80000050;
	s7 =	smul.u32 $0x514, s6  }
0xc: {  	s6 =	smul.u32 $0x28A0, s6;
	s11 =	sshrl.u32 s9, $0x1;
	s30 =	sshrl.u32 s10, $0x2  }
0xd: {  	s17 =	sadd.s32 s12, s4;
	s11 =	ssub.s32 s9, s11;
	s14 =	sadd.s32 s30, s4  }
0xe: {  	s31 =	sadd.s32 s12, s2;
	s2 =	sshrl.u32 s2, $0x3;
	s12 =	sshrl.u32 @p0 s13, $0x3  }
0xf: {  	s25 =	sshrl.u32 @!p0 s17, $0x3;
	s28 =	sshrl.u32 s6, $0x3;
	s6 =	sadd.s32 s8, s7  }
.Ltmp0:
0x10: {  	s10 =	smax.u32 s11, $0x1;
	s11 =	simm.s32 $0x28A0;
	(pc) =	sbr.rel .LBB2_1-.Ltmp0, $4  }
0x11: {  	s14 =	sshrl.u32 @!p0 s14, $0x3;
	s29 =	sadd.s32 s8, s28;
	s8 =	sshrl.u32 s31, $0x3  }
0x12: {  	s7 =	sadd.s32 $0xA280, s29;
	s8 =	sadd.s32 s0, s8;
	s0 =	sadd.s32 s0, s2  }
0x13: {  	s2 =	simm.s32 $0x4;
	s9 =	sadd.s32 $0x12840, s0;
	s0 =	sshll.u32 @!p0 s15, $0x6  }
0x14: {  	s15 =	simm.s32 $0x64;
	s13 =	sor.u32 @!p0 $0x1C05, s0;
	s0 =	simm.s32 $0x0  }
.LBB2_4:
0x15: {  	_ =	swait.ge [sflag:s2], $0x1900  }
0x16: {  	[sflag:s2] =	ssyncset.done $0x0  }
0x17: {  	[sflag:s2] =	ssyncadd.s32 $0xFFFFE700  }
0x18: {  	_ =	swait.ge [sflag:s2], $0x1900  }
0x19: {  	[sflag:s2] =	ssyncset.done $0x0  }
0x1a: {  	[sflag:s2] =	ssyncadd.s32 $0xFFFFE700  }
0x1b: {  	_ =	swait.ge [sflag:s2], $0x1900  }
0x1c: {  	[sflag:s2] =	ssyncset.done $0x0  }
0x1d: {  	[sflag:s2] =	ssyncadd.s32 $0xFFFFE700  }
0x1e: {  	_ =	swait.ge [sflag:s2], $0x1900  }
0x1f: {  	[sflag:s2] =	ssyncset.done $0x0  }
0x20: {  	[sflag:s2] =	ssyncadd.s32 $0xFFFFE700  }
0x21: {  	_ =	swait.ge [sflag:s2], $0x1900  }
0x22: {  	[sflag:s2] =	ssyncset.done $0x0  }
0x23: {  	[sflag:s2] =	ssyncadd.s32 $0xFFFFE700  }
0x24: {  	s17 =	simm.s32 @p0 $0x1FC5;
	[bflag:$0x0] =	sbarrier.arrive $0xFFFF  }
0x25: {  	[hbm:s9], [sflag:s17] =	dma.local @p0 [spmem:s12], $0x1040  }
0x26: {  	s17 =	simm.s32 @p0 $0x5  }
0x27: {  	s0 =	sadd.s32 $0x1, s0;
	_ =	swait.ge @p0 [sflag:s17], $0x1040  }
0x28: {  	p1 =	sne.s32 s0, s10;
	[sflag:s17] =	ssyncset.done @p0 $0x0  }
.Ltmp1:
0x29: {  	[sflag:s17] =	ssyncadd.s32 @p0 $0xFFFFEFC0;
	s17 =	simm.s32 @!p0 $0x5;
	(pc) =	sbr.rel @!p1 .LBB2_5-.Ltmp1, $4  }
0x2a: {  	[hbm:s8], [sflag:s13] =	dma.local @!p0 [spmem:s25], $0x13C0  }
0x2b: {  	_ =	swait.ge @!p0 [sflag:s17], $0x13C0  }
0x2c: {  	[sflag:s17] =	ssyncset.done @!p0 $0x0  }
0x2d: {  	[sflag:s17] =	ssyncadd.s32 @!p0 $0xFFFFEC40  }
.LBB2_1:
0x2e: {  	[tilespmem:s5], [sflag:$0x1] =	stream.linear.gather [hbm4b:s6+s5], $0x28A0, $0x38;
	[tilespmem:$0x1E780] =	vst v63  }
0x2f: {  	s17 =	simm.s32 @p0 $0x1FC5  }
0x30: {  	[tilespmem:s11], [sflag:$0x1] =	stream.linear.gather [hbm4b:s7+s5], $0x28A0, $0x38;
	[tilespmem:$0x1E780] =	vst v63  }
0x31: {  	[spmem:s12], [sflag:s17] =	dma.local @p0 [hbm:s3], $0x1040  }
0x32: {  	s17 =	simm.s32 @p0 $0x5  }
0x33: {  	_ =	swait.ge @p0 [sflag:s17], $0x1040  }
0x34: {  	[sflag:s17] =	ssyncset.done @p0 $0x0  }
0x35: {  	[sflag:s17] =	ssyncadd.s32 @p0 $0xFFFFEFC0;
	s17 =	simm.s32 @!p0 $0x5  }
0x36: {  	[spmem:s14], [sflag:s13] =	dma.local @!p0 [hbm:s3], $0x13C0  }
0x37: {  	_ =	swait.ge @!p0 [sflag:s17], $0x13C0  }
0x38: {  	[sflag:s17] =	ssyncset.done @!p0 $0x0  }
0x39: {  	[sflag:s17] =	ssyncadd.s32 @!p0 $0xFFFFEC40  }
0x3a: {  	s17 =	simm.s32 $0x1;
	[bflag:$0x0] =	sbarrier.arrive $0xFFFF  }
0x3b: {  	_ =	swait.ge [sflag:s17], $0x28A0  }
0x3c: {  	[sflag:s17] =	ssyncset.done $0x0  }
0x3d: {  	[sflag:s17] =	ssyncadd.s32 $0xFFFFD760  }
0x3e: {  	_ =	swait.ge [sflag:s17], $0x28A0  }
0x3f: {  	[sflag:s17] =	ssyncset.done $0x0  }
0x40: {  	[sflag:s17] =	ssyncadd.s32 $0xFFFFD760  }
0x41: {  	[tilespmem:s16], [sflag:$0x2] =	stream.indirect.gather [hbm4b:s1+s15], $0x40, s11, s15, $0xb8;
	[tilespmem:$0x1E780] =	vst v63  }
0x42: {  	s19 =	simm.s32 $0x2908  }
0x43: {  	[tilespmem:s18], [sflag:$0x2] =	stream.indirect.gather [hbm4b:s1+s15], $0x40, s19, s15, $0xb8;
	[tilespmem:$0x1E780] =	vst v63  }
0x44: {  	s28 =	simm.s32 $0x2970  }
0x45: {  	[tilespmem:s20], [sflag:$0x2] =	stream.indirect.gather [hbm4b:s1+s15], $0x40, s28, s15, $0xb8;
	[tilespmem:$0x1E780] =	vst v63  }
0x46: {  	s29 =	simm.s32 $0x29D8  }
0x47: {  	[tilespmem:s22], [sflag:$0x2] =	stream.indirect.gather [hbm4b:s1+s15], $0x40, s29, s15, $0xb8;
	[tilespmem:$0x1E780] =	vst v63  }
0x48: {  	s30 =	simm.s32 $0x2A40  }
0x49: {  	[tilespmem:s24], [sflag:$0x2] =	stream.indirect.gather [hbm4b:s1+s15], $0x40, s30, s15, $0xb8;
	[tilespmem:$0x1E780] =	vst v63  }
0x4a: {  	_ =	swait.ge [sflag:s26], $0x1900  }
0x4b: {  	[sflag:s26] =	ssyncset.done $0x0  }
0x4c: {  	[sflag:s26] =	ssyncadd.s32 $0xFFFFE700  }
0x4d: {  	_ =	swait.ge [sflag:s26], $0x1900  }
0x4e: {  	[sflag:s26] =	ssyncset.done $0x0  }
0x4f: {  	[sflag:s26] =	ssyncadd.s32 $0xFFFFE700  }
0x50: {  	_ =	swait.ge [sflag:s26], $0x1900  }
0x51: {  	[sflag:s26] =	ssyncset.done $0x0  }
0x52: {  	[sflag:s26] =	ssyncadd.s32 $0xFFFFE700  }
0x53: {  	_ =	swait.ge [sflag:s26], $0x1900  }
0x54: {  	[sflag:s26] =	ssyncset.done $0x0  }
0x55: {  	[sflag:s26] =	ssyncadd.s32 $0xFFFFE700  }
0x56: {  	_ =	swait.ge [sflag:s26], $0x1900  }
0x57: {  	[sflag:s26] =	ssyncset.done $0x0  }
0x58: {  	[sflag:s26] =	ssyncadd.s32 $0xFFFFE700  }
0x59: {  	[spmem:s4] =	stream.indirect.scatter.add.f32 [tilespmem:s16], [sflag:$0x3], $0x40, s5, s15, $0xb8;
	[tilespmem:$0x1E780] =	vst v63  }
0x5a: {  	s31 =	simm.s32 $0x68  }
0x5b: {  	[spmem:s4] =	stream.indirect.scatter.add.f32 [tilespmem:s18], [sflag:$0x3], $0x40, s31, s15, $0xb8;
	[tilespmem:$0x1E780] =	vst v63  }
0x5c: {  	s21 =	simm.s32 $0xD0  }
0x5d: {  	[spmem:s4] =	stream.indirect.scatter.add.f32 [tilespmem:s20], [sflag:$0x3], $0x40, s21, s15, $0xb8;
	[tilespmem:$0x1E780] =	vst v63  }
0x5e: {  	s23 =	simm.s32 $0x138  }
0x5f: {  	[spmem:s4] =	stream.indirect.scatter.add.f32 [tilespmem:s22], [sflag:$0x3], $0x40, s23, s15, $0xb8;
	[tilespmem:$0x1E780] =	vst v63  }
0x60: {  	s28 =	simm.s32 $0x1A0  }
0x61: {  	[spmem:s4] =	stream.indirect.scatter.add.f32 [tilespmem:s24], [sflag:$0x3], $0x40, s28, s15, $0xb8;
	[tilespmem:$0x1E780] =	vst v63  }
0x62: {  	s29 =	simm.s32 $0x2AA8;
	s21 =	simm.s32 $0xCE40  }
0x63: {  	[tilespmem:s21], [sflag:$0x2] =	stream.indirect.gather [hbm4b:s1+s15], $0x40, s29, s15, $0xb8;
	[tilespmem:$0x1E780] =	vst v63  }
0x64: {  	s30 =	simm.s32 $0x2B10;
	s31 =	simm.s32 $0xE740  }
0x65: {  	[tilespmem:s31], [sflag:$0x2] =	stream.indirect.gather [hbm4b:s1+s15], $0x40, s30, s15, $0xb8;
	[tilespmem:$0x1E780] =	vst v63  }
0x66: {  	s23 =	simm.s32 $0x10040;
	s21 =	simm.s32 $0x2B78  }
0x67: {  	[tilespmem:s23], [sflag:$0x2] =	stream.indirect.gather [hbm4b:s1+s15], $0x40, s21, s15, $0xb8;
	[tilespmem:$0x1E780] =	vst v63  }
0x68: {  	s28 =	simm.s32 $0x2BE0;
	s29 =	simm.s32 $0x11940  }
0x69: {  	[tilespmem:s29], [sflag:$0x2] =	stream.indirect.gather [hbm4b:s1+s15], $0x40, s28, s15, $0xb8;
	[tilespmem:$0x1E780] =	vst v63  }
0x6a: {  	s19 =	simm.s32 $0x0;
	s30 =	simm.s32 $0x2C48;
	s31 =	simm.s32 $0x13240  }
0x6b: {  	[tilespmem:s31], [sflag:$0x2] =	stream.indirect.gather [hbm4b:s1+s15], $0x40, s30, s15, $0xb8;
	[tilespmem:$0x1E780] =	vst v63  }
.LBB2_2:
0x6c: {  	_ =	swait.ge [sflag:s26], $0x1900  }
0x6d: {  	[sflag:s26] =	ssyncset.done $0x0  }
0x6e: {  	[sflag:s26] =	ssyncadd.s32 $0xFFFFE700  }
0x6f: {  	_ =	swait.ge [sflag:s26], $0x1900  }
0x70: {  	[sflag:s26] =	ssyncset.done $0x0  }
0x71: {  	[sflag:s26] =	ssyncadd.s32 $0xFFFFE700  }
0x72: {  	_ =	swait.ge [sflag:s26], $0x1900  }
0x73: {  	[sflag:s26] =	ssyncset.done $0x0  }
0x74: {  	[sflag:s26] =	ssyncadd.s32 $0xFFFFE700  }
0x75: {  	_ =	swait.ge [sflag:s26], $0x1900  }
0x76: {  	s23 =	sand.u32 $0x1, s17;
	[sflag:s26] =	ssyncset.done $0x0  }
0x77: {  	s21 =	smul.u32 $0x1F400, s23;
	[sflag:s26] =	ssyncadd.s32 $0xFFFFE700  }
0x78: {  	s31 =	sadd.s32 $0x3, s23;
	_ =	swait.ge [sflag:s26], $0x1900  }
0x79: {  	s28 =	sshrl.u32 s21, $0x2;
	s21 =	sshra.s32 s19, $0x2;
	[sflag:s26] =	ssyncset.done $0x0  }
0x7a: {  	s29 =	sadd.s32 $0x5140, s28;
	s30 =	sadd.s32 $0x208, s21;
	[sflag:s26] =	ssyncadd.s32 $0xFFFFE700  }
0x7b: {  	[spmem:s4] =	stream.indirect.scatter.add.f32 [tilespmem:s29], [sflag:s31], $0x40, s30, s15, $0xb8;
	[tilespmem:$0x1E780] =	vst v63  }
0x7c: {  	s29 =	sadd.s32 $0x6A40, s28;
	s30 =	sadd.s32 $0x270, s21  }
0x7d: {  	[spmem:s4] =	stream.indirect.scatter.add.f32 [tilespmem:s29], [sflag:s31], $0x40, s30, s15, $0xb8;
	[tilespmem:$0x1E780] =	vst v63  }
0x7e: {  	s29 =	sadd.s32 $0x8340, s28;
	s30 =	sadd.s32 $0x2D8, s21  }
0x7f: {  	[spmem:s4] =	stream.indirect.scatter.add.f32 [tilespmem:s29], [sflag:s31], $0x40, s30, s15, $0xb8;
	[tilespmem:$0x1E780] =	vst v63  }
0x80: {  	s29 =	sadd.s32 $0x9C40, s28;
	s30 =	sadd.s32 $0x340, s21  }
0x81: {  	[spmem:s4] =	stream.indirect.scatter.add.f32 [tilespmem:s29], [sflag:s31], $0x40, s30, s15, $0xb8;
	[tilespmem:$0x1E780] =	vst v63  }
0x82: {  	s23 =	sxor.u32 $0x1, s23;
	s28 =	sadd.s32 $0xB540, s28;
	s30 =	sadd.s32 $0x3A8, s21  }
0x83: {  	[spmem:s4] =	stream.indirect.scatter.add.f32 [tilespmem:s28], [sflag:s31], $0x40, s30, s15, $0xb8;
	[tilespmem:$0x1E780] =	vst v63  }
0x84: {  	s31 =	sadd.s32 $0x3, s23  }
0x85: {  	_ =	swait.ge [sflag:s31], $0x1900  }
0x86: {  	[sflag:s31] =	ssyncset.done $0x0  }
0x87: {  	[sflag:s31] =	ssyncadd.s32 $0xFFFFE700  }
0x88: {  	_ =	swait.ge [sflag:s31], $0x1900  }
0x89: {  	[sflag:s31] =	ssyncset.done $0x0  }
0x8a: {  	[sflag:s31] =	ssyncadd.s32 $0xFFFFE700  }
0x8b: {  	_ =	swait.ge [sflag:s31], $0x1900  }
0x8c: {  	[sflag:s31] =	ssyncset.done $0x0  }
0x8d: {  	[sflag:s31] =	ssyncadd.s32 $0xFFFFE700  }
0x8e: {  	p1 =	seq.s32 s19, $0x9240;
	_ =	swait.ge [sflag:s31], $0x1900  }
.Ltmp2:
0x8f: {  	[sflag:s31] =	ssyncset.done $0x0;
	(pc) =	sbr.rel @p1 .LBB2_4-.Ltmp2, $4  }
0x90: {  	[sflag:s31] =	ssyncadd.s32 $0xFFFFE700  }
0x91: {  	_ =	swait.ge [sflag:s31], $0x1900  }
0x92: {  	[sflag:s31] =	ssyncset.done $0x0  }
0x93: {  	[sflag:s31] =	ssyncadd.s32 $0xFFFFE700  }
0x94: {  	s23 =	smul.u32 $0x1F400, s23;
	_ =	sdelay $0x1  }
0x95: {  	s23 =	sshrl.u32 s23, $0x2  }
0x96: {  	s29 =	sadd.s32 $0x2CB0, s21;
	s28 =	sadd.s32 $0x5140, s23  }
0x97: {  	[tilespmem:s28], [sflag:$0x2] =	stream.indirect.gather [hbm4b:s1+s15], $0x40, s29, s15, $0xb8;
	[tilespmem:$0x1E780] =	vst v63  }
0x98: {  	s30 =	sadd.s32 $0x2D18, s21;
	s31 =	sadd.s32 $0x6A40, s23  }
0x99: {  	[tilespmem:s31], [sflag:$0x2] =	stream.indirect.gather [hbm4b:s1+s15], $0x40, s30, s15, $0xb8;
	[tilespmem:$0x1E780] =	vst v63  }
0x9a: {  	s31 =	sadd.s32 $0x8340, s23;
	s30 =	sadd.s32 $0x2D80, s21  }
0x9b: {  	[tilespmem:s31], [sflag:$0x2] =	stream.indirect.gather [hbm4b:s1+s15], $0x40, s30, s15, $0xb8;
	[tilespmem:$0x1E780] =	vst v63  }
.Ltmp3:
0x9c: {  	_ = 	snop;
	(pc) =	sbr.rel .LBB2_2-.Ltmp3, $4  }
0x9d: {  	s17 =	sadd.s32 $0x1, s17;
	s31 =	sadd.s32 $0x9C40, s23;
	s30 =	sadd.s32 $0x2DE8, s21  }
0x9e: {  	[tilespmem:s31], [sflag:$0x2] =	stream.indirect.gather [hbm4b:s1+s15], $0x40, s30, s15, $0xb8;
	[tilespmem:$0x1E780] =	vst v63  }
0x9f: {  	s19 =	sadd.s32 $0x820, s19;
	s23 =	sadd.s32 $0xB540, s23;
	s31 =	sadd.s32 $0x2E50, s21  }
0xa0: {  	[tilespmem:s23], [sflag:$0x2] =	stream.indirect.gather [hbm4b:s1+s15], $0x40, s31, s15, $0xb8;
	[tilespmem:$0x1E780] =	vst v63  }
.LBB2_5:
0xa1: {  	_ =	sfence.sel $0x180000  }
0xa2: {  	[bflag:$0x0] =	sbarrier.arrive $0xFFFF  }
0xa3: {  	_ =	strace $0x90000050  }
0xa4: {  	s0 =	stileid.u32;
	[bflag:$0x2] =	sbarrier.arrive $0xFFFF  }
0xa5: {  	p0 =	sne.s32 s0, $0x0;
	s0 =	rddreg [dreg:$0x4]  }
0xa6: {  	s0 =	sadd.s32 @!p0 $0x100000, s0  }
0xa7: {  	[sflag:s0] =	ssyncadd.tile.s32 @!p0 $0x1;
	_ =	shalt  }
.Lfunc_end2:
_tile_overlayer_lowered:
.L_overlay_start_2:
0xa8: {  	(tag) =	ssettag $0x2  }
0xa9: {  	s0 =	rddreg [dreg:$0x0];
	s2 =	stileid.u32  }
0xaa: {  	s1 =	rddreg [dreg:$0x1];
	p0 =	sne.s32 s2, $0x0  }
0xab: {  	s3 =	rddreg [dreg:$0x2];
	[bflag:$0x3] =	sbarrier.arrive $0xFFFF;
	s2 =	simm.s32 @!p0 $0x1C05  }
0xac: {  	[timem:s3], [sflag:s2] =	dma.local @!p0 [hbm:s0], s1  }
0xad: {  	s0 =	simm.s32 @!p0 $0x5  }
0xae: {  	_ =	swait.ge @!p0 [sflag:s0], s1  }
0xaf: {  	s1 =	ssub.s32 @!p0 $0x0, s1;
	[sflag:s0] =	ssyncset.done @!p0 $0x0  }
0xb0: {  	[sflag:s0] =	ssyncadd.s32 @!p0 s1  }
0xb1: {  	[bflag:$0x3] =	sbarrier.arrive $0xFFFF  }
0xb2: {  	_ =	shalt  }

// kernel: kernel.24.cloned.1.call-start
scs
__scs_entry_jumppad:
0x0: {  	(pc) =	sbr.rel $0x88, $3  }
0x1: {  	(tag) =	ssettag $0x0;
	lr =	simm.s32 $0x1  }
0x2: {  	[smem:$0x3F97] =	sst lr;
	_ =	strace $0xD0000000  }
0x3: {  	_ = 	snop  }
0x4: {  	_ = 	snop  }
0x5: {  	_ = 	snop  }
0x6: {  	_ = 	snop  }
0x7: {  	_ = 	snop  }
__scs_overlays_trampoline_lowered:
0x8: {  	[smem:$0x3FA6] =	sst s0  }
0x9: {  	[smem:$0x3FA7] =	sst s1  }
0xa: {  	[smem:$0x3FA8] =	sst s2  }
0xb: {  	[smem:$0x3FA9] =	sst s3  }
0xc: {  	[smem:$0x3FAA] =	sst s4  }
0xd: {  	[smem:$0x3FAB] =	sst s5  }
0xe: {  	[smem:$0x3FAC] =	sst s6  }
0xf: {  	[smem:$0x3FAD] =	sst s7  }
0x10: {  	[smem:$0x3FAE] =	sst s8  }
0x11: {  	[smem:$0x3FAF] =	sst s9;
	s0 =	simm.s32 @!p0 $0x0  }
0x12: {  	s1 =	sld [smem:$0x3F95];
	s0 =	simm.s32 @p0 $0x1  }
0x13: {  	[smem:$0x3FB0] =	sst s0;
	s0 =	simm.s32 @!p1 $0x0  }
0x14: {  	s2 =	sld [smem:$0x3F94];
	s0 =	simm.s32 @p1 $0x1  }
0x15: {  	[smem:$0x3FB1] =	sst s0;
	s0 =	simm.s32 @!p2 $0x0  }
0x16: {  	s3 =	sld [smem:$0x3FDB];
	s0 =	simm.s32 @p2 $0x1  }
0x17: {  	s4 =	simm.s32 $0x1BF5;
	[smem:$0x3FB3] =	sst s0  }
0x18: {  	s0 =	sld [smem:$0x3F96];
	_ =	swait.ge [sflag:s4], $0x0  }
0x19: {  	s7 =	sld [smem:$0x3F97]  }
0x1a: {  	s8 =	sadd.s32 $0xFFFFE003, lr  }
0x1b: {  	s9 =	sadd.s32 $0xFFFFFEF7, lr;
	s5 =	simm.s32 $0xFFFFFFFF;
	p2 =	slt.u32 s8, $0xFFFFF086  }
0x1c: {  	p1 =	slt.u32 s9, $0xF7A;
	s5 =	simm.s32 @!p2 $0x0  }
0x1d: {  	s5 =	simm.s32 @p1 $0x1;
	p0 =	seq.s32 s7, s2  }
0x1e: {  	s7 =	smul.u32 @!p0 $0xF7A, s2;
	p2 =	seq.s32 @!p0 s5, $0x0  }
0x1f: {  	s9 =	smul.u32 $0xF7A, s1;
	s8 =	simm.s32 @!p0 $0x1BF5;
	p2 =	por !p2, p0  }
0x20: {  	[sflag:s8] =	ssyncset.s32 @!p0 $0xFFFFF086;
	s6 =	sadd.s32 @!p0 s3, s7;
	s7 =	simm.s32 @!p0 $0x108  }
0x21: {  	s3 =	sadd.s32 s3, s9;
	s6 =	sadd.s32 @!p0 $0x88, s6;
	s7 =	simm.s32 @p2 $0x1082  }
0x22: {  	[simem:s7], [sflag:s8] =	dma.local @!p0 [hbm:s6], $0xF7A  }
0x23: {  	s9 =	sor.u32 $0xD0000000, s2;
	s6 =	simm.s32 $0x108;
	_ =	swait.ge @!p0 [sflag:s8], $0x0  }
0x24: {  	s3 =	sadd.s32 $0x88, s3;
	s6 =	simm.s32 @!p1 $0x1082;
	[sflag:s4] =	ssyncset.s32 $0xFFFFF086  }
0x25: {  	[simem:s6], [sflag:s4] =	dma.local [hbm:s3], $0xF7A  }
0x26: {  	[smem:$0x3F97] =	sst s1;
	(tag) =	ssettag s2;
	_ =	strace s9  }
0x27: {  	s1 =	sld [smem:$0x3FA7]  }
0x28: {  	s2 =	sld [smem:$0x3FA8]  }
0x29: {  	s4 =	sld [smem:$0x3FAA]  }
0x2a: {  	p0 =	seq.s32 s5, $0x0;
	s5 =	sld [smem:$0x3FAB]  }
0x2b: {  	s6 =	sld [smem:$0x3FAC]  }
0x2c: {  	s7 =	sld [smem:$0x3FAD]  }
0x2d: {  	s3 =	simm.s32 $0x108;
	s8 =	sld [smem:$0x3FAE]  }
0x2e: {  	s3 =	simm.s32 @!p0 $0x1082;
	s9 =	sld [smem:$0x3FAF]  }
0x2f: {  	lr =	sadd.s32 s0, s3;
	s0 =	sld [smem:$0x3FA6]  }
0x30: {  	s3 =	sld [smem:$0x3FA9]  }
0x31: {  	[smem:$0x3FB2] =	sst s10  }
0x32: {  	s10 =	sld [smem:$0x3FB0];
	_ =	sdelay $0x3  }
0x33: {  	p0 =	seq.s32 s10, $0x1;
	s10 =	sld [smem:$0x3FB2];
	_ =	sdelay $0x3  }
0x34: {  	[smem:$0x3FB2] =	sst s10  }
0x35: {  	s10 =	sld [smem:$0x3FB1];
	_ =	sdelay $0x3  }
0x36: {  	p1 =	seq.s32 s10, $0x1;
	s10 =	sld [smem:$0x3FB2];
	_ =	sdelay $0x3  }
0x37: {  	[smem:$0x3FB2] =	sst s10  }
0x38: {  	s10 =	sld [smem:$0x3FB3]  }
0x39: {  	_ = 	snop;
	(pc) =	sbr.ind lr, $3  }
0x3a: {  	_ = 	snop  }
0x3b: {  	_ = 	snop  }
0x3c: {  	p2 =	seq.s32 s10, $0x1;
	s10 =	sld [smem:$0x3FB2]  }
0x3d: {  	_ =	shalt  }
0x3e: {  	_ =	shalt  }
0x3f: {  	_ =	shalt  }
0x40: {  	_ =	shalt  }
0x41: {  	_ =	shalt  }
0x42: {  	_ =	shalt  }
0x43: {  	_ =	shalt  }
0x44: {  	_ =	shalt  }
0x45: {  	_ =	shalt  }
0x46: {  	_ =	shalt  }
0x47: {  	_ =	shalt  }
0x48: {  	_ =	shalt  }
0x49: {  	_ =	shalt  }
0x4a: {  	_ =	shalt  }
0x4b: {  	_ =	shalt  }
0x4c: {  	_ =	shalt  }
0x4d: {  	_ =	shalt  }
0x4e: {  	_ =	shalt  }
0x4f: {  	_ =	shalt  }
0x50: {  	_ =	shalt  }
0x51: {  	_ =	shalt  }
0x52: {  	_ =	shalt  }
0x53: {  	_ =	shalt  }
0x54: {  	_ =	shalt  }
0x55: {  	_ =	shalt  }
0x56: {  	_ =	shalt  }
0x57: {  	_ =	shalt  }
0x58: {  	_ =	shalt  }
0x59: {  	_ =	shalt  }
0x5a: {  	_ =	shalt  }
0x5b: {  	_ =	shalt  }
0x5c: {  	_ =	shalt  }
0x5d: {  	_ =	shalt  }
0x5e: {  	_ =	shalt  }
0x5f: {  	_ =	shalt  }
0x60: {  	_ =	shalt  }
0x61: {  	_ =	shalt  }
0x62: {  	_ =	shalt  }
0x63: {  	_ =	shalt  }
0x64: {  	_ =	shalt  }
0x65: {  	_ =	shalt  }
0x66: {  	_ =	shalt  }
0x67: {  	_ =	shalt  }
0x68: {  	_ =	shalt  }
0x69: {  	_ =	shalt  }
0x6a: {  	_ =	shalt  }
0x6b: {  	_ =	shalt  }
0x6c: {  	_ =	shalt  }
0x6d: {  	_ =	shalt  }
0x6e: {  	_ =	shalt  }
0x6f: {  	_ =	shalt  }
0x70: {  	_ =	shalt  }
0x71: {  	_ =	shalt  }
0x72: {  	_ =	shalt  }
0x73: {  	_ =	shalt  }
0x74: {  	_ =	shalt  }
0x75: {  	_ =	shalt  }
0x76: {  	_ =	shalt  }
0x77: {  	_ =	shalt  }
0x78: {  	_ =	shalt  }
0x79: {  	_ =	shalt  }
0x7a: {  	_ =	shalt  }
0x7b: {  	_ =	shalt  }
0x7c: {  	_ =	shalt  }
0x7d: {  	_ =	shalt  }
0x7e: {  	_ =	shalt  }
0x7f: {  	_ =	shalt  }
0x80: {  	_ =	shalt  }
0x81: {  	_ =	shalt  }
0x82: {  	_ =	shalt  }
0x83: {  	_ =	shalt  }
0x84: {  	_ =	shalt  }
0x85: {  	_ =	shalt  }
0x86: {  	_ =	shalt  }
0x87: {  	_ =	shalt  }
.Lfunc_end0:
.L_simem_size_0:
called_computation.5_lowered:
.L_overlay_start_0:
0x88: {  	s2 =	sld [smem:$0x3FD9]  }
0x89: {  	s3 =	sld [smem:$0x3FFE];
	_ =	sdelay $0x1  }
0x8a: {  	s1 =	srdreg.scid  }
0x8b: {  	s0 =	sand.u32 $0x1, s1  }
0x8c: {  	s14 =	sshll.u32 s0, $0xA;
	s2 =	sadd.s32 s3, s2  }
0x8d: {  	s2 =	sadd.s32 s2, s14  }
0x8e: {  	[smem:$0x3FBE] =	sst s2  }
0x8f: {  	_ = 	snop  }
0x90: {  	s2 =	sld [smem:$0x3FD0];
	_ =	sdelay $0x2  }
0x91: {  	s4 =	simm.s32 $0xA;
	s5 =	simm.s32 $0x10;
	s15 =	sld [smem:$0x3FC7]  }
0x92: {  	[smem:s5], [sflag:s4] =	dma.local [hbm:s2], $0x1  }
0x93: {  	_ =	swait.eq [sflag:s4], $0x1  }
0x94: {  	[sflag:s4] =	ssyncset.done $0x0  }
0x95: {  	s16 =	sld [smem:$0x10];
	[sflag:s4] =	ssyncadd.s32 $0xFFFFFFFF  }
0x96: {  	s17 =	sld [smem:$0x13];
	(tm) =	ssettm $0x1  }
0x97: {  	s18 =	sld [smem:$0x3FFB];
	_ =	sdelay $0x3  }
0x98: {  	_ =	strace s18  }
0x99: {  	s5 =	sld [smem:$0x3FFC];
	_ =	sdelay $0x3  }
0x9a: {  	_ =	strace s5  }
0x9b: {  	s5 =	sld [smem:$0x3FFD];
	_ =	sdelay $0x3  }
0x9c: {  	_ =	strace s5  }
0x9d: {  	_ =	strace $0x8FFFFFFF  }
0x9e: {  	s19 =	sld [smem:$0x3FDB];
	_ =	sdelay $0x1  }
0x9f: {  	s6 =	simm.s32 $_scs_section_size  }
0xa0: {  	s7 =	simm.s32 $_size__tile_overlayer_lowered;
	s8 =	simm.s32 $_tile_overlayer_lowered  }
0xa1: {  	s22 =	simm.s32 $0x1BFF;
	s21 =	sshll.u32 s8, $0x1;
	s5 =	sadd.s32 s6, s19  }
0xa2: {  	s9 =	simm.s32 $0x0;
	s20 =	sshll.u32 s7, $0x1;
	s7 =	sadd.s32 s21, s5  }
0xa3: {  	[timem:s9], [sflag:s22] =	dma.local [hbm:s7], s20  }
0xa4: {  	_ =	swait.ge [sflag:s22], s20  }
0xa5: {  	s6 =	ssub.s32 $0x0, s20;
	[sflag:s22] =	ssyncset.done $0x0  }
0xa6: {  	[sflag:s22] =	ssyncadd.s32 s6;
	_ =	sdelay $0x1  }
0xa7: {  	s23 =	simm.s32 $0x1B8B  }
0xa8: {  	_ =	swait.ge [sflag:s23], $0x1  }
0xa9: {  	[sflag:s23] =	ssyncset.done $0x0  }
0xaa: {  	s25 =	simm.s32 $0x1B8E;
	s24 =	sld [smem:$0x3FFE];
	[sflag:s23] =	ssyncadd.s32 $0xFFFFFFFF  }
0xab: {  	s26 =	simm.s32 $execute0_lowered;
	[smem:$0x3FD2] =	sst s25  }
0xac: {  	s7 =	sshll.u32 s26, $0x1;
	_ =	strace $0x80000052;
	[dreg:$0x1] =	wrdreg $0xFFFFFFFF  }
0xad: {  	s28 =	simm.s32 $_size_execute0_lowered;
	s5 =	sadd.s32 s5, s7;
	[dreg:$0x0] =	wrdreg $0x0  }
0xae: {  	s7 =	sshll.u32 s28, $0x1;
	[dreg:$0x2] =	wrdreg s5  }
0xaf: {  	[dreg:$0x3] =	wrdreg s7  }
0xb0: {  	[dreg:$0x4] =	wrdreg $0xC0  }
0xb1: {  	_ =	task [dreg:s9], $0x5FFFF  }
0xb2: {  	[dreg:$0x1] =	wrdreg $0xFFFFFFFF  }
0xb3: {  	[dreg:$0x0] =	wrdreg $0x60  }
0xb4: {  	[dreg:$0x2] =	wrdreg s24  }
0xb5: {  	[dreg:$0x3] =	wrdreg s15  }
0xb6: {  	[dreg:$0x4] =	wrdreg s16  }
0xb7: {  	[dreg:$0x5] =	wrdreg s17  }
0xb8: {  	[dreg:$0x6] =	wrdreg $0x149700  }
0xb9: {  	[dreg:$0x7] =	wrdreg $0x9  }
0xba: {  	_ =	task.clear_ibuf [dreg:s9], $0x8FFFF;
	_ =	strace $0x90000052  }
0xbb: {  	s29 =	simm.s32 $0x9;
	_ =	strace $0x80000054  }
0xbc: {  	_ =	swait.ge [sflag:s29], $0x1  }
0xbd: {  	[sflag:s29] =	ssyncadd.s32 $0xFFFFFFFF  }
0xbe: {  	_ =	strace $0x90000054  }
0xbf: {  	_ =	sfence  }
0xc0: {  	s30 =	sld [smem:$0x0];
	_ =	sdelay $0x2  }
0xc1: {  	s31 =	sshll.u32 s1, $0xD;
	s1 =	sshrl.u32 s1, $0x2  }
0xc2: {  	s3 =	sand.u32 $0x4000, s31;
	s1 =	sadd.s32 s1, s30  }
0xc3: {  	s0 =	sor.u32 s3, s0;
	s1 =	sshll.u32 s1, $0x11  }
0xc4: {  	s0 =	sor.u32 s1, s0  }
0xc5: {  	s0 =	sadd.s32 $0x8F2B, s0  }
0xc6: {  	[sflag:s0] =	ssyncadd.remote.s32 $0x1  }
0xc7: {  	_ =	sfence.sel $0xFFFF  }
0xc8: {  	[dreg:$0x0] =	wrdreg $0xFFFFFFFF;
	(pc) =	sbr.abs _section_cstart, $3  }
0xc9: {  	[dreg:$0x1] =	wrdreg $0xFFFFFFFF  }
0xca: {  	_ =	task.clear_ibuf [dreg:s9], $0x2FFFF;
	_ =	strace $0x9FFFFFFF  }
0xcb: {  	(tm) =	ssettm $0x7FFFFFFF  }
tec
execute0_lowered:
.L_overlay_start_1:
0x0: {  	(tag) =	ssettag $0x1  }
0x1: {  	s1 =	rddreg [dreg:$0x0]  }
0x2: {  	s3 =	rddreg [dreg:$0x2]  }
0x3: {  	s4 =	rddreg [dreg:$0x3];
	s0 =	stileid.u32  }
0x4: {  	s5 =	rddreg [dreg:$0x4];
	s6 =	simm.s32 $0x0;
	s7 =	srdreg.scid  }
0x5: {  	s26 =	simm.s32 $0xA;
	s2 =	smul.u32 $0x9E00, s0;
	[smem:$0x7FF] =	sst s6  }
0x6: {  	s9 =	sand.u32 $0x1, s7;
	s7 =	sadd.s32 $0x3A00, s1;
	s18 =	sshll.u32 s0, $0x1  }
0x7: {  	s20 =	sadd.s32 $0x94200, s5;
	s21 =	sadd.s32 $0x17C40, s1;
	s30 =	sadd.s32 $0x509000, s3  }
0x8: {  	p0 =	seq.s32 s0, $0xF;
	s31 =	sadd.s32 $0x14240, s4;
	p1 =	sgt.u32 s0, $0x1  }
0x9: {  	_ =	strace $0x80000053;
	s11 =	ssub.s32 $0x2, s9;
	[dreg:$0x6] =	wrdreg s21  }
0xa: {  	s9 =	sor.u32 s9, s18;
	s18 =	ssub.s32 $0x1424, s18;
	[dreg:$0x8] =	wrdreg s30  }
0xb: {  	[dreg:$0x9] =	wrdreg s31;
	s24 =	sshrl.u32 @p0 s20, $0x3;
	s20 =	simm.s32 $0x5  }
0xc: {  	s21 =	simm.s32 $0x0;
	s8 =	sshrl.u32 s2, $0x3;
	s12 =	sshrl.u32 s11, $0x1  }
0xd: {  	s2 =	sadd.s32 s2, s5;
	s14 =	sshll.u32 s9, $0x4;
	p2 =	sne.s32 s9, $0x0  }
0xe: {  	s10 =	sadd.s32 s8, s1;
	s8 =	sadd.s32 $0x17E00, s1;
	s19 =	ssub.s32 s11, s12  }
.Ltmp0:
0xf: {  	s11 =	sadd.s32 $0x3EA40, s1;
	s12 =	sadd.s32 s7, s14;
	(pc) =	sbr.rel .LBB2_1-.Ltmp0, $4  }
0x10: {  	s15 =	sor.u32 $0x200, s14;
	s17 =	sor.u32 $0x400, s14;
	s1 =	sadd.s32 $0x2C040, s1  }
0x11: {  	s25 =	sshrl.u32 @!p0 s2, $0x3;
	s10 =	sadd.s32 $0x2C200, s10;
	s13 =	sadd.s32 s8, s14  }
0x12: {  	s14 =	sadd.s32 s7, s15;
	s15 =	sadd.s32 s8, s15;
	s16 =	sadd.s32 s7, s17  }
0x13: {  	s17 =	sadd.s32 s8, s17;
	[dreg:$0x7] =	wrdreg s1;
	s23 =	smax.u32 s19, $0x1  }
.LBB2_7:
0x14: {  	s1 =	simm.s32 @!p1 $0x9  }
0x15: {  	_ =	swait.ge @!p1 [sflag:s1], $0x2000  }
.Ltmp1:
0x16: {  	[sflag:s1] =	ssyncset.done @!p1 $0x0;
	(pc) =	sbr.rel @!p2 .LBB2_8-.Ltmp1, $4  }
0x17: {  	[sflag:s1] =	ssyncadd.s32 @!p1 $0xFFFFE000  }
0x18: {  	_ =	swait.ge @!p1 [sflag:s1], $0x80  }
0x19: {  	[sflag:s1] =	ssyncset.done @!p1 $0x0  }
0x1a: {  	[sflag:s1] =	ssyncadd.s32 @!p1 $0xFFFFFF80  }
.LBB2_11:
0x1b: {  	s21 =	sadd.s32 $0x1, s21  }
0x1c: {  	p3 =	sne.s32 s21, s23  }
.Ltmp2:
0x1d: {  	_ = 	snop;
	(pc) =	sbr.rel @!p3 .LBB2_12-.Ltmp2, $1  }
0x1e: {  	_ =	sdelay $0x3  }
.LBB2_1:
0x1f: {  	s1 =	rddreg [dreg:$0x1]  }
0x20: {  	[tilespmem:s6], [sflag:$0xA] =	stream.linear.gather [hbm4b:s1+s6], $0x2710, $0x38;
	[tilespmem:$0x1E5B0] =	vst v63  }
0x21: {  	_ =	swait.ge [sflag:s26], $0x2710  }
0x22: {  	[sflag:s26] =	ssyncset.done $0x0  }
0x23: {  	s1 =	simm.s32 @p0 $0x1FCA;
	[sflag:s26] =	ssyncadd.s32 $0xFFFFD8F0  }
0x24: {  	[spmem:s24], [sflag:s1] =	dma.local @p0 [hbm:s11], $0x1040  }
0x25: {  	s1 =	simm.s32 @p0 $0xA  }
0x26: {  	_ =	swait.ge @p0 [sflag:s1], $0x1040  }
0x27: {  	s2 =	sshll.u32 @!p0 s0, $0x6;
	[sflag:s1] =	ssyncset.done @p0 $0x0  }
0x28: {  	[sflag:s1] =	ssyncadd.s32 @p0 $0xFFFFEFC0;
	s1 =	sor.u32 @!p0 $0x1C0A, s2  }
0x29: {  	[spmem:s25], [sflag:s1] =	dma.local @!p0 [hbm:s10], $0x13C0  }
0x2a: {  	s1 =	simm.s32 @!p0 $0xA  }
0x2b: {  	_ =	swait.ge @!p0 [sflag:s1], $0x13C0  }
0x2c: {  	[sflag:s1] =	ssyncset.done @!p0 $0x0  }
0x2d: {  	[sflag:s1] =	ssyncadd.s32 @!p0 $0xFFFFEC40  }
0x2e: {  	s19 =	simm.s32 $0x2710;
	[bflag:$0x0] =	sbarrier.arrive $0xFFFF  }
0x2f: {  	[tilespmem:s19], [sflag:$0x1] =	stream.linear.gather [hbm4b:s12+s6], $0x80, $0x38;
	[tilespmem:$0x1E5B0] =	vst v63  }
0x30: {  	s22 =	simm.s32 $0x2F10  }
0x31: {  	[tilespmem:s22], [sflag:$0x1] =	stream.linear.gather [hbm4b:s13+s6], $0x80, $0x38;
	[tilespmem:$0x1E5B0] =	vst v63  }
0x32: {  	s28 =	simm.s32 $0x2790  }
0x33: {  	[tilespmem:s28], [sflag:$0x2] =	stream.linear.gather [hbm4b:s14+s6], $0x80, $0x38;
	[tilespmem:$0x1E5B0] =	vst v63  }
0x34: {  	s29 =	simm.s32 $0x2F90  }
0x35: {  	[tilespmem:s29], [sflag:$0x2] =	stream.linear.gather [hbm4b:s15+s6], $0x80, $0x38;
	[tilespmem:$0x1E5B0] =	vst v63  }
.Ltmp3:
0x36: {  	_ = 	snop;
	(pc) =	sbr.rel .LBB2_2-.Ltmp3, $4  }
0x37: {  	s30 =	simm.s32 $0x2810  }
0x38: {  	[tilespmem:s30], [sflag:$0x3] =	stream.linear.gather [hbm4b:s16+s6], $0x80, $0x38;
	[tilespmem:$0x1E5B0] =	vst v63  }
0x39: {  	s31 =	simm.s32 $0x3010;
	s2 =	simm.s32 $0x0;
	s22 =	simm.s32 $0x1  }
0x3a: {  	[tilespmem:s31], [sflag:$0x3] =	stream.linear.gather [hbm4b:s17+s6], $0x80, $0x38;
	[tilespmem:$0x1E5B0] =	vst v63  }
.LBB2_6:
0x3b: {  	s2 =	sadd.s32 $0x1, s2  }
0x3c: {  	p3 =	sne.s32 s2, $0xA5  }
.Ltmp4:
0x3d: {  	_ = 	snop;
	(pc) =	sbr.rel @!p3 .LBB2_7-.Ltmp4, $2  }
0x3e: {  	_ =	sdelay $0x2  }
0x3f: {  	s22 =	sadd.s32 $0x1, s22  }
.LBB2_2:
0x40: {  	s1 =	sadd.s32 $0xFFFFFFFC, s2  }
0x41: {  	p4 =	sgt.u32 s1, $0xA1  }
0x42: {  	s1 =	simm.s32 @!p4 $0x9  }
0x43: {  	_ =	swait.ge @!p4 [sflag:s1], $0x2000  }
0x44: {  	[sflag:s1] =	ssyncset.done @!p4 $0x0  }
0x45: {  	s28 =	sshll.u32 s2, $0x5;
	[sflag:s1] =	ssyncadd.s32 @!p4 $0xFFFFE000  }
0x46: {  	p3 =	sge.u32 s28, s18;
	_ =	swait.ge @!p4 [sflag:s1], $0x80  }
0x47: {  	s28 =	sand.u32 @!p3 $0x3, s2;
	[sflag:s1] =	ssyncset.done @!p4 $0x0  }
0x48: {  	[sflag:s1] =	ssyncadd.s32 @!p4 $0xFFFFFF80;
	s1 =	sadd.s32 @!p3 $0x1, s28  }
0x49: {  	_ =	swait.ge @!p3 [sflag:s1], $0x80  }
0x4a: {  	[sflag:s1] =	ssyncset.done @!p3 $0x0  }
0x4b: {  	[sflag:s1] =	ssyncadd.s32 @!p3 $0xFFFFFF80  }
0x4c: {  	_ =	swait.ge @!p3 [sflag:s1], $0x80  }
0x4d: {  	s29 =	sshll.u32 @!p3 s2, $0x7;
	s19 =	simm.s32 @!p3 $0x80;
	[sflag:s1] =	ssyncset.done @!p3 $0x0  }
0x4e: {  	s29 =	sand.u32 @!p3 $0x780, s29;
	[sflag:s1] =	ssyncadd.s32 @!p3 $0xFFFFFF80;
	s1 =	sshll.u32 @!p3 s28, $0xD  }
0x4f: {  	s30 =	sadd.s32 @!p3 $0x2710, s29;
	s28 =	sadd.s32 @!p3 $0x5, s28;
	s31 =	sadd.s32 @!p3 $0x3710, s1  }
0x50: {  	[tilespmem:s31], [sflag:s28] =	stream.indirect.gather @!p3 [spmem:s5], $0x40, s30, s19, $0xb8;
	[tilespmem:$0x1E5B0] =	vst v63  }
0x51: {  	s29 =	sadd.s32 @!p3 $0x2F10, s29;
	s1 =	sadd.s32 @!p3 $0xB710, s1  }
0x52: {  	[tilespmem:s1], [sflag:s28] =	stream.indirect.gather @!p3 [spmem:s5], $0x40, s29, s19, $0xb8;
	[tilespmem:$0x1E5B0] =	vst v63  }
0x53: {  	s1 =	sadd.s32 $0x3, s2  }
0x54: {  	s29 =	sshll.u32 s1, $0x5  }
0x55: {  	s19 =	sor.u32 s9, s29  }
0x56: {  	p3 =	sgt.u32 s19, $0x1423  }
0x57: {  	s28 =	sand.u32 @!p3 $0x3, s1;
	s1 =	sshll.u32 @!p3 s1, $0x7  }
0x58: {  	s19 =	sshll.u32 @!p3 s19, $0x4;
	s31 =	simm.s32 @!p3 $0x0;
	s1 =	sand.u32 @!p3 $0x780, s1  }
0x59: {  	s28 =	sadd.s32 @!p3 $0x1, s28;
	s30 =	sadd.s32 @!p3 s7, s19;
	s29 =	sadd.s32 @!p3 $0x2710, s1  }
0x5a: {  	[tilespmem:s29], [sflag:s28] =	stream.linear.gather @!p3 [hbm4b:s30+s31], $0x80, $0x38;
	[tilespmem:$0x1E5B0] =	vst v63  }
0x5b: {  	s19 =	sadd.s32 @!p3 s8, s19;
	s1 =	sadd.s32 @!p3 $0x2F10, s1;
	s30 =	sadd.s32 $0xFFFFFFFD, s2  }
0x5c: {  	[tilespmem:s1], [sflag:s28] =	stream.linear.gather @!p3 [hbm4b:s19+s31], $0x80, $0x38;
	[tilespmem:$0x1E5B0] =	vst v63  }
0x5d: {  	s31 =	sshll.u32 s30, $0x5  }
0x5e: {  	p3 =	sgt.u32 s30, $0xA1;
	s28 =	sor.u32 s9, s31  }
0x5f: {  	p4 =	sgt.s32 @!p3 s28, $0x1423  }
0x60: {  	p3 =	por p3, p4  }
.Ltmp5:
0x61: {  	_ = 	snop;
	(pc) =	sbr.rel @p3 .LBB2_6-.Ltmp5, $1  }
0x62: {  	_ =	sdelay $0x3  }
0x63: {  	s1 =	sshll.u32 s22, $0xD;
	s29 =	sand.u32 $0x3, s30  }
0x64: {  	s1 =	sand.u32 $0x6000, s1;
	s19 =	sadd.s32 $0x5, s29  }
0x65: {  	s31 =	sadd.s32 $0x3790, s1;
	_ =	swait.ge [sflag:s19], $0x2000  }
0x66: {  	s1 =	sadd.s32 $0xB790, s1;
	[sflag:s19] =	ssyncset.done $0x0;
	v0 =	vmov s31  }
0x67: {  	v1 =	vmov s1;
	[sflag:s19] =	ssyncadd.s32 $0xFFFFE000  }
0x68: {  	_ =	swait.ge [sflag:s19], $0x2000  }
0x69: {  	[sflag:s19] =	ssyncset.done $0x0  }
0x6a: {  	s31 =	simm.s32 $0x0;
	[sflag:s19] =	ssyncadd.s32 $0xFFFFE000  }
0x6b: {  	v2 =	vld.idx.msk [tilespmem:v0+s31+$0xFFFFFF80 ss:$0x1], $0xffff  }
0x6c: {  	v3 =	vld.idx.msk [tilespmem:v1+s31+$0xFFFFFF80 ss:$0x1], $0xffff;
	_ =	sdelay $0x4  }
0x6d: {  	v2 =	vmul.f32 v3, v2;
	_ =	sdelay $0x1  }
0x6e: {  	[tilespmem:v0+s31+$0xFFFFFF80 ss:$0x1] =	vst.idx.msk $0xffff, v2  }
0x6f: {  	v2 =	vld.idx.msk [tilespmem:v0+s31+$0xFFFFFF90 ss:$0x1], $0xffff  }
0x70: {  	v3 =	vld.idx.msk [tilespmem:v1+s31+$0xFFFFFF90 ss:$0x1], $0xffff;
	_ =	sdelay $0x4  }
0x71: {  	v2 =	vmul.f32 v3, v2;
	_ =	sdelay $0x1  }
0x72: {  	[tilespmem:v0+s31+$0xFFFFFF90 ss:$0x1] =	vst.idx.msk $0xffff, v2  }
0x73: {  	v2 =	vld.idx.msk [tilespmem:v0+s31+$0xFFFFFFA0 ss:$0x1], $0xffff  }
0x74: {  	v3 =	vld.idx.msk [tilespmem:v1+s31+$0xFFFFFFA0 ss:$0x1], $0xffff;
	_ =	sdelay $0x4  }
0x75: {  	v2 =	vmul.f32 v3, v2;
	_ =	sdelay $0x1  }
0x76: {  	[tilespmem:v0+s31+$0xFFFFFFA0 ss:$0x1] =	vst.idx.msk $0xffff, v2  }
0x77: {  	v2 =	vld.idx.msk [tilespmem:v0+s31+$0xFFFFFFB0 ss:$0x1], $0xffff  }
0x78: {  	v3 =	vld.idx.msk [tilespmem:v1+s31+$0xFFFFFFB0 ss:$0x1], $0xffff;
	_ =	sdelay $0x4  }
0x79: {  	v2 =	vmul.f32 v3, v2;
	_ =	sdelay $0x1  }
0x7a: {  	[tilespmem:v0+s31+$0xFFFFFFB0 ss:$0x1] =	vst.idx.msk $0xffff, v2  }
0x7b: {  	v2 =	vld.idx.msk [tilespmem:v0+s31+$0xFFFFFFC0 ss:$0x1], $0xffff  }
0x7c: {  	v3 =	vld.idx.msk [tilespmem:v1+s31+$0xFFFFFFC0 ss:$0x1], $0xffff;
	_ =	sdelay $0x4  }
0x7d: {  	v2 =	vmul.f32 v3, v2;
	_ =	sdelay $0x1  }
0x7e: {  	[tilespmem:v0+s31+$0xFFFFFFC0 ss:$0x1] =	vst.idx.msk $0xffff, v2  }
0x7f: {  	v2 =	vld.idx.msk [tilespmem:v0+s31+$0xFFFFFFD0 ss:$0x1], $0xffff  }
0x80: {  	v3 =	vld.idx.msk [tilespmem:v1+s31+$0xFFFFFFD0 ss:$0x1], $0xffff;
	_ =	sdelay $0x4  }
0x81: {  	v2 =	vmul.f32 v3, v2;
	_ =	sdelay $0x1  }
0x82: {  	[tilespmem:v0+s31+$0xFFFFFFD0 ss:$0x1] =	vst.idx.msk $0xffff, v2  }
0x83: {  	v2 =	vld.idx.msk [tilespmem:v0+s31+$0xFFFFFFE0 ss:$0x1], $0xffff  }
0x84: {  	v3 =	vld.idx.msk [tilespmem:v1+s31+$0xFFFFFFE0 ss:$0x1], $0xffff;
	_ =	sdelay $0x4  }
0x85: {  	v2 =	vmul.f32 v3, v2;
	_ =	sdelay $0x1  }
0x86: {  	[tilespmem:v0+s31+$0xFFFFFFE0 ss:$0x1] =	vst.idx.msk $0xffff, v2  }
0x87: {  	v2 =	vld.idx.msk [tilespmem:v0+s31+$0xFFFFFFF0 ss:$0x1], $0xffff  }
0x88: {  	v3 =	vld.idx.msk [tilespmem:v1+s31+$0xFFFFFFF0 ss:$0x1], $0xffff;
	_ =	sdelay $0x4  }
0x89: {  	v2 =	vmul.f32 v3, v2;
	_ =	sdelay $0x1  }
0x8a: {  	[tilespmem:v0+s31+$0xFFFFFFF0 ss:$0x1] =	vst.idx.msk $0xffff, v2  }
0x8b: {  	v2 =	vld.idx.msk [tilespmem:v0+s31+$0x0 ss:$0x1], $0xffff  }
0x8c: {  	v3 =	vld.idx.msk [tilespmem:v1+s31+$0x0 ss:$0x1], $0xffff;
	_ =	sdelay $0x4  }
0x8d: {  	v2 =	vmul.f32 v3, v2;
	_ =	sdelay $0x1  }
0x8e: {  	[tilespmem:v0+s31+$0x0 ss:$0x1] =	vst.idx.msk $0xffff, v2  }
0x8f: {  	v2 =	vld.idx.msk [tilespmem:v0+s31+$0x10 ss:$0x1], $0xffff  }
0x90: {  	v3 =	vld.idx.msk [tilespmem:v1+s31+$0x10 ss:$0x1], $0xffff;
	_ =	sdelay $0x4  }
0x91: {  	v2 =	vmul.f32 v3, v2;
	_ =	sdelay $0x1  }
0x92: {  	[tilespmem:v0+s31+$0x10 ss:$0x1] =	vst.idx.msk $0xffff, v2  }
0x93: {  	v2 =	vld.idx.msk [tilespmem:v0+s31+$0x20 ss:$0x1], $0xffff  }
0x94: {  	v3 =	vld.idx.msk [tilespmem:v1+s31+$0x20 ss:$0x1], $0xffff;
	_ =	sdelay $0x4  }
0x95: {  	v2 =	vmul.f32 v3, v2;
	_ =	sdelay $0x1  }
0x96: {  	[tilespmem:v0+s31+$0x20 ss:$0x1] =	vst.idx.msk $0xffff, v2  }
0x97: {  	v2 =	vld.idx.msk [tilespmem:v0+s31+$0x30 ss:$0x1], $0xffff  }
0x98: {  	v3 =	vld.idx.msk [tilespmem:v1+s31+$0x30 ss:$0x1], $0xffff;
	_ =	sdelay $0x4  }
0x99: {  	v2 =	vmul.f32 v3, v2;
	_ =	sdelay $0x1  }
0x9a: {  	[tilespmem:v0+s31+$0x30 ss:$0x1] =	vst.idx.msk $0xffff, v2  }
0x9b: {  	v2 =	vld.idx.msk [tilespmem:v0+s31+$0x40 ss:$0x1], $0xffff  }
0x9c: {  	v3 =	vld.idx.msk [tilespmem:v1+s31+$0x40 ss:$0x1], $0xffff;
	_ =	sdelay $0x4  }
0x9d: {  	v2 =	vmul.f32 v3, v2;
	_ =	sdelay $0x1  }
0x9e: {  	[tilespmem:v0+s31+$0x40 ss:$0x1] =	vst.idx.msk $0xffff, v2  }
0x9f: {  	v2 =	vld.idx.msk [tilespmem:v0+s31+$0x50 ss:$0x1], $0xffff  }
0xa0: {  	v3 =	vld.idx.msk [tilespmem:v1+s31+$0x50 ss:$0x1], $0xffff;
	_ =	sdelay $0x4  }
0xa1: {  	v2 =	vmul.f32 v3, v2;
	_ =	sdelay $0x1  }
0xa2: {  	[tilespmem:v0+s31+$0x50 ss:$0x1] =	vst.idx.msk $0xffff, v2  }
0xa3: {  	v2 =	vld.idx.msk [tilespmem:v0+s31+$0x60 ss:$0x1], $0xffff  }
0xa4: {  	s1 =	simm.s32 $0x400;
	v3 =	vld.idx.msk [tilespmem:v1+s31+$0x60 ss:$0x1], $0xffff  }
.LBB2_4:
0xa5: {  	p3 =	sne.s32 s1, $0x7C00;
	s19 =	smov.u32 s1;
	s1 =	sadd.s32 $0x400, s1  }
0xa6: {  	_ =	sdelay $0x2  }
0xa7: {  	v2 =	vmul.f32 v3, v2;
	_ =	sdelay $0x1  }
0xa8: {  	[tilespmem:v0+s31+$0x60 ss:$0x1] =	vst.idx.msk $0xffff, v2  }
0xa9: {  	v2 =	vld.idx.msk [tilespmem:v0+s31+$0x70 ss:$0x1], $0xffff  }
0xaa: {  	v3 =	vld.idx.msk [tilespmem:v1+s31+$0x70 ss:$0x1], $0xffff;
	_ =	sdelay $0x5  }
0xab: {  	v2 =	vmul.f32 v3, v2;
	_ =	sdelay $0x1  }
0xac: {  	[tilespmem:v0+s31+$0x70 ss:$0x1] =	vst.idx.msk $0xffff, v2;
	s31 =	sshra.s32 s19, $0x2  }
0xad: {  	v2 =	vld.idx.msk [tilespmem:v0+s31+$0xFFFFFF80 ss:$0x1], $0xffff  }
0xae: {  	v3 =	vld.idx.msk [tilespmem:v1+s31+$0xFFFFFF80 ss:$0x1], $0xffff;
	_ =	sdelay $0x5  }
0xaf: {  	v2 =	vmul.f32 v3, v2;
	_ =	sdelay $0x1  }
0xb0: {  	[tilespmem:v0+s31+$0xFFFFFF80 ss:$0x1] =	vst.idx.msk $0xffff, v2  }
0xb1: {  	v2 =	vld.idx.msk [tilespmem:v0+s31+$0xFFFFFF90 ss:$0x1], $0xffff  }
0xb2: {  	v3 =	vld.idx.msk [tilespmem:v1+s31+$0xFFFFFF90 ss:$0x1], $0xffff;
	_ =	sdelay $0x5  }
0xb3: {  	v2 =	vmul.f32 v3, v2;
	_ =	sdelay $0x1  }
0xb4: {  	[tilespmem:v0+s31+$0xFFFFFF90 ss:$0x1] =	vst.idx.msk $0xffff, v2  }
0xb5: {  	v2 =	vld.idx.msk [tilespmem:v0+s31+$0xFFFFFFA0 ss:$0x1], $0xffff  }
0xb6: {  	v3 =	vld.idx.msk [tilespmem:v1+s31+$0xFFFFFFA0 ss:$0x1], $0xffff;
	_ =	sdelay $0x5  }
0xb7: {  	v2 =	vmul.f32 v3, v2;
	_ =	sdelay $0x1  }
0xb8: {  	[tilespmem:v0+s31+$0xFFFFFFA0 ss:$0x1] =	vst.idx.msk $0xffff, v2  }
0xb9: {  	v2 =	vld.idx.msk [tilespmem:v0+s31+$0xFFFFFFB0 ss:$0x1], $0xffff  }
0xba: {  	v3 =	vld.idx.msk [tilespmem:v1+s31+$0xFFFFFFB0 ss:$0x1], $0xffff;
	_ =	sdelay $0x5  }
0xbb: {  	v2 =	vmul.f32 v3, v2;
	_ =	sdelay $0x1  }
0xbc: {  	[tilespmem:v0+s31+$0xFFFFFFB0 ss:$0x1] =	vst.idx.msk $0xffff, v2  }
0xbd: {  	v2 =	vld.idx.msk [tilespmem:v0+s31+$0xFFFFFFC0 ss:$0x1], $0xffff  }
0xbe: {  	v3 =	vld.idx.msk [tilespmem:v1+s31+$0xFFFFFFC0 ss:$0x1], $0xffff;
	_ =	sdelay $0x5  }
0xbf: {  	v2 =	vmul.f32 v3, v2;
	_ =	sdelay $0x1  }
0xc0: {  	[tilespmem:v0+s31+$0xFFFFFFC0 ss:$0x1] =	vst.idx.msk $0xffff, v2  }
0xc1: {  	v2 =	vld.idx.msk [tilespmem:v0+s31+$0xFFFFFFD0 ss:$0x1], $0xffff  }
0xc2: {  	v3 =	vld.idx.msk [tilespmem:v1+s31+$0xFFFFFFD0 ss:$0x1], $0xffff;
	_ =	sdelay $0x5  }
0xc3: {  	v2 =	vmul.f32 v3, v2;
	_ =	sdelay $0x1  }
0xc4: {  	[tilespmem:v0+s31+$0xFFFFFFD0 ss:$0x1] =	vst.idx.msk $0xffff, v2  }
0xc5: {  	v2 =	vld.idx.msk [tilespmem:v0+s31+$0xFFFFFFE0 ss:$0x1], $0xffff  }
0xc6: {  	v3 =	vld.idx.msk [tilespmem:v1+s31+$0xFFFFFFE0 ss:$0x1], $0xffff;
	_ =	sdelay $0x5  }
0xc7: {  	v2 =	vmul.f32 v3, v2;
	_ =	sdelay $0x1  }
0xc8: {  	[tilespmem:v0+s31+$0xFFFFFFE0 ss:$0x1] =	vst.idx.msk $0xffff, v2  }
0xc9: {  	v2 =	vld.idx.msk [tilespmem:v0+s31+$0xFFFFFFF0 ss:$0x1], $0xffff  }
0xca: {  	v3 =	vld.idx.msk [tilespmem:v1+s31+$0xFFFFFFF0 ss:$0x1], $0xffff;
	_ =	sdelay $0x5  }
0xcb: {  	v2 =	vmul.f32 v3, v2;
	_ =	sdelay $0x1  }
0xcc: {  	[tilespmem:v0+s31+$0xFFFFFFF0 ss:$0x1] =	vst.idx.msk $0xffff, v2  }
0xcd: {  	v2 =	vld.idx.msk [tilespmem:v0+s31+$0x0 ss:$0x1], $0xffff  }
0xce: {  	v3 =	vld.idx.msk [tilespmem:v1+s31+$0x0 ss:$0x1], $0xffff;
	_ =	sdelay $0x5  }
0xcf: {  	v2 =	vmul.f32 v3, v2;
	_ =	sdelay $0x1  }
0xd0: {  	[tilespmem:v0+s31+$0x0 ss:$0x1] =	vst.idx.msk $0xffff, v2  }
0xd1: {  	v2 =	vld.idx.msk [tilespmem:v0+s31+$0x10 ss:$0x1], $0xffff  }
0xd2: {  	v3 =	vld.idx.msk [tilespmem:v1+s31+$0x10 ss:$0x1], $0xffff;
	_ =	sdelay $0x5  }
0xd3: {  	v2 =	vmul.f32 v3, v2;
	_ =	sdelay $0x1  }
0xd4: {  	[tilespmem:v0+s31+$0x10 ss:$0x1] =	vst.idx.msk $0xffff, v2  }
0xd5: {  	v2 =	vld.idx.msk [tilespmem:v0+s31+$0x20 ss:$0x1], $0xffff  }
0xd6: {  	v3 =	vld.idx.msk [tilespmem:v1+s31+$0x20 ss:$0x1], $0xffff;
	_ =	sdelay $0x5  }
0xd7: {  	v2 =	vmul.f32 v3, v2;
	_ =	sdelay $0x1  }
0xd8: {  	[tilespmem:v0+s31+$0x20 ss:$0x1] =	vst.idx.msk $0xffff, v2  }
0xd9: {  	v2 =	vld.idx.msk [tilespmem:v0+s31+$0x30 ss:$0x1], $0xffff  }
0xda: {  	v3 =	vld.idx.msk [tilespmem:v1+s31+$0x30 ss:$0x1], $0xffff;
	_ =	sdelay $0x5  }
0xdb: {  	v2 =	vmul.f32 v3, v2;
	_ =	sdelay $0x1  }
0xdc: {  	[tilespmem:v0+s31+$0x30 ss:$0x1] =	vst.idx.msk $0xffff, v2  }
0xdd: {  	v2 =	vld.idx.msk [tilespmem:v0+s31+$0x40 ss:$0x1], $0xffff  }
0xde: {  	v3 =	vld.idx.msk [tilespmem:v1+s31+$0x40 ss:$0x1], $0xffff;
	_ =	sdelay $0x5  }
0xdf: {  	v2 =	vmul.f32 v3, v2;
	_ =	sdelay $0x1  }
0xe0: {  	[tilespmem:v0+s31+$0x40 ss:$0x1] =	vst.idx.msk $0xffff, v2  }
0xe1: {  	v2 =	vld.idx.msk [tilespmem:v0+s31+$0x50 ss:$0x1], $0xffff  }
0xe2: {  	v3 =	vld.idx.msk [tilespmem:v1+s31+$0x50 ss:$0x1], $0xffff;
	_ =	sdelay $0x5  }
.Ltmp6:
0xe3: {  	v2 =	vmul.f32 v3, v2;
	(pc) =	sbr.rel @p3 .LBB2_4-.Ltmp6, $4  }
0xe4: {  	_ = 	snop  }
0xe5: {  	[tilespmem:v0+s31+$0x50 ss:$0x1] =	vst.idx.msk $0xffff, v2  }
0xe6: {  	v2 =	vld.idx.msk [tilespmem:v0+s31+$0x60 ss:$0x1], $0xffff  }
0xe7: {  	v3 =	vld.idx.msk [tilespmem:v1+s31+$0x60 ss:$0x1], $0xffff  }
0xe8: {  	_ =	sdelay $0x3  }
0xe9: {  	v2 =	vmul.f32 v3, v2;
	_ =	sdelay $0x1  }
0xea: {  	[tilespmem:v0+s31+$0x60 ss:$0x1] =	vst.idx.msk $0xffff, v2  }
0xeb: {  	v2 =	vld.idx.msk [tilespmem:v0+s31+$0x70 ss:$0x1], $0xffff  }
0xec: {  	v1 =	vld.idx.msk [tilespmem:v1+s31+$0x70 ss:$0x1], $0xffff;
	_ =	sdelay $0x4  }
0xed: {  	v1 =	vmul.f32 v1, v2  }
0xee: {  	s1 =	sshll.u32 s30, $0x7  }
0xef: {  	s1 =	sand.u32 $0x780, s1;
	[tilespmem:v0+s31+$0x70 ss:$0x1] =	vst.idx.msk $0xffff, v1  }
0xf0: {  	v0 =	vld [tilespmem:s1+$0x2710]  }
0xf1: {  	v1 =	vld [tilespmem:s1+$0x2F10];
	_ =	sdelay $0x6  }
0xf2: {  	v0 =	vld.idx.msk [tilespmem:v0+s6+$0x0], $0xffff  }
0xf3: {  	v1 =	vld.idx.msk [tilespmem:v1+s6+$0x0], $0xffff;
	_ =	sdelay $0x4  }
0xf4: {  	s19 =	sshll.u32 s29, $0x7;
	v0 =	vadd.s32 v0, v1  }
0xf5: {  	[tilespmem:s19+$0x13710] =	vst v0  }
0xf6: {  	v0 =	vld [tilespmem:s1+$0x2720]  }
0xf7: {  	v57 =	vld [tilespmem:s1+$0x2F20];
	_ =	sdelay $0x6  }
0xf8: {  	v0 =	vld.idx.msk [tilespmem:v0+s6+$0x0], $0xffff  }
0xf9: {  	v1 =	vld.idx.msk [tilespmem:v57+s6+$0x0], $0xffff;
	_ =	sdelay $0x4  }
0xfa: {  	v0 =	vadd.s32 v0, v1  }
0xfb: {  	[tilespmem:s19+$0x13720] =	vst v0  }
0xfc: {  	v0 =	vld [tilespmem:s1+$0x2730]  }
0xfd: {  	v58 =	vld [tilespmem:s1+$0x2F30];
	_ =	sdelay $0x6  }
0xfe: {  	v0 =	vld.idx.msk [tilespmem:v0+s6+$0x0], $0xffff  }
0xff: {  	v1 =	vld.idx.msk [tilespmem:v58+s6+$0x0], $0xffff;
	_ =	sdelay $0x4  }
0x100: {  	v0 =	vadd.s32 v0, v1  }
0x101: {  	[tilespmem:s19+$0x13730] =	vst v0  }
0x102: {  	v0 =	vld [tilespmem:s1+$0x2740]  }
0x103: {  	v59 =	vld [tilespmem:s1+$0x2F40];
	_ =	sdelay $0x6  }
0x104: {  	v0 =	vld.idx.msk [tilespmem:v0+s6+$0x0], $0xffff  }
0x105: {  	v1 =	vld.idx.msk [tilespmem:v59+s6+$0x0], $0xffff;
	_ =	sdelay $0x4  }
0x106: {  	v0 =	vadd.s32 v0, v1  }
0x107: {  	[tilespmem:s19+$0x13740] =	vst v0  }
0x108: {  	v0 =	vld [tilespmem:s1+$0x2750]  }
0x109: {  	v60 =	vld [tilespmem:s1+$0x2F50];
	_ =	sdelay $0x6  }
0x10a: {  	v0 =	vld.idx.msk [tilespmem:v0+s6+$0x0], $0xffff  }
0x10b: {  	v1 =	vld.idx.msk [tilespmem:v60+s6+$0x0], $0xffff;
	_ =	sdelay $0x4  }
0x10c: {  	v0 =	vadd.s32 v0, v1  }
0x10d: {  	[tilespmem:s19+$0x13750] =	vst v0  }
0x10e: {  	v0 =	vld [tilespmem:s1+$0x2760]  }
0x10f: {  	v61 =	vld [tilespmem:s1+$0x2F60];
	_ =	sdelay $0x6  }
0x110: {  	v0 =	vld.idx.msk [tilespmem:v0+s6+$0x0], $0xffff  }
0x111: {  	v1 =	vld.idx.msk [tilespmem:v61+s6+$0x0], $0xffff;
	_ =	sdelay $0x4  }
0x112: {  	v0 =	vadd.s32 v0, v1  }
0x113: {  	[tilespmem:s19+$0x13760] =	vst v0  }
0x114: {  	v0 =	vld [tilespmem:s1+$0x2770]  }
0x115: {  	v62 =	vld [tilespmem:s1+$0x2F70];
	_ =	sdelay $0x6  }
0x116: {  	v0 =	vld.idx.msk [tilespmem:v0+s6+$0x0], $0xffff  }
0x117: {  	v1 =	vld.idx.msk [tilespmem:v62+s6+$0x0], $0xffff;
	_ =	sdelay $0x4  }
0x118: {  	v0 =	vadd.s32 v0, v1  }
0x119: {  	[tilespmem:s19+$0x13770] =	vst v0  }
0x11a: {  	v0 =	vld [tilespmem:s1+$0x2780]  }
0x11b: {  	v63 =	vld [tilespmem:s1+$0x2F80];
	_ =	sdelay $0x6  }
0x11c: {  	v0 =	vld.idx.msk [tilespmem:v0+s6+$0x0], $0xffff  }
0x11d: {  	v1 =	vld.idx.msk [tilespmem:v63+s6+$0x0], $0xffff;
	_ =	sdelay $0x4  }
.Ltmp7:
0x11e: {  	s30 =	sshll.u32 s29, $0xD;
	s31 =	sshll.u32 s28, $0xA;
	v0 =	vadd.s32 v0, v1;
	(pc) =	sbr.rel .LBB2_6-.Ltmp7, $4  }
0x11f: {  	s29 =	sadd.s32 $0x3710, s30;
	s1 =	sadd.s32 s3, s31;
	s31 =	sshll.u32 s28, $0x4;
	[tilespmem:s19+$0x13780] =	vst v0  }
0x120: {  	[hbm4b:s1+s6] =	stream.linear.scatter [tilespmem:s29], [sflag:$0x9], $0x2000, $0x38;
	[tilespmem:$0x1E5B0] =	vst v63  }
0x121: {  	s19 =	sadd.s32 $0x13710, s19;
	s1 =	sadd.s32 s4, s31  }
0x122: {  	[hbm4b:s1+s6] =	stream.linear.scatter [tilespmem:s19], [sflag:$0x9], $0x80, $0x38;
	[tilespmem:$0x1E5B0] =	vst v63  }
.LBB2_8:
0x123: {  	s1 =	simm.s32 $0x0;
	s2 =	rddreg [dreg:$0x6];
	s19 =	simm.s32 $0x13910  }
0x124: {  	[tilespmem:s19], [sflag:$0xA] =	stream.linear.gather [hbm4b:s2+s1], $0x20, $0x38;
	[tilespmem:$0x1E5B0] =	vst v63  }
0x125: {  	_ =	swait.ge [sflag:s26], $0x20  }
0x126: {  	[sflag:s26] =	ssyncset.done $0x0  }
0x127: {  	s22 =	simm.s32 $0x13930;
	s28 =	rddreg [dreg:$0x7];
	[sflag:s26] =	ssyncadd.s32 $0xFFFFFFE0  }
0x128: {  	[tilespmem:s22], [sflag:$0xA] =	stream.linear.gather [hbm4b:s28+s1], $0x20, $0x38;
	[tilespmem:$0x1E5B0] =	vst v63  }
0x129: {  	_ =	swait.ge [sflag:s26], $0x20  }
0x12a: {  	[sflag:s26] =	ssyncset.done $0x0  }
0x12b: {  	s29 =	simm.s32 $0x20;
	s30 =	simm.s32 $0x13950;
	[sflag:s26] =	ssyncadd.s32 $0xFFFFFFE0  }
0x12c: {  	[tilespmem:s30], [sflag:$0x5] =	stream.indirect.gather [spmem:s5], $0x40, s19, s29, $0xb8;
	[tilespmem:$0x1E5B0] =	vst v63  }
0x12d: {  	s31 =	simm.s32 $0x14150  }
0x12e: {  	[tilespmem:s31], [sflag:$0x5] =	stream.indirect.gather [spmem:s5], $0x40, s22, s29, $0xb8;
	[tilespmem:$0x1E5B0] =	vst v63  }
0x12f: {  	_ =	swait.ge [sflag:s20], $0x800  }
0x130: {  	[sflag:s20] =	ssyncset.done $0x0  }
0x131: {  	[sflag:s20] =	ssyncadd.s32 $0xFFFFF800  }
0x132: {  	_ =	swait.ge [sflag:s20], $0x800  }
0x133: {  	[sflag:s20] =	ssyncset.done $0x0  }
0x134: {  	s1 =	simm.s32 $0x0;
	[sflag:s20] =	ssyncadd.s32 $0xFFFFF800  }
0x135: {  	v5 =	vld [tilespmem:s1+$0x14150]  }
0x136: {  	v6 =	vld [tilespmem:s1+$0x14160]  }
0x137: {  	v1 =	vld [tilespmem:s1+$0x14170]  }
0x138: {  	v0 =	vld [tilespmem:s1+$0x14180]  }
0x139: {  	v2 =	vld [tilespmem:s1+$0x13950]  }
0x13a: {  	v4 =	vld [tilespmem:s1+$0x13960]  }
0x13b: {  	s2 =	simm.s32 $0x100;
	v3 =	vld [tilespmem:s1+$0x13970]  }
.LBB2_9:
0x13c: {  	s19 =	sshra.s32 s2, $0x2;
	p3 =	sne.s32 s2, $0x1F00;
	v7 =	vld [tilespmem:s1+$0x13980];
	v8 =	vmov v1  }
0x13d: {  	v9 =	vld [tilespmem:s19+$0x14150];
	v10 =	vmov v0  }
0x13e: {  	v11 =	vld [tilespmem:s19+$0x14160];
	v2 =	vmul.f32 v5, v2  }
.Ltmp8:
0x13f: {  	v1 =	vld [tilespmem:s19+$0x14170];
	v4 =	vmul.f32 v6, v4;
	(pc) =	sbr.rel @p3 .LBB2_9-.Ltmp8, $4  }
0x140: {  	v0 =	vld [tilespmem:s19+$0x14180];
	[tilespmem:s1+$0x13950] =	vst v2;
	v3 =	vmul.f32 v8, v3  }
0x141: {  	v2 =	vld [tilespmem:s19+$0x13950];
	[tilespmem:s1+$0x13960] =	vst v4;
	v7 =	vmul.f32 v10, v7  }
0x142: {  	v4 =	vld [tilespmem:s19+$0x13960];
	[tilespmem:s1+$0x13970] =	vst v3;
	v5 =	vmov v9  }
0x143: {  	s2 =	sadd.s32 $0x100, s2;
	v3 =	vld [tilespmem:s19+$0x13970];
	[tilespmem:s1+$0x13980] =	vst v7;
	v6 =	vmov v11;
	s1 =	smov.u32 s19  }
0x144: {  	v7 =	vld [tilespmem:s1+$0x13980];
	_ =	sdelay $0x1  }
0x145: {  	v2 =	vmul.f32 v5, v2  }
0x146: {  	v4 =	vmul.f32 v6, v4  }
0x147: {  	[tilespmem:s1+$0x13950] =	vst v2;
	v1 =	vmul.f32 v1, v3  }
0x148: {  	[tilespmem:s1+$0x13960] =	vst v4;
	v0 =	vmul.f32 v0, v7  }
0x149: {  	[tilespmem:s1+$0x13970] =	vst v1  }
0x14a: {  	[tilespmem:s1+$0x13980] =	vst v0  }
0x14b: {  	v0 =	vld [tilespmem:$0x13910]  }
0x14c: {  	v1 =	vld [tilespmem:$0x13930];
	_ =	sdelay $0x4  }
0x14d: {  	v2 =	vld [tilespmem:$0x13920]  }
0x14e: {  	v62 =	vld [tilespmem:$0x13940]  }
0x14f: {  	v0 =	vld.idx.msk [tilespmem:v0+s6+$0x0], $0xffff  }
0x150: {  	v1 =	vld.idx.msk [tilespmem:v1+s6+$0x0], $0xffff;
	_ =	sdelay $0x4  }
0x151: {  	v0 =	vadd.s32 v0, v1  }
0x152: {  	[tilespmem:$0x14950] =	vst v0  }
0x153: {  	v0 =	vld.idx.msk [tilespmem:v2+s6+$0x0], $0xffff  }
0x154: {  	v63 =	vld.idx.msk [tilespmem:v62+s6+$0x0], $0xffff;
	_ =	sdelay $0x4  }
0x155: {  	v0 =	vadd.s32 v0, v63  }
0x156: {  	s29 =	rddreg [dreg:$0x8];
	s2 =	simm.s32 $0x13950;
	[tilespmem:$0x14960] =	vst v0  }
0x157: {  	[hbm4b:s29+s6] =	stream.linear.scatter [tilespmem:s2], [sflag:$0xA], $0x800, $0x38;
	[tilespmem:$0x1E5B0] =	vst v63  }
0x158: {  	_ =	swait.ge [sflag:s26], $0x800  }
0x159: {  	s31 =	simm.s32 $0x14950;
	[sflag:s26] =	ssyncset.done $0x0  }
.Ltmp9:
0x15a: {  	s30 =	rddreg [dreg:$0x9];
	[sflag:s26] =	ssyncadd.s32 $0xFFFFF800;
	(pc) =	sbr.rel .LBB2_11-.Ltmp9, $4  }
0x15b: {  	[hbm4b:s30+s6] =	stream.linear.scatter [tilespmem:s31], [sflag:$0xA], $0x20, $0x38;
	[tilespmem:$0x1E5B0] =	vst v63  }
0x15c: {  	_ =	swait.ge [sflag:s26], $0x20  }
0x15d: {  	[sflag:s26] =	ssyncset.done $0x0  }
0x15e: {  	[sflag:s26] =	ssyncadd.s32 $0xFFFFFFE0  }
.LBB2_12:
0x15f: {  	_ =	sfence.sel $0x180000  }
0x160: {  	[bflag:$0x0] =	sbarrier.arrive $0xFFFF  }
0x161: {  	_ =	strace $0x90000053  }
0x162: {  	[bflag:$0x2] =	sbarrier.arrive $0xFFFF  }
0x163: {  	p0 =	sne.s32 s0, $0x0;
	s0 =	rddreg [dreg:$0x5]  }
0x164: {  	s0 =	sadd.s32 @!p0 $0x100000, s0  }
0x165: {  	[sflag:s0] =	ssyncadd.tile.s32 @!p0 $0x1;
	_ =	shalt  }
.Lfunc_end2:
_tile_overlayer_lowered:
.L_overlay_start_2:
0x166: {  	(tag) =	ssettag $0x2  }
0x167: {  	s0 =	rddreg [dreg:$0x0];
	s2 =	stileid.u32  }
0x168: {  	s1 =	rddreg [dreg:$0x1];
	p0 =	sne.s32 s2, $0x0  }
0x169: {  	s3 =	rddreg [dreg:$0x2];
	[bflag:$0x3] =	sbarrier.arrive $0xFFFF;
	s2 =	simm.s32 @!p0 $0x1C0A  }
0x16a: {  	[timem:s3], [sflag:s2] =	dma.local @!p0 [hbm:s0], s1  }
0x16b: {  	s0 =	simm.s32 @!p0 $0xA  }
0x16c: {  	_ =	swait.ge @!p0 [sflag:s0], s1  }
0x16d: {  	s1 =	ssub.s32 @!p0 $0x0, s1;
	[sflag:s0] =	ssyncset.done @!p0 $0x0  }
0x16e: {  	[sflag:s0] =	ssyncadd.s32 @!p0 s1  }
0x16f: {  	[bflag:$0x3] =	sbarrier.arrive $0xFFFF  }
0x170: {  	_ =	shalt  }

// kernel: sparse-core-data-format-call.cloned.1.call-start
scs
called_computation_lowered:
.L_overlay_start_0:
0x0: {  	s2 =	sld [smem:$0x3FD9]  }
0x1: {  	s3 =	sld [smem:$0x3FFE];
	_ =	sdelay $0x1  }
0x2: {  	s1 =	srdreg.scid  }
0x3: {  	s0 =	sand.u32 $0x1, s1  }
0x4: {  	s15 =	sshll.u32 s0, $0xA;
	s2 =	sadd.s32 s3, s2  }
0x5: {  	s2 =	sadd.s32 s2, s15  }
0x6: {  	[smem:$0x3FBE] =	sst s2  }
0x7: {  	_ = 	snop  }
0x8: {  	s2 =	sld [smem:$0x3FD0];
	_ =	sdelay $0x2  }
0x9: {  	s16 =	simm.s32 $0xA;
	s4 =	simm.s32 $0x10  }
0xa: {  	[smem:s4], [sflag:s16] =	dma.local [hbm:s2], $0x1  }
0xb: {  	_ =	swait.eq [sflag:s16], $0x1  }
0xc: {  	[sflag:s16] =	ssyncset.done $0x0  }
0xd: {  	[sflag:s16] =	ssyncadd.s32 $0xFFFFFFFF  }
0xe: {  	s17 =	sld [smem:$0x10];
	(tm) =	ssettm $0x1  }
0xf: {  	s18 =	sld [smem:$0x3FFB];
	_ =	sdelay $0x3  }
0x10: {  	_ =	strace s18  }
0x11: {  	s3 =	sld [smem:$0x3FFC];
	_ =	sdelay $0x3  }
0x12: {  	_ =	strace s3  }
0x13: {  	s3 =	sld [smem:$0x3FFD];
	_ =	sdelay $0x3  }
0x14: {  	_ =	strace s3  }
0x15: {  	_ =	strace $0x8FFFFFFF  }
0x16: {  	s19 =	sld [smem:$0x3FDB];
	_ =	sdelay $0x1  }
0x17: {  	s20 =	simm.s32 $_scs_section_size  }
0x18: {  	s5 =	simm.s32 $_size__tile_overlayer_lowered;
	s6 =	simm.s32 $_tile_overlayer_lowered  }
0x19: {  	s23 =	simm.s32 $0x1BFF;
	s22 =	sshll.u32 s6, $0x1;
	s3 =	sadd.s32 s20, s19  }
0x1a: {  	s7 =	simm.s32 $0x0;
	s21 =	sshll.u32 s5, $0x1;
	s5 =	sadd.s32 s22, s3  }
0x1b: {  	[timem:s7], [sflag:s23] =	dma.local [hbm:s5], s21  }
0x1c: {  	_ =	swait.ge [sflag:s23], s21  }
0x1d: {  	s4 =	ssub.s32 $0x0, s21;
	[sflag:s23] =	ssyncset.done $0x0  }
0x1e: {  	[sflag:s23] =	ssyncadd.s32 s4;
	_ =	sdelay $0x1  }
0x1f: {  	s24 =	simm.s32 $0x1B8B  }
0x20: {  	_ =	swait.ge [sflag:s24], $0x1  }
0x21: {  	[sflag:s24] =	ssyncset.done $0x0  }
0x22: {  	s26 =	simm.s32 $0x1B8E;
	s25 =	sld [smem:$0x3FFE];
	[sflag:s24] =	ssyncadd.s32 $0xFFFFFFFF  }
0x23: {  	s27 =	simm.s32 $execute0_lowered;
	[smem:$0x3FD2] =	sst s26  }
0x24: {  	s5 =	sshll.u32 s27, $0x1;
	_ =	strace $0x80000055;
	[dreg:$0x1] =	wrdreg $0xFFFFFFFF  }
0x25: {  	s28 =	simm.s32 $_size_execute0_lowered;
	s3 =	sadd.s32 s3, s5;
	[dreg:$0x0] =	wrdreg $0x0  }
0x26: {  	s5 =	sshll.u32 s28, $0x1;
	[dreg:$0x2] =	wrdreg s3  }
0x27: {  	[dreg:$0x3] =	wrdreg s5  }
0x28: {  	[dreg:$0x4] =	wrdreg $0xC0  }
0x29: {  	_ =	task [dreg:s7], $0x5FFFF  }
0x2a: {  	[dreg:$0x1] =	wrdreg $0xFFFFFFFF  }
0x2b: {  	[dreg:$0x0] =	wrdreg $0x60  }
0x2c: {  	[dreg:$0x2] =	wrdreg s25  }
0x2d: {  	[dreg:$0x3] =	wrdreg s17  }
0x2e: {  	[dreg:$0x4] =	wrdreg $0x9  }
0x2f: {  	_ =	task.clear_ibuf [dreg:s7], $0x5FFFF;
	_ =	strace $0x90000055  }
0x30: {  	s29 =	simm.s32 $0x9;
	_ =	strace $0x80000057  }
0x31: {  	_ =	swait.ge [sflag:s29], $0x1  }
0x32: {  	[sflag:s29] =	ssyncadd.s32 $0xFFFFFFFF  }
0x33: {  	_ =	strace $0x90000057  }
0x34: {  	_ =	sfence  }
0x35: {  	s30 =	sld [smem:$0x0];
	_ =	sdelay $0x2  }
0x36: {  	s31 =	sshll.u32 s1, $0xD;
	s1 =	sshrl.u32 s1, $0x2  }
0x37: {  	s3 =	sand.u32 $0x4000, s31;
	s1 =	sadd.s32 s1, s30  }
0x38: {  	s0 =	sor.u32 s3, s0;
	s1 =	sshll.u32 s1, $0x11  }
0x39: {  	s0 =	sor.u32 s1, s0  }
0x3a: {  	s0 =	sadd.s32 $0x8F2B, s0  }
0x3b: {  	[sflag:s0] =	ssyncadd.remote.s32 $0x1  }
0x3c: {  	_ =	sfence.sel $0xFFFF  }
0x3d: {  	[dreg:$0x0] =	wrdreg $0xFFFFFFFF;
	(pc) =	sbr.abs _section_cstart, $3  }
0x3e: {  	[dreg:$0x1] =	wrdreg $0xFFFFFFFF  }
0x3f: {  	_ =	task.clear_ibuf [dreg:s7], $0x2FFFF;
	_ =	strace $0x9FFFFFFF  }
0x40: {  	(tm) =	ssettm $0x7FFFFFFF  }
0x41: {  	_ =	shalt  }
tec
execute0_lowered:
.L_overlay_start_1:
0x0: {  	(tag) =	ssettag $0x1  }
0x1: {  	s4 =	rddreg [dreg:$0x0]  }
0x2: {  	s0 =	srdreg.scid;
	s2 =	rddreg [dreg:$0x1]  }
0x3: {  	s1 =	stileid.u32;
	s5 =	simm.s32 $0x1;
	s0 =	sshll.u32 s0, $0x4  }
0x4: {  	s7 =	simm.s32 $0x2;
	s11 =	simm.s32 $0x0;
	s3 =	sand.u32 $0x10, s0  }
.Ltmp0:
0x5: {  	p0 =	por $0x0, $0x0;
	s3 =	sor.u32 s1, s3;
	(pc) =	sbr.rel .LBB1_1-.Ltmp0, $4  }
0x6: {  	s8 =	simm.s32 $0x509400;
	s10 =	simm.s32 $0x0;
	s3 =	sshll.u32 s3, $0x7  }
0x7: {  	s0 =	rddreg [dreg:$0x2];
	_ =	strace $0x80000056;
	s6 =	ssub.s32 $0xA1200, s3  }
0x8: {  	s4 =	sadd.s32 $0x3A00, s4;
	[sflag:s5] =	ssyncpa.u1 $0x0;
	s6 =	sshrl.u32 s6, $0xC  }
0x9: {  	[sflag:s7] =	ssyncpa.u1 $0x0;
	s9 =	smov.u32 s3;
	s7 =	sor.u32 $0x2, s6  }
.LBB1_5:
0xa: {  	s13 =	sadd.s32 $0x1000, s9  }
0xb: {  	p2 =	sgt.s32 s13, $0xA121F  }
0xc: {  	s13 =	smov.u32 @p2 s3;
	p2 =	sne.s32 s10, s7  }
.Ltmp1:
0xd: {  	p1 =	slt.u32 s10, $0x2;
	(pc) =	sbr.rel @!p2 .LBB1_6-.Ltmp1, $4  }
0xe: {  	s12 =	simm.s32 @!p1 $0x2  }
0xf: {  	s14 =	sadd.s32 $0x1, s10;
	_ =	swait.ge @!p1 [sflag:s12], $0x2000  }
0x10: {  	s11 =	smov.u32 s9;
	p0 =	por !p0, !p0;
	[sflag:s12] =	ssyncset.done @!p1 $0x0  }
0x11: {  	s10 =	smov.u32 s14;
	s9 =	smov.u32 s13;
	[sflag:s12] =	ssyncadd.s32 @!p1 $0xFFFFE000  }
.LBB1_1:
0x12: {  	p1 =	sgt.u32 s10, s6  }
0x13: {  	s13 =	smov.u32 s9;
	p2 =	sgt.s32 @!p1 s9, $0xA11A0  }
0x14: {  	s12 =	sand.u32 @!p1 $0x1FFFFFF, s9;
	s14 =	sshra.s32 @!p1 s9, $0x1F;
	p2 =	por !p2, p1  }
0x15: {  	s15 =	smulhi.u32 @!p1 $0x65AE1B, s12;
	s14 =	sand.u32 @!p1 s14, s9;
	s13 =	simm.s32 @p2 $0xA11A0  }
0x16: {  	s13 =	ssub.s32 @!p1 s13, s14  }
0x17: {  	s14 =	sshrl.u32 @!p1 s15, $0xA;
	s13 =	sadd.s32 @!p1 $0xFFF5EE60, s13  }
0x18: {  	s15 =	sxor.u32 @!p1 $0xFFFFFFFF, s10;
	s14 =	smul.u32 @!p1 $0xA1220, s14;
	s16 =	sshll.u32 @!p1 s13, $0x8  }
0x19: {  	s15 =	sshll.u32 @!p1 s15, $0xD;
	p2 =	sgt.s32 @!p1 s13, $0x7F;
	s13 =	ssub.s32 @!p1 $0x8000, s16  }
0x1a: {  	s12 =	ssub.s32 @!p1 s12, s14;
	p2 =	por !p2, p1;
	s14 =	sand.u32 @!p1 $0x2000, s15  }
0x1b: {  	s15 =	simm.s32 @!p1 $0x40;
	s13 =	sshrl.u32 @!p1 s13, $0x2;
	s12 =	sshll.u32 @!p1 s12, $0x4  }
0x1c: {  	s16 =	simm.s32 @!p1 $0x80;
	s13 =	simm.s32 @!p2 $0x0;
	s12 =	sadd.s32 @!p1 s4, s12  }
0x1d: {  	[tilespmem:s14], [sflag:$0x1] =	stream.strided.gather @!p1 [hbm4b:s12+s15], s13, s16, s15, $0x38;
	[tilespmem:$0x8080] =	vst v63  }
0x1e: {  	p1 =	seq.s32 s10, $0x0  }
0x1f: {  	p2 =	sge.u32 @!p1 s10, s7  }
0x20: {  	p1 =	por p1, p2  }
.Ltmp2:
0x21: {  	_ = 	snop;
	(pc) =	sbr.rel @p1 .LBB1_5-.Ltmp2, $1  }
0x22: {  	_ =	sdelay $0x3  }
0x23: {  	p1 =	sgt.s32 s11, $0xA11A0;
	s12 =	smov.u32 s11;
	s13 =	sshra.s32 s11, $0x1F  }
0x24: {  	s12 =	simm.s32 @!p1 $0xA11A0;
	s13 =	sand.u32 s13, s11  }
0x25: {  	s12 =	ssub.s32 s12, s13  }
0x26: {  	s12 =	sadd.s32 $0xFFF5EE60, s12  }
0x27: {  	s28 =	sshll.u32 s12, $0x8  }
0x28: {  	s13 =	ssub.s32 $0x8000, s28  }
0x29: {  	p1 =	sgt.s32 s12, $0x7F;
	s12 =	sshrl.u32 s13, $0x2  }
0x2a: {  	s13 =	simm.s32 $0x1;
	s12 =	simm.s32 @p1 $0x0  }
0x2b: {  	s13 =	simm.s32 @!p0 $0x0;
	_ =	swait.ge [sflag:s5], s12  }
0x2c: {  	s14 =	sshll.u32 s13, $0xD;
	s12 =	ssub.s32 $0x0, s12;
	[sflag:s5] =	ssyncset.done $0x0  }
0x2d: {  	s16 =	sor.u32 $0x20, s14;
	[sflag:s5] =	ssyncadd.s32 s12  }
0x2e: {  	s29 =	smul.u32 $0x8100, s13;
	v3 =	vld [tilespmem:s16+$0x10]  }
0x2f: {  	s30 =	sand.u32 $0x1, s10;
	v2 =	vld [tilespmem:s16+$0xFFFFFFF0]  }
0x30: {  	s13 =	smul.u32 $0x8100, s30;
	s12 =	sshrl.u32 s29, $0x2;
	v0 =	vld [tilespmem:s16+$0x0]  }
0x31: {  	s14 =	sor.u32 $0x4000, s12;
	v1 =	vld [tilespmem:s16+$0xFFFFFFE0]  }
0x32: {  	s31 =	sshrl.u32 s13, $0x2;
	s13 =	sadd.s32 $0x0, s14  }
0x33: {  	s15 =	simm.s32 $0x4;
	s12 =	sor.u32 $0x4000, s31;
	s16 =	sadd.s32 $0x40, s16;
	[tilespmem:s13+$0x1830 ss:$0x81] =	vst.msk $0xffff, v3  }
.LBB1_3:
0x34: {  	v3 =	vld [tilespmem:s16+$0x10];
	p1 =	sne.s32 s15, $0x1FC;
	[tilespmem:s13+$0x810 ss:$0x81] =	vst.msk $0xffff, v2;
	s17 =	smov.u32 s15;
	s15 =	sadd.s32 $0x4, s15  }
.Ltmp3:
0x35: {  	v2 =	vld [tilespmem:s16+$0xFFFFFFF0];
	[tilespmem:s13+$0x1020 ss:$0x81] =	vst.msk $0xffff, v0;
	(pc) =	sbr.rel @p1 .LBB1_3-.Ltmp3, $4  }
0x36: {  	v0 =	vld [tilespmem:s16+$0x0];
	[tilespmem:s13+$0x0 ss:$0x81] =	vst.msk $0xffff, v1  }
0x37: {  	s13 =	sshra.s32 s17, $0x2;
	v1 =	vld [tilespmem:s16+$0xFFFFFFE0]  }
0x38: {  	s13 =	sadd.s32 s13, s14  }
0x39: {  	s16 =	sadd.s32 $0x40, s16;
	[tilespmem:s13+$0x1830 ss:$0x81] =	vst.msk $0xffff, v3  }
0x3a: {  	s14 =	sshll.u32 s11, $0x3  }
0x3b: {  	s30 =	sand.u32 $0x7F, s11;
	s14 =	sand.u32 $0xFFFFFC00, s14  }
0x3c: {  	s11 =	sor.u32 s30, s14  }
0x3d: {  	s15 =	smulhi.u32 $0x32D528DB, s11;
	_ =	sdelay $0x1  }
0x3e: {  	s14 =	smulhi.u32 $0x32D528DB, s14;
	s15 =	sshrl.u32 s15, $0x11  }
0x3f: {  	s15 =	smul.u32 $0xA1280, s15  }
0x40: {  	s14 =	sshrl.u32 s14, $0x11  }
.Ltmp4:
0x41: {  	s14 =	sand.u32 $0x3F, s14;
	s11 =	ssub.s32 s11, s15;
	(pc) =	sbr.rel .LBB1_5-.Ltmp4, $4  }
0x42: {  	[tilespmem:s13+$0x810 ss:$0x81] =	vst.msk $0xffff, v2;
	s14 =	smul.u32 $0x14250, s14;
	s15 =	sshrl.u32 s11, $0x3;
	s11 =	sand.u32 $0x7, s11  }
0x43: {  	[tilespmem:s13+$0x1020 ss:$0x81] =	vst.msk $0xffff, v0;
	s15 =	sadd.s32 s2, s15;
	s11 =	sshll.u32 s11, $0x12  }
0x44: {  	[tilespmem:s13+$0x0 ss:$0x81] =	vst.msk $0xffff, v1;
	s31 =	sadd.s32 s14, s15;
	s11 =	sor.u32 $0x400, s11  }
0x45: {  	[hbm4b:s31+s11] =	stream.strided.scatter [tilespmem:s12], [sflag:$0x2], $0x2000, s8, s11, $0x20;
	[tilespmem:$0x8080] =	vst v63  }
.LBB1_6:
0x46: {  	_ =	sfence.sel $0x180000  }
0x47: {  	s2 =	simm.s32 $0x1;
	[bflag:$0x0] =	sbarrier.arrive $0xFFFF  }
0x48: {  	s31 =	simm.s32 $0x2;
	[sflag:s2] =	ssyncpa.u1 $0x1  }
0x49: {  	[sflag:s31] =	ssyncpa.u1 $0x1  }
0x4a: {  	p0 =	sne.s32 s1, $0x0;
	_ =	strace $0x90000056  }
0x4b: {  	s0 =	sadd.s32 @!p0 $0x100000, s0;
	[bflag:$0x2] =	sbarrier.arrive $0xFFFF  }
0x4c: {  	[sflag:s0] =	ssyncadd.tile.s32 @!p0 $0x1;
	_ =	shalt  }
.Lfunc_end1:
_tile_overlayer_lowered:
.L_overlay_start_2:
0x4d: {  	(tag) =	ssettag $0x2  }
0x4e: {  	s0 =	rddreg [dreg:$0x0];
	s2 =	stileid.u32  }
0x4f: {  	s1 =	rddreg [dreg:$0x1];
	p0 =	sne.s32 s2, $0x0  }
0x50: {  	s3 =	rddreg [dreg:$0x2];
	[bflag:$0x3] =	sbarrier.arrive $0xFFFF;
	s2 =	simm.s32 @!p0 $0x1C01  }
0x51: {  	[timem:s3], [sflag:s2] =	dma.local @!p0 [hbm:s0], s1  }
0x52: {  	s0 =	simm.s32 @!p0 $0x1  }
0x53: {  	_ =	swait.ge @!p0 [sflag:s0], s1  }
0x54: {  	s1 =	ssub.s32 @!p0 $0x0, s1;
	[sflag:s0] =	ssyncset.done @!p0 $0x0  }
0x55: {  	[sflag:s0] =	ssyncadd.s32 @!p0 s1  }
0x56: {  	[bflag:$0x3] =	sbarrier.arrive $0xFFFF  }
0x57: {  	_ =	shalt  }

</sc_bundles>
